<compile_context>
chip_gen: v7x
topology: tpu7x:2x2x1
jax: 0.10.2.dev20260603
libtpu: 0.0.44.dev20260713+nightly
codegen_flags: <defaults>
</compile_context>

<pallas_src>
import jax
import jax.numpy as jnp
from jax import lax
from jax.experimental import pallas as pl
from jax.experimental.pallas import tpu as pltpu
from jax.experimental.pallas import tpu_sc as plsc

N = 10000
D = 128
E = 320000
NC = 2
NS = 16
NW = NC * NS
L = 16
NPAD = 10240
CHK = NPAD // NS
CH = 80
AC = 160
ACH = AC // 4
NBUF = 4
EW = CH * 128
EPAD = NW * EW
PADIDX = NPAD - 1

_mesh = plsc.VectorSubcoreMesh(
    core_axis_name="c", subcore_axis_name="s", num_cores=NC, num_subcores=NS
)
_sc_params = pltpu.CompilerParams(needs_layout_passes=False)


def _combine_and_store(local_v, stage, buf16, sum_v, out_slice, sid):
    pltpu.sync_copy(local_v, stage.at[sid])
    plsc.subcore_barrier()
    pltpu.sync_copy(stage.at[:, pl.ds(sid * CHK, CHK)], buf16)

    @pl.loop(0, CHK // L)
    def _reduce(i):
        acc = buf16[0, pl.ds(i * L, L)]
        for k in range(1, NS):
            acc = acc + buf16[k, pl.ds(i * L, L)]
        sum_v[pl.ds(i * L, L)] = acc

    pltpu.sync_copy(sum_v, out_slice)
    plsc.subcore_barrier()


def _deg_body(ep, deg, src_v, dst_v, dgo_v, dgi_v, sum_v, buf16, stage):
    cid = lax.axis_index("c")
    sid = lax.axis_index("s")
    wid = cid * NS + sid
    pltpu.sync_copy(ep.at[0, wid], src_v)
    pltpu.sync_copy(ep.at[1, wid], dst_v)
    zero16 = jnp.zeros((L,), jnp.int32)

    @pl.loop(0, NPAD // L)
    def _zero(i):
        dgo_v[pl.ds(i * L, L)] = zero16
        dgi_v[pl.ds(i * L, L)] = zero16

    ones16 = jnp.ones((L,), jnp.int32)

    @pl.loop(0, CH)
    def _count(j):
        for k in range(8):
            s = src_v[j, pl.ds(k * L, L)]
            d = dst_v[j, pl.ds(k * L, L)]
            plsc.addupdate_scatter(dgo_v, [s], ones16)
            plsc.addupdate_scatter(dgi_v, [d], ones16)

    for t, dv in ((0, dgo_v), (1, dgi_v)):
        _combine_and_store(dv, stage, buf16, sum_v,
                           deg.at[t, cid, pl.ds(sid * CHK, CHK)], sid)


_deg_call = pl.kernel(
    _deg_body,
    out_type=jax.ShapeDtypeStruct((2, NC, NPAD), jnp.int32),
    mesh=_mesh,
    scratch_types=[
        pltpu.VMEM((CH, 128), jnp.int32),
        pltpu.VMEM((CH, 128), jnp.int32),
        pltpu.VMEM((NPAD,), jnp.int32),
        pltpu.VMEM((NPAD,), jnp.int32),
        pltpu.VMEM((CHK,), jnp.int32),
        pltpu.VMEM((NS, CHK), jnp.int32),
        pltpu.VMEM_SHARED((NS, NPAD), jnp.int32),
    ],
    compiler_params=_sc_params,
)


def _agg_body(ep, xs, a_out, src_v, dst_v, rb0, rb1, rb2, rb3,
              acc_sh, gs0, gs1, gs2, gs3, ss0, ss1, ss2, ss3):
    cid = lax.axis_index("c")
    sid = lax.axis_index("s")
    wid = cid * NS + sid
    rbs = (rb0, rb1, rb2, rb3)
    gsem = (gs0, gs1, gs2, gs3)
    ssem = (ss0, ss1, ss2, ss3)
    zero16 = jnp.zeros((L,), jnp.float32)

    @pl.loop(0, 64)
    def _zero_rb(r):
        for k in range(8):
            rb0[r, pl.ds(k * L, L)] = zero16

    for i in range(CHK // 64):
        pltpu.sync_copy(rb0, acc_sh.at[pl.ds(sid * CHK + i * 64, 64)])
    plsc.subcore_barrier()

    for half in range(4):
        pltpu.sync_copy(ep.at[0, wid, pl.ds(half * ACH, ACH)], src_v)
        pltpu.sync_copy(ep.at[1, wid, pl.ds(half * ACH, ACH)], dst_v)
        for b in range(NBUF):
            pltpu.async_copy(xs.at[src_v.at[b]], rbs[b], gsem[b])

        @pl.loop(0, ACH // NBUF - 1)
        def _main(it):
            g = it * NBUF
            sd = []
            for b in range(NBUF):
                pltpu.make_async_copy(xs.at[src_v.at[g + b]], rbs[b],
                                      gsem[b]).wait()
                sd.append(pltpu.async_copy(rbs[b], acc_sh.at[dst_v.at[g + b]],
                                           ssem[b], add=True))
            for b in range(NBUF):
                sd[b].wait()
                pltpu.async_copy(xs.at[src_v.at[g + NBUF + b]], rbs[b],
                                 gsem[b])

        g = ACH - NBUF
        sd = []
        for b in range(NBUF):
            pltpu.make_async_copy(xs.at[src_v.at[g + b]], rbs[b],
                                  gsem[b]).wait()
            sd.append(pltpu.async_copy(rbs[b], acc_sh.at[dst_v.at[g + b]],
                                       ssem[b], add=True))
        for b in range(NBUF):
            sd[b].wait()

    plsc.subcore_barrier()
    pltpu.sync_copy(acc_sh.at[pl.ds(sid * CHK, CHK)],
                    a_out.at[cid, pl.ds(sid * CHK, CHK)])


_agg_call = pl.kernel(
    _agg_body,
    out_type=jax.ShapeDtypeStruct((NC, NPAD, D), jnp.float32),
    mesh=_mesh,
    scratch_types=[
        pltpu.VMEM((ACH, 64), jnp.int32),
        pltpu.VMEM((ACH, 64), jnp.int32),
        pltpu.VMEM((64, D), jnp.float32),
        pltpu.VMEM((64, D), jnp.float32),
        pltpu.VMEM((64, D), jnp.float32),
        pltpu.VMEM((64, D), jnp.float32),
        pltpu.VMEM_SHARED((NPAD, D), jnp.float32),
        pltpu.SemaphoreType.DMA,
        pltpu.SemaphoreType.DMA,
        pltpu.SemaphoreType.DMA,
        pltpu.SemaphoreType.DMA,
        pltpu.SemaphoreType.DMA,
        pltpu.SemaphoreType.DMA,
        pltpu.SemaphoreType.DMA,
        pltpu.SemaphoreType.DMA,
    ],
    compiler_params=_sc_params,
)


def _cvec_body(ep, nd, c_out, src_v, dst_v, nd_v, c_v, sum_v, buf16, stage):
    cid = lax.axis_index("c")
    sid = lax.axis_index("s")
    wid = cid * NS + sid
    pltpu.sync_copy(ep.at[0, wid], src_v)
    pltpu.sync_copy(ep.at[1, wid], dst_v)
    pltpu.sync_copy(nd, nd_v)
    zero16 = jnp.zeros((L,), jnp.float32)

    @pl.loop(0, NPAD // L)
    def _zero(i):
        c_v[pl.ds(i * L, L)] = zero16

    @pl.loop(0, CH)
    def _accum(j):
        for k in range(8):
            s = src_v[j, pl.ds(k * L, L)]
            d = dst_v[j, pl.ds(k * L, L)]
            nv = plsc.load_gather(nd_v, [d])
            plsc.addupdate_scatter(c_v, [s], nv)

    _combine_and_store(c_v, stage, buf16, sum_v,
                       c_out.at[cid, pl.ds(sid * CHK, CHK)], sid)


_cvec_call = pl.kernel(
    _cvec_body,
    out_type=jax.ShapeDtypeStruct((NC, NPAD), jnp.float32),
    mesh=_mesh,
    scratch_types=[
        pltpu.VMEM((CH, 128), jnp.int32),
        pltpu.VMEM((CH, 128), jnp.int32),
        pltpu.VMEM((NPAD,), jnp.float32),
        pltpu.VMEM((NPAD,), jnp.float32),
        pltpu.VMEM((CHK,), jnp.float32),
        pltpu.VMEM((NS, CHK), jnp.float32),
        pltpu.VMEM_SHARED((NS, NPAD), jnp.float32),
    ],
    compiler_params=_sc_params,
)


def _prep_body(degp_ref, x_ref, w1_ref, xws_ref, ns_ref, nd_ref):
    d_out = (degp_ref[0, 0] + degp_ref[0, 1]).astype(jnp.float32)
    d_in = (degp_ref[1, 0] + degp_ref[1, 1]).astype(jnp.float32)
    ns = 1.0 / jnp.sqrt(jnp.maximum(d_out, 1.0))
    nd = 1.0 / jnp.sqrt(jnp.maximum(d_in, 1.0))
    ns_ref[...] = ns
    nd_ref[...] = nd
    xw = jnp.dot(x_ref[...], w1_ref[...], preferred_element_type=jnp.float32)
    xws_ref[...] = xw * ns[:N]


_prep_call = pl.pallas_call(
    _prep_body,
    out_shape=(
        jax.ShapeDtypeStruct((N, D), jnp.float32),
        jax.ShapeDtypeStruct((NPAD, 1), jnp.float32),
        jax.ShapeDtypeStruct((NPAD, 1), jnp.float32),
    ),
)


def _fin_body(ap_ref, cp_ref, ns_ref, nd_ref, b1_ref, w2_ref, b2_ref,
              o_ref):
    a = ap_ref[0] + ap_ref[1]
    csum = cp_ref[0] + cp_ref[1]
    h = jnp.maximum(a * nd_ref[...] + b1_ref[...], 0.0)
    rows = lax.broadcasted_iota(jnp.int32, (NPAD, 1), 0)
    w = jnp.where(rows < N, ns_ref[...] * csum, 0.0) * (1.0 / N)
    srow = jnp.sum(h * w, axis=0, keepdims=True)
    o_ref[...] = jnp.sum(srow * w2_ref[...], axis=1, keepdims=True) \
        + b2_ref[...]


_fin_call = pl.pallas_call(
    _fin_body,
    out_shape=jax.ShapeDtypeStruct((1, 1), jnp.float32),
)


def kernel(x, W1, b1, W2, b2, edge_index):
    pad = jnp.full((2, EPAD - E), PADIDX, dtype=jnp.int32)
    ep = jnp.concatenate([edge_index.astype(jnp.int32), pad], axis=1)
    ep = ep.reshape(2, NW, CH, 128)

    deg = _deg_call(ep)
    xws, ns, nd = _prep_call(deg.reshape(2, NC, NPAD, 1), x, W1)
    a_p = _agg_call(ep.reshape(2, NW, AC, 64),
                    jnp.pad(xws, ((0, NPAD - N), (0, 0))))
    c_p = _cvec_call(ep, nd.reshape(NPAD))
    out = _fin_call(a_p, c_p.reshape(NC, NPAD, 1), ns, nd,
                    b1.reshape(1, D), W2.reshape(1, D), b2.reshape(1, 1))
    return out.reshape(1)

# --- scband reference (transcript-rebuilt; emitter-appended) ---
"""Pipeline reference for scband-gcn-85306640433226 (READ-ONLY COPY).

The authoritative reference and input builder live on the scoring server;
editing this copy changes nothing except your own understanding.
"""

import jax, jax.numpy as jnp
import numpy as np

N = 10000
E = 320000
D_IN = 128
D_H = 128


def setup_inputs(seed: int = 0) -> dict:
    key = jax.random.key(seed)
    k1, k2, k3, k4, k5, k6 = jax.random.split(key, 6)
    x = jax.random.normal(k1, (N, D_IN), dtype=jnp.float32)
    edge_index = jax.random.randint(k2, (2, E), 0, N, dtype=jnp.int32)
    # Glorot-style init for GraphConv weights (DGL default), plus zero biases
    W1 = jax.random.normal(k3, (D_IN, D_H), dtype=jnp.float32) * (1.0 / np.sqrt(D_IN))
    b1 = jnp.zeros((D_H,), dtype=jnp.float32)
    W2 = jax.random.normal(k4, (D_H, 1), dtype=jnp.float32) * (1.0 / np.sqrt(D_H))
    b2 = jnp.zeros((1,), dtype=jnp.float32)
    return {"x": x, "W1": W1, "b1": b1, "W2": W2, "b2": b2, "edge_index": edge_index}


def _graph_conv(x, W, b, src, dst, norm_src, norm_dst):
    # DGL GraphConv with norm='both':
    # h_i = b + sum_{(j->i) in E} (1/sqrt(d_out(j) d_in(i))) * (x_j W)
    xw = x @ W
    msg = xw[src] * norm_src[src][:, None]          # gather + scale by src norm
    agg = jax.ops.segment_sum(msg, dst, num_segments=N)  # scatter-add to dst
    return agg * norm_dst[:, None] + b


def reference(x, W1, b1, W2, b2, edge_index):
    src = edge_index[0]
    dst = edge_index[1]
    deg_out = jnp.clip(jnp.bincount(src, length=N), 1)
    deg_in = jnp.clip(jnp.bincount(dst, length=N), 1)
    norm_src = 1.0 / jnp.sqrt(deg_out.astype(jnp.float32))
    norm_dst = 1.0 / jnp.sqrt(deg_in.astype(jnp.float32))
    h = _graph_conv(x, W1, b1, src, dst, norm_src, norm_dst)
    h = jax.nn.relu(h)  # params['activFunction']
    h = _graph_conv(h, W2, b2, src, dst, norm_src, norm_dst)
    # dgl.mean_nodes over a single batched graph -> mean over all nodes
    return jnp.mean(h, axis=0)  # shape [1]

if __name__ == "__main__":
    import jax
    _d = setup_inputs()
    print(jax.jit(kernel)(*tuple(_d.values())))

</pallas_src>

<mosaic_0001>
#map = affine_map<(d0, d1) -> (0, 0, 0, 0)>
#map1 = affine_map<(d0, d1) -> (0, 0, 0)>
module attributes {stable_mosaic.version = 14 : i64} {
  func.func @_deg_body(%arg0: i32, %arg1: i32, %arg2: memref<2x32x80x128xi32, #tpu.memory_space<hbm>>, %arg3: memref<2x2x10240xi32, #tpu.memory_space<hbm>>, %arg4: memref<80x128xi32, #tpu.memory_space<vmem>>, %arg5: memref<80x128xi32, #tpu.memory_space<vmem>>, %arg6: memref<10240xi32, #tpu.memory_space<vmem>>, %arg7: memref<10240xi32, #tpu.memory_space<vmem>>, %arg8: memref<640xi32, #tpu.memory_space<vmem>>, %arg9: memref<16x640xi32, #tpu.memory_space<vmem>>, %arg10: memref<16x10240xi32, #tpu.memory_space<vmem_shared>>) attributes {dimension_semantics = [#tpu.dimension_semantics<core_parallel>, #tpu.dimension_semantics<subcore_parallel>], iteration_bounds = array<i64: 2, 16>, scalar_prefetch = 0 : i64, scratch_operands = 7 : i64, tpu.core_type = #tpu.core_type<sc_vector_subcore>, window_params = [{transform_indices = #map}, {transform_indices = #map1}]} {
    %mul3A = arith.constant 16 : i32
    %mul3A_0 = arith.muli %arg0, %mul3A : i32
    %add3A = arith.addi %mul3A_0, %arg1 : i32
    %run_scoped3A = arith.constant 0 : i32
    "tpu.region"() ({
      %run_scoped3A_37 = tpu.sem_alloc : memref<!tpu.dma_semaphore, #tpu.memory_space<semaphore_mem>>
      %dma_start3A = arith.constant 0 : i32
      %dma_start3A_38 = arith.constant 0 : i32
      %dma_start3A_39 = tpu.memref_slice %arg2[%run_scoped3A, %add3A, %dma_start3A, %dma_start3A_38] : memref<2x32x80x128xi32, #tpu.memory_space<hbm>> -> memref<1x1x80x128xi32, #tpu.memory_space<hbm>>
      %dma_start3A_40 = tpu.memref_squeeze %dma_start3A_39 : memref<1x1x80x128xi32, #tpu.memory_space<hbm>> -> memref<80x128xi32, #tpu.memory_space<hbm>>
      %dma_start3A_41 = arith.constant 0 : i32
      %dma_start3A_42 = arith.constant 0 : i32
      %dma_start3A_43 = tpu.memref_slice %arg2[%run_scoped3A, %add3A, %dma_start3A_41, %dma_start3A_42] : memref<2x32x80x128xi32, #tpu.memory_space<hbm>> -> memref<1x1x80x128xi32, #tpu.memory_space<hbm>>
      %dma_start3A_44 = tpu.memref_squeeze %dma_start3A_43 : memref<1x1x80x128xi32, #tpu.memory_space<hbm>> -> memref<80x128xi32, #tpu.memory_space<hbm>>
      tpu.enqueue_dma source(%dma_start3A_44 : memref<80x128xi32, #tpu.memory_space<hbm>>) target(%arg4 : memref<80x128xi32, #tpu.memory_space<vmem>>) target_semaphore(%run_scoped3A_37 : memref<!tpu.dma_semaphore, #tpu.memory_space<semaphore_mem>>)
      %dma_wait3A = arith.constant 0 : i32
      %dma_wait3A_45 = arith.constant 0 : i32
      %dma_wait3A_46 = tpu.memref_slice %arg2[%run_scoped3A, %add3A, %dma_wait3A, %dma_wait3A_45] : memref<2x32x80x128xi32, #tpu.memory_space<hbm>> -> memref<1x1x80x128xi32, #tpu.memory_space<hbm>>
      %dma_wait3A_47 = tpu.memref_squeeze %dma_wait3A_46 : memref<1x1x80x128xi32, #tpu.memory_space<hbm>> -> memref<80x128xi32, #tpu.memory_space<hbm>>
      %dma_wait3A_48 = arith.constant 0 : i32
      %dma_wait3A_49 = arith.constant 0 : i32
      %dma_wait3A_50 = tpu.memref_slice %arg2[%run_scoped3A, %add3A, %dma_wait3A_48, %dma_wait3A_49] : memref<2x32x80x128xi32, #tpu.memory_space<hbm>> -> memref<1x1x80x128xi32, #tpu.memory_space<hbm>>
      %dma_wait3A_51 = tpu.memref_squeeze %dma_wait3A_50 : memref<1x1x80x128xi32, #tpu.memory_space<hbm>> -> memref<80x128xi32, #tpu.memory_space<hbm>>
      tpu.wait_dma2 semaphore(%run_scoped3A_37 : memref<!tpu.dma_semaphore, #tpu.memory_space<semaphore_mem>>) src(%dma_wait3A_51 : memref<80x128xi32, #tpu.memory_space<hbm>>) dst(%arg4 : memref<80x128xi32, #tpu.memory_space<vmem>>)
      tpu.yield
    }) : () -> ()
    %run_scoped3A_1 = arith.constant 1 : i32
    "tpu.region"() ({
      %run_scoped3A_37 = tpu.sem_alloc : memref<!tpu.dma_semaphore, #tpu.memory_space<semaphore_mem>>
      %dma_start3A = arith.constant 0 : i32
      %dma_start3A_38 = arith.constant 0 : i32
      %dma_start3A_39 = tpu.memref_slice %arg2[%run_scoped3A_1, %add3A, %dma_start3A, %dma_start3A_38] : memref<2x32x80x128xi32, #tpu.memory_space<hbm>> -> memref<1x1x80x128xi32, #tpu.memory_space<hbm>>
      %dma_start3A_40 = tpu.memref_squeeze %dma_start3A_39 : memref<1x1x80x128xi32, #tpu.memory_space<hbm>> -> memref<80x128xi32, #tpu.memory_space<hbm>>
      %dma_start3A_41 = arith.constant 0 : i32
      %dma_start3A_42 = arith.constant 0 : i32
      %dma_start3A_43 = tpu.memref_slice %arg2[%run_scoped3A_1, %add3A, %dma_start3A_41, %dma_start3A_42] : memref<2x32x80x128xi32, #tpu.memory_space<hbm>> -> memref<1x1x80x128xi32, #tpu.memory_space<hbm>>
      %dma_start3A_44 = tpu.memref_squeeze %dma_start3A_43 : memref<1x1x80x128xi32, #tpu.memory_space<hbm>> -> memref<80x128xi32, #tpu.memory_space<hbm>>
      tpu.enqueue_dma source(%dma_start3A_44 : memref<80x128xi32, #tpu.memory_space<hbm>>) target(%arg5 : memref<80x128xi32, #tpu.memory_space<vmem>>) target_semaphore(%run_scoped3A_37 : memref<!tpu.dma_semaphore, #tpu.memory_space<semaphore_mem>>)
      %dma_wait3A = arith.constant 0 : i32
      %dma_wait3A_45 = arith.constant 0 : i32
      %dma_wait3A_46 = tpu.memref_slice %arg2[%run_scoped3A_1, %add3A, %dma_wait3A, %dma_wait3A_45] : memref<2x32x80x128xi32, #tpu.memory_space<hbm>> -> memref<1x1x80x128xi32, #tpu.memory_space<hbm>>
      %dma_wait3A_47 = tpu.memref_squeeze %dma_wait3A_46 : memref<1x1x80x128xi32, #tpu.memory_space<hbm>> -> memref<80x128xi32, #tpu.memory_space<hbm>>
      %dma_wait3A_48 = arith.constant 0 : i32
      %dma_wait3A_49 = arith.constant 0 : i32
      %dma_wait3A_50 = tpu.memref_slice %arg2[%run_scoped3A_1, %add3A, %dma_wait3A_48, %dma_wait3A_49] : memref<2x32x80x128xi32, #tpu.memory_space<hbm>> -> memref<1x1x80x128xi32, #tpu.memory_space<hbm>>
      %dma_wait3A_51 = tpu.memref_squeeze %dma_wait3A_50 : memref<1x1x80x128xi32, #tpu.memory_space<hbm>> -> memref<80x128xi32, #tpu.memory_space<hbm>>
      tpu.wait_dma2 semaphore(%run_scoped3A_37 : memref<!tpu.dma_semaphore, #tpu.memory_space<semaphore_mem>>) src(%dma_wait3A_51 : memref<80x128xi32, #tpu.memory_space<hbm>>) dst(%arg5 : memref<80x128xi32, #tpu.memory_space<vmem>>)
      tpu.yield
    }) : () -> ()
    %broadcast_in_dim3A = arith.constant 0 : i32
    %broadcast_in_dim3A_2 = vector.broadcast %broadcast_in_dim3A : i32 to vector<16xi32>
    %scan3A = arith.constant 0 : i32
    %scan3A_3 = arith.constant 640 : i32
    %scan3A_4 = arith.addi %scan3A, %scan3A_3 : i32
    %scan3A_5 = arith.constant 1 : i32
    scf.for %scan3A_37 = %scan3A to %scan3A_4 step %scan3A_5  : i32 {
      %mul3A_38 = arith.constant 1 : i32
      %mul3A_39 = arith.muli %scan3A_37, %mul3A_38 : i32
      %add3A_40 = arith.constant 0 : i32
      %add3A_41 = arith.addi %add3A_40, %mul3A_39 : i32
      %mul3A_42 = arith.constant 16 : i32
      %mul3A_43 = arith.muli %add3A_41, %mul3A_42 : i32
      %swap3A = arith.index_cast %mul3A_43 : i32 to index
      %swap3A_44 = tpu.vector_load %arg6[%swap3A] {strides = array<i32>} : memref<10240xi32, #tpu.memory_space<vmem>>, vector<16xi32>,
      tpu.vector_store %arg6[%swap3A], %broadcast_in_dim3A_2 {strides = array<i32>} : memref<10240xi32, #tpu.memory_space<vmem>>, vector<16xi32>,
      %mul3A_45 = arith.constant 16 : i32
      %mul3A_46 = arith.muli %add3A_41, %mul3A_45 : i32
      %swap3A_47 = arith.index_cast %mul3A_46 : i32 to index
      %swap3A_48 = tpu.vector_load %arg7[%swap3A_47] {strides = array<i32>} : memref<10240xi32, #tpu.memory_space<vmem>>, vector<16xi32>,
      tpu.vector_store %arg7[%swap3A_47], %broadcast_in_dim3A_2 {strides = array<i32>} : memref<10240xi32, #tpu.memory_space<vmem>>, vector<16xi32>,
    }
    %scan3A_6 = arith.constant 640 : i32
    %broadcast_in_dim3A_7 = arith.constant 1 : i32
    %broadcast_in_dim3A_8 = vector.broadcast %broadcast_in_dim3A_7 : i32 to vector<16xi32>
    %scan3A_9 = arith.constant 0 : i32
    %scan3A_10 = arith.constant 80 : i32
    %scan3A_11 = arith.addi %scan3A_9, %scan3A_10 : i32
    %scan3A_12 = arith.constant 1 : i32
    scf.for %scan3A_37 = %scan3A_9 to %scan3A_11 step %scan3A_12  : i32 {
      %mul3A_38 = arith.constant 1 : i32
      %mul3A_39 = arith.muli %scan3A_37, %mul3A_38 : i32
      %add3A_40 = arith.constant 0 : i32
      %add3A_41 = arith.addi %add3A_40, %mul3A_39 : i32
      %get3A = arith.index_cast %add3A_41 : i32 to index
      %get3A_42 = arith.constant 0 : index
      %get3A_43 = tpu.vector_load %arg4[%get3A, %get3A_42] {strides = array<i32>} : memref<80x128xi32, #tpu.memory_space<vmem>>, vector<16xi32>,
      %get3A_44 = arith.index_cast %add3A_41 : i32 to index
      %get3A_45 = arith.constant 0 : index
      %get3A_46 = tpu.vector_load %arg5[%get3A_44, %get3A_45] {strides = array<i32>} : memref<80x128xi32, #tpu.memory_space<vmem>>, vector<16xi32>,
      tpu.vector_store_idx %arg6[%get3A_43], %broadcast_in_dim3A_8 {add = true} : memref<10240xi32, #tpu.memory_space<vmem>>[vector<16xi32>], vector<16xi32>,
      tpu.vector_store_idx %arg7[%get3A_46], %broadcast_in_dim3A_8 {add = true} : memref<10240xi32, #tpu.memory_space<vmem>>[vector<16xi32>], vector<16xi32>,
      %get3A_47 = arith.index_cast %add3A_41 : i32 to index
      %get3A_48 = arith.constant 16 : index
      %get3A_49 = tpu.vector_load %arg4[%get3A_47, %get3A_48] {strides = array<i32>} : memref<80x128xi32, #tpu.memory_space<vmem>>, vector<16xi32>,
      %get3A_50 = arith.index_cast %add3A_41 : i32 to index
      %get3A_51 = arith.constant 16 : index
      %get3A_52 = tpu.vector_load %arg5[%get3A_50, %get3A_51] {strides = array<i32>} : memref<80x128xi32, #tpu.memory_space<vmem>>, vector<16xi32>,
      tpu.vector_store_idx %arg6[%get3A_49], %broadcast_in_dim3A_8 {add = true} : memref<10240xi32, #tpu.memory_space<vmem>>[vector<16xi32>], vector<16xi32>,
      tpu.vector_store_idx %arg7[%get3A_52], %broadcast_in_dim3A_8 {add = true} : memref<10240xi32, #tpu.memory_space<vmem>>[vector<16xi32>], vector<16xi32>,
      %get3A_53 = arith.index_cast %add3A_41 : i32 to index
      %get3A_54 = arith.constant 32 : index
      %get3A_55 = tpu.vector_load %arg4[%get3A_53, %get3A_54] {strides = array<i32>} : memref<80x128xi32, #tpu.memory_space<vmem>>, vector<16xi32>,
      %get3A_56 = arith.index_cast %add3A_41 : i32 to index
      %get3A_57 = arith.constant 32 : index
      %get3A_58 = tpu.vector_load %arg5[%get3A_56, %get3A_57] {strides = array<i32>} : memref<80x128xi32, #tpu.memory_space<vmem>>, vector<16xi32>,
      tpu.vector_store_idx %arg6[%get3A_55], %broadcast_in_dim3A_8 {add = true} : memref<10240xi32, #tpu.memory_space<vmem>>[vector<16xi32>], vector<16xi32>,
      tpu.vector_store_idx %arg7[%get3A_58], %broadcast_in_dim3A_8 {add = true} : memref<10240xi32, #tpu.memory_space<vmem>>[vector<16xi32>], vector<16xi32>,
      %get3A_59 = arith.index_cast %add3A_41 : i32 to index
      %get3A_60 = arith.constant 48 : index
      %get3A_61 = tpu.vector_load %arg4[%get3A_59, %get3A_60] {strides = array<i32>} : memref<80x128xi32, #tpu.memory_space<vmem>>, vector<16xi32>,
      %get3A_62 = arith.index_cast %add3A_41 : i32 to index
      %get3A_63 = arith.constant 48 : index
      %get3A_64 = tpu.vector_load %arg5[%get3A_62, %get3A_63] {strides = array<i32>} : memref<80x128xi32, #tpu.memory_space<vmem>>, vector<16xi32>,
      tpu.vector_store_idx %arg6[%get3A_61], %broadcast_in_dim3A_8 {add = true} : memref<10240xi32, #tpu.memory_space<vmem>>[vector<16xi32>], vector<16xi32>,
      tpu.vector_store_idx %arg7[%get3A_64], %broadcast_in_dim3A_8 {add = true} : memref<10240xi32, #tpu.memory_space<vmem>>[vector<16xi32>], vector<16xi32>,
      %get3A_65 = arith.index_cast %add3A_41 : i32 to index
      %get3A_66 = arith.constant 64 : index
      %get3A_67 = tpu.vector_load %arg4[%get3A_65, %get3A_66] {strides = array<i32>} : memref<80x128xi32, #tpu.memory_space<vmem>>, vector<16xi32>,
      %get3A_68 = arith.index_cast %add3A_41 : i32 to index
      %get3A_69 = arith.constant 64 : index
      %get3A_70 = tpu.vector_load %arg5[%get3A_68, %get3A_69] {strides = array<i32>} : memref<80x128xi32, #tpu.memory_space<vmem>>, vector<16xi32>,
      tpu.vector_store_idx %arg6[%get3A_67], %broadcast_in_dim3A_8 {add = true} : memref<10240xi32, #tpu.memory_space<vmem>>[vector<16xi32>], vector<16xi32>,
      tpu.vector_store_idx %arg7[%get3A_70], %broadcast_in_dim3A_8 {add = true} : memref<10240xi32, #tpu.memory_space<vmem>>[vector<16xi32>], vector<16xi32>,
      %get3A_71 = arith.index_cast %add3A_41 : i32 to index
      %get3A_72 = arith.constant 80 : index
      %get3A_73 = tpu.vector_load %arg4[%get3A_71, %get3A_72] {strides = array<i32>} : memref<80x128xi32, #tpu.memory_space<vmem>>, vector<16xi32>,
      %get3A_74 = arith.index_cast %add3A_41 : i32 to index
      %get3A_75 = arith.constant 80 : index
      %get3A_76 = tpu.vector_load %arg5[%get3A_74, %get3A_75] {strides = array<i32>} : memref<80x128xi32, #tpu.memory_space<vmem>>, vector<16xi32>,
      tpu.vector_store_idx %arg6[%get3A_73], %broadcast_in_dim3A_8 {add = true} : memref<10240xi32, #tpu.memory_space<vmem>>[vector<16xi32>], vector<16xi32>,
      tpu.vector_store_idx %arg7[%get3A_76], %broadcast_in_dim3A_8 {add = true} : memref<10240xi32, #tpu.memory_space<vmem>>[vector<16xi32>], vector<16xi32>,
      %get3A_77 = arith.index_cast %add3A_41 : i32 to index
      %get3A_78 = arith.constant 96 : index
      %get3A_79 = tpu.vector_load %arg4[%get3A_77, %get3A_78] {strides = array<i32>} : memref<80x128xi32, #tpu.memory_space<vmem>>, vector<16xi32>,
      %get3A_80 = arith.index_cast %add3A_41 : i32 to index
      %get3A_81 = arith.constant 96 : index
      %get3A_82 = tpu.vector_load %arg5[%get3A_80, %get3A_81] {strides = array<i32>} : memref<80x128xi32, #tpu.memory_space<vmem>>, vector<16xi32>,
      tpu.vector_store_idx %arg6[%get3A_79], %broadcast_in_dim3A_8 {add = true} : memref<10240xi32, #tpu.memory_space<vmem>>[vector<16xi32>], vector<16xi32>,
      tpu.vector_store_idx %arg7[%get3A_82], %broadcast_in_dim3A_8 {add = true} : memref<10240xi32, #tpu.memory_space<vmem>>[vector<16xi32>], vector<16xi32>,
      %get3A_83 = arith.index_cast %add3A_41 : i32 to index
      %get3A_84 = arith.constant 112 : index
      %get3A_85 = tpu.vector_load %arg4[%get3A_83, %get3A_84] {strides = array<i32>} : memref<80x128xi32, #tpu.memory_space<vmem>>, vector<16xi32>,
      %get3A_86 = arith.index_cast %add3A_41 : i32 to index
      %get3A_87 = arith.constant 112 : index
      %get3A_88 = tpu.vector_load %arg5[%get3A_86, %get3A_87] {strides = array<i32>} : memref<80x128xi32, #tpu.memory_space<vmem>>, vector<16xi32>,
      tpu.vector_store_idx %arg6[%get3A_85], %broadcast_in_dim3A_8 {add = true} : memref<10240xi32, #tpu.memory_space<vmem>>[vector<16xi32>], vector<16xi32>,
      tpu.vector_store_idx %arg7[%get3A_88], %broadcast_in_dim3A_8 {add = true} : memref<10240xi32, #tpu.memory_space<vmem>>[vector<16xi32>], vector<16xi32>,
    }
    %scan3A_13 = arith.constant 80 : i32
    %mul3A_14 = arith.constant 640 : i32
    %mul3A_15 = arith.muli %arg1, %mul3A_14 : i32
    "tpu.region"() ({
      %run_scoped3A_37 = tpu.sem_alloc : memref<!tpu.dma_semaphore, #tpu.memory_space<semaphore_mem>>
      %dma_start3A = arith.constant 0 : i32
      %dma_start3A_38 = tpu.memref_slice %arg10[%arg1, %dma_start3A] : memref<16x10240xi32, #tpu.memory_space<vmem_shared>> -> memref<1x10240xi32, #tpu.memory_space<vmem_shared>>
      %dma_start3A_39 = tpu.memref_squeeze %dma_start3A_38 : memref<1x10240xi32, #tpu.memory_space<vmem_shared>> -> memref<10240xi32, #tpu.memory_space<vmem_shared>>
      %dma_start3A_40 = arith.constant 0 : i32
      %dma_start3A_41 = tpu.memref_slice %arg10[%arg1, %dma_start3A_40] : memref<16x10240xi32, #tpu.memory_space<vmem_shared>> -> memref<1x10240xi32, #tpu.memory_space<vmem_shared>>
      %dma_start3A_42 = tpu.memref_squeeze %dma_start3A_41 : memref<1x10240xi32, #tpu.memory_space<vmem_shared>> -> memref<10240xi32, #tpu.memory_space<vmem_shared>>
      tpu.enqueue_dma source(%arg6 : memref<10240xi32, #tpu.memory_space<vmem>>) target(%dma_start3A_42 : memref<10240xi32, #tpu.memory_space<vmem_shared>>) target_semaphore(%run_scoped3A_37 : memref<!tpu.dma_semaphore, #tpu.memory_space<semaphore_mem>>)
      %dma_wait3A = arith.constant 0 : i32
      %dma_wait3A_43 = tpu.memref_slice %arg10[%arg1, %dma_wait3A] : memref<16x10240xi32, #tpu.memory_space<vmem_shared>> -> memref<1x10240xi32, #tpu.memory_space<vmem_shared>>
      %dma_wait3A_44 = tpu.memref_squeeze %dma_wait3A_43 : memref<1x10240xi32, #tpu.memory_space<vmem_shared>> -> memref<10240xi32, #tpu.memory_space<vmem_shared>>
      %dma_wait3A_45 = arith.constant 0 : i32
      %dma_wait3A_46 = tpu.memref_slice %arg10[%arg1, %dma_wait3A_45] : memref<16x10240xi32, #tpu.memory_space<vmem_shared>> -> memref<1x10240xi32, #tpu.memory_space<vmem_shared>>
      %dma_wait3A_47 = tpu.memref_squeeze %dma_wait3A_46 : memref<1x10240xi32, #tpu.memory_space<vmem_shared>> -> memref<10240xi32, #tpu.memory_space<vmem_shared>>
      tpu.wait_dma2 semaphore(%run_scoped3A_37 : memref<!tpu.dma_semaphore, #tpu.memory_space<semaphore_mem>>) src(%arg6 : memref<10240xi32, #tpu.memory_space<vmem>>) dst(%dma_wait3A_47 : memref<10240xi32, #tpu.memory_space<vmem_shared>>)
      tpu.yield
    }) : () -> ()
    %barrier3A = arith.constant 0 : index
    tpu.barrier barrier_id(%barrier3A)
    %mul3A_16 = arith.constant 640 : i32
    %mul3A_17 = arith.muli %arg1, %mul3A_16 : i32
    "tpu.region"() ({
      %run_scoped3A_37 = tpu.sem_alloc : memref<!tpu.dma_semaphore, #tpu.memory_space<semaphore_mem>>
      %dma_start3A = arith.constant 0 : i32
      %dma_start3A_38 = tpu.memref_slice %arg10[%dma_start3A, %mul3A_17] : memref<16x10240xi32, #tpu.memory_space<vmem_shared>> -> memref<16x640xi32, #tpu.memory_space<vmem_shared>>
      %dma_start3A_39 = arith.constant 0 : i32
      %dma_start3A_40 = tpu.memref_slice %arg10[%dma_start3A_39, %mul3A_17] : memref<16x10240xi32, #tpu.memory_space<vmem_shared>> -> memref<16x640xi32, #tpu.memory_space<vmem_shared>>
      tpu.enqueue_dma source(%dma_start3A_40 : memref<16x640xi32, #tpu.memory_space<vmem_shared>>) target(%arg9 : memref<16x640xi32, #tpu.memory_space<vmem>>) target_semaphore(%run_scoped3A_37 : memref<!tpu.dma_semaphore, #tpu.memory_space<semaphore_mem>>)
      %dma_wait3A = arith.constant 0 : i32
      %dma_wait3A_41 = tpu.memref_slice %arg10[%dma_wait3A, %mul3A_17] : memref<16x10240xi32, #tpu.memory_space<vmem_shared>> -> memref<16x640xi32, #tpu.memory_space<vmem_shared>>
      %dma_wait3A_42 = arith.constant 0 : i32
      %dma_wait3A_43 = tpu.memref_slice %arg10[%dma_wait3A_42, %mul3A_17] : memref<16x10240xi32, #tpu.memory_space<vmem_shared>> -> memref<16x640xi32, #tpu.memory_space<vmem_shared>>
      tpu.wait_dma2 semaphore(%run_scoped3A_37 : memref<!tpu.dma_semaphore, #tpu.memory_space<semaphore_mem>>) src(%dma_wait3A_43 : memref<16x640xi32, #tpu.memory_space<vmem_shared>>) dst(%arg9 : memref<16x640xi32, #tpu.memory_space<vmem>>)
      tpu.yield
    }) : () -> ()
    %scan3A_18 = arith.constant 0 : i32
    %scan3A_19 = arith.constant 40 : i32
    %scan3A_20 = arith.addi %scan3A_18, %scan3A_19 : i32
    %scan3A_21 = arith.constant 1 : i32
    scf.for %scan3A_37 = %scan3A_18 to %scan3A_20 step %scan3A_21  : i32 {
      %mul3A_38 = arith.constant 1 : i32
      %mul3A_39 = arith.muli %scan3A_37, %mul3A_38 : i32
      %add3A_40 = arith.constant 0 : i32
      %add3A_41 = arith.addi %add3A_40, %mul3A_39 : i32
      %mul3A_42 = arith.constant 16 : i32
      %mul3A_43 = arith.muli %add3A_41, %mul3A_42 : i32
      %get3A = arith.constant 0 : i32
      %get3A_44 = arith.index_cast %get3A : i32 to index
      %get3A_45 = arith.index_cast %mul3A_43 : i32 to index
      %get3A_46 = tpu.vector_load %arg9[%get3A_44, %get3A_45] {strides = array<i32>} : memref<16x640xi32, #tpu.memory_space<vmem>>, vector<16xi32>,
      %mul3A_47 = arith.constant 16 : i32
      %mul3A_48 = arith.muli %add3A_41, %mul3A_47 : i32
      %get3A_49 = arith.constant 1 : i32
      %get3A_50 = arith.index_cast %get3A_49 : i32 to index
      %get3A_51 = arith.index_cast %mul3A_48 : i32 to index
      %get3A_52 = tpu.vector_load %arg9[%get3A_50, %get3A_51] {strides = array<i32>} : memref<16x640xi32, #tpu.memory_space<vmem>>, vector<16xi32>,
      %add3A_53 = arith.addi %get3A_46, %get3A_52 : vector<16xi32>
      %mul3A_54 = arith.constant 16 : i32
      %mul3A_55 = arith.muli %add3A_41, %mul3A_54 : i32
      %get3A_56 = arith.constant 2 : i32
      %get3A_57 = arith.index_cast %get3A_56 : i32 to index
      %get3A_58 = arith.index_cast %mul3A_55 : i32 to index
      %get3A_59 = tpu.vector_load %arg9[%get3A_57, %get3A_58] {strides = array<i32>} : memref<16x640xi32, #tpu.memory_space<vmem>>, vector<16xi32>,
      %add3A_60 = arith.addi %add3A_53, %get3A_59 : vector<16xi32>
      %mul3A_61 = arith.constant 16 : i32
      %mul3A_62 = arith.muli %add3A_41, %mul3A_61 : i32
      %get3A_63 = arith.constant 3 : i32
      %get3A_64 = arith.index_cast %get3A_63 : i32 to index
      %get3A_65 = arith.index_cast %mul3A_62 : i32 to index
      %get3A_66 = tpu.vector_load %arg9[%get3A_64, %get3A_65] {strides = array<i32>} : memref<16x640xi32, #tpu.memory_space<vmem>>, vector<16xi32>,
      %add3A_67 = arith.addi %add3A_60, %get3A_66 : vector<16xi32>
      %mul3A_68 = arith.constant 16 : i32
      %mul3A_69 = arith.muli %add3A_41, %mul3A_68 : i32
      %get3A_70 = arith.constant 4 : i32
      %get3A_71 = arith.index_cast %get3A_70 : i32 to index
      %get3A_72 = arith.index_cast %mul3A_69 : i32 to index
      %get3A_73 = tpu.vector_load %arg9[%get3A_71, %get3A_72] {strides = array<i32>} : memref<16x640xi32, #tpu.memory_space<vmem>>, vector<16xi32>,
      %add3A_74 = arith.addi %add3A_67, %get3A_73 : vector<16xi32>
      %mul3A_75 = arith.constant 16 : i32
      %mul3A_76 = arith.muli %add3A_41, %mul3A_75 : i32
      %get3A_77 = arith.constant 5 : i32
      %get3A_78 = arith.index_cast %get3A_77 : i32 to index
      %get3A_79 = arith.index_cast %mul3A_76 : i32 to index
      %get3A_80 = tpu.vector_load %arg9[%get3A_78, %get3A_79] {strides = array<i32>} : memref<16x640xi32, #tpu.memory_space<vmem>>, vector<16xi32>,
      %add3A_81 = arith.addi %add3A_74, %get3A_80 : vector<16xi32>
      %mul3A_82 = arith.constant 16 : i32
      %mul3A_83 = arith.muli %add3A_41, %mul3A_82 : i32
      %get3A_84 = arith.constant 6 : i32
      %get3A_85 = arith.index_cast %get3A_84 : i32 to index
      %get3A_86 = arith.index_cast %mul3A_83 : i32 to index
      %get3A_87 = tpu.vector_load %arg9[%get3A_85, %get3A_86] {strides = array<i32>} : memref<16x640xi32, #tpu.memory_space<vmem>>, vector<16xi32>,
      %add3A_88 = arith.addi %add3A_81, %get3A_87 : vector<16xi32>
      %mul3A_89 = arith.constant 16 : i32
      %mul3A_90 = arith.muli %add3A_41, %mul3A_89 : i32
      %get3A_91 = arith.constant 7 : i32
      %get3A_92 = arith.index_cast %get3A_91 : i32 to index
      %get3A_93 = arith.index_cast %mul3A_90 : i32 to index
      %get3A_94 = tpu.vector_load %arg9[%get3A_92, %get3A_93] {strides = array<i32>} : memref<16x640xi32, #tpu.memory_space<vmem>>, vector<16xi32>,
      %add3A_95 = arith.addi %add3A_88, %get3A_94 : vector<16xi32>
      %mul3A_96 = arith.constant 16 : i32
      %mul3A_97 = arith.muli %add3A_41, %mul3A_96 : i32
      %get3A_98 = arith.constant 8 : i32
      %get3A_99 = arith.index_cast %get3A_98 : i32 to index
      %get3A_100 = arith.index_cast %mul3A_97 : i32 to index
      %get3A_101 = tpu.vector_load %arg9[%get3A_99, %get3A_100] {strides = array<i32>} : memref<16x640xi32, #tpu.memory_space<vmem>>, vector<16xi32>,
      %add3A_102 = arith.addi %add3A_95, %get3A_101 : vector<16xi32>
      %mul3A_103 = arith.constant 16 : i32
      %mul3A_104 = arith.muli %add3A_41, %mul3A_103 : i32
      %get3A_105 = arith.constant 9 : i32
      %get3A_106 = arith.index_cast %get3A_105 : i32 to index
      %get3A_107 = arith.index_cast %mul3A_104 : i32 to index
      %get3A_108 = tpu.vector_load %arg9[%get3A_106, %get3A_107] {strides = array<i32>} : memref<16x640xi32, #tpu.memory_space<vmem>>, vector<16xi32>,
      %add3A_109 = arith.addi %add3A_102, %get3A_108 : vector<16xi32>
      %mul3A_110 = arith.constant 16 : i32
      %mul3A_111 = arith.muli %add3A_41, %mul3A_110 : i32
      %get3A_112 = arith.constant 10 : i32
      %get3A_113 = arith.index_cast %get3A_112 : i32 to index
      %get3A_114 = arith.index_cast %mul3A_111 : i32 to index
      %get3A_115 = tpu.vector_load %arg9[%get3A_113, %get3A_114] {strides = array<i32>} : memref<16x640xi32, #tpu.memory_space<vmem>>, vector<16xi32>,
      %add3A_116 = arith.addi %add3A_109, %get3A_115 : vector<16xi32>
      %mul3A_117 = arith.constant 16 : i32
      %mul3A_118 = arith.muli %add3A_41, %mul3A_117 : i32
      %get3A_119 = arith.constant 11 : i32
      %get3A_120 = arith.index_cast %get3A_119 : i32 to index
      %get3A_121 = arith.index_cast %mul3A_118 : i32 to index
      %get3A_122 = tpu.vector_load %arg9[%get3A_120, %get3A_121] {strides = array<i32>} : memref<16x640xi32, #tpu.memory_space<vmem>>, vector<16xi32>,
      %add3A_123 = arith.addi %add3A_116, %get3A_122 : vector<16xi32>
      %mul3A_124 = arith.constant 16 : i32
      %mul3A_125 = arith.muli %add3A_41, %mul3A_124 : i32
      %get3A_126 = arith.constant 12 : i32
      %get3A_127 = arith.index_cast %get3A_126 : i32 to index
      %get3A_128 = arith.index_cast %mul3A_125 : i32 to index
      %get3A_129 = tpu.vector_load %arg9[%get3A_127, %get3A_128] {strides = array<i32>} : memref<16x640xi32, #tpu.memory_space<vmem>>, vector<16xi32>,
      %add3A_130 = arith.addi %add3A_123, %get3A_129 : vector<16xi32>
      %mul3A_131 = arith.constant 16 : i32
      %mul3A_132 = arith.muli %add3A_41, %mul3A_131 : i32
      %get3A_133 = arith.constant 13 : i32
      %get3A_134 = arith.index_cast %get3A_133 : i32 to index
      %get3A_135 = arith.index_cast %mul3A_132 : i32 to index
      %get3A_136 = tpu.vector_load %arg9[%get3A_134, %get3A_135] {strides = array<i32>} : memref<16x640xi32, #tpu.memory_space<vmem>>, vector<16xi32>,
      %add3A_137 = arith.addi %add3A_130, %get3A_136 : vector<16xi32>
      %mul3A_138 = arith.constant 16 : i32
      %mul3A_139 = arith.muli %add3A_41, %mul3A_138 : i32
      %get3A_140 = arith.constant 14 : i32
      %get3A_141 = arith.index_cast %get3A_140 : i32 to index
      %get3A_142 = arith.index_cast %mul3A_139 : i32 to index
      %get3A_143 = tpu.vector_load %arg9[%get3A_141, %get3A_142] {strides = array<i32>} : memref<16x640xi32, #tpu.memory_space<vmem>>, vector<16xi32>,
      %add3A_144 = arith.addi %add3A_137, %get3A_143 : vector<16xi32>
      %mul3A_145 = arith.constant 16 : i32
      %mul3A_146 = arith.muli %add3A_41, %mul3A_145 : i32
      %get3A_147 = arith.constant 15 : i32
      %get3A_148 = arith.index_cast %get3A_147 : i32 to index
      %get3A_149 = arith.index_cast %mul3A_146 : i32 to index
      %get3A_150 = tpu.vector_load %arg9[%get3A_148, %get3A_149] {strides = array<i32>} : memref<16x640xi32, #tpu.memory_space<vmem>>, vector<16xi32>,
      %add3A_151 = arith.addi %add3A_144, %get3A_150 : vector<16xi32>
      %mul3A_152 = arith.constant 16 : i32
      %mul3A_153 = arith.muli %add3A_41, %mul3A_152 : i32
      %swap3A = arith.index_cast %mul3A_153 : i32 to index
      %swap3A_154 = tpu.vector_load %arg8[%swap3A] {strides = array<i32>} : memref<640xi32, #tpu.memory_space<vmem>>, vector<16xi32>,
      tpu.vector_store %arg8[%swap3A], %add3A_151 {strides = array<i32>} : memref<640xi32, #tpu.memory_space<vmem>>, vector<16xi32>,
    }
    %scan3A_22 = arith.constant 40 : i32
    %run_scoped3A_23 = arith.constant 0 : i32
    "tpu.region"() ({
      %run_scoped3A_37 = tpu.sem_alloc : memref<!tpu.dma_semaphore, #tpu.memory_space<semaphore_mem>>
      %dma_start3A = tpu.memref_slice %arg3[%run_scoped3A_23, %arg0, %mul3A_15] : memref<2x2x10240xi32, #tpu.memory_space<hbm>> -> memref<1x1x640xi32, #tpu.memory_space<hbm>>
      %dma_start3A_38 = tpu.memref_squeeze %dma_start3A : memref<1x1x640xi32, #tpu.memory_space<hbm>> -> memref<640xi32, #tpu.memory_space<hbm>>
      %dma_start3A_39 = tpu.memref_slice %arg3[%run_scoped3A_23, %arg0, %mul3A_15] : memref<2x2x10240xi32, #tpu.memory_space<hbm>> -> memref<1x1x640xi32, #tpu.memory_space<hbm>>
      %dma_start3A_40 = tpu.memref_squeeze %dma_start3A_39 : memref<1x1x640xi32, #tpu.memory_space<hbm>> -> memref<640xi32, #tpu.memory_space<hbm>>
      tpu.enqueue_dma source(%arg8 : memref<640xi32, #tpu.memory_space<vmem>>) target(%dma_start3A_40 : memref<640xi32, #tpu.memory_space<hbm>>) target_semaphore(%run_scoped3A_37 : memref<!tpu.dma_semaphore, #tpu.memory_space<semaphore_mem>>)
      %dma_wait3A = tpu.memref_slice %arg3[%run_scoped3A_23, %arg0, %mul3A_15] : memref<2x2x10240xi32, #tpu.memory_space<hbm>> -> memref<1x1x640xi32, #tpu.memory_space<hbm>>
      %dma_wait3A_41 = tpu.memref_squeeze %dma_wait3A : memref<1x1x640xi32, #tpu.memory_space<hbm>> -> memref<640xi32, #tpu.memory_space<hbm>>
      %dma_wait3A_42 = tpu.memref_slice %arg3[%run_scoped3A_23, %arg0, %mul3A_15] : memref<2x2x10240xi32, #tpu.memory_space<hbm>> -> memref<1x1x640xi32, #tpu.memory_space<hbm>>
      %dma_wait3A_43 = tpu.memref_squeeze %dma_wait3A_42 : memref<1x1x640xi32, #tpu.memory_space<hbm>> -> memref<640xi32, #tpu.memory_space<hbm>>
      tpu.wait_dma2 semaphore(%run_scoped3A_37 : memref<!tpu.dma_semaphore, #tpu.memory_space<semaphore_mem>>) src(%arg8 : memref<640xi32, #tpu.memory_space<vmem>>) dst(%dma_wait3A_43 : memref<640xi32, #tpu.memory_space<hbm>>)
      tpu.yield
    }) : () -> ()
    %barrier3A_24 = arith.constant 0 : index
    tpu.barrier barrier_id(%barrier3A_24)
    %mul3A_25 = arith.constant 640 : i32
    %mul3A_26 = arith.muli %arg1, %mul3A_25 : i32
    "tpu.region"() ({
      %run_scoped3A_37 = tpu.sem_alloc : memref<!tpu.dma_semaphore, #tpu.memory_space<semaphore_mem>>
      %dma_start3A = arith.constant 0 : i32
      %dma_start3A_38 = tpu.memref_slice %arg10[%arg1, %dma_start3A] : memref<16x10240xi32, #tpu.memory_space<vmem_shared>> -> memref<1x10240xi32, #tpu.memory_space<vmem_shared>>
      %dma_start3A_39 = tpu.memref_squeeze %dma_start3A_38 : memref<1x10240xi32, #tpu.memory_space<vmem_shared>> -> memref<10240xi32, #tpu.memory_space<vmem_shared>>
      %dma_start3A_40 = arith.constant 0 : i32
      %dma_start3A_41 = tpu.memref_slice %arg10[%arg1, %dma_start3A_40] : memref<16x10240xi32, #tpu.memory_space<vmem_shared>> -> memref<1x10240xi32, #tpu.memory_space<vmem_shared>>
      %dma_start3A_42 = tpu.memref_squeeze %dma_start3A_41 : memref<1x10240xi32, #tpu.memory_space<vmem_shared>> -> memref<10240xi32, #tpu.memory_space<vmem_shared>>
      tpu.enqueue_dma source(%arg7 : memref<10240xi32, #tpu.memory_space<vmem>>) target(%dma_start3A_42 : memref<10240xi32, #tpu.memory_space<vmem_shared>>) target_semaphore(%run_scoped3A_37 : memref<!tpu.dma_semaphore, #tpu.memory_space<semaphore_mem>>)
      %dma_wait3A = arith.constant 0 : i32
      %dma_wait3A_43 = tpu.memref_slice %arg10[%arg1, %dma_wait3A] : memref<16x10240xi32, #tpu.memory_space<vmem_shared>> -> memref<1x10240xi32, #tpu.memory_space<vmem_shared>>
      %dma_wait3A_44 = tpu.memref_squeeze %dma_wait3A_43 : memref<1x10240xi32, #tpu.memory_space<vmem_shared>> -> memref<10240xi32, #tpu.memory_space<vmem_shared>>
      %dma_wait3A_45 = arith.constant 0 : i32
      %dma_wait3A_46 = tpu.memref_slice %arg10[%arg1, %dma_wait3A_45] : memref<16x10240xi32, #tpu.memory_space<vmem_shared>> -> memref<1x10240xi32, #tpu.memory_space<vmem_shared>>
      %dma_wait3A_47 = tpu.memref_squeeze %dma_wait3A_46 : memref<1x10240xi32, #tpu.memory_space<vmem_shared>> -> memref<10240xi32, #tpu.memory_space<vmem_shared>>
      tpu.wait_dma2 semaphore(%run_scoped3A_37 : memref<!tpu.dma_semaphore, #tpu.memory_space<semaphore_mem>>) src(%arg7 : memref<10240xi32, #tpu.memory_space<vmem>>) dst(%dma_wait3A_47 : memref<10240xi32, #tpu.memory_space<vmem_shared>>)
      tpu.yield
    }) : () -> ()
    %barrier3A_27 = arith.constant 0 : index
    tpu.barrier barrier_id(%barrier3A_27)
    %mul3A_28 = arith.constant 640 : i32
    %mul3A_29 = arith.muli %arg1, %mul3A_28 : i32
    "tpu.region"() ({
      %run_scoped3A_37 = tpu.sem_alloc : memref<!tpu.dma_semaphore, #tpu.memory_space<semaphore_mem>>
      %dma_start3A = arith.constant 0 : i32
      %dma_start3A_38 = tpu.memref_slice %arg10[%dma_start3A, %mul3A_29] : memref<16x10240xi32, #tpu.memory_space<vmem_shared>> -> memref<16x640xi32, #tpu.memory_space<vmem_shared>>
      %dma_start3A_39 = arith.constant 0 : i32
      %dma_start3A_40 = tpu.memref_slice %arg10[%dma_start3A_39, %mul3A_29] : memref<16x10240xi32, #tpu.memory_space<vmem_shared>> -> memref<16x640xi32, #tpu.memory_space<vmem_shared>>
      tpu.enqueue_dma source(%dma_start3A_40 : memref<16x640xi32, #tpu.memory_space<vmem_shared>>) target(%arg9 : memref<16x640xi32, #tpu.memory_space<vmem>>) target_semaphore(%run_scoped3A_37 : memref<!tpu.dma_semaphore, #tpu.memory_space<semaphore_mem>>)
      %dma_wait3A = arith.constant 0 : i32
      %dma_wait3A_41 = tpu.memref_slice %arg10[%dma_wait3A, %mul3A_29] : memref<16x10240xi32, #tpu.memory_space<vmem_shared>> -> memref<16x640xi32, #tpu.memory_space<vmem_shared>>
      %dma_wait3A_42 = arith.constant 0 : i32
      %dma_wait3A_43 = tpu.memref_slice %arg10[%dma_wait3A_42, %mul3A_29] : memref<16x10240xi32, #tpu.memory_space<vmem_shared>> -> memref<16x640xi32, #tpu.memory_space<vmem_shared>>
      tpu.wait_dma2 semaphore(%run_scoped3A_37 : memref<!tpu.dma_semaphore, #tpu.memory_space<semaphore_mem>>) src(%dma_wait3A_43 : memref<16x640xi32, #tpu.memory_space<vmem_shared>>) dst(%arg9 : memref<16x640xi32, #tpu.memory_space<vmem>>)
      tpu.yield
    }) : () -> ()
    %scan3A_30 = arith.constant 0 : i32
    %scan3A_31 = arith.constant 40 : i32
    %scan3A_32 = arith.addi %scan3A_30, %scan3A_31 : i32
    %scan3A_33 = arith.constant 1 : i32
    scf.for %scan3A_37 = %scan3A_30 to %scan3A_32 step %scan3A_33  : i32 {
      %mul3A_38 = arith.constant 1 : i32
      %mul3A_39 = arith.muli %scan3A_37, %mul3A_38 : i32
      %add3A_40 = arith.constant 0 : i32
      %add3A_41 = arith.addi %add3A_40, %mul3A_39 : i32
      %mul3A_42 = arith.constant 16 : i32
      %mul3A_43 = arith.muli %add3A_41, %mul3A_42 : i32
      %get3A = arith.constant 0 : i32
      %get3A_44 = arith.index_cast %get3A : i32 to index
      %get3A_45 = arith.index_cast %mul3A_43 : i32 to index
      %get3A_46 = tpu.vector_load %arg9[%get3A_44, %get3A_45] {strides = array<i32>} : memref<16x640xi32, #tpu.memory_space<vmem>>, vector<16xi32>,
      %mul3A_47 = arith.constant 16 : i32
      %mul3A_48 = arith.muli %add3A_41, %mul3A_47 : i32
      %get3A_49 = arith.constant 1 : i32
      %get3A_50 = arith.index_cast %get3A_49 : i32 to index
      %get3A_51 = arith.index_cast %mul3A_48 : i32 to index
      %get3A_52 = tpu.vector_load %arg9[%get3A_50, %get3A_51] {strides = array<i32>} : memref<16x640xi32, #tpu.memory_space<vmem>>, vector<16xi32>,
      %add3A_53 = arith.addi %get3A_46, %get3A_52 : vector<16xi32>
      %mul3A_54 = arith.constant 16 : i32
      %mul3A_55 = arith.muli %add3A_41, %mul3A_54 : i32
      %get3A_56 = arith.constant 2 : i32
      %get3A_57 = arith.index_cast %get3A_56 : i32 to index
      %get3A_58 = arith.index_cast %mul3A_55 : i32 to index
      %get3A_59 = tpu.vector_load %arg9[%get3A_57, %get3A_58] {strides = array<i32>} : memref<16x640xi32, #tpu.memory_space<vmem>>, vector<16xi32>,
      %add3A_60 = arith.addi %add3A_53, %get3A_59 : vector<16xi32>
      %mul3A_61 = arith.constant 16 : i32
      %mul3A_62 = arith.muli %add3A_41, %mul3A_61 : i32
      %get3A_63 = arith.constant 3 : i32
      %get3A_64 = arith.index_cast %get3A_63 : i32 to index
      %get3A_65 = arith.index_cast %mul3A_62 : i32 to index
      %get3A_66 = tpu.vector_load %arg9[%get3A_64, %get3A_65] {strides = array<i32>} : memref<16x640xi32, #tpu.memory_space<vmem>>, vector<16xi32>,
      %add3A_67 = arith.addi %add3A_60, %get3A_66 : vector<16xi32>
      %mul3A_68 = arith.constant 16 : i32
      %mul3A_69 = arith.muli %add3A_41, %mul3A_68 : i32
      %get3A_70 = arith.constant 4 : i32
      %get3A_71 = arith.index_cast %get3A_70 : i32 to index
      %get3A_72 = arith.index_cast %mul3A_69 : i32 to index
      %get3A_73 = tpu.vector_load %arg9[%get3A_71, %get3A_72] {strides = array<i32>} : memref<16x640xi32, #tpu.memory_space<vmem>>, vector<16xi32>,
      %add3A_74 = arith.addi %add3A_67, %get3A_73 : vector<16xi32>
      %mul3A_75 = arith.constant 16 : i32
      %mul3A_76 = arith.muli %add3A_41, %mul3A_75 : i32
      %get3A_77 = arith.constant 5 : i32
      %get3A_78 = arith.index_cast %get3A_77 : i32 to index
      %get3A_79 = arith.index_cast %mul3A_76 : i32 to index
      %get3A_80 = tpu.vector_load %arg9[%get3A_78, %get3A_79] {strides = array<i32>} : memref<16x640xi32, #tpu.memory_space<vmem>>, vector<16xi32>,
      %add3A_81 = arith.addi %add3A_74, %get3A_80 : vector<16xi32>
      %mul3A_82 = arith.constant 16 : i32
      %mul3A_83 = arith.muli %add3A_41, %mul3A_82 : i32
      %get3A_84 = arith.constant 6 : i32
      %get3A_85 = arith.index_cast %get3A_84 : i32 to index
      %get3A_86 = arith.index_cast %mul3A_83 : i32 to index
      %get3A_87 = tpu.vector_load %arg9[%get3A_85, %get3A_86] {strides = array<i32>} : memref<16x640xi32, #tpu.memory_space<vmem>>, vector<16xi32>,
      %add3A_88 = arith.addi %add3A_81, %get3A_87 : vector<16xi32>
      %mul3A_89 = arith.constant 16 : i32
      %mul3A_90 = arith.muli %add3A_41, %mul3A_89 : i32
      %get3A_91 = arith.constant 7 : i32
      %get3A_92 = arith.index_cast %get3A_91 : i32 to index
      %get3A_93 = arith.index_cast %mul3A_90 : i32 to index
      %get3A_94 = tpu.vector_load %arg9[%get3A_92, %get3A_93] {strides = array<i32>} : memref<16x640xi32, #tpu.memory_space<vmem>>, vector<16xi32>,
      %add3A_95 = arith.addi %add3A_88, %get3A_94 : vector<16xi32>
      %mul3A_96 = arith.constant 16 : i32
      %mul3A_97 = arith.muli %add3A_41, %mul3A_96 : i32
      %get3A_98 = arith.constant 8 : i32
      %get3A_99 = arith.index_cast %get3A_98 : i32 to index
      %get3A_100 = arith.index_cast %mul3A_97 : i32 to index
      %get3A_101 = tpu.vector_load %arg9[%get3A_99, %get3A_100] {strides = array<i32>} : memref<16x640xi32, #tpu.memory_space<vmem>>, vector<16xi32>,
      %add3A_102 = arith.addi %add3A_95, %get3A_101 : vector<16xi32>
      %mul3A_103 = arith.constant 16 : i32
      %mul3A_104 = arith.muli %add3A_41, %mul3A_103 : i32
      %get3A_105 = arith.constant 9 : i32
      %get3A_106 = arith.index_cast %get3A_105 : i32 to index
      %get3A_107 = arith.index_cast %mul3A_104 : i32 to index
      %get3A_108 = tpu.vector_load %arg9[%get3A_106, %get3A_107] {strides = array<i32>} : memref<16x640xi32, #tpu.memory_space<vmem>>, vector<16xi32>,
      %add3A_109 = arith.addi %add3A_102, %get3A_108 : vector<16xi32>
      %mul3A_110 = arith.constant 16 : i32
      %mul3A_111 = arith.muli %add3A_41, %mul3A_110 : i32
      %get3A_112 = arith.constant 10 : i32
      %get3A_113 = arith.index_cast %get3A_112 : i32 to index
      %get3A_114 = arith.index_cast %mul3A_111 : i32 to index
      %get3A_115 = tpu.vector_load %arg9[%get3A_113, %get3A_114] {strides = array<i32>} : memref<16x640xi32, #tpu.memory_space<vmem>>, vector<16xi32>,
      %add3A_116 = arith.addi %add3A_109, %get3A_115 : vector<16xi32>
      %mul3A_117 = arith.constant 16 : i32
      %mul3A_118 = arith.muli %add3A_41, %mul3A_117 : i32
      %get3A_119 = arith.constant 11 : i32
      %get3A_120 = arith.index_cast %get3A_119 : i32 to index
      %get3A_121 = arith.index_cast %mul3A_118 : i32 to index
      %get3A_122 = tpu.vector_load %arg9[%get3A_120, %get3A_121] {strides = array<i32>} : memref<16x640xi32, #tpu.memory_space<vmem>>, vector<16xi32>,
      %add3A_123 = arith.addi %add3A_116, %get3A_122 : vector<16xi32>
      %mul3A_124 = arith.constant 16 : i32
      %mul3A_125 = arith.muli %add3A_41, %mul3A_124 : i32
      %get3A_126 = arith.constant 12 : i32
      %get3A_127 = arith.index_cast %get3A_126 : i32 to index
      %get3A_128 = arith.index_cast %mul3A_125 : i32 to index
      %get3A_129 = tpu.vector_load %arg9[%get3A_127, %get3A_128] {strides = array<i32>} : memref<16x640xi32, #tpu.memory_space<vmem>>, vector<16xi32>,
      %add3A_130 = arith.addi %add3A_123, %get3A_129 : vector<16xi32>
      %mul3A_131 = arith.constant 16 : i32
      %mul3A_132 = arith.muli %add3A_41, %mul3A_131 : i32
      %get3A_133 = arith.constant 13 : i32
      %get3A_134 = arith.index_cast %get3A_133 : i32 to index
      %get3A_135 = arith.index_cast %mul3A_132 : i32 to index
      %get3A_136 = tpu.vector_load %arg9[%get3A_134, %get3A_135] {strides = array<i32>} : memref<16x640xi32, #tpu.memory_space<vmem>>, vector<16xi32>,
      %add3A_137 = arith.addi %add3A_130, %get3A_136 : vector<16xi32>
      %mul3A_138 = arith.constant 16 : i32
      %mul3A_139 = arith.muli %add3A_41, %mul3A_138 : i32
      %get3A_140 = arith.constant 14 : i32
      %get3A_141 = arith.index_cast %get3A_140 : i32 to index
      %get3A_142 = arith.index_cast %mul3A_139 : i32 to index
      %get3A_143 = tpu.vector_load %arg9[%get3A_141, %get3A_142] {strides = array<i32>} : memref<16x640xi32, #tpu.memory_space<vmem>>, vector<16xi32>,
      %add3A_144 = arith.addi %add3A_137, %get3A_143 : vector<16xi32>
      %mul3A_145 = arith.constant 16 : i32
      %mul3A_146 = arith.muli %add3A_41, %mul3A_145 : i32
      %get3A_147 = arith.constant 15 : i32
      %get3A_148 = arith.index_cast %get3A_147 : i32 to index
      %get3A_149 = arith.index_cast %mul3A_146 : i32 to index
      %get3A_150 = tpu.vector_load %arg9[%get3A_148, %get3A_149] {strides = array<i32>} : memref<16x640xi32, #tpu.memory_space<vmem>>, vector<16xi32>,
      %add3A_151 = arith.addi %add3A_144, %get3A_150 : vector<16xi32>
      %mul3A_152 = arith.constant 16 : i32
      %mul3A_153 = arith.muli %add3A_41, %mul3A_152 : i32
      %swap3A = arith.index_cast %mul3A_153 : i32 to index
      %swap3A_154 = tpu.vector_load %arg8[%swap3A] {strides = array<i32>} : memref<640xi32, #tpu.memory_space<vmem>>, vector<16xi32>,
      tpu.vector_store %arg8[%swap3A], %add3A_151 {strides = array<i32>} : memref<640xi32, #tpu.memory_space<vmem>>, vector<16xi32>,
    }
    %scan3A_34 = arith.constant 40 : i32
    %run_scoped3A_35 = arith.constant 1 : i32
    "tpu.region"() ({
      %run_scoped3A_37 = tpu.sem_alloc : memref<!tpu.dma_semaphore, #tpu.memory_space<semaphore_mem>>
      %dma_start3A = tpu.memref_slice %arg3[%run_scoped3A_35, %arg0, %mul3A_26] : memref<2x2x10240xi32, #tpu.memory_space<hbm>> -> memref<1x1x640xi32, #tpu.memory_space<hbm>>
      %dma_start3A_38 = tpu.memref_squeeze %dma_start3A : memref<1x1x640xi32, #tpu.memory_space<hbm>> -> memref<640xi32, #tpu.memory_space<hbm>>
      %dma_start3A_39 = tpu.memref_slice %arg3[%run_scoped3A_35, %arg0, %mul3A_26] : memref<2x2x10240xi32, #tpu.memory_space<hbm>> -> memref<1x1x640xi32, #tpu.memory_space<hbm>>
      %dma_start3A_40 = tpu.memref_squeeze %dma_start3A_39 : memref<1x1x640xi32, #tpu.memory_space<hbm>> -> memref<640xi32, #tpu.memory_space<hbm>>
      tpu.enqueue_dma source(%arg8 : memref<640xi32, #tpu.memory_space<vmem>>) target(%dma_start3A_40 : memref<640xi32, #tpu.memory_space<hbm>>) target_semaphore(%run_scoped3A_37 : memref<!tpu.dma_semaphore, #tpu.memory_space<semaphore_mem>>)
      %dma_wait3A = tpu.memref_slice %arg3[%run_scoped3A_35, %arg0, %mul3A_26] : memref<2x2x10240xi32, #tpu.memory_space<hbm>> -> memref<1x1x640xi32, #tpu.memory_space<hbm>>
      %dma_wait3A_41 = tpu.memref_squeeze %dma_wait3A : memref<1x1x640xi32, #tpu.memory_space<hbm>> -> memref<640xi32, #tpu.memory_space<hbm>>
      %dma_wait3A_42 = tpu.memref_slice %arg3[%run_scoped3A_35, %arg0, %mul3A_26] : memref<2x2x10240xi32, #tpu.memory_space<hbm>> -> memref<1x1x640xi32, #tpu.memory_space<hbm>>
      %dma_wait3A_43 = tpu.memref_squeeze %dma_wait3A_42 : memref<1x1x640xi32, #tpu.memory_space<hbm>> -> memref<640xi32, #tpu.memory_space<hbm>>
      tpu.wait_dma2 semaphore(%run_scoped3A_37 : memref<!tpu.dma_semaphore, #tpu.memory_space<semaphore_mem>>) src(%arg8 : memref<640xi32, #tpu.memory_space<vmem>>) dst(%dma_wait3A_43 : memref<640xi32, #tpu.memory_space<hbm>>)
      tpu.yield
    }) : () -> ()
    %barrier3A_36 = arith.constant 0 : index
    tpu.barrier barrier_id(%barrier3A_36)
    return
  }
}

#map = affine_map<(d0, d1) -> (0, 0, 0, 0)>
#map1 = affine_map<(d0, d1) -> (0, 0)>
#map2 = affine_map<(d0, d1) -> (0, 0, 0)>
module attributes {stable_mosaic.version = 14 : i64} {
  func.func @_agg_body(%arg0: i32, %arg1: i32, %arg2: memref<2x32x160x64xi32, #tpu.memory_space<hbm>>, %arg3: memref<10240x128xf32, #tpu.memory_space<hbm>>, %arg4: memref<2x10240x128xf32, #tpu.memory_space<hbm>>, %arg5: memref<40x64xi32, #tpu.memory_space<vmem>>, %arg6: memref<40x64xi32, #tpu.memory_space<vmem>>, %arg7: memref<64x128xf32, #tpu.memory_space<vmem>>, %arg8: memref<64x128xf32, #tpu.memory_space<vmem>>, %arg9: memref<64x128xf32, #tpu.memory_space<vmem>>, %arg10: memref<64x128xf32, #tpu.memory_space<vmem>>, %arg11: memref<10240x128xf32, #tpu.memory_space<vmem_shared>>, %arg12: memref<!tpu.dma_semaphore, #tpu.memory_space<semaphore_mem>>, %arg13: memref<!tpu.dma_semaphore, #tpu.memory_space<semaphore_mem>>, %arg14: memref<!tpu.dma_semaphore, #tpu.memory_space<semaphore_mem>>, %arg15: memref<!tpu.dma_semaphore, #tpu.memory_space<semaphore_mem>>, %arg16: memref<!tpu.dma_semaphore, #tpu.memory_space<semaphore_mem>>, %arg17: memref<!tpu.dma_semaphore, #tpu.memory_space<semaphore_mem>>, %arg18: memref<!tpu.dma_semaphore, #tpu.memory_space<semaphore_mem>>, %arg19: memref<!tpu.dma_semaphore, #tpu.memory_space<semaphore_mem>>) attributes {dimension_semantics = [#tpu.dimension_semantics<core_parallel>, #tpu.dimension_semantics<subcore_parallel>], iteration_bounds = array<i64: 2, 16>, scalar_prefetch = 0 : i64, scratch_operands = 15 : i64, tpu.core_type = #tpu.core_type<sc_vector_subcore>, window_params = [{transform_indices = #map}, {transform_indices = #map1}, {transform_indices = #map2}]} {
    %mul3A = arith.constant 16 : i32
    %mul3A_0 = arith.muli %arg0, %mul3A : i32
    %add3A = arith.addi %mul3A_0, %arg1 : i32
    %broadcast_in_dim3A = arith.constant 0.000000e+00 : f32
    %broadcast_in_dim3A_1 = vector.broadcast %broadcast_in_dim3A : f32 to vector<16xf32>
    %scan3A = arith.constant 0 : i32
    %scan3A_2 = arith.constant 64 : i32
    %scan3A_3 = arith.addi %scan3A, %scan3A_2 : i32
    %scan3A_4 = arith.constant 1 : i32
    scf.for %scan3A_524 = %scan3A to %scan3A_3 step %scan3A_4  : i32 {
      %mul3A_525 = arith.constant 1 : i32
      %mul3A_526 = arith.muli %scan3A_524, %mul3A_525 : i32
      %add3A_527 = arith.constant 0 : i32
      %add3A_528 = arith.addi %add3A_527, %mul3A_526 : i32
      %swap3A = arith.index_cast %add3A_528 : i32 to index
      %swap3A_529 = arith.constant 0 : index
      %swap3A_530 = tpu.vector_load %arg7[%swap3A, %swap3A_529] {strides = array<i32>} : memref<64x128xf32, #tpu.memory_space<vmem>>, vector<16xf32>,
      tpu.vector_store %arg7[%swap3A, %swap3A_529], %broadcast_in_dim3A_1 {strides = array<i32>} : memref<64x128xf32, #tpu.memory_space<vmem>>, vector<16xf32>,
      %swap3A_531 = arith.index_cast %add3A_528 : i32 to index
      %swap3A_532 = arith.constant 16 : index
      %swap3A_533 = tpu.vector_load %arg7[%swap3A_531, %swap3A_532] {strides = array<i32>} : memref<64x128xf32, #tpu.memory_space<vmem>>, vector<16xf32>,
      tpu.vector_store %arg7[%swap3A_531, %swap3A_532], %broadcast_in_dim3A_1 {strides = array<i32>} : memref<64x128xf32, #tpu.memory_space<vmem>>, vector<16xf32>,
      %swap3A_534 = arith.index_cast %add3A_528 : i32 to index
      %swap3A_535 = arith.constant 32 : index
      %swap3A_536 = tpu.vector_load %arg7[%swap3A_534, %swap3A_535] {strides = array<i32>} : memref<64x128xf32, #tpu.memory_space<vmem>>, vector<16xf32>,
      tpu.vector_store %arg7[%swap3A_534, %swap3A_535], %broadcast_in_dim3A_1 {strides = array<i32>} : memref<64x128xf32, #tpu.memory_space<vmem>>, vector<16xf32>,
      %swap3A_537 = arith.index_cast %add3A_528 : i32 to index
      %swap3A_538 = arith.constant 48 : index
      %swap3A_539 = tpu.vector_load %arg7[%swap3A_537, %swap3A_538] {strides = array<i32>} : memref<64x128xf32, #tpu.memory_space<vmem>>, vector<16xf32>,
      tpu.vector_store %arg7[%swap3A_537, %swap3A_538], %broadcast_in_dim3A_1 {strides = array<i32>} : memref<64x128xf32, #tpu.memory_space<vmem>>, vector<16xf32>,
      %swap3A_540 = arith.index_cast %add3A_528 : i32 to index
      %swap3A_541 = arith.constant 64 : index
      %swap3A_542 = tpu.vector_load %arg7[%swap3A_540, %swap3A_541] {strides = array<i32>} : memref<64x128xf32, #tpu.memory_space<vmem>>, vector<16xf32>,
      tpu.vector_store %arg7[%swap3A_540, %swap3A_541], %broadcast_in_dim3A_1 {strides = array<i32>} : memref<64x128xf32, #tpu.memory_space<vmem>>, vector<16xf32>,
      %swap3A_543 = arith.index_cast %add3A_528 : i32 to index
      %swap3A_544 = arith.constant 80 : index
      %swap3A_545 = tpu.vector_load %arg7[%swap3A_543, %swap3A_544] {strides = array<i32>} : memref<64x128xf32, #tpu.memory_space<vmem>>, vector<16xf32>,
      tpu.vector_store %arg7[%swap3A_543, %swap3A_544], %broadcast_in_dim3A_1 {strides = array<i32>} : memref<64x128xf32, #tpu.memory_space<vmem>>, vector<16xf32>,
      %swap3A_546 = arith.index_cast %add3A_528 : i32 to index
      %swap3A_547 = arith.constant 96 : index
      %swap3A_548 = tpu.vector_load %arg7[%swap3A_546, %swap3A_547] {strides = array<i32>} : memref<64x128xf32, #tpu.memory_space<vmem>>, vector<16xf32>,
      tpu.vector_store %arg7[%swap3A_546, %swap3A_547], %broadcast_in_dim3A_1 {strides = array<i32>} : memref<64x128xf32, #tpu.memory_space<vmem>>, vector<16xf32>,
      %swap3A_549 = arith.index_cast %add3A_528 : i32 to index
      %swap3A_550 = arith.constant 112 : index
      %swap3A_551 = tpu.vector_load %arg7[%swap3A_549, %swap3A_550] {strides = array<i32>} : memref<64x128xf32, #tpu.memory_space<vmem>>, vector<16xf32>,
      tpu.vector_store %arg7[%swap3A_549, %swap3A_550], %broadcast_in_dim3A_1 {strides = array<i32>} : memref<64x128xf32, #tpu.memory_space<vmem>>, vector<16xf32>,
    }
    %scan3A_5 = arith.constant 64 : i32
    %mul3A_6 = arith.constant 640 : i32
    %mul3A_7 = arith.muli %arg1, %mul3A_6 : i32
    %add3A_8 = arith.constant 0 : i32
    %add3A_9 = arith.addi %mul3A_7, %add3A_8 : i32
    "tpu.region"() ({
      %run_scoped3A_524 = tpu.sem_alloc : memref<!tpu.dma_semaphore, #tpu.memory_space<semaphore_mem>>
      %dma_start3A_525 = arith.constant 0 : i32
      %dma_start3A_526 = tpu.memref_slice %arg11[%add3A_9, %dma_start3A_525] : memref<10240x128xf32, #tpu.memory_space<vmem_shared>> -> memref<64x128xf32, #tpu.memory_space<vmem_shared>>
      %dma_start3A_527 = arith.constant 0 : i32
      %dma_start3A_528 = tpu.memref_slice %arg11[%add3A_9, %dma_start3A_527] : memref<10240x128xf32, #tpu.memory_space<vmem_shared>> -> memref<64x128xf32, #tpu.memory_space<vmem_shared>>
      tpu.enqueue_dma source(%arg7 : memref<64x128xf32, #tpu.memory_space<vmem>>) target(%dma_start3A_528 : memref<64x128xf32, #tpu.memory_space<vmem_shared>>) target_semaphore(%run_scoped3A_524 : memref<!tpu.dma_semaphore, #tpu.memory_space<semaphore_mem>>)
      %dma_wait3A_529 = arith.constant 0 : i32
      %dma_wait3A_530 = tpu.memref_slice %arg11[%add3A_9, %dma_wait3A_529] : memref<10240x128xf32, #tpu.memory_space<vmem_shared>> -> memref<64x128xf32, #tpu.memory_space<vmem_shared>>
      %dma_wait3A_531 = arith.constant 0 : i32
      %dma_wait3A_532 = tpu.memref_slice %arg11[%add3A_9, %dma_wait3A_531] : memref<10240x128xf32, #tpu.memory_space<vmem_shared>> -> memref<64x128xf32, #tpu.memory_space<vmem_shared>>
      tpu.wait_dma2 semaphore(%run_scoped3A_524 : memref<!tpu.dma_semaphore, #tpu.memory_space<semaphore_mem>>) src(%arg7 : memref<64x128xf32, #tpu.memory_space<vmem>>) dst(%dma_wait3A_532 : memref<64x128xf32, #tpu.memory_space<vmem_shared>>)
      tpu.yield
    }) : () -> ()
    %mul3A_10 = arith.constant 640 : i32
    %mul3A_11 = arith.muli %arg1, %mul3A_10 : i32
    %add3A_12 = arith.constant 64 : i32
    %add3A_13 = arith.addi %mul3A_11, %add3A_12 : i32
    "tpu.region"() ({
      %run_scoped3A_524 = tpu.sem_alloc : memref<!tpu.dma_semaphore, #tpu.memory_space<semaphore_mem>>
      %dma_start3A_525 = arith.constant 0 : i32
      %dma_start3A_526 = tpu.memref_slice %arg11[%add3A_13, %dma_start3A_525] : memref<10240x128xf32, #tpu.memory_space<vmem_shared>> -> memref<64x128xf32, #tpu.memory_space<vmem_shared>>
      %dma_start3A_527 = arith.constant 0 : i32
      %dma_start3A_528 = tpu.memref_slice %arg11[%add3A_13, %dma_start3A_527] : memref<10240x128xf32, #tpu.memory_space<vmem_shared>> -> memref<64x128xf32, #tpu.memory_space<vmem_shared>>
      tpu.enqueue_dma source(%arg7 : memref<64x128xf32, #tpu.memory_space<vmem>>) target(%dma_start3A_528 : memref<64x128xf32, #tpu.memory_space<vmem_shared>>) target_semaphore(%run_scoped3A_524 : memref<!tpu.dma_semaphore, #tpu.memory_space<semaphore_mem>>)
      %dma_wait3A_529 = arith.constant 0 : i32
      %dma_wait3A_530 = tpu.memref_slice %arg11[%add3A_13, %dma_wait3A_529] : memref<10240x128xf32, #tpu.memory_space<vmem_shared>> -> memref<64x128xf32, #tpu.memory_space<vmem_shared>>
      %dma_wait3A_531 = arith.constant 0 : i32
      %dma_wait3A_532 = tpu.memref_slice %arg11[%add3A_13, %dma_wait3A_531] : memref<10240x128xf32, #tpu.memory_space<vmem_shared>> -> memref<64x128xf32, #tpu.memory_space<vmem_shared>>
      tpu.wait_dma2 semaphore(%run_scoped3A_524 : memref<!tpu.dma_semaphore, #tpu.memory_space<semaphore_mem>>) src(%arg7 : memref<64x128xf32, #tpu.memory_space<vmem>>) dst(%dma_wait3A_532 : memref<64x128xf32, #tpu.memory_space<vmem_shared>>)
      tpu.yield
    }) : () -> ()
    %mul3A_14 = arith.constant 640 : i32
    %mul3A_15 = arith.muli %arg1, %mul3A_14 : i32
    %add3A_16 = arith.constant 128 : i32
    %add3A_17 = arith.addi %mul3A_15, %add3A_16 : i32
    "tpu.region"() ({
      %run_scoped3A_524 = tpu.sem_alloc : memref<!tpu.dma_semaphore, #tpu.memory_space<semaphore_mem>>
      %dma_start3A_525 = arith.constant 0 : i32
      %dma_start3A_526 = tpu.memref_slice %arg11[%add3A_17, %dma_start3A_525] : memref<10240x128xf32, #tpu.memory_space<vmem_shared>> -> memref<64x128xf32, #tpu.memory_space<vmem_shared>>
      %dma_start3A_527 = arith.constant 0 : i32
      %dma_start3A_528 = tpu.memref_slice %arg11[%add3A_17, %dma_start3A_527] : memref<10240x128xf32, #tpu.memory_space<vmem_shared>> -> memref<64x128xf32, #tpu.memory_space<vmem_shared>>
      tpu.enqueue_dma source(%arg7 : memref<64x128xf32, #tpu.memory_space<vmem>>) target(%dma_start3A_528 : memref<64x128xf32, #tpu.memory_space<vmem_shared>>) target_semaphore(%run_scoped3A_524 : memref<!tpu.dma_semaphore, #tpu.memory_space<semaphore_mem>>)
      %dma_wait3A_529 = arith.constant 0 : i32
      %dma_wait3A_530 = tpu.memref_slice %arg11[%add3A_17, %dma_wait3A_529] : memref<10240x128xf32, #tpu.memory_space<vmem_shared>> -> memref<64x128xf32, #tpu.memory_space<vmem_shared>>
      %dma_wait3A_531 = arith.constant 0 : i32
      %dma_wait3A_532 = tpu.memref_slice %arg11[%add3A_17, %dma_wait3A_531] : memref<10240x128xf32, #tpu.memory_space<vmem_shared>> -> memref<64x128xf32, #tpu.memory_space<vmem_shared>>
      tpu.wait_dma2 semaphore(%run_scoped3A_524 : memref<!tpu.dma_semaphore, #tpu.memory_space<semaphore_mem>>) src(%arg7 : memref<64x128xf32, #tpu.memory_space<vmem>>) dst(%dma_wait3A_532 : memref<64x128xf32, #tpu.memory_space<vmem_shared>>)
      tpu.yield
    }) : () -> ()
    %mul3A_18 = arith.constant 640 : i32
    %mul3A_19 = arith.muli %arg1, %mul3A_18 : i32
    %add3A_20 = arith.constant 192 : i32
    %add3A_21 = arith.addi %mul3A_19, %add3A_20 : i32
    "tpu.region"() ({
      %run_scoped3A_524 = tpu.sem_alloc : memref<!tpu.dma_semaphore, #tpu.memory_space<semaphore_mem>>
      %dma_start3A_525 = arith.constant 0 : i32
      %dma_start3A_526 = tpu.memref_slice %arg11[%add3A_21, %dma_start3A_525] : memref<10240x128xf32, #tpu.memory_space<vmem_shared>> -> memref<64x128xf32, #tpu.memory_space<vmem_shared>>
      %dma_start3A_527 = arith.constant 0 : i32
      %dma_start3A_528 = tpu.memref_slice %arg11[%add3A_21, %dma_start3A_527] : memref<10240x128xf32, #tpu.memory_space<vmem_shared>> -> memref<64x128xf32, #tpu.memory_space<vmem_shared>>
      tpu.enqueue_dma source(%arg7 : memref<64x128xf32, #tpu.memory_space<vmem>>) target(%dma_start3A_528 : memref<64x128xf32, #tpu.memory_space<vmem_shared>>) target_semaphore(%run_scoped3A_524 : memref<!tpu.dma_semaphore, #tpu.memory_space<semaphore_mem>>)
      %dma_wait3A_529 = arith.constant 0 : i32
      %dma_wait3A_530 = tpu.memref_slice %arg11[%add3A_21, %dma_wait3A_529] : memref<10240x128xf32, #tpu.memory_space<vmem_shared>> -> memref<64x128xf32, #tpu.memory_space<vmem_shared>>
      %dma_wait3A_531 = arith.constant 0 : i32
      %dma_wait3A_532 = tpu.memref_slice %arg11[%add3A_21, %dma_wait3A_531] : memref<10240x128xf32, #tpu.memory_space<vmem_shared>> -> memref<64x128xf32, #tpu.memory_space<vmem_shared>>
      tpu.wait_dma2 semaphore(%run_scoped3A_524 : memref<!tpu.dma_semaphore, #tpu.memory_space<semaphore_mem>>) src(%arg7 : memref<64x128xf32, #tpu.memory_space<vmem>>) dst(%dma_wait3A_532 : memref<64x128xf32, #tpu.memory_space<vmem_shared>>)
      tpu.yield
    }) : () -> ()
    %mul3A_22 = arith.constant 640 : i32
    %mul3A_23 = arith.muli %arg1, %mul3A_22 : i32
    %add3A_24 = arith.constant 256 : i32
    %add3A_25 = arith.addi %mul3A_23, %add3A_24 : i32
    "tpu.region"() ({
      %run_scoped3A_524 = tpu.sem_alloc : memref<!tpu.dma_semaphore, #tpu.memory_space<semaphore_mem>>
      %dma_start3A_525 = arith.constant 0 : i32
      %dma_start3A_526 = tpu.memref_slice %arg11[%add3A_25, %dma_start3A_525] : memref<10240x128xf32, #tpu.memory_space<vmem_shared>> -> memref<64x128xf32, #tpu.memory_space<vmem_shared>>
      %dma_start3A_527 = arith.constant 0 : i32
      %dma_start3A_528 = tpu.memref_slice %arg11[%add3A_25, %dma_start3A_527] : memref<10240x128xf32, #tpu.memory_space<vmem_shared>> -> memref<64x128xf32, #tpu.memory_space<vmem_shared>>
      tpu.enqueue_dma source(%arg7 : memref<64x128xf32, #tpu.memory_space<vmem>>) target(%dma_start3A_528 : memref<64x128xf32, #tpu.memory_space<vmem_shared>>) target_semaphore(%run_scoped3A_524 : memref<!tpu.dma_semaphore, #tpu.memory_space<semaphore_mem>>)
      %dma_wait3A_529 = arith.constant 0 : i32
      %dma_wait3A_530 = tpu.memref_slice %arg11[%add3A_25, %dma_wait3A_529] : memref<10240x128xf32, #tpu.memory_space<vmem_shared>> -> memref<64x128xf32, #tpu.memory_space<vmem_shared>>
      %dma_wait3A_531 = arith.constant 0 : i32
      %dma_wait3A_532 = tpu.memref_slice %arg11[%add3A_25, %dma_wait3A_531] : memref<10240x128xf32, #tpu.memory_space<vmem_shared>> -> memref<64x128xf32, #tpu.memory_space<vmem_shared>>
      tpu.wait_dma2 semaphore(%run_scoped3A_524 : memref<!tpu.dma_semaphore, #tpu.memory_space<semaphore_mem>>) src(%arg7 : memref<64x128xf32, #tpu.memory_space<vmem>>) dst(%dma_wait3A_532 : memref<64x128xf32, #tpu.memory_space<vmem_shared>>)
      tpu.yield
    }) : () -> ()
    %mul3A_26 = arith.constant 640 : i32
    %mul3A_27 = arith.muli %arg1, %mul3A_26 : i32
    %add3A_28 = arith.constant 320 : i32
    %add3A_29 = arith.addi %mul3A_27, %add3A_28 : i32
    "tpu.region"() ({
      %run_scoped3A_524 = tpu.sem_alloc : memref<!tpu.dma_semaphore, #tpu.memory_space<semaphore_mem>>
      %dma_start3A_525 = arith.constant 0 : i32
      %dma_start3A_526 = tpu.memref_slice %arg11[%add3A_29, %dma_start3A_525] : memref<10240x128xf32, #tpu.memory_space<vmem_shared>> -> memref<64x128xf32, #tpu.memory_space<vmem_shared>>
      %dma_start3A_527 = arith.constant 0 : i32
      %dma_start3A_528 = tpu.memref_slice %arg11[%add3A_29, %dma_start3A_527] : memref<10240x128xf32, #tpu.memory_space<vmem_shared>> -> memref<64x128xf32, #tpu.memory_space<vmem_shared>>
      tpu.enqueue_dma source(%arg7 : memref<64x128xf32, #tpu.memory_space<vmem>>) target(%dma_start3A_528 : memref<64x128xf32, #tpu.memory_space<vmem_shared>>) target_semaphore(%run_scoped3A_524 : memref<!tpu.dma_semaphore, #tpu.memory_space<semaphore_mem>>)
      %dma_wait3A_529 = arith.constant 0 : i32
      %dma_wait3A_530 = tpu.memref_slice %arg11[%add3A_29, %dma_wait3A_529] : memref<10240x128xf32, #tpu.memory_space<vmem_shared>> -> memref<64x128xf32, #tpu.memory_space<vmem_shared>>
      %dma_wait3A_531 = arith.constant 0 : i32
      %dma_wait3A_532 = tpu.memref_slice %arg11[%add3A_29, %dma_wait3A_531] : memref<10240x128xf32, #tpu.memory_space<vmem_shared>> -> memref<64x128xf32, #tpu.memory_space<vmem_shared>>
      tpu.wait_dma2 semaphore(%run_scoped3A_524 : memref<!tpu.dma_semaphore, #tpu.memory_space<semaphore_mem>>) src(%arg7 : memref<64x128xf32, #tpu.memory_space<vmem>>) dst(%dma_wait3A_532 : memref<64x128xf32, #tpu.memory_space<vmem_shared>>)
      tpu.yield
    }) : () -> ()
    %mul3A_30 = arith.constant 640 : i32
    %mul3A_31 = arith.muli %arg1, %mul3A_30 : i32
    %add3A_32 = arith.constant 384 : i32
    %add3A_33 = arith.addi %mul3A_31, %add3A_32 : i32
    "tpu.region"() ({
      %run_scoped3A_524 = tpu.sem_alloc : memref<!tpu.dma_semaphore, #tpu.memory_space<semaphore_mem>>
      %dma_start3A_525 = arith.constant 0 : i32
      %dma_start3A_526 = tpu.memref_slice %arg11[%add3A_33, %dma_start3A_525] : memref<10240x128xf32, #tpu.memory_space<vmem_shared>> -> memref<64x128xf32, #tpu.memory_space<vmem_shared>>
      %dma_start3A_527 = arith.constant 0 : i32
      %dma_start3A_528 = tpu.memref_slice %arg11[%add3A_33, %dma_start3A_527] : memref<10240x128xf32, #tpu.memory_space<vmem_shared>> -> memref<64x128xf32, #tpu.memory_space<vmem_shared>>
      tpu.enqueue_dma source(%arg7 : memref<64x128xf32, #tpu.memory_space<vmem>>) target(%dma_start3A_528 : memref<64x128xf32, #tpu.memory_space<vmem_shared>>) target_semaphore(%run_scoped3A_524 : memref<!tpu.dma_semaphore, #tpu.memory_space<semaphore_mem>>)
      %dma_wait3A_529 = arith.constant 0 : i32
      %dma_wait3A_530 = tpu.memref_slice %arg11[%add3A_33, %dma_wait3A_529] : memref<10240x128xf32, #tpu.memory_space<vmem_shared>> -> memref<64x128xf32, #tpu.memory_space<vmem_shared>>
      %dma_wait3A_531 = arith.constant 0 : i32
      %dma_wait3A_532 = tpu.memref_slice %arg11[%add3A_33, %dma_wait3A_531] : memref<10240x128xf32, #tpu.memory_space<vmem_shared>> -> memref<64x128xf32, #tpu.memory_space<vmem_shared>>
      tpu.wait_dma2 semaphore(%run_scoped3A_524 : memref<!tpu.dma_semaphore, #tpu.memory_space<semaphore_mem>>) src(%arg7 : memref<64x128xf32, #tpu.memory_space<vmem>>) dst(%dma_wait3A_532 : memref<64x128xf32, #tpu.memory_space<vmem_shared>>)
      tpu.yield
    }) : () -> ()
    %mul3A_34 = arith.constant 640 : i32
    %mul3A_35 = arith.muli %arg1, %mul3A_34 : i32
    %add3A_36 = arith.constant 448 : i32
    %add3A_37 = arith.addi %mul3A_35, %add3A_36 : i32
    "tpu.region"() ({
      %run_scoped3A_524 = tpu.sem_alloc : memref<!tpu.dma_semaphore, #tpu.memory_space<semaphore_mem>>
      %dma_start3A_525 = arith.constant 0 : i32
      %dma_start3A_526 = tpu.memref_slice %arg11[%add3A_37, %dma_start3A_525] : memref<10240x128xf32, #tpu.memory_space<vmem_shared>> -> memref<64x128xf32, #tpu.memory_space<vmem_shared>>
      %dma_start3A_527 = arith.constant 0 : i32
      %dma_start3A_528 = tpu.memref_slice %arg11[%add3A_37, %dma_start3A_527] : memref<10240x128xf32, #tpu.memory_space<vmem_shared>> -> memref<64x128xf32, #tpu.memory_space<vmem_shared>>
      tpu.enqueue_dma source(%arg7 : memref<64x128xf32, #tpu.memory_space<vmem>>) target(%dma_start3A_528 : memref<64x128xf32, #tpu.memory_space<vmem_shared>>) target_semaphore(%run_scoped3A_524 : memref<!tpu.dma_semaphore, #tpu.memory_space<semaphore_mem>>)
      %dma_wait3A_529 = arith.constant 0 : i32
      %dma_wait3A_530 = tpu.memref_slice %arg11[%add3A_37, %dma_wait3A_529] : memref<10240x128xf32, #tpu.memory_space<vmem_shared>> -> memref<64x128xf32, #tpu.memory_space<vmem_shared>>
      %dma_wait3A_531 = arith.constant 0 : i32
      %dma_wait3A_532 = tpu.memref_slice %arg11[%add3A_37, %dma_wait3A_531] : memref<10240x128xf32, #tpu.memory_space<vmem_shared>> -> memref<64x128xf32, #tpu.memory_space<vmem_shared>>
      tpu.wait_dma2 semaphore(%run_scoped3A_524 : memref<!tpu.dma_semaphore, #tpu.memory_space<semaphore_mem>>) src(%arg7 : memref<64x128xf32, #tpu.memory_space<vmem>>) dst(%dma_wait3A_532 : memref<64x128xf32, #tpu.memory_space<vmem_shared>>)
      tpu.yield
    }) : () -> ()
    %mul3A_38 = arith.constant 640 : i32
    %mul3A_39 = arith.muli %arg1, %mul3A_38 : i32
    %add3A_40 = arith.constant 512 : i32
    %add3A_41 = arith.addi %mul3A_39, %add3A_40 : i32
    "tpu.region"() ({
      %run_scoped3A_524 = tpu.sem_alloc : memref<!tpu.dma_semaphore, #tpu.memory_space<semaphore_mem>>
      %dma_start3A_525 = arith.constant 0 : i32
      %dma_start3A_526 = tpu.memref_slice %arg11[%add3A_41, %dma_start3A_525] : memref<10240x128xf32, #tpu.memory_space<vmem_shared>> -> memref<64x128xf32, #tpu.memory_space<vmem_shared>>
      %dma_start3A_527 = arith.constant 0 : i32
      %dma_start3A_528 = tpu.memref_slice %arg11[%add3A_41, %dma_start3A_527] : memref<10240x128xf32, #tpu.memory_space<vmem_shared>> -> memref<64x128xf32, #tpu.memory_space<vmem_shared>>
      tpu.enqueue_dma source(%arg7 : memref<64x128xf32, #tpu.memory_space<vmem>>) target(%dma_start3A_528 : memref<64x128xf32, #tpu.memory_space<vmem_shared>>) target_semaphore(%run_scoped3A_524 : memref<!tpu.dma_semaphore, #tpu.memory_space<semaphore_mem>>)
      %dma_wait3A_529 = arith.constant 0 : i32
      %dma_wait3A_530 = tpu.memref_slice %arg11[%add3A_41, %dma_wait3A_529] : memref<10240x128xf32, #tpu.memory_space<vmem_shared>> -> memref<64x128xf32, #tpu.memory_space<vmem_shared>>
      %dma_wait3A_531 = arith.constant 0 : i32
      %dma_wait3A_532 = tpu.memref_slice %arg11[%add3A_41, %dma_wait3A_531] : memref<10240x128xf32, #tpu.memory_space<vmem_shared>> -> memref<64x128xf32, #tpu.memory_space<vmem_shared>>
      tpu.wait_dma2 semaphore(%run_scoped3A_524 : memref<!tpu.dma_semaphore, #tpu.memory_space<semaphore_mem>>) src(%arg7 : memref<64x128xf32, #tpu.memory_space<vmem>>) dst(%dma_wait3A_532 : memref<64x128xf32, #tpu.memory_space<vmem_shared>>)
      tpu.yield
    }) : () -> ()
    %mul3A_42 = arith.constant 640 : i32
    %mul3A_43 = arith.muli %arg1, %mul3A_42 : i32
    %add3A_44 = arith.constant 576 : i32
    %add3A_45 = arith.addi %mul3A_43, %add3A_44 : i32
    "tpu.region"() ({
      %run_scoped3A_524 = tpu.sem_alloc : memref<!tpu.dma_semaphore, #tpu.memory_space<semaphore_mem>>
      %dma_start3A_525 = arith.constant 0 : i32
      %dma_start3A_526 = tpu.memref_slice %arg11[%add3A_45, %dma_start3A_525] : memref<10240x128xf32, #tpu.memory_space<vmem_shared>> -> memref<64x128xf32, #tpu.memory_space<vmem_shared>>
      %dma_start3A_527 = arith.constant 0 : i32
      %dma_start3A_528 = tpu.memref_slice %arg11[%add3A_45, %dma_start3A_527] : memref<10240x128xf32, #tpu.memory_space<vmem_shared>> -> memref<64x128xf32, #tpu.memory_space<vmem_shared>>
      tpu.enqueue_dma source(%arg7 : memref<64x128xf32, #tpu.memory_space<vmem>>) target(%dma_start3A_528 : memref<64x128xf32, #tpu.memory_space<vmem_shared>>) target_semaphore(%run_scoped3A_524 : memref<!tpu.dma_semaphore, #tpu.memory_space<semaphore_mem>>)
      %dma_wait3A_529 = arith.constant 0 : i32
      %dma_wait3A_530 = tpu.memref_slice %arg11[%add3A_45, %dma_wait3A_529] : memref<10240x128xf32, #tpu.memory_space<vmem_shared>> -> memref<64x128xf32, #tpu.memory_space<vmem_shared>>
      %dma_wait3A_531 = arith.constant 0 : i32
      %dma_wait3A_532 = tpu.memref_slice %arg11[%add3A_45, %dma_wait3A_531] : memref<10240x128xf32, #tpu.memory_space<vmem_shared>> -> memref<64x128xf32, #tpu.memory_space<vmem_shared>>
      tpu.wait_dma2 semaphore(%run_scoped3A_524 : memref<!tpu.dma_semaphore, #tpu.memory_space<semaphore_mem>>) src(%arg7 : memref<64x128xf32, #tpu.memory_space<vmem>>) dst(%dma_wait3A_532 : memref<64x128xf32, #tpu.memory_space<vmem_shared>>)
      tpu.yield
    }) : () -> ()
    %barrier3A = arith.constant 0 : index
    tpu.barrier barrier_id(%barrier3A)
    %run_scoped3A = arith.constant 0 : i32
    "tpu.region"() ({
      %run_scoped3A_524 = tpu.sem_alloc : memref<!tpu.dma_semaphore, #tpu.memory_space<semaphore_mem>>
      %dma_start3A_525 = arith.constant 0 : i32
      %dma_start3A_526 = arith.constant 0 : i32
      %dma_start3A_527 = tpu.memref_slice %arg2[%run_scoped3A, %add3A, %dma_start3A_525, %dma_start3A_526] : memref<2x32x160x64xi32, #tpu.memory_space<hbm>> -> memref<1x1x40x64xi32, #tpu.memory_space<hbm>>
      %dma_start3A_528 = tpu.memref_squeeze %dma_start3A_527 : memref<1x1x40x64xi32, #tpu.memory_space<hbm>> -> memref<40x64xi32, #tpu.memory_space<hbm>>
      %dma_start3A_529 = arith.constant 0 : i32
      %dma_start3A_530 = arith.constant 0 : i32
      %dma_start3A_531 = tpu.memref_slice %arg2[%run_scoped3A, %add3A, %dma_start3A_529, %dma_start3A_530] : memref<2x32x160x64xi32, #tpu.memory_space<hbm>> -> memref<1x1x40x64xi32, #tpu.memory_space<hbm>>
      %dma_start3A_532 = tpu.memref_squeeze %dma_start3A_531 : memref<1x1x40x64xi32, #tpu.memory_space<hbm>> -> memref<40x64xi32, #tpu.memory_space<hbm>>
      tpu.enqueue_dma source(%dma_start3A_532 : memref<40x64xi32, #tpu.memory_space<hbm>>) target(%arg5 : memref<40x64xi32, #tpu.memory_space<vmem>>) target_semaphore(%run_scoped3A_524 : memref<!tpu.dma_semaphore, #tpu.memory_space<semaphore_mem>>)
      %dma_wait3A_533 = arith.constant 0 : i32
      %dma_wait3A_534 = arith.constant 0 : i32
      %dma_wait3A_535 = tpu.memref_slice %arg2[%run_scoped3A, %add3A, %dma_wait3A_533, %dma_wait3A_534] : memref<2x32x160x64xi32, #tpu.memory_space<hbm>> -> memref<1x1x40x64xi32, #tpu.memory_space<hbm>>
      %dma_wait3A_536 = tpu.memref_squeeze %dma_wait3A_535 : memref<1x1x40x64xi32, #tpu.memory_space<hbm>> -> memref<40x64xi32, #tpu.memory_space<hbm>>
      %dma_wait3A_537 = arith.constant 0 : i32
      %dma_wait3A_538 = arith.constant 0 : i32
      %dma_wait3A_539 = tpu.memref_slice %arg2[%run_scoped3A, %add3A, %dma_wait3A_537, %dma_wait3A_538] : memref<2x32x160x64xi32, #tpu.memory_space<hbm>> -> memref<1x1x40x64xi32, #tpu.memory_space<hbm>>
      %dma_wait3A_540 = tpu.memref_squeeze %dma_wait3A_539 : memref<1x1x40x64xi32, #tpu.memory_space<hbm>> -> memref<40x64xi32, #tpu.memory_space<hbm>>
      tpu.wait_dma2 semaphore(%run_scoped3A_524 : memref<!tpu.dma_semaphore, #tpu.memory_space<semaphore_mem>>) src(%dma_wait3A_540 : memref<40x64xi32, #tpu.memory_space<hbm>>) dst(%arg5 : memref<40x64xi32, #tpu.memory_space<vmem>>)
      tpu.yield
    }) : () -> ()
    %run_scoped3A_46 = arith.constant 1 : i32
    "tpu.region"() ({
      %run_scoped3A_524 = tpu.sem_alloc : memref<!tpu.dma_semaphore, #tpu.memory_space<semaphore_mem>>
      %dma_start3A_525 = arith.constant 0 : i32
      %dma_start3A_526 = arith.constant 0 : i32
      %dma_start3A_527 = tpu.memref_slice %arg2[%run_scoped3A_46, %add3A, %dma_start3A_525, %dma_start3A_526] : memref<2x32x160x64xi32, #tpu.memory_space<hbm>> -> memref<1x1x40x64xi32, #tpu.memory_space<hbm>>
      %dma_start3A_528 = tpu.memref_squeeze %dma_start3A_527 : memref<1x1x40x64xi32, #tpu.memory_space<hbm>> -> memref<40x64xi32, #tpu.memory_space<hbm>>
      %dma_start3A_529 = arith.constant 0 : i32
      %dma_start3A_530 = arith.constant 0 : i32
      %dma_start3A_531 = tpu.memref_slice %arg2[%run_scoped3A_46, %add3A, %dma_start3A_529, %dma_start3A_530] : memref<2x32x160x64xi32, #tpu.memory_space<hbm>> -> memref<1x1x40x64xi32, #tpu.memory_space<hbm>>
      %dma_start3A_532 = tpu.memref_squeeze %dma_start3A_531 : memref<1x1x40x64xi32, #tpu.memory_space<hbm>> -> memref<40x64xi32, #tpu.memory_space<hbm>>
      tpu.enqueue_dma source(%dma_start3A_532 : memref<40x64xi32, #tpu.memory_space<hbm>>) target(%arg6 : memref<40x64xi32, #tpu.memory_space<vmem>>) target_semaphore(%run_scoped3A_524 : memref<!tpu.dma_semaphore, #tpu.memory_space<semaphore_mem>>)
      %dma_wait3A_533 = arith.constant 0 : i32
      %dma_wait3A_534 = arith.constant 0 : i32
      %dma_wait3A_535 = tpu.memref_slice %arg2[%run_scoped3A_46, %add3A, %dma_wait3A_533, %dma_wait3A_534] : memref<2x32x160x64xi32, #tpu.memory_space<hbm>> -> memref<1x1x40x64xi32, #tpu.memory_space<hbm>>
      %dma_wait3A_536 = tpu.memref_squeeze %dma_wait3A_535 : memref<1x1x40x64xi32, #tpu.memory_space<hbm>> -> memref<40x64xi32, #tpu.memory_space<hbm>>
      %dma_wait3A_537 = arith.constant 0 : i32
      %dma_wait3A_538 = arith.constant 0 : i32
      %dma_wait3A_539 = tpu.memref_slice %arg2[%run_scoped3A_46, %add3A, %dma_wait3A_537, %dma_wait3A_538] : memref<2x32x160x64xi32, #tpu.memory_space<hbm>> -> memref<1x1x40x64xi32, #tpu.memory_space<hbm>>
      %dma_wait3A_540 = tpu.memref_squeeze %dma_wait3A_539 : memref<1x1x40x64xi32, #tpu.memory_space<hbm>> -> memref<40x64xi32, #tpu.memory_space<hbm>>
      tpu.wait_dma2 semaphore(%run_scoped3A_524 : memref<!tpu.dma_semaphore, #tpu.memory_space<semaphore_mem>>) src(%dma_wait3A_540 : memref<40x64xi32, #tpu.memory_space<hbm>>) dst(%arg6 : memref<40x64xi32, #tpu.memory_space<vmem>>)
      tpu.yield
    }) : () -> ()
    %dma_start3A = arith.constant 0 : i32
    %dma_start3A_47 = arith.constant 0 : i32
    %dma_start3A_48 = tpu.memref_slice %arg5[%dma_start3A, %dma_start3A_47] : memref<40x64xi32, #tpu.memory_space<vmem>> -> memref<1x64xi32, #tpu.memory_space<vmem>>
    %dma_start3A_49 = tpu.memref_squeeze %dma_start3A_48 : memref<1x64xi32, #tpu.memory_space<vmem>> -> memref<64xi32, #tpu.memory_space<vmem>>
    %dma_start3A_50 = arith.constant 0 : i32
    %dma_start3A_51 = arith.constant 0 : i32
    %dma_start3A_52 = tpu.memref_slice %arg3[%dma_start3A_50, %dma_start3A_51] : memref<10240x128xf32, #tpu.memory_space<hbm>> -> memref<10240x128xf32, #tpu.memory_space<hbm>>
    tpu.enqueue_indirect_dma source(%dma_start3A_52 : memref<10240x128xf32, #tpu.memory_space<hbm>>) target(%arg7 : memref<64x128xf32, #tpu.memory_space<vmem>>) offsets(%dma_start3A_49 : memref<64xi32, #tpu.memory_space<vmem>>) semaphore(%arg12 : memref<!tpu.dma_semaphore, #tpu.memory_space<semaphore_mem>>)
    %dma_start3A_53 = arith.constant 1 : i32
    %dma_start3A_54 = arith.constant 0 : i32
    %dma_start3A_55 = tpu.memref_slice %arg5[%dma_start3A_53, %dma_start3A_54] : memref<40x64xi32, #tpu.memory_space<vmem>> -> memref<1x64xi32, #tpu.memory_space<vmem>>
    %dma_start3A_56 = tpu.memref_squeeze %dma_start3A_55 : memref<1x64xi32, #tpu.memory_space<vmem>> -> memref<64xi32, #tpu.memory_space<vmem>>
    %dma_start3A_57 = arith.constant 0 : i32
    %dma_start3A_58 = arith.constant 0 : i32
    %dma_start3A_59 = tpu.memref_slice %arg3[%dma_start3A_57, %dma_start3A_58] : memref<10240x128xf32, #tpu.memory_space<hbm>> -> memref<10240x128xf32, #tpu.memory_space<hbm>>
    tpu.enqueue_indirect_dma source(%dma_start3A_59 : memref<10240x128xf32, #tpu.memory_space<hbm>>) target(%arg8 : memref<64x128xf32, #tpu.memory_space<vmem>>) offsets(%dma_start3A_56 : memref<64xi32, #tpu.memory_space<vmem>>) semaphore(%arg13 : memref<!tpu.dma_semaphore, #tpu.memory_space<semaphore_mem>>)
    %dma_start3A_60 = arith.constant 2 : i32
    %dma_start3A_61 = arith.constant 0 : i32
    %dma_start3A_62 = tpu.memref_slice %arg5[%dma_start3A_60, %dma_start3A_61] : memref<40x64xi32, #tpu.memory_space<vmem>> -> memref<1x64xi32, #tpu.memory_space<vmem>>
    %dma_start3A_63 = tpu.memref_squeeze %dma_start3A_62 : memref<1x64xi32, #tpu.memory_space<vmem>> -> memref<64xi32, #tpu.memory_space<vmem>>
    %dma_start3A_64 = arith.constant 0 : i32
    %dma_start3A_65 = arith.constant 0 : i32
    %dma_start3A_66 = tpu.memref_slice %arg3[%dma_start3A_64, %dma_start3A_65] : memref<10240x128xf32, #tpu.memory_space<hbm>> -> memref<10240x128xf32, #tpu.memory_space<hbm>>
    tpu.enqueue_indirect_dma source(%dma_start3A_66 : memref<10240x128xf32, #tpu.memory_space<hbm>>) target(%arg9 : memref<64x128xf32, #tpu.memory_space<vmem>>) offsets(%dma_start3A_63 : memref<64xi32, #tpu.memory_space<vmem>>) semaphore(%arg14 : memref<!tpu.dma_semaphore, #tpu.memory_space<semaphore_mem>>)
    %dma_start3A_67 = arith.constant 3 : i32
    %dma_start3A_68 = arith.constant 0 : i32
    %dma_start3A_69 = tpu.memref_slice %arg5[%dma_start3A_67, %dma_start3A_68] : memref<40x64xi32, #tpu.memory_space<vmem>> -> memref<1x64xi32, #tpu.memory_space<vmem>>
    %dma_start3A_70 = tpu.memref_squeeze %dma_start3A_69 : memref<1x64xi32, #tpu.memory_space<vmem>> -> memref<64xi32, #tpu.memory_space<vmem>>
    %dma_start3A_71 = arith.constant 0 : i32
    %dma_start3A_72 = arith.constant 0 : i32
    %dma_start3A_73 = tpu.memref_slice %arg3[%dma_start3A_71, %dma_start3A_72] : memref<10240x128xf32, #tpu.memory_space<hbm>> -> memref<10240x128xf32, #tpu.memory_space<hbm>>
    tpu.enqueue_indirect_dma source(%dma_start3A_73 : memref<10240x128xf32, #tpu.memory_space<hbm>>) target(%arg10 : memref<64x128xf32, #tpu.memory_space<vmem>>) offsets(%dma_start3A_70 : memref<64xi32, #tpu.memory_space<vmem>>) semaphore(%arg15 : memref<!tpu.dma_semaphore, #tpu.memory_space<semaphore_mem>>)
    %scan3A_74 = arith.constant 0 : i32
    %scan3A_75 = arith.constant 9 : i32
    %scan3A_76 = arith.addi %scan3A_74, %scan3A_75 : i32
    %scan3A_77 = arith.constant 1 : i32
    scf.for %scan3A_524 = %scan3A_74 to %scan3A_76 step %scan3A_77  : i32 {
      %mul3A_525 = arith.constant 1 : i32
      %mul3A_526 = arith.muli %scan3A_524, %mul3A_525 : i32
      %add3A_527 = arith.constant 0 : i32
      %add3A_528 = arith.addi %add3A_527, %mul3A_526 : i32
      %mul3A_529 = arith.constant 4 : i32
      %mul3A_530 = arith.muli %add3A_528, %mul3A_529 : i32
      %add3A_531 = arith.constant 0 : i32
      %add3A_532 = arith.addi %mul3A_530, %add3A_531 : i32
      %dma_wait3A_533 = arith.constant 0 : i32
      %dma_wait3A_534 = tpu.memref_slice %arg5[%add3A_532, %dma_wait3A_533] : memref<40x64xi32, #tpu.memory_space<vmem>> -> memref<1x64xi32, #tpu.memory_space<vmem>>
      %dma_wait3A_535 = tpu.memref_squeeze %dma_wait3A_534 : memref<1x64xi32, #tpu.memory_space<vmem>> -> memref<64xi32, #tpu.memory_space<vmem>>
      %dma_wait3A_536 = arith.constant 0 : i32
      %dma_wait3A_537 = arith.constant 0 : i32
      %dma_wait3A_538 = tpu.memref_slice %arg3[%dma_wait3A_536, %dma_wait3A_537] : memref<10240x128xf32, #tpu.memory_space<hbm>> -> memref<10240x128xf32, #tpu.memory_space<hbm>>
      tpu.wait_indirect_dma semaphore(%arg12 : memref<!tpu.dma_semaphore, #tpu.memory_space<semaphore_mem>>) src(%dma_wait3A_538 : memref<10240x128xf32, #tpu.memory_space<hbm>>) dst(%arg7 : memref<64x128xf32, #tpu.memory_space<vmem>>)
      %add3A_539 = arith.constant 0 : i32
      %add3A_540 = arith.addi %mul3A_530, %add3A_539 : i32
      %dma_start3A_541 = arith.constant 0 : i32
      %dma_start3A_542 = tpu.memref_slice %arg6[%add3A_540, %dma_start3A_541] : memref<40x64xi32, #tpu.memory_space<vmem>> -> memref<1x64xi32, #tpu.memory_space<vmem>>
      %dma_start3A_543 = tpu.memref_squeeze %dma_start3A_542 : memref<1x64xi32, #tpu.memory_space<vmem>> -> memref<64xi32, #tpu.memory_space<vmem>>
      %dma_start3A_544 = arith.constant 0 : i32
      %dma_start3A_545 = arith.constant 0 : i32
      %dma_start3A_546 = tpu.memref_slice %arg11[%dma_start3A_544, %dma_start3A_545] : memref<10240x128xf32, #tpu.memory_space<vmem_shared>> -> memref<10240x128xf32, #tpu.memory_space<vmem_shared>>
      tpu.enqueue_indirect_dma source(%arg7 : memref<64x128xf32, #tpu.memory_space<vmem>>) target(%dma_start3A_546 : memref<10240x128xf32, #tpu.memory_space<vmem_shared>>) offsets(%dma_start3A_543 : memref<64xi32, #tpu.memory_space<vmem>>) semaphore(%arg16 : memref<!tpu.dma_semaphore, #tpu.memory_space<semaphore_mem>>) {add = true}
      %add3A_547 = arith.constant 1 : i32
      %add3A_548 = arith.addi %mul3A_530, %add3A_547 : i32
      %dma_wait3A_549 = arith.constant 0 : i32
      %dma_wait3A_550 = tpu.memref_slice %arg5[%add3A_548, %dma_wait3A_549] : memref<40x64xi32, #tpu.memory_space<vmem>> -> memref<1x64xi32, #tpu.memory_space<vmem>>
      %dma_wait3A_551 = tpu.memref_squeeze %dma_wait3A_550 : memref<1x64xi32, #tpu.memory_space<vmem>> -> memref<64xi32, #tpu.memory_space<vmem>>
      %dma_wait3A_552 = arith.constant 0 : i32
      %dma_wait3A_553 = arith.constant 0 : i32
      %dma_wait3A_554 = tpu.memref_slice %arg3[%dma_wait3A_552, %dma_wait3A_553] : memref<10240x128xf32, #tpu.memory_space<hbm>> -> memref<10240x128xf32, #tpu.memory_space<hbm>>
      tpu.wait_indirect_dma semaphore(%arg13 : memref<!tpu.dma_semaphore, #tpu.memory_space<semaphore_mem>>) src(%dma_wait3A_554 : memref<10240x128xf32, #tpu.memory_space<hbm>>) dst(%arg8 : memref<64x128xf32, #tpu.memory_space<vmem>>)
      %add3A_555 = arith.constant 1 : i32
      %add3A_556 = arith.addi %mul3A_530, %add3A_555 : i32
      %dma_start3A_557 = arith.constant 0 : i32
      %dma_start3A_558 = tpu.memref_slice %arg6[%add3A_556, %dma_start3A_557] : memref<40x64xi32, #tpu.memory_space<vmem>> -> memref<1x64xi32, #tpu.memory_space<vmem>>
      %dma_start3A_559 = tpu.memref_squeeze %dma_start3A_558 : memref<1x64xi32, #tpu.memory_space<vmem>> -> memref<64xi32, #tpu.memory_space<vmem>>
      %dma_start3A_560 = arith.constant 0 : i32
      %dma_start3A_561 = arith.constant 0 : i32
      %dma_start3A_562 = tpu.memref_slice %arg11[%dma_start3A_560, %dma_start3A_561] : memref<10240x128xf32, #tpu.memory_space<vmem_shared>> -> memref<10240x128xf32, #tpu.memory_space<vmem_shared>>
      tpu.enqueue_indirect_dma source(%arg8 : memref<64x128xf32, #tpu.memory_space<vmem>>) target(%dma_start3A_562 : memref<10240x128xf32, #tpu.memory_space<vmem_shared>>) offsets(%dma_start3A_559 : memref<64xi32, #tpu.memory_space<vmem>>) semaphore(%arg17 : memref<!tpu.dma_semaphore, #tpu.memory_space<semaphore_mem>>) {add = true}
      %add3A_563 = arith.constant 2 : i32
      %add3A_564 = arith.addi %mul3A_530, %add3A_563 : i32
      %dma_wait3A_565 = arith.constant 0 : i32
      %dma_wait3A_566 = tpu.memref_slice %arg5[%add3A_564, %dma_wait3A_565] : memref<40x64xi32, #tpu.memory_space<vmem>> -> memref<1x64xi32, #tpu.memory_space<vmem>>
      %dma_wait3A_567 = tpu.memref_squeeze %dma_wait3A_566 : memref<1x64xi32, #tpu.memory_space<vmem>> -> memref<64xi32, #tpu.memory_space<vmem>>
      %dma_wait3A_568 = arith.constant 0 : i32
      %dma_wait3A_569 = arith.constant 0 : i32
      %dma_wait3A_570 = tpu.memref_slice %arg3[%dma_wait3A_568, %dma_wait3A_569] : memref<10240x128xf32, #tpu.memory_space<hbm>> -> memref<10240x128xf32, #tpu.memory_space<hbm>>
      tpu.wait_indirect_dma semaphore(%arg14 : memref<!tpu.dma_semaphore, #tpu.memory_space<semaphore_mem>>) src(%dma_wait3A_570 : memref<10240x128xf32, #tpu.memory_space<hbm>>) dst(%arg9 : memref<64x128xf32, #tpu.memory_space<vmem>>)
      %add3A_571 = arith.constant 2 : i32
      %add3A_572 = arith.addi %mul3A_530, %add3A_571 : i32
      %dma_start3A_573 = arith.constant 0 : i32
      %dma_start3A_574 = tpu.memref_slice %arg6[%add3A_572, %dma_start3A_573] : memref<40x64xi32, #tpu.memory_space<vmem>> -> memref<1x64xi32, #tpu.memory_space<vmem>>
      %dma_start3A_575 = tpu.memref_squeeze %dma_start3A_574 : memref<1x64xi32, #tpu.memory_space<vmem>> -> memref<64xi32, #tpu.memory_space<vmem>>
      %dma_start3A_576 = arith.constant 0 : i32
      %dma_start3A_577 = arith.constant 0 : i32
      %dma_start3A_578 = tpu.memref_slice %arg11[%dma_start3A_576, %dma_start3A_577] : memref<10240x128xf32, #tpu.memory_space<vmem_shared>> -> memref<10240x128xf32, #tpu.memory_space<vmem_shared>>
      tpu.enqueue_indirect_dma source(%arg9 : memref<64x128xf32, #tpu.memory_space<vmem>>) target(%dma_start3A_578 : memref<10240x128xf32, #tpu.memory_space<vmem_shared>>) offsets(%dma_start3A_575 : memref<64xi32, #tpu.memory_space<vmem>>) semaphore(%arg18 : memref<!tpu.dma_semaphore, #tpu.memory_space<semaphore_mem>>) {add = true}
      %add3A_579 = arith.constant 3 : i32
      %add3A_580 = arith.addi %mul3A_530, %add3A_579 : i32
      %dma_wait3A_581 = arith.constant 0 : i32
      %dma_wait3A_582 = tpu.memref_slice %arg5[%add3A_580, %dma_wait3A_581] : memref<40x64xi32, #tpu.memory_space<vmem>> -> memref<1x64xi32, #tpu.memory_space<vmem>>
      %dma_wait3A_583 = tpu.memref_squeeze %dma_wait3A_582 : memref<1x64xi32, #tpu.memory_space<vmem>> -> memref<64xi32, #tpu.memory_space<vmem>>
      %dma_wait3A_584 = arith.constant 0 : i32
      %dma_wait3A_585 = arith.constant 0 : i32
      %dma_wait3A_586 = tpu.memref_slice %arg3[%dma_wait3A_584, %dma_wait3A_585] : memref<10240x128xf32, #tpu.memory_space<hbm>> -> memref<10240x128xf32, #tpu.memory_space<hbm>>
      tpu.wait_indirect_dma semaphore(%arg15 : memref<!tpu.dma_semaphore, #tpu.memory_space<semaphore_mem>>) src(%dma_wait3A_586 : memref<10240x128xf32, #tpu.memory_space<hbm>>) dst(%arg10 : memref<64x128xf32, #tpu.memory_space<vmem>>)
      %add3A_587 = arith.constant 3 : i32
      %add3A_588 = arith.addi %mul3A_530, %add3A_587 : i32
      %dma_start3A_589 = arith.constant 0 : i32
      %dma_start3A_590 = tpu.memref_slice %arg6[%add3A_588, %dma_start3A_589] : memref<40x64xi32, #tpu.memory_space<vmem>> -> memref<1x64xi32, #tpu.memory_space<vmem>>
      %dma_start3A_591 = tpu.memref_squeeze %dma_start3A_590 : memref<1x64xi32, #tpu.memory_space<vmem>> -> memref<64xi32, #tpu.memory_space<vmem>>
      %dma_start3A_592 = arith.constant 0 : i32
      %dma_start3A_593 = arith.constant 0 : i32
      %dma_start3A_594 = tpu.memref_slice %arg11[%dma_start3A_592, %dma_start3A_593] : memref<10240x128xf32, #tpu.memory_space<vmem_shared>> -> memref<10240x128xf32, #tpu.memory_space<vmem_shared>>
      tpu.enqueue_indirect_dma source(%arg10 : memref<64x128xf32, #tpu.memory_space<vmem>>) target(%dma_start3A_594 : memref<10240x128xf32, #tpu.memory_space<vmem_shared>>) offsets(%dma_start3A_591 : memref<64xi32, #tpu.memory_space<vmem>>) semaphore(%arg19 : memref<!tpu.dma_semaphore, #tpu.memory_space<semaphore_mem>>) {add = true}
      %dma_wait3A_595 = arith.constant 0 : i32
      %dma_wait3A_596 = tpu.memref_slice %arg6[%add3A_540, %dma_wait3A_595] : memref<40x64xi32, #tpu.memory_space<vmem>> -> memref<1x64xi32, #tpu.memory_space<vmem>>
      %dma_wait3A_597 = tpu.memref_squeeze %dma_wait3A_596 : memref<1x64xi32, #tpu.memory_space<vmem>> -> memref<64xi32, #tpu.memory_space<vmem>>
      %dma_wait3A_598 = arith.constant 0 : i32
      %dma_wait3A_599 = arith.constant 0 : i32
      %dma_wait3A_600 = tpu.memref_slice %arg11[%dma_wait3A_598, %dma_wait3A_599] : memref<10240x128xf32, #tpu.memory_space<vmem_shared>> -> memref<10240x128xf32, #tpu.memory_space<vmem_shared>>
      tpu.wait_indirect_dma semaphore(%arg16 : memref<!tpu.dma_semaphore, #tpu.memory_space<semaphore_mem>>) src(%arg7 : memref<64x128xf32, #tpu.memory_space<vmem>>) dst(%dma_wait3A_600 : memref<10240x128xf32, #tpu.memory_space<vmem_shared>>)
      %add3A_601 = arith.constant 4 : i32
      %add3A_602 = arith.addi %mul3A_530, %add3A_601 : i32
      %add3A_603 = arith.constant 0 : i32
      %add3A_604 = arith.addi %add3A_602, %add3A_603 : i32
      %dma_start3A_605 = arith.constant 0 : i32
      %dma_start3A_606 = tpu.memref_slice %arg5[%add3A_604, %dma_start3A_605] : memref<40x64xi32, #tpu.memory_space<vmem>> -> memref<1x64xi32, #tpu.memory_space<vmem>>
      %dma_start3A_607 = tpu.memref_squeeze %dma_start3A_606 : memref<1x64xi32, #tpu.memory_space<vmem>> -> memref<64xi32, #tpu.memory_space<vmem>>
      %dma_start3A_608 = arith.constant 0 : i32
      %dma_start3A_609 = arith.constant 0 : i32
      %dma_start3A_610 = tpu.memref_slice %arg3[%dma_start3A_608, %dma_start3A_609] : memref<10240x128xf32, #tpu.memory_space<hbm>> -> memref<10240x128xf32, #tpu.memory_space<hbm>>
      tpu.enqueue_indirect_dma source(%dma_start3A_610 : memref<10240x128xf32, #tpu.memory_space<hbm>>) target(%arg7 : memref<64x128xf32, #tpu.memory_space<vmem>>) offsets(%dma_start3A_607 : memref<64xi32, #tpu.memory_space<vmem>>) semaphore(%arg12 : memref<!tpu.dma_semaphore, #tpu.memory_space<semaphore_mem>>)
      %dma_wait3A_611 = arith.constant 0 : i32
      %dma_wait3A_612 = tpu.memref_slice %arg6[%add3A_556, %dma_wait3A_611] : memref<40x64xi32, #tpu.memory_space<vmem>> -> memref<1x64xi32, #tpu.memory_space<vmem>>
      %dma_wait3A_613 = tpu.memref_squeeze %dma_wait3A_612 : memref<1x64xi32, #tpu.memory_space<vmem>> -> memref<64xi32, #tpu.memory_space<vmem>>
      %dma_wait3A_614 = arith.constant 0 : i32
      %dma_wait3A_615 = arith.constant 0 : i32
      %dma_wait3A_616 = tpu.memref_slice %arg11[%dma_wait3A_614, %dma_wait3A_615] : memref<10240x128xf32, #tpu.memory_space<vmem_shared>> -> memref<10240x128xf32, #tpu.memory_space<vmem_shared>>
      tpu.wait_indirect_dma semaphore(%arg17 : memref<!tpu.dma_semaphore, #tpu.memory_space<semaphore_mem>>) src(%arg8 : memref<64x128xf32, #tpu.memory_space<vmem>>) dst(%dma_wait3A_616 : memref<10240x128xf32, #tpu.memory_space<vmem_shared>>)
      %add3A_617 = arith.constant 4 : i32
      %add3A_618 = arith.addi %mul3A_530, %add3A_617 : i32
      %add3A_619 = arith.constant 1 : i32
      %add3A_620 = arith.addi %add3A_618, %add3A_619 : i32
      %dma_start3A_621 = arith.constant 0 : i32
      %dma_start3A_622 = tpu.memref_slice %arg5[%add3A_620, %dma_start3A_621] : memref<40x64xi32, #tpu.memory_space<vmem>> -> memref<1x64xi32, #tpu.memory_space<vmem>>
      %dma_start3A_623 = tpu.memref_squeeze %dma_start3A_622 : memref<1x64xi32, #tpu.memory_space<vmem>> -> memref<64xi32, #tpu.memory_space<vmem>>
      %dma_start3A_624 = arith.constant 0 : i32
      %dma_start3A_625 = arith.constant 0 : i32
      %dma_start3A_626 = tpu.memref_slice %arg3[%dma_start3A_624, %dma_start3A_625] : memref<10240x128xf32, #tpu.memory_space<hbm>> -> memref<10240x128xf32, #tpu.memory_space<hbm>>
      tpu.enqueue_indirect_dma source(%dma_start3A_626 : memref<10240x128xf32, #tpu.memory_space<hbm>>) target(%arg8 : memref<64x128xf32, #tpu.memory_space<vmem>>) offsets(%dma_start3A_623 : memref<64xi32, #tpu.memory_space<vmem>>) semaphore(%arg13 : memref<!tpu.dma_semaphore, #tpu.memory_space<semaphore_mem>>)
      %dma_wait3A_627 = arith.constant 0 : i32
      %dma_wait3A_628 = tpu.memref_slice %arg6[%add3A_572, %dma_wait3A_627] : memref<40x64xi32, #tpu.memory_space<vmem>> -> memref<1x64xi32, #tpu.memory_space<vmem>>
      %dma_wait3A_629 = tpu.memref_squeeze %dma_wait3A_628 : memref<1x64xi32, #tpu.memory_space<vmem>> -> memref<64xi32, #tpu.memory_space<vmem>>
      %dma_wait3A_630 = arith.constant 0 : i32
      %dma_wait3A_631 = arith.constant 0 : i32
      %dma_wait3A_632 = tpu.memref_slice %arg11[%dma_wait3A_630, %dma_wait3A_631] : memref<10240x128xf32, #tpu.memory_space<vmem_shared>> -> memref<10240x128xf32, #tpu.memory_space<vmem_shared>>
      tpu.wait_indirect_dma semaphore(%arg18 : memref<!tpu.dma_semaphore, #tpu.memory_space<semaphore_mem>>) src(%arg9 : memref<64x128xf32, #tpu.memory_space<vmem>>) dst(%dma_wait3A_632 : memref<10240x128xf32, #tpu.memory_space<vmem_shared>>)
      %add3A_633 = arith.constant 4 : i32
      %add3A_634 = arith.addi %mul3A_530, %add3A_633 : i32
      %add3A_635 = arith.constant 2 : i32
      %add3A_636 = arith.addi %add3A_634, %add3A_635 : i32
      %dma_start3A_637 = arith.constant 0 : i32
      %dma_start3A_638 = tpu.memref_slice %arg5[%add3A_636, %dma_start3A_637] : memref<40x64xi32, #tpu.memory_space<vmem>> -> memref<1x64xi32, #tpu.memory_space<vmem>>
      %dma_start3A_639 = tpu.memref_squeeze %dma_start3A_638 : memref<1x64xi32, #tpu.memory_space<vmem>> -> memref<64xi32, #tpu.memory_space<vmem>>
      %dma_start3A_640 = arith.constant 0 : i32
      %dma_start3A_641 = arith.constant 0 : i32
      %dma_start3A_642 = tpu.memref_slice %arg3[%dma_start3A_640, %dma_start3A_641] : memref<10240x128xf32, #tpu.memory_space<hbm>> -> memref<10240x128xf32, #tpu.memory_space<hbm>>
      tpu.enqueue_indirect_dma source(%dma_start3A_642 : memref<10240x128xf32, #tpu.memory_space<hbm>>) target(%arg9 : memref<64x128xf32, #tpu.memory_space<vmem>>) offsets(%dma_start3A_639 : memref<64xi32, #tpu.memory_space<vmem>>) semaphore(%arg14 : memref<!tpu.dma_semaphore, #tpu.memory_space<semaphore_mem>>)
      %dma_wait3A_643 = arith.constant 0 : i32
      %dma_wait3A_644 = tpu.memref_slice %arg6[%add3A_588, %dma_wait3A_643] : memref<40x64xi32, #tpu.memory_space<vmem>> -> memref<1x64xi32, #tpu.memory_space<vmem>>
      %dma_wait3A_645 = tpu.memref_squeeze %dma_wait3A_644 : memref<1x64xi32, #tpu.memory_space<vmem>> -> memref<64xi32, #tpu.memory_space<vmem>>
      %dma_wait3A_646 = arith.constant 0 : i32
      %dma_wait3A_647 = arith.constant 0 : i32
      %dma_wait3A_648 = tpu.memref_slice %arg11[%dma_wait3A_646, %dma_wait3A_647] : memref<10240x128xf32, #tpu.memory_space<vmem_shared>> -> memref<10240x128xf32, #tpu.memory_space<vmem_shared>>
      tpu.wait_indirect_dma semaphore(%arg19 : memref<!tpu.dma_semaphore, #tpu.memory_space<semaphore_mem>>) src(%arg10 : memref<64x128xf32, #tpu.memory_space<vmem>>) dst(%dma_wait3A_648 : memref<10240x128xf32, #tpu.memory_space<vmem_shared>>)
      %add3A_649 = arith.constant 4 : i32
      %add3A_650 = arith.addi %mul3A_530, %add3A_649 : i32
      %add3A_651 = arith.constant 3 : i32
      %add3A_652 = arith.addi %add3A_650, %add3A_651 : i32
      %dma_start3A_653 = arith.constant 0 : i32
      %dma_start3A_654 = tpu.memref_slice %arg5[%add3A_652, %dma_start3A_653] : memref<40x64xi32, #tpu.memory_space<vmem>> -> memref<1x64xi32, #tpu.memory_space<vmem>>
      %dma_start3A_655 = tpu.memref_squeeze %dma_start3A_654 : memref<1x64xi32, #tpu.memory_space<vmem>> -> memref<64xi32, #tpu.memory_space<vmem>>
      %dma_start3A_656 = arith.constant 0 : i32
      %dma_start3A_657 = arith.constant 0 : i32
      %dma_start3A_658 = tpu.memref_slice %arg3[%dma_start3A_656, %dma_start3A_657] : memref<10240x128xf32, #tpu.memory_space<hbm>> -> memref<10240x128xf32, #tpu.memory_space<hbm>>
      tpu.enqueue_indirect_dma source(%dma_start3A_658 : memref<10240x128xf32, #tpu.memory_space<hbm>>) target(%arg10 : memref<64x128xf32, #tpu.memory_space<vmem>>) offsets(%dma_start3A_655 : memref<64xi32, #tpu.memory_space<vmem>>) semaphore(%arg15 : memref<!tpu.dma_semaphore, #tpu.memory_space<semaphore_mem>>)
    }
    %scan3A_78 = arith.constant 9 : i32
    %dma_wait3A = arith.constant 36 : i32
    %dma_wait3A_79 = arith.constant 0 : i32
    %dma_wait3A_80 = tpu.memref_slice %arg5[%dma_wait3A, %dma_wait3A_79] : memref<40x64xi32, #tpu.memory_space<vmem>> -> memref<1x64xi32, #tpu.memory_space<vmem>>
    %dma_wait3A_81 = tpu.memref_squeeze %dma_wait3A_80 : memref<1x64xi32, #tpu.memory_space<vmem>> -> memref<64xi32, #tpu.memory_space<vmem>>
    %dma_wait3A_82 = arith.constant 0 : i32
    %dma_wait3A_83 = arith.constant 0 : i32
    %dma_wait3A_84 = tpu.memref_slice %arg3[%dma_wait3A_82, %dma_wait3A_83] : memref<10240x128xf32, #tpu.memory_space<hbm>> -> memref<10240x128xf32, #tpu.memory_space<hbm>>
    tpu.wait_indirect_dma semaphore(%arg12 : memref<!tpu.dma_semaphore, #tpu.memory_space<semaphore_mem>>) src(%dma_wait3A_84 : memref<10240x128xf32, #tpu.memory_space<hbm>>) dst(%arg7 : memref<64x128xf32, #tpu.memory_space<vmem>>)
    %dma_start3A_85 = arith.constant 36 : i32
    %dma_start3A_86 = arith.constant 0 : i32
    %dma_start3A_87 = tpu.memref_slice %arg6[%dma_start3A_85, %dma_start3A_86] : memref<40x64xi32, #tpu.memory_space<vmem>> -> memref<1x64xi32, #tpu.memory_space<vmem>>
    %dma_start3A_88 = tpu.memref_squeeze %dma_start3A_87 : memref<1x64xi32, #tpu.memory_space<vmem>> -> memref<64xi32, #tpu.memory_space<vmem>>
    %dma_start3A_89 = arith.constant 0 : i32
    %dma_start3A_90 = arith.constant 0 : i32
    %dma_start3A_91 = tpu.memref_slice %arg11[%dma_start3A_89, %dma_start3A_90] : memref<10240x128xf32, #tpu.memory_space<vmem_shared>> -> memref<10240x128xf32, #tpu.memory_space<vmem_shared>>
    tpu.enqueue_indirect_dma source(%arg7 : memref<64x128xf32, #tpu.memory_space<vmem>>) target(%dma_start3A_91 : memref<10240x128xf32, #tpu.memory_space<vmem_shared>>) offsets(%dma_start3A_88 : memref<64xi32, #tpu.memory_space<vmem>>) semaphore(%arg16 : memref<!tpu.dma_semaphore, #tpu.memory_space<semaphore_mem>>) {add = true}
    %dma_wait3A_92 = arith.constant 37 : i32
    %dma_wait3A_93 = arith.constant 0 : i32
    %dma_wait3A_94 = tpu.memref_slice %arg5[%dma_wait3A_92, %dma_wait3A_93] : memref<40x64xi32, #tpu.memory_space<vmem>> -> memref<1x64xi32, #tpu.memory_space<vmem>>
    %dma_wait3A_95 = tpu.memref_squeeze %dma_wait3A_94 : memref<1x64xi32, #tpu.memory_space<vmem>> -> memref<64xi32, #tpu.memory_space<vmem>>
    %dma_wait3A_96 = arith.constant 0 : i32
    %dma_wait3A_97 = arith.constant 0 : i32
    %dma_wait3A_98 = tpu.memref_slice %arg3[%dma_wait3A_96, %dma_wait3A_97] : memref<10240x128xf32, #tpu.memory_space<hbm>> -> memref<10240x128xf32, #tpu.memory_space<hbm>>
    tpu.wait_indirect_dma semaphore(%arg13 : memref<!tpu.dma_semaphore, #tpu.memory_space<semaphore_mem>>) src(%dma_wait3A_98 : memref<10240x128xf32, #tpu.memory_space<hbm>>) dst(%arg8 : memref<64x128xf32, #tpu.memory_space<vmem>>)
    %dma_start3A_99 = arith.constant 37 : i32
    %dma_start3A_100 = arith.constant 0 : i32
    %dma_start3A_101 = tpu.memref_slice %arg6[%dma_start3A_99, %dma_start3A_100] : memref<40x64xi32, #tpu.memory_space<vmem>> -> memref<1x64xi32, #tpu.memory_space<vmem>>
    %dma_start3A_102 = tpu.memref_squeeze %dma_start3A_101 : memref<1x64xi32, #tpu.memory_space<vmem>> -> memref<64xi32, #tpu.memory_space<vmem>>
    %dma_start3A_103 = arith.constant 0 : i32
    %dma_start3A_104 = arith.constant 0 : i32
    %dma_start3A_105 = tpu.memref_slice %arg11[%dma_start3A_103, %dma_start3A_104] : memref<10240x128xf32, #tpu.memory_space<vmem_shared>> -> memref<10240x128xf32, #tpu.memory_space<vmem_shared>>
    tpu.enqueue_indirect_dma source(%arg8 : memref<64x128xf32, #tpu.memory_space<vmem>>) target(%dma_start3A_105 : memref<10240x128xf32, #tpu.memory_space<vmem_shared>>) offsets(%dma_start3A_102 : memref<64xi32, #tpu.memory_space<vmem>>) semaphore(%arg17 : memref<!tpu.dma_semaphore, #tpu.memory_space<semaphore_mem>>) {add = true}
    %dma_wait3A_106 = arith.constant 38 : i32
    %dma_wait3A_107 = arith.constant 0 : i32
    %dma_wait3A_108 = tpu.memref_slice %arg5[%dma_wait3A_106, %dma_wait3A_107] : memref<40x64xi32, #tpu.memory_space<vmem>> -> memref<1x64xi32, #tpu.memory_space<vmem>>
    %dma_wait3A_109 = tpu.memref_squeeze %dma_wait3A_108 : memref<1x64xi32, #tpu.memory_space<vmem>> -> memref<64xi32, #tpu.memory_space<vmem>>
    %dma_wait3A_110 = arith.constant 0 : i32
    %dma_wait3A_111 = arith.constant 0 : i32
    %dma_wait3A_112 = tpu.memref_slice %arg3[%dma_wait3A_110, %dma_wait3A_111] : memref<10240x128xf32, #tpu.memory_space<hbm>> -> memref<10240x128xf32, #tpu.memory_space<hbm>>
    tpu.wait_indirect_dma semaphore(%arg14 : memref<!tpu.dma_semaphore, #tpu.memory_space<semaphore_mem>>) src(%dma_wait3A_112 : memref<10240x128xf32, #tpu.memory_space<hbm>>) dst(%arg9 : memref<64x128xf32, #tpu.memory_space<vmem>>)
    %dma_start3A_113 = arith.constant 38 : i32
    %dma_start3A_114 = arith.constant 0 : i32
    %dma_start3A_115 = tpu.memref_slice %arg6[%dma_start3A_113, %dma_start3A_114] : memref<40x64xi32, #tpu.memory_space<vmem>> -> memref<1x64xi32, #tpu.memory_space<vmem>>
    %dma_start3A_116 = tpu.memref_squeeze %dma_start3A_115 : memref<1x64xi32, #tpu.memory_space<vmem>> -> memref<64xi32, #tpu.memory_space<vmem>>
    %dma_start3A_117 = arith.constant 0 : i32
    %dma_start3A_118 = arith.constant 0 : i32
    %dma_start3A_119 = tpu.memref_slice %arg11[%dma_start3A_117, %dma_start3A_118] : memref<10240x128xf32, #tpu.memory_space<vmem_shared>> -> memref<10240x128xf32, #tpu.memory_space<vmem_shared>>
    tpu.enqueue_indirect_dma source(%arg9 : memref<64x128xf32, #tpu.memory_space<vmem>>) target(%dma_start3A_119 : memref<10240x128xf32, #tpu.memory_space<vmem_shared>>) offsets(%dma_start3A_116 : memref<64xi32, #tpu.memory_space<vmem>>) semaphore(%arg18 : memref<!tpu.dma_semaphore, #tpu.memory_space<semaphore_mem>>) {add = true}
    %dma_wait3A_120 = arith.constant 39 : i32
    %dma_wait3A_121 = arith.constant 0 : i32
    %dma_wait3A_122 = tpu.memref_slice %arg5[%dma_wait3A_120, %dma_wait3A_121] : memref<40x64xi32, #tpu.memory_space<vmem>> -> memref<1x64xi32, #tpu.memory_space<vmem>>
    %dma_wait3A_123 = tpu.memref_squeeze %dma_wait3A_122 : memref<1x64xi32, #tpu.memory_space<vmem>> -> memref<64xi32, #tpu.memory_space<vmem>>
    %dma_wait3A_124 = arith.constant 0 : i32
    %dma_wait3A_125 = arith.constant 0 : i32
    %dma_wait3A_126 = tpu.memref_slice %arg3[%dma_wait3A_124, %dma_wait3A_125] : memref<10240x128xf32, #tpu.memory_space<hbm>> -> memref<10240x128xf32, #tpu.memory_space<hbm>>
    tpu.wait_indirect_dma semaphore(%arg15 : memref<!tpu.dma_semaphore, #tpu.memory_space<semaphore_mem>>) src(%dma_wait3A_126 : memref<10240x128xf32, #tpu.memory_space<hbm>>) dst(%arg10 : memref<64x128xf32, #tpu.memory_space<vmem>>)
    %dma_start3A_127 = arith.constant 39 : i32
    %dma_start3A_128 = arith.constant 0 : i32
    %dma_start3A_129 = tpu.memref_slice %arg6[%dma_start3A_127, %dma_start3A_128] : memref<40x64xi32, #tpu.memory_space<vmem>> -> memref<1x64xi32, #tpu.memory_space<vmem>>
    %dma_start3A_130 = tpu.memref_squeeze %dma_start3A_129 : memref<1x64xi32, #tpu.memory_space<vmem>> -> memref<64xi32, #tpu.memory_space<vmem>>
    %dma_start3A_131 = arith.constant 0 : i32
    %dma_start3A_132 = arith.constant 0 : i32
    %dma_start3A_133 = tpu.memref_slice %arg11[%dma_start3A_131, %dma_start3A_132] : memref<10240x128xf32, #tpu.memory_space<vmem_shared>> -> memref<10240x128xf32, #tpu.memory_space<vmem_shared>>
    tpu.enqueue_indirect_dma source(%arg10 : memref<64x128xf32, #tpu.memory_space<vmem>>) target(%dma_start3A_133 : memref<10240x128xf32, #tpu.memory_space<vmem_shared>>) offsets(%dma_start3A_130 : memref<64xi32, #tpu.memory_space<vmem>>) semaphore(%arg19 : memref<!tpu.dma_semaphore, #tpu.memory_space<semaphore_mem>>) {add = true}
    %dma_wait3A_134 = arith.constant 36 : i32
    %dma_wait3A_135 = arith.constant 0 : i32
    %dma_wait3A_136 = tpu.memref_slice %arg6[%dma_wait3A_134, %dma_wait3A_135] : memref<40x64xi32, #tpu.memory_space<vmem>> -> memref<1x64xi32, #tpu.memory_space<vmem>>
    %dma_wait3A_137 = tpu.memref_squeeze %dma_wait3A_136 : memref<1x64xi32, #tpu.memory_space<vmem>> -> memref<64xi32, #tpu.memory_space<vmem>>
    %dma_wait3A_138 = arith.constant 0 : i32
    %dma_wait3A_139 = arith.constant 0 : i32
    %dma_wait3A_140 = tpu.memref_slice %arg11[%dma_wait3A_138, %dma_wait3A_139] : memref<10240x128xf32, #tpu.memory_space<vmem_shared>> -> memref<10240x128xf32, #tpu.memory_space<vmem_shared>>
    tpu.wait_indirect_dma semaphore(%arg16 : memref<!tpu.dma_semaphore, #tpu.memory_space<semaphore_mem>>) src(%arg7 : memref<64x128xf32, #tpu.memory_space<vmem>>) dst(%dma_wait3A_140 : memref<10240x128xf32, #tpu.memory_space<vmem_shared>>)
    %dma_wait3A_141 = arith.constant 37 : i32
    %dma_wait3A_142 = arith.constant 0 : i32
    %dma_wait3A_143 = tpu.memref_slice %arg6[%dma_wait3A_141, %dma_wait3A_142] : memref<40x64xi32, #tpu.memory_space<vmem>> -> memref<1x64xi32, #tpu.memory_space<vmem>>
    %dma_wait3A_144 = tpu.memref_squeeze %dma_wait3A_143 : memref<1x64xi32, #tpu.memory_space<vmem>> -> memref<64xi32, #tpu.memory_space<vmem>>
    %dma_wait3A_145 = arith.constant 0 : i32
    %dma_wait3A_146 = arith.constant 0 : i32
    %dma_wait3A_147 = tpu.memref_slice %arg11[%dma_wait3A_145, %dma_wait3A_146] : memref<10240x128xf32, #tpu.memory_space<vmem_shared>> -> memref<10240x128xf32, #tpu.memory_space<vmem_shared>>
    tpu.wait_indirect_dma semaphore(%arg17 : memref<!tpu.dma_semaphore, #tpu.memory_space<semaphore_mem>>) src(%arg8 : memref<64x128xf32, #tpu.memory_space<vmem>>) dst(%dma_wait3A_147 : memref<10240x128xf32, #tpu.memory_space<vmem_shared>>)
    %dma_wait3A_148 = arith.constant 38 : i32
    %dma_wait3A_149 = arith.constant 0 : i32
    %dma_wait3A_150 = tpu.memref_slice %arg6[%dma_wait3A_148, %dma_wait3A_149] : memref<40x64xi32, #tpu.memory_space<vmem>> -> memref<1x64xi32, #tpu.memory_space<vmem>>
    %dma_wait3A_151 = tpu.memref_squeeze %dma_wait3A_150 : memref<1x64xi32, #tpu.memory_space<vmem>> -> memref<64xi32, #tpu.memory_space<vmem>>
    %dma_wait3A_152 = arith.constant 0 : i32
    %dma_wait3A_153 = arith.constant 0 : i32
    %dma_wait3A_154 = tpu.memref_slice %arg11[%dma_wait3A_152, %dma_wait3A_153] : memref<10240x128xf32, #tpu.memory_space<vmem_shared>> -> memref<10240x128xf32, #tpu.memory_space<vmem_shared>>
    tpu.wait_indirect_dma semaphore(%arg18 : memref<!tpu.dma_semaphore, #tpu.memory_space<semaphore_mem>>) src(%arg9 : memref<64x128xf32, #tpu.memory_space<vmem>>) dst(%dma_wait3A_154 : memref<10240x128xf32, #tpu.memory_space<vmem_shared>>)
    %dma_wait3A_155 = arith.constant 39 : i32
    %dma_wait3A_156 = arith.constant 0 : i32
    %dma_wait3A_157 = tpu.memref_slice %arg6[%dma_wait3A_155, %dma_wait3A_156] : memref<40x64xi32, #tpu.memory_space<vmem>> -> memref<1x64xi32, #tpu.memory_space<vmem>>
    %dma_wait3A_158 = tpu.memref_squeeze %dma_wait3A_157 : memref<1x64xi32, #tpu.memory_space<vmem>> -> memref<64xi32, #tpu.memory_space<vmem>>
    %dma_wait3A_159 = arith.constant 0 : i32
    %dma_wait3A_160 = arith.constant 0 : i32
    %dma_wait3A_161 = tpu.memref_slice %arg11[%dma_wait3A_159, %dma_wait3A_160] : memref<10240x128xf32, #tpu.memory_space<vmem_shared>> -> memref<10240x128xf32, #tpu.memory_space<vmem_shared>>
    tpu.wait_indirect_dma semaphore(%arg19 : memref<!tpu.dma_semaphore, #tpu.memory_space<semaphore_mem>>) src(%arg10 : memref<64x128xf32, #tpu.memory_space<vmem>>) dst(%dma_wait3A_161 : memref<10240x128xf32, #tpu.memory_space<vmem_shared>>)
    %run_scoped3A_162 = arith.constant 0 : i32
    "tpu.region"() ({
      %run_scoped3A_524 = tpu.sem_alloc : memref<!tpu.dma_semaphore, #tpu.memory_space<semaphore_mem>>
      %dma_start3A_525 = arith.constant 40 : i32
      %dma_start3A_526 = arith.constant 0 : i32
      %dma_start3A_527 = tpu.memref_slice %arg2[%run_scoped3A_162, %add3A, %dma_start3A_525, %dma_start3A_526] : memref<2x32x160x64xi32, #tpu.memory_space<hbm>> -> memref<1x1x40x64xi32, #tpu.memory_space<hbm>>
      %dma_start3A_528 = tpu.memref_squeeze %dma_start3A_527 : memref<1x1x40x64xi32, #tpu.memory_space<hbm>> -> memref<40x64xi32, #tpu.memory_space<hbm>>
      %dma_start3A_529 = arith.constant 40 : i32
      %dma_start3A_530 = arith.constant 0 : i32
      %dma_start3A_531 = tpu.memref_slice %arg2[%run_scoped3A_162, %add3A, %dma_start3A_529, %dma_start3A_530] : memref<2x32x160x64xi32, #tpu.memory_space<hbm>> -> memref<1x1x40x64xi32, #tpu.memory_space<hbm>>
      %dma_start3A_532 = tpu.memref_squeeze %dma_start3A_531 : memref<1x1x40x64xi32, #tpu.memory_space<hbm>> -> memref<40x64xi32, #tpu.memory_space<hbm>>
      tpu.enqueue_dma source(%dma_start3A_532 : memref<40x64xi32, #tpu.memory_space<hbm>>) target(%arg5 : memref<40x64xi32, #tpu.memory_space<vmem>>) target_semaphore(%run_scoped3A_524 : memref<!tpu.dma_semaphore, #tpu.memory_space<semaphore_mem>>)
      %dma_wait3A_533 = arith.constant 40 : i32
      %dma_wait3A_534 = arith.constant 0 : i32
      %dma_wait3A_535 = tpu.memref_slice %arg2[%run_scoped3A_162, %add3A, %dma_wait3A_533, %dma_wait3A_534] : memref<2x32x160x64xi32, #tpu.memory_space<hbm>> -> memref<1x1x40x64xi32, #tpu.memory_space<hbm>>
      %dma_wait3A_536 = tpu.memref_squeeze %dma_wait3A_535 : memref<1x1x40x64xi32, #tpu.memory_space<hbm>> -> memref<40x64xi32, #tpu.memory_space<hbm>>
      %dma_wait3A_537 = arith.constant 40 : i32
      %dma_wait3A_538 = arith.constant 0 : i32
      %dma_wait3A_539 = tpu.memref_slice %arg2[%run_scoped3A_162, %add3A, %dma_wait3A_537, %dma_wait3A_538] : memref<2x32x160x64xi32, #tpu.memory_space<hbm>> -> memref<1x1x40x64xi32, #tpu.memory_space<hbm>>
      %dma_wait3A_540 = tpu.memref_squeeze %dma_wait3A_539 : memref<1x1x40x64xi32, #tpu.memory_space<hbm>> -> memref<40x64xi32, #tpu.memory_space<hbm>>
      tpu.wait_dma2 semaphore(%run_scoped3A_524 : memref<!tpu.dma_semaphore, #tpu.memory_space<semaphore_mem>>) src(%dma_wait3A_540 : memref<40x64xi32, #tpu.memory_space<hbm>>) dst(%arg5 : memref<40x64xi32, #tpu.memory_space<vmem>>)
      tpu.yield
    }) : () -> ()
    %run_scoped3A_163 = arith.constant 1 : i32
    "tpu.region"() ({
      %run_scoped3A_524 = tpu.sem_alloc : memref<!tpu.dma_semaphore, #tpu.memory_space<semaphore_mem>>
      %dma_start3A_525 = arith.constant 40 : i32
      %dma_start3A_526 = arith.constant 0 : i32
      %dma_start3A_527 = tpu.memref_slice %arg2[%run_scoped3A_163, %add3A, %dma_start3A_525, %dma_start3A_526] : memref<2x32x160x64xi32, #tpu.memory_space<hbm>> -> memref<1x1x40x64xi32, #tpu.memory_space<hbm>>
      %dma_start3A_528 = tpu.memref_squeeze %dma_start3A_527 : memref<1x1x40x64xi32, #tpu.memory_space<hbm>> -> memref<40x64xi32, #tpu.memory_space<hbm>>
      %dma_start3A_529 = arith.constant 40 : i32
      %dma_start3A_530 = arith.constant 0 : i32
      %dma_start3A_531 = tpu.memref_slice %arg2[%run_scoped3A_163, %add3A, %dma_start3A_529, %dma_start3A_530] : memref<2x32x160x64xi32, #tpu.memory_space<hbm>> -> memref<1x1x40x64xi32, #tpu.memory_space<hbm>>
      %dma_start3A_532 = tpu.memref_squeeze %dma_start3A_531 : memref<1x1x40x64xi32, #tpu.memory_space<hbm>> -> memref<40x64xi32, #tpu.memory_space<hbm>>
      tpu.enqueue_dma source(%dma_start3A_532 : memref<40x64xi32, #tpu.memory_space<hbm>>) target(%arg6 : memref<40x64xi32, #tpu.memory_space<vmem>>) target_semaphore(%run_scoped3A_524 : memref<!tpu.dma_semaphore, #tpu.memory_space<semaphore_mem>>)
      %dma_wait3A_533 = arith.constant 40 : i32
      %dma_wait3A_534 = arith.constant 0 : i32
      %dma_wait3A_535 = tpu.memref_slice %arg2[%run_scoped3A_163, %add3A, %dma_wait3A_533, %dma_wait3A_534] : memref<2x32x160x64xi32, #tpu.memory_space<hbm>> -> memref<1x1x40x64xi32, #tpu.memory_space<hbm>>
      %dma_wait3A_536 = tpu.memref_squeeze %dma_wait3A_535 : memref<1x1x40x64xi32, #tpu.memory_space<hbm>> -> memref<40x64xi32, #tpu.memory_space<hbm>>
      %dma_wait3A_537 = arith.constant 40 : i32
      %dma_wait3A_538 = arith.constant 0 : i32
      %dma_wait3A_539 = tpu.memref_slice %arg2[%run_scoped3A_163, %add3A, %dma_wait3A_537, %dma_wait3A_538] : memref<2x32x160x64xi32, #tpu.memory_space<hbm>> -> memref<1x1x40x64xi32, #tpu.memory_space<hbm>>
      %dma_wait3A_540 = tpu.memref_squeeze %dma_wait3A_539 : memref<1x1x40x64xi32, #tpu.memory_space<hbm>> -> memref<40x64xi32, #tpu.memory_space<hbm>>
      tpu.wait_dma2 semaphore(%run_scoped3A_524 : memref<!tpu.dma_semaphore, #tpu.memory_space<semaphore_mem>>) src(%dma_wait3A_540 : memref<40x64xi32, #tpu.memory_space<hbm>>) dst(%arg6 : memref<40x64xi32, #tpu.memory_space<vmem>>)
      tpu.yield
    }) : () -> ()
    %dma_start3A_164 = arith.constant 0 : i32
    %dma_start3A_165 = arith.constant 0 : i32
    %dma_start3A_166 = tpu.memref_slice %arg5[%dma_start3A_164, %dma_start3A_165] : memref<40x64xi32, #tpu.memory_space<vmem>> -> memref<1x64xi32, #tpu.memory_space<vmem>>
    %dma_start3A_167 = tpu.memref_squeeze %dma_start3A_166 : memref<1x64xi32, #tpu.memory_space<vmem>> -> memref<64xi32, #tpu.memory_space<vmem>>
    %dma_start3A_168 = arith.constant 0 : i32
    %dma_start3A_169 = arith.constant 0 : i32
    %dma_start3A_170 = tpu.memref_slice %arg3[%dma_start3A_168, %dma_start3A_169] : memref<10240x128xf32, #tpu.memory_space<hbm>> -> memref<10240x128xf32, #tpu.memory_space<hbm>>
    tpu.enqueue_indirect_dma source(%dma_start3A_170 : memref<10240x128xf32, #tpu.memory_space<hbm>>) target(%arg7 : memref<64x128xf32, #tpu.memory_space<vmem>>) offsets(%dma_start3A_167 : memref<64xi32, #tpu.memory_space<vmem>>) semaphore(%arg12 : memref<!tpu.dma_semaphore, #tpu.memory_space<semaphore_mem>>)
    %dma_start3A_171 = arith.constant 1 : i32
    %dma_start3A_172 = arith.constant 0 : i32
    %dma_start3A_173 = tpu.memref_slice %arg5[%dma_start3A_171, %dma_start3A_172] : memref<40x64xi32, #tpu.memory_space<vmem>> -> memref<1x64xi32, #tpu.memory_space<vmem>>
    %dma_start3A_174 = tpu.memref_squeeze %dma_start3A_173 : memref<1x64xi32, #tpu.memory_space<vmem>> -> memref<64xi32, #tpu.memory_space<vmem>>
    %dma_start3A_175 = arith.constant 0 : i32
    %dma_start3A_176 = arith.constant 0 : i32
    %dma_start3A_177 = tpu.memref_slice %arg3[%dma_start3A_175, %dma_start3A_176] : memref<10240x128xf32, #tpu.memory_space<hbm>> -> memref<10240x128xf32, #tpu.memory_space<hbm>>
    tpu.enqueue_indirect_dma source(%dma_start3A_177 : memref<10240x128xf32, #tpu.memory_space<hbm>>) target(%arg8 : memref<64x128xf32, #tpu.memory_space<vmem>>) offsets(%dma_start3A_174 : memref<64xi32, #tpu.memory_space<vmem>>) semaphore(%arg13 : memref<!tpu.dma_semaphore, #tpu.memory_space<semaphore_mem>>)
    %dma_start3A_178 = arith.constant 2 : i32
    %dma_start3A_179 = arith.constant 0 : i32
    %dma_start3A_180 = tpu.memref_slice %arg5[%dma_start3A_178, %dma_start3A_179] : memref<40x64xi32, #tpu.memory_space<vmem>> -> memref<1x64xi32, #tpu.memory_space<vmem>>
    %dma_start3A_181 = tpu.memref_squeeze %dma_start3A_180 : memref<1x64xi32, #tpu.memory_space<vmem>> -> memref<64xi32, #tpu.memory_space<vmem>>
    %dma_start3A_182 = arith.constant 0 : i32
    %dma_start3A_183 = arith.constant 0 : i32
    %dma_start3A_184 = tpu.memref_slice %arg3[%dma_start3A_182, %dma_start3A_183] : memref<10240x128xf32, #tpu.memory_space<hbm>> -> memref<10240x128xf32, #tpu.memory_space<hbm>>
    tpu.enqueue_indirect_dma source(%dma_start3A_184 : memref<10240x128xf32, #tpu.memory_space<hbm>>) target(%arg9 : memref<64x128xf32, #tpu.memory_space<vmem>>) offsets(%dma_start3A_181 : memref<64xi32, #tpu.memory_space<vmem>>) semaphore(%arg14 : memref<!tpu.dma_semaphore, #tpu.memory_space<semaphore_mem>>)
    %dma_start3A_185 = arith.constant 3 : i32
    %dma_start3A_186 = arith.constant 0 : i32
    %dma_start3A_187 = tpu.memref_slice %arg5[%dma_start3A_185, %dma_start3A_186] : memref<40x64xi32, #tpu.memory_space<vmem>> -> memref<1x64xi32, #tpu.memory_space<vmem>>
    %dma_start3A_188 = tpu.memref_squeeze %dma_start3A_187 : memref<1x64xi32, #tpu.memory_space<vmem>> -> memref<64xi32, #tpu.memory_space<vmem>>
    %dma_start3A_189 = arith.constant 0 : i32
    %dma_start3A_190 = arith.constant 0 : i32
    %dma_start3A_191 = tpu.memref_slice %arg3[%dma_start3A_189, %dma_start3A_190] : memref<10240x128xf32, #tpu.memory_space<hbm>> -> memref<10240x128xf32, #tpu.memory_space<hbm>>
    tpu.enqueue_indirect_dma source(%dma_start3A_191 : memref<10240x128xf32, #tpu.memory_space<hbm>>) target(%arg10 : memref<64x128xf32, #tpu.memory_space<vmem>>) offsets(%dma_start3A_188 : memref<64xi32, #tpu.memory_space<vmem>>) semaphore(%arg15 : memref<!tpu.dma_semaphore, #tpu.memory_space<semaphore_mem>>)
    %scan3A_192 = arith.constant 0 : i32
    %scan3A_193 = arith.constant 9 : i32
    %scan3A_194 = arith.addi %scan3A_192, %scan3A_193 : i32
    %scan3A_195 = arith.constant 1 : i32
    scf.for %scan3A_524 = %scan3A_192 to %scan3A_194 step %scan3A_195  : i32 {
      %mul3A_525 = arith.constant 1 : i32
      %mul3A_526 = arith.muli %scan3A_524, %mul3A_525 : i32
      %add3A_527 = arith.constant 0 : i32
      %add3A_528 = arith.addi %add3A_527, %mul3A_526 : i32
      %mul3A_529 = arith.constant 4 : i32
      %mul3A_530 = arith.muli %add3A_528, %mul3A_529 : i32
      %add3A_531 = arith.constant 0 : i32
      %add3A_532 = arith.addi %mul3A_530, %add3A_531 : i32
      %dma_wait3A_533 = arith.constant 0 : i32
      %dma_wait3A_534 = tpu.memref_slice %arg5[%add3A_532, %dma_wait3A_533] : memref<40x64xi32, #tpu.memory_space<vmem>> -> memref<1x64xi32, #tpu.memory_space<vmem>>
      %dma_wait3A_535 = tpu.memref_squeeze %dma_wait3A_534 : memref<1x64xi32, #tpu.memory_space<vmem>> -> memref<64xi32, #tpu.memory_space<vmem>>
      %dma_wait3A_536 = arith.constant 0 : i32
      %dma_wait3A_537 = arith.constant 0 : i32
      %dma_wait3A_538 = tpu.memref_slice %arg3[%dma_wait3A_536, %dma_wait3A_537] : memref<10240x128xf32, #tpu.memory_space<hbm>> -> memref<10240x128xf32, #tpu.memory_space<hbm>>
      tpu.wait_indirect_dma semaphore(%arg12 : memref<!tpu.dma_semaphore, #tpu.memory_space<semaphore_mem>>) src(%dma_wait3A_538 : memref<10240x128xf32, #tpu.memory_space<hbm>>) dst(%arg7 : memref<64x128xf32, #tpu.memory_space<vmem>>)
      %add3A_539 = arith.constant 0 : i32
      %add3A_540 = arith.addi %mul3A_530, %add3A_539 : i32
      %dma_start3A_541 = arith.constant 0 : i32
      %dma_start3A_542 = tpu.memref_slice %arg6[%add3A_540, %dma_start3A_541] : memref<40x64xi32, #tpu.memory_space<vmem>> -> memref<1x64xi32, #tpu.memory_space<vmem>>
      %dma_start3A_543 = tpu.memref_squeeze %dma_start3A_542 : memref<1x64xi32, #tpu.memory_space<vmem>> -> memref<64xi32, #tpu.memory_space<vmem>>
      %dma_start3A_544 = arith.constant 0 : i32
      %dma_start3A_545 = arith.constant 0 : i32
      %dma_start3A_546 = tpu.memref_slice %arg11[%dma_start3A_544, %dma_start3A_545] : memref<10240x128xf32, #tpu.memory_space<vmem_shared>> -> memref<10240x128xf32, #tpu.memory_space<vmem_shared>>
      tpu.enqueue_indirect_dma source(%arg7 : memref<64x128xf32, #tpu.memory_space<vmem>>) target(%dma_start3A_546 : memref<10240x128xf32, #tpu.memory_space<vmem_shared>>) offsets(%dma_start3A_543 : memref<64xi32, #tpu.memory_space<vmem>>) semaphore(%arg16 : memref<!tpu.dma_semaphore, #tpu.memory_space<semaphore_mem>>) {add = true}
      %add3A_547 = arith.constant 1 : i32
      %add3A_548 = arith.addi %mul3A_530, %add3A_547 : i32
      %dma_wait3A_549 = arith.constant 0 : i32
      %dma_wait3A_550 = tpu.memref_slice %arg5[%add3A_548, %dma_wait3A_549] : memref<40x64xi32, #tpu.memory_space<vmem>> -> memref<1x64xi32, #tpu.memory_space<vmem>>
      %dma_wait3A_551 = tpu.memref_squeeze %dma_wait3A_550 : memref<1x64xi32, #tpu.memory_space<vmem>> -> memref<64xi32, #tpu.memory_space<vmem>>
      %dma_wait3A_552 = arith.constant 0 : i32
      %dma_wait3A_553 = arith.constant 0 : i32
      %dma_wait3A_554 = tpu.memref_slice %arg3[%dma_wait3A_552, %dma_wait3A_553] : memref<10240x128xf32, #tpu.memory_space<hbm>> -> memref<10240x128xf32, #tpu.memory_space<hbm>>
      tpu.wait_indirect_dma semaphore(%arg13 : memref<!tpu.dma_semaphore, #tpu.memory_space<semaphore_mem>>) src(%dma_wait3A_554 : memref<10240x128xf32, #tpu.memory_space<hbm>>) dst(%arg8 : memref<64x128xf32, #tpu.memory_space<vmem>>)
      %add3A_555 = arith.constant 1 : i32
      %add3A_556 = arith.addi %mul3A_530, %add3A_555 : i32
      %dma_start3A_557 = arith.constant 0 : i32
      %dma_start3A_558 = tpu.memref_slice %arg6[%add3A_556, %dma_start3A_557] : memref<40x64xi32, #tpu.memory_space<vmem>> -> memref<1x64xi32, #tpu.memory_space<vmem>>
      %dma_start3A_559 = tpu.memref_squeeze %dma_start3A_558 : memref<1x64xi32, #tpu.memory_space<vmem>> -> memref<64xi32, #tpu.memory_space<vmem>>
      %dma_start3A_560 = arith.constant 0 : i32
      %dma_start3A_561 = arith.constant 0 : i32
      %dma_start3A_562 = tpu.memref_slice %arg11[%dma_start3A_560, %dma_start3A_561] : memref<10240x128xf32, #tpu.memory_space<vmem_shared>> -> memref<10240x128xf32, #tpu.memory_space<vmem_shared>>
      tpu.enqueue_indirect_dma source(%arg8 : memref<64x128xf32, #tpu.memory_space<vmem>>) target(%dma_start3A_562 : memref<10240x128xf32, #tpu.memory_space<vmem_shared>>) offsets(%dma_start3A_559 : memref<64xi32, #tpu.memory_space<vmem>>) semaphore(%arg17 : memref<!tpu.dma_semaphore, #tpu.memory_space<semaphore_mem>>) {add = true}
      %add3A_563 = arith.constant 2 : i32
      %add3A_564 = arith.addi %mul3A_530, %add3A_563 : i32
      %dma_wait3A_565 = arith.constant 0 : i32
      %dma_wait3A_566 = tpu.memref_slice %arg5[%add3A_564, %dma_wait3A_565] : memref<40x64xi32, #tpu.memory_space<vmem>> -> memref<1x64xi32, #tpu.memory_space<vmem>>
      %dma_wait3A_567 = tpu.memref_squeeze %dma_wait3A_566 : memref<1x64xi32, #tpu.memory_space<vmem>> -> memref<64xi32, #tpu.memory_space<vmem>>
      %dma_wait3A_568 = arith.constant 0 : i32
      %dma_wait3A_569 = arith.constant 0 : i32
      %dma_wait3A_570 = tpu.memref_slice %arg3[%dma_wait3A_568, %dma_wait3A_569] : memref<10240x128xf32, #tpu.memory_space<hbm>> -> memref<10240x128xf32, #tpu.memory_space<hbm>>
      tpu.wait_indirect_dma semaphore(%arg14 : memref<!tpu.dma_semaphore, #tpu.memory_space<semaphore_mem>>) src(%dma_wait3A_570 : memref<10240x128xf32, #tpu.memory_space<hbm>>) dst(%arg9 : memref<64x128xf32, #tpu.memory_space<vmem>>)
      %add3A_571 = arith.constant 2 : i32
      %add3A_572 = arith.addi %mul3A_530, %add3A_571 : i32
      %dma_start3A_573 = arith.constant 0 : i32
      %dma_start3A_574 = tpu.memref_slice %arg6[%add3A_572, %dma_start3A_573] : memref<40x64xi32, #tpu.memory_space<vmem>> -> memref<1x64xi32, #tpu.memory_space<vmem>>
      %dma_start3A_575 = tpu.memref_squeeze %dma_start3A_574 : memref<1x64xi32, #tpu.memory_space<vmem>> -> memref<64xi32, #tpu.memory_space<vmem>>
      %dma_start3A_576 = arith.constant 0 : i32
      %dma_start3A_577 = arith.constant 0 : i32
      %dma_start3A_578 = tpu.memref_slice %arg11[%dma_start3A_576, %dma_start3A_577] : memref<10240x128xf32, #tpu.memory_space<vmem_shared>> -> memref<10240x128xf32, #tpu.memory_space<vmem_shared>>
      tpu.enqueue_indirect_dma source(%arg9 : memref<64x128xf32, #tpu.memory_space<vmem>>) target(%dma_start3A_578 : memref<10240x128xf32, #tpu.memory_space<vmem_shared>>) offsets(%dma_start3A_575 : memref<64xi32, #tpu.memory_space<vmem>>) semaphore(%arg18 : memref<!tpu.dma_semaphore, #tpu.memory_space<semaphore_mem>>) {add = true}
      %add3A_579 = arith.constant 3 : i32
      %add3A_580 = arith.addi %mul3A_530, %add3A_579 : i32
      %dma_wait3A_581 = arith.constant 0 : i32
      %dma_wait3A_582 = tpu.memref_slice %arg5[%add3A_580, %dma_wait3A_581] : memref<40x64xi32, #tpu.memory_space<vmem>> -> memref<1x64xi32, #tpu.memory_space<vmem>>
      %dma_wait3A_583 = tpu.memref_squeeze %dma_wait3A_582 : memref<1x64xi32, #tpu.memory_space<vmem>> -> memref<64xi32, #tpu.memory_space<vmem>>
      %dma_wait3A_584 = arith.constant 0 : i32
      %dma_wait3A_585 = arith.constant 0 : i32
      %dma_wait3A_586 = tpu.memref_slice %arg3[%dma_wait3A_584, %dma_wait3A_585] : memref<10240x128xf32, #tpu.memory_space<hbm>> -> memref<10240x128xf32, #tpu.memory_space<hbm>>
      tpu.wait_indirect_dma semaphore(%arg15 : memref<!tpu.dma_semaphore, #tpu.memory_space<semaphore_mem>>) src(%dma_wait3A_586 : memref<10240x128xf32, #tpu.memory_space<hbm>>) dst(%arg10 : memref<64x128xf32, #tpu.memory_space<vmem>>)
      %add3A_587 = arith.constant 3 : i32
      %add3A_588 = arith.addi %mul3A_530, %add3A_587 : i32
      %dma_start3A_589 = arith.constant 0 : i32
      %dma_start3A_590 = tpu.memref_slice %arg6[%add3A_588, %dma_start3A_589] : memref<40x64xi32, #tpu.memory_space<vmem>> -> memref<1x64xi32, #tpu.memory_space<vmem>>
      %dma_start3A_591 = tpu.memref_squeeze %dma_start3A_590 : memref<1x64xi32, #tpu.memory_space<vmem>> -> memref<64xi32, #tpu.memory_space<vmem>>
      %dma_start3A_592 = arith.constant 0 : i32
      %dma_start3A_593 = arith.constant 0 : i32
      %dma_start3A_594 = tpu.memref_slice %arg11[%dma_start3A_592, %dma_start3A_593] : memref<10240x128xf32, #tpu.memory_space<vmem_shared>> -> memref<10240x128xf32, #tpu.memory_space<vmem_shared>>
      tpu.enqueue_indirect_dma source(%arg10 : memref<64x128xf32, #tpu.memory_space<vmem>>) target(%dma_start3A_594 : memref<10240x128xf32, #tpu.memory_space<vmem_shared>>) offsets(%dma_start3A_591 : memref<64xi32, #tpu.memory_space<vmem>>) semaphore(%arg19 : memref<!tpu.dma_semaphore, #tpu.memory_space<semaphore_mem>>) {add = true}
      %dma_wait3A_595 = arith.constant 0 : i32
      %dma_wait3A_596 = tpu.memref_slice %arg6[%add3A_540, %dma_wait3A_595] : memref<40x64xi32, #tpu.memory_space<vmem>> -> memref<1x64xi32, #tpu.memory_space<vmem>>
      %dma_wait3A_597 = tpu.memref_squeeze %dma_wait3A_596 : memref<1x64xi32, #tpu.memory_space<vmem>> -> memref<64xi32, #tpu.memory_space<vmem>>
      %dma_wait3A_598 = arith.constant 0 : i32
      %dma_wait3A_599 = arith.constant 0 : i32
      %dma_wait3A_600 = tpu.memref_slice %arg11[%dma_wait3A_598, %dma_wait3A_599] : memref<10240x128xf32, #tpu.memory_space<vmem_shared>> -> memref<10240x128xf32, #tpu.memory_space<vmem_shared>>
      tpu.wait_indirect_dma semaphore(%arg16 : memref<!tpu.dma_semaphore, #tpu.memory_space<semaphore_mem>>) src(%arg7 : memref<64x128xf32, #tpu.memory_space<vmem>>) dst(%dma_wait3A_600 : memref<10240x128xf32, #tpu.memory_space<vmem_shared>>)
      %add3A_601 = arith.constant 4 : i32
      %add3A_602 = arith.addi %mul3A_530, %add3A_601 : i32
      %add3A_603 = arith.constant 0 : i32
      %add3A_604 = arith.addi %add3A_602, %add3A_603 : i32
      %dma_start3A_605 = arith.constant 0 : i32
      %dma_start3A_606 = tpu.memref_slice %arg5[%add3A_604, %dma_start3A_605] : memref<40x64xi32, #tpu.memory_space<vmem>> -> memref<1x64xi32, #tpu.memory_space<vmem>>
      %dma_start3A_607 = tpu.memref_squeeze %dma_start3A_606 : memref<1x64xi32, #tpu.memory_space<vmem>> -> memref<64xi32, #tpu.memory_space<vmem>>
      %dma_start3A_608 = arith.constant 0 : i32
      %dma_start3A_609 = arith.constant 0 : i32
      %dma_start3A_610 = tpu.memref_slice %arg3[%dma_start3A_608, %dma_start3A_609] : memref<10240x128xf32, #tpu.memory_space<hbm>> -> memref<10240x128xf32, #tpu.memory_space<hbm>>
      tpu.enqueue_indirect_dma source(%dma_start3A_610 : memref<10240x128xf32, #tpu.memory_space<hbm>>) target(%arg7 : memref<64x128xf32, #tpu.memory_space<vmem>>) offsets(%dma_start3A_607 : memref<64xi32, #tpu.memory_space<vmem>>) semaphore(%arg12 : memref<!tpu.dma_semaphore, #tpu.memory_space<semaphore_mem>>)
      %dma_wait3A_611 = arith.constant 0 : i32
      %dma_wait3A_612 = tpu.memref_slice %arg6[%add3A_556, %dma_wait3A_611] : memref<40x64xi32, #tpu.memory_space<vmem>> -> memref<1x64xi32, #tpu.memory_space<vmem>>
      %dma_wait3A_613 = tpu.memref_squeeze %dma_wait3A_612 : memref<1x64xi32, #tpu.memory_space<vmem>> -> memref<64xi32, #tpu.memory_space<vmem>>
      %dma_wait3A_614 = arith.constant 0 : i32
      %dma_wait3A_615 = arith.constant 0 : i32
      %dma_wait3A_616 = tpu.memref_slice %arg11[%dma_wait3A_614, %dma_wait3A_615] : memref<10240x128xf32, #tpu.memory_space<vmem_shared>> -> memref<10240x128xf32, #tpu.memory_space<vmem_shared>>
      tpu.wait_indirect_dma semaphore(%arg17 : memref<!tpu.dma_semaphore, #tpu.memory_space<semaphore_mem>>) src(%arg8 : memref<64x128xf32, #tpu.memory_space<vmem>>) dst(%dma_wait3A_616 : memref<10240x128xf32, #tpu.memory_space<vmem_shared>>)
      %add3A_617 = arith.constant 4 : i32
      %add3A_618 = arith.addi %mul3A_530, %add3A_617 : i32
      %add3A_619 = arith.constant 1 : i32
      %add3A_620 = arith.addi %add3A_618, %add3A_619 : i32
      %dma_start3A_621 = arith.constant 0 : i32
      %dma_start3A_622 = tpu.memref_slice %arg5[%add3A_620, %dma_start3A_621] : memref<40x64xi32, #tpu.memory_space<vmem>> -> memref<1x64xi32, #tpu.memory_space<vmem>>
      %dma_start3A_623 = tpu.memref_squeeze %dma_start3A_622 : memref<1x64xi32, #tpu.memory_space<vmem>> -> memref<64xi32, #tpu.memory_space<vmem>>
      %dma_start3A_624 = arith.constant 0 : i32
      %dma_start3A_625 = arith.constant 0 : i32
      %dma_start3A_626 = tpu.memref_slice %arg3[%dma_start3A_624, %dma_start3A_625] : memref<10240x128xf32, #tpu.memory_space<hbm>> -> memref<10240x128xf32, #tpu.memory_space<hbm>>
      tpu.enqueue_indirect_dma source(%dma_start3A_626 : memref<10240x128xf32, #tpu.memory_space<hbm>>) target(%arg8 : memref<64x128xf32, #tpu.memory_space<vmem>>) offsets(%dma_start3A_623 : memref<64xi32, #tpu.memory_space<vmem>>) semaphore(%arg13 : memref<!tpu.dma_semaphore, #tpu.memory_space<semaphore_mem>>)
      %dma_wait3A_627 = arith.constant 0 : i32
      %dma_wait3A_628 = tpu.memref_slice %arg6[%add3A_572, %dma_wait3A_627] : memref<40x64xi32, #tpu.memory_space<vmem>> -> memref<1x64xi32, #tpu.memory_space<vmem>>
      %dma_wait3A_629 = tpu.memref_squeeze %dma_wait3A_628 : memref<1x64xi32, #tpu.memory_space<vmem>> -> memref<64xi32, #tpu.memory_space<vmem>>
      %dma_wait3A_630 = arith.constant 0 : i32
      %dma_wait3A_631 = arith.constant 0 : i32
      %dma_wait3A_632 = tpu.memref_slice %arg11[%dma_wait3A_630, %dma_wait3A_631] : memref<10240x128xf32, #tpu.memory_space<vmem_shared>> -> memref<10240x128xf32, #tpu.memory_space<vmem_shared>>
      tpu.wait_indirect_dma semaphore(%arg18 : memref<!tpu.dma_semaphore, #tpu.memory_space<semaphore_mem>>) src(%arg9 : memref<64x128xf32, #tpu.memory_space<vmem>>) dst(%dma_wait3A_632 : memref<10240x128xf32, #tpu.memory_space<vmem_shared>>)
      %add3A_633 = arith.constant 4 : i32
      %add3A_634 = arith.addi %mul3A_530, %add3A_633 : i32
      %add3A_635 = arith.constant 2 : i32
      %add3A_636 = arith.addi %add3A_634, %add3A_635 : i32
      %dma_start3A_637 = arith.constant 0 : i32
      %dma_start3A_638 = tpu.memref_slice %arg5[%add3A_636, %dma_start3A_637] : memref<40x64xi32, #tpu.memory_space<vmem>> -> memref<1x64xi32, #tpu.memory_space<vmem>>
      %dma_start3A_639 = tpu.memref_squeeze %dma_start3A_638 : memref<1x64xi32, #tpu.memory_space<vmem>> -> memref<64xi32, #tpu.memory_space<vmem>>
      %dma_start3A_640 = arith.constant 0 : i32
      %dma_start3A_641 = arith.constant 0 : i32
      %dma_start3A_642 = tpu.memref_slice %arg3[%dma_start3A_640, %dma_start3A_641] : memref<10240x128xf32, #tpu.memory_space<hbm>> -> memref<10240x128xf32, #tpu.memory_space<hbm>>
      tpu.enqueue_indirect_dma source(%dma_start3A_642 : memref<10240x128xf32, #tpu.memory_space<hbm>>) target(%arg9 : memref<64x128xf32, #tpu.memory_space<vmem>>) offsets(%dma_start3A_639 : memref<64xi32, #tpu.memory_space<vmem>>) semaphore(%arg14 : memref<!tpu.dma_semaphore, #tpu.memory_space<semaphore_mem>>)
      %dma_wait3A_643 = arith.constant 0 : i32
      %dma_wait3A_644 = tpu.memref_slice %arg6[%add3A_588, %dma_wait3A_643] : memref<40x64xi32, #tpu.memory_space<vmem>> -> memref<1x64xi32, #tpu.memory_space<vmem>>
      %dma_wait3A_645 = tpu.memref_squeeze %dma_wait3A_644 : memref<1x64xi32, #tpu.memory_space<vmem>> -> memref<64xi32, #tpu.memory_space<vmem>>
      %dma_wait3A_646 = arith.constant 0 : i32
      %dma_wait3A_647 = arith.constant 0 : i32
      %dma_wait3A_648 = tpu.memref_slice %arg11[%dma_wait3A_646, %dma_wait3A_647] : memref<10240x128xf32, #tpu.memory_space<vmem_shared>> -> memref<10240x128xf32, #tpu.memory_space<vmem_shared>>
      tpu.wait_indirect_dma semaphore(%arg19 : memref<!tpu.dma_semaphore, #tpu.memory_space<semaphore_mem>>) src(%arg10 : memref<64x128xf32, #tpu.memory_space<vmem>>) dst(%dma_wait3A_648 : memref<10240x128xf32, #tpu.memory_space<vmem_shared>>)
      %add3A_649 = arith.constant 4 : i32
      %add3A_650 = arith.addi %mul3A_530, %add3A_649 : i32
      %add3A_651 = arith.constant 3 : i32
      %add3A_652 = arith.addi %add3A_650, %add3A_651 : i32
      %dma_start3A_653 = arith.constant 0 : i32
      %dma_start3A_654 = tpu.memref_slice %arg5[%add3A_652, %dma_start3A_653] : memref<40x64xi32, #tpu.memory_space<vmem>> -> memref<1x64xi32, #tpu.memory_space<vmem>>
      %dma_start3A_655 = tpu.memref_squeeze %dma_start3A_654 : memref<1x64xi32, #tpu.memory_space<vmem>> -> memref<64xi32, #tpu.memory_space<vmem>>
      %dma_start3A_656 = arith.constant 0 : i32
      %dma_start3A_657 = arith.constant 0 : i32
      %dma_start3A_658 = tpu.memref_slice %arg3[%dma_start3A_656, %dma_start3A_657] : memref<10240x128xf32, #tpu.memory_space<hbm>> -> memref<10240x128xf32, #tpu.memory_space<hbm>>
      tpu.enqueue_indirect_dma source(%dma_start3A_658 : memref<10240x128xf32, #tpu.memory_space<hbm>>) target(%arg10 : memref<64x128xf32, #tpu.memory_space<vmem>>) offsets(%dma_start3A_655 : memref<64xi32, #tpu.memory_space<vmem>>) semaphore(%arg15 : memref<!tpu.dma_semaphore, #tpu.memory_space<semaphore_mem>>)
    }
    %scan3A_196 = arith.constant 9 : i32
    %dma_wait3A_197 = arith.constant 36 : i32
    %dma_wait3A_198 = arith.constant 0 : i32
    %dma_wait3A_199 = tpu.memref_slice %arg5[%dma_wait3A_197, %dma_wait3A_198] : memref<40x64xi32, #tpu.memory_space<vmem>> -> memref<1x64xi32, #tpu.memory_space<vmem>>
    %dma_wait3A_200 = tpu.memref_squeeze %dma_wait3A_199 : memref<1x64xi32, #tpu.memory_space<vmem>> -> memref<64xi32, #tpu.memory_space<vmem>>
    %dma_wait3A_201 = arith.constant 0 : i32
    %dma_wait3A_202 = arith.constant 0 : i32
    %dma_wait3A_203 = tpu.memref_slice %arg3[%dma_wait3A_201, %dma_wait3A_202] : memref<10240x128xf32, #tpu.memory_space<hbm>> -> memref<10240x128xf32, #tpu.memory_space<hbm>>
    tpu.wait_indirect_dma semaphore(%arg12 : memref<!tpu.dma_semaphore, #tpu.memory_space<semaphore_mem>>) src(%dma_wait3A_203 : memref<10240x128xf32, #tpu.memory_space<hbm>>) dst(%arg7 : memref<64x128xf32, #tpu.memory_space<vmem>>)
    %dma_start3A_204 = arith.constant 36 : i32
    %dma_start3A_205 = arith.constant 0 : i32
    %dma_start3A_206 = tpu.memref_slice %arg6[%dma_start3A_204, %dma_start3A_205] : memref<40x64xi32, #tpu.memory_space<vmem>> -> memref<1x64xi32, #tpu.memory_space<vmem>>
    %dma_start3A_207 = tpu.memref_squeeze %dma_start3A_206 : memref<1x64xi32, #tpu.memory_space<vmem>> -> memref<64xi32, #tpu.memory_space<vmem>>
    %dma_start3A_208 = arith.constant 0 : i32
    %dma_start3A_209 = arith.constant 0 : i32
    %dma_start3A_210 = tpu.memref_slice %arg11[%dma_start3A_208, %dma_start3A_209] : memref<10240x128xf32, #tpu.memory_space<vmem_shared>> -> memref<10240x128xf32, #tpu.memory_space<vmem_shared>>
    tpu.enqueue_indirect_dma source(%arg7 : memref<64x128xf32, #tpu.memory_space<vmem>>) target(%dma_start3A_210 : memref<10240x128xf32, #tpu.memory_space<vmem_shared>>) offsets(%dma_start3A_207 : memref<64xi32, #tpu.memory_space<vmem>>) semaphore(%arg16 : memref<!tpu.dma_semaphore, #tpu.memory_space<semaphore_mem>>) {add = true}
    %dma_wait3A_211 = arith.constant 37 : i32
    %dma_wait3A_212 = arith.constant 0 : i32
    %dma_wait3A_213 = tpu.memref_slice %arg5[%dma_wait3A_211, %dma_wait3A_212] : memref<40x64xi32, #tpu.memory_space<vmem>> -> memref<1x64xi32, #tpu.memory_space<vmem>>
    %dma_wait3A_214 = tpu.memref_squeeze %dma_wait3A_213 : memref<1x64xi32, #tpu.memory_space<vmem>> -> memref<64xi32, #tpu.memory_space<vmem>>
    %dma_wait3A_215 = arith.constant 0 : i32
    %dma_wait3A_216 = arith.constant 0 : i32
    %dma_wait3A_217 = tpu.memref_slice %arg3[%dma_wait3A_215, %dma_wait3A_216] : memref<10240x128xf32, #tpu.memory_space<hbm>> -> memref<10240x128xf32, #tpu.memory_space<hbm>>
    tpu.wait_indirect_dma semaphore(%arg13 : memref<!tpu.dma_semaphore, #tpu.memory_space<semaphore_mem>>) src(%dma_wait3A_217 : memref<10240x128xf32, #tpu.memory_space<hbm>>) dst(%arg8 : memref<64x128xf32, #tpu.memory_space<vmem>>)
    %dma_start3A_218 = arith.constant 37 : i32
    %dma_start3A_219 = arith.constant 0 : i32
    %dma_start3A_220 = tpu.memref_slice %arg6[%dma_start3A_218, %dma_start3A_219] : memref<40x64xi32, #tpu.memory_space<vmem>> -> memref<1x64xi32, #tpu.memory_space<vmem>>
    %dma_start3A_221 = tpu.memref_squeeze %dma_start3A_220 : memref<1x64xi32, #tpu.memory_space<vmem>> -> memref<64xi32, #tpu.memory_space<vmem>>
    %dma_start3A_222 = arith.constant 0 : i32
    %dma_start3A_223 = arith.constant 0 : i32
    %dma_start3A_224 = tpu.memref_slice %arg11[%dma_start3A_222, %dma_start3A_223] : memref<10240x128xf32, #tpu.memory_space<vmem_shared>> -> memref<10240x128xf32, #tpu.memory_space<vmem_shared>>
    tpu.enqueue_indirect_dma source(%arg8 : memref<64x128xf32, #tpu.memory_space<vmem>>) target(%dma_start3A_224 : memref<10240x128xf32, #tpu.memory_space<vmem_shared>>) offsets(%dma_start3A_221 : memref<64xi32, #tpu.memory_space<vmem>>) semaphore(%arg17 : memref<!tpu.dma_semaphore, #tpu.memory_space<semaphore_mem>>) {add = true}
    %dma_wait3A_225 = arith.constant 38 : i32
    %dma_wait3A_226 = arith.constant 0 : i32
    %dma_wait3A_227 = tpu.memref_slice %arg5[%dma_wait3A_225, %dma_wait3A_226] : memref<40x64xi32, #tpu.memory_space<vmem>> -> memref<1x64xi32, #tpu.memory_space<vmem>>
    %dma_wait3A_228 = tpu.memref_squeeze %dma_wait3A_227 : memref<1x64xi32, #tpu.memory_space<vmem>> -> memref<64xi32, #tpu.memory_space<vmem>>
    %dma_wait3A_229 = arith.constant 0 : i32
    %dma_wait3A_230 = arith.constant 0 : i32
    %dma_wait3A_231 = tpu.memref_slice %arg3[%dma_wait3A_229, %dma_wait3A_230] : memref<10240x128xf32, #tpu.memory_space<hbm>> -> memref<10240x128xf32, #tpu.memory_space<hbm>>
    tpu.wait_indirect_dma semaphore(%arg14 : memref<!tpu.dma_semaphore, #tpu.memory_space<semaphore_mem>>) src(%dma_wait3A_231 : memref<10240x128xf32, #tpu.memory_space<hbm>>) dst(%arg9 : memref<64x128xf32, #tpu.memory_space<vmem>>)
    %dma_start3A_232 = arith.constant 38 : i32
    %dma_start3A_233 = arith.constant 0 : i32
    %dma_start3A_234 = tpu.memref_slice %arg6[%dma_start3A_232, %dma_start3A_233] : memref<40x64xi32, #tpu.memory_space<vmem>> -> memref<1x64xi32, #tpu.memory_space<vmem>>
    %dma_start3A_235 = tpu.memref_squeeze %dma_start3A_234 : memref<1x64xi32, #tpu.memory_space<vmem>> -> memref<64xi32, #tpu.memory_space<vmem>>
    %dma_start3A_236 = arith.constant 0 : i32
    %dma_start3A_237 = arith.constant 0 : i32
    %dma_start3A_238 = tpu.memref_slice %arg11[%dma_start3A_236, %dma_start3A_237] : memref<10240x128xf32, #tpu.memory_space<vmem_shared>> -> memref<10240x128xf32, #tpu.memory_space<vmem_shared>>
    tpu.enqueue_indirect_dma source(%arg9 : memref<64x128xf32, #tpu.memory_space<vmem>>) target(%dma_start3A_238 : memref<10240x128xf32, #tpu.memory_space<vmem_shared>>) offsets(%dma_start3A_235 : memref<64xi32, #tpu.memory_space<vmem>>) semaphore(%arg18 : memref<!tpu.dma_semaphore, #tpu.memory_space<semaphore_mem>>) {add = true}
    %dma_wait3A_239 = arith.constant 39 : i32
    %dma_wait3A_240 = arith.constant 0 : i32
    %dma_wait3A_241 = tpu.memref_slice %arg5[%dma_wait3A_239, %dma_wait3A_240] : memref<40x64xi32, #tpu.memory_space<vmem>> -> memref<1x64xi32, #tpu.memory_space<vmem>>
    %dma_wait3A_242 = tpu.memref_squeeze %dma_wait3A_241 : memref<1x64xi32, #tpu.memory_space<vmem>> -> memref<64xi32, #tpu.memory_space<vmem>>
    %dma_wait3A_243 = arith.constant 0 : i32
    %dma_wait3A_244 = arith.constant 0 : i32
    %dma_wait3A_245 = tpu.memref_slice %arg3[%dma_wait3A_243, %dma_wait3A_244] : memref<10240x128xf32, #tpu.memory_space<hbm>> -> memref<10240x128xf32, #tpu.memory_space<hbm>>
    tpu.wait_indirect_dma semaphore(%arg15 : memref<!tpu.dma_semaphore, #tpu.memory_space<semaphore_mem>>) src(%dma_wait3A_245 : memref<10240x128xf32, #tpu.memory_space<hbm>>) dst(%arg10 : memref<64x128xf32, #tpu.memory_space<vmem>>)
    %dma_start3A_246 = arith.constant 39 : i32
    %dma_start3A_247 = arith.constant 0 : i32
    %dma_start3A_248 = tpu.memref_slice %arg6[%dma_start3A_246, %dma_start3A_247] : memref<40x64xi32, #tpu.memory_space<vmem>> -> memref<1x64xi32, #tpu.memory_space<vmem>>
    %dma_start3A_249 = tpu.memref_squeeze %dma_start3A_248 : memref<1x64xi32, #tpu.memory_space<vmem>> -> memref<64xi32, #tpu.memory_space<vmem>>
    %dma_start3A_250 = arith.constant 0 : i32
    %dma_start3A_251 = arith.constant 0 : i32
    %dma_start3A_252 = tpu.memref_slice %arg11[%dma_start3A_250, %dma_start3A_251] : memref<10240x128xf32, #tpu.memory_space<vmem_shared>> -> memref<10240x128xf32, #tpu.memory_space<vmem_shared>>
    tpu.enqueue_indirect_dma source(%arg10 : memref<64x128xf32, #tpu.memory_space<vmem>>) target(%dma_start3A_252 : memref<10240x128xf32, #tpu.memory_space<vmem_shared>>) offsets(%dma_start3A_249 : memref<64xi32, #tpu.memory_space<vmem>>) semaphore(%arg19 : memref<!tpu.dma_semaphore, #tpu.memory_space<semaphore_mem>>) {add = true}
    %dma_wait3A_253 = arith.constant 36 : i32
    %dma_wait3A_254 = arith.constant 0 : i32
    %dma_wait3A_255 = tpu.memref_slice %arg6[%dma_wait3A_253, %dma_wait3A_254] : memref<40x64xi32, #tpu.memory_space<vmem>> -> memref<1x64xi32, #tpu.memory_space<vmem>>
    %dma_wait3A_256 = tpu.memref_squeeze %dma_wait3A_255 : memref<1x64xi32, #tpu.memory_space<vmem>> -> memref<64xi32, #tpu.memory_space<vmem>>
    %dma_wait3A_257 = arith.constant 0 : i32
    %dma_wait3A_258 = arith.constant 0 : i32
    %dma_wait3A_259 = tpu.memref_slice %arg11[%dma_wait3A_257, %dma_wait3A_258] : memref<10240x128xf32, #tpu.memory_space<vmem_shared>> -> memref<10240x128xf32, #tpu.memory_space<vmem_shared>>
    tpu.wait_indirect_dma semaphore(%arg16 : memref<!tpu.dma_semaphore, #tpu.memory_space<semaphore_mem>>) src(%arg7 : memref<64x128xf32, #tpu.memory_space<vmem>>) dst(%dma_wait3A_259 : memref<10240x128xf32, #tpu.memory_space<vmem_shared>>)
    %dma_wait3A_260 = arith.constant 37 : i32
    %dma_wait3A_261 = arith.constant 0 : i32
    %dma_wait3A_262 = tpu.memref_slice %arg6[%dma_wait3A_260, %dma_wait3A_261] : memref<40x64xi32, #tpu.memory_space<vmem>> -> memref<1x64xi32, #tpu.memory_space<vmem>>
    %dma_wait3A_263 = tpu.memref_squeeze %dma_wait3A_262 : memref<1x64xi32, #tpu.memory_space<vmem>> -> memref<64xi32, #tpu.memory_space<vmem>>
    %dma_wait3A_264 = arith.constant 0 : i32
    %dma_wait3A_265 = arith.constant 0 : i32
    %dma_wait3A_266 = tpu.memref_slice %arg11[%dma_wait3A_264, %dma_wait3A_265] : memref<10240x128xf32, #tpu.memory_space<vmem_shared>> -> memref<10240x128xf32, #tpu.memory_space<vmem_shared>>
    tpu.wait_indirect_dma semaphore(%arg17 : memref<!tpu.dma_semaphore, #tpu.memory_space<semaphore_mem>>) src(%arg8 : memref<64x128xf32, #tpu.memory_space<vmem>>) dst(%dma_wait3A_266 : memref<10240x128xf32, #tpu.memory_space<vmem_shared>>)
    %dma_wait3A_267 = arith.constant 38 : i32
    %dma_wait3A_268 = arith.constant 0 : i32
    %dma_wait3A_269 = tpu.memref_slice %arg6[%dma_wait3A_267, %dma_wait3A_268] : memref<40x64xi32, #tpu.memory_space<vmem>> -> memref<1x64xi32, #tpu.memory_space<vmem>>
    %dma_wait3A_270 = tpu.memref_squeeze %dma_wait3A_269 : memref<1x64xi32, #tpu.memory_space<vmem>> -> memref<64xi32, #tpu.memory_space<vmem>>
    %dma_wait3A_271 = arith.constant 0 : i32
    %dma_wait3A_272 = arith.constant 0 : i32
    %dma_wait3A_273 = tpu.memref_slice %arg11[%dma_wait3A_271, %dma_wait3A_272] : memref<10240x128xf32, #tpu.memory_space<vmem_shared>> -> memref<10240x128xf32, #tpu.memory_space<vmem_shared>>
    tpu.wait_indirect_dma semaphore(%arg18 : memref<!tpu.dma_semaphore, #tpu.memory_space<semaphore_mem>>) src(%arg9 : memref<64x128xf32, #tpu.memory_space<vmem>>) dst(%dma_wait3A_273 : memref<10240x128xf32, #tpu.memory_space<vmem_shared>>)
    %dma_wait3A_274 = arith.constant 39 : i32
    %dma_wait3A_275 = arith.constant 0 : i32
    %dma_wait3A_276 = tpu.memref_slice %arg6[%dma_wait3A_274, %dma_wait3A_275] : memref<40x64xi32, #tpu.memory_space<vmem>> -> memref<1x64xi32, #tpu.memory_space<vmem>>
    %dma_wait3A_277 = tpu.memref_squeeze %dma_wait3A_276 : memref<1x64xi32, #tpu.memory_space<vmem>> -> memref<64xi32, #tpu.memory_space<vmem>>
    %dma_wait3A_278 = arith.constant 0 : i32
    %dma_wait3A_279 = arith.constant 0 : i32
    %dma_wait3A_280 = tpu.memref_slice %arg11[%dma_wait3A_278, %dma_wait3A_279] : memref<10240x128xf32, #tpu.memory_space<vmem_shared>> -> memref<10240x128xf32, #tpu.memory_space<vmem_shared>>
    tpu.wait_indirect_dma semaphore(%arg19 : memref<!tpu.dma_semaphore, #tpu.memory_space<semaphore_mem>>) src(%arg10 : memref<64x128xf32, #tpu.memory_space<vmem>>) dst(%dma_wait3A_280 : memref<10240x128xf32, #tpu.memory_space<vmem_shared>>)
    %run_scoped3A_281 = arith.constant 0 : i32
    "tpu.region"() ({
      %run_scoped3A_524 = tpu.sem_alloc : memref<!tpu.dma_semaphore, #tpu.memory_space<semaphore_mem>>
      %dma_start3A_525 = arith.constant 80 : i32
      %dma_start3A_526 = arith.constant 0 : i32
      %dma_start3A_527 = tpu.memref_slice %arg2[%run_scoped3A_281, %add3A, %dma_start3A_525, %dma_start3A_526] : memref<2x32x160x64xi32, #tpu.memory_space<hbm>> -> memref<1x1x40x64xi32, #tpu.memory_space<hbm>>
      %dma_start3A_528 = tpu.memref_squeeze %dma_start3A_527 : memref<1x1x40x64xi32, #tpu.memory_space<hbm>> -> memref<40x64xi32, #tpu.memory_space<hbm>>
      %dma_start3A_529 = arith.constant 80 : i32
      %dma_start3A_530 = arith.constant 0 : i32
      %dma_start3A_531 = tpu.memref_slice %arg2[%run_scoped3A_281, %add3A, %dma_start3A_529, %dma_start3A_530] : memref<2x32x160x64xi32, #tpu.memory_space<hbm>> -> memref<1x1x40x64xi32, #tpu.memory_space<hbm>>
      %dma_start3A_532 = tpu.memref_squeeze %dma_start3A_531 : memref<1x1x40x64xi32, #tpu.memory_space<hbm>> -> memref<40x64xi32, #tpu.memory_space<hbm>>
      tpu.enqueue_dma source(%dma_start3A_532 : memref<40x64xi32, #tpu.memory_space<hbm>>) target(%arg5 : memref<40x64xi32, #tpu.memory_space<vmem>>) target_semaphore(%run_scoped3A_524 : memref<!tpu.dma_semaphore, #tpu.memory_space<semaphore_mem>>)
      %dma_wait3A_533 = arith.constant 80 : i32
      %dma_wait3A_534 = arith.constant 0 : i32
      %dma_wait3A_535 = tpu.memref_slice %arg2[%run_scoped3A_281, %add3A, %dma_wait3A_533, %dma_wait3A_534] : memref<2x32x160x64xi32, #tpu.memory_space<hbm>> -> memref<1x1x40x64xi32, #tpu.memory_space<hbm>>
      %dma_wait3A_536 = tpu.memref_squeeze %dma_wait3A_535 : memref<1x1x40x64xi32, #tpu.memory_space<hbm>> -> memref<40x64xi32, #tpu.memory_space<hbm>>
      %dma_wait3A_537 = arith.constant 80 : i32
      %dma_wait3A_538 = arith.constant 0 : i32
      %dma_wait3A_539 = tpu.memref_slice %arg2[%run_scoped3A_281, %add3A, %dma_wait3A_537, %dma_wait3A_538] : memref<2x32x160x64xi32, #tpu.memory_space<hbm>> -> memref<1x1x40x64xi32, #tpu.memory_space<hbm>>
      %dma_wait3A_540 = tpu.memref_squeeze %dma_wait3A_539 : memref<1x1x40x64xi32, #tpu.memory_space<hbm>> -> memref<40x64xi32, #tpu.memory_space<hbm>>
      tpu.wait_dma2 semaphore(%run_scoped3A_524 : memref<!tpu.dma_semaphore, #tpu.memory_space<semaphore_mem>>) src(%dma_wait3A_540 : memref<40x64xi32, #tpu.memory_space<hbm>>) dst(%arg5 : memref<40x64xi32, #tpu.memory_space<vmem>>)
      tpu.yield
    }) : () -> ()
    %run_scoped3A_282 = arith.constant 1 : i32
    "tpu.region"() ({
      %run_scoped3A_524 = tpu.sem_alloc : memref<!tpu.dma_semaphore, #tpu.memory_space<semaphore_mem>>
      %dma_start3A_525 = arith.constant 80 : i32
      %dma_start3A_526 = arith.constant 0 : i32
      %dma_start3A_527 = tpu.memref_slice %arg2[%run_scoped3A_282, %add3A, %dma_start3A_525, %dma_start3A_526] : memref<2x32x160x64xi32, #tpu.memory_space<hbm>> -> memref<1x1x40x64xi32, #tpu.memory_space<hbm>>
      %dma_start3A_528 = tpu.memref_squeeze %dma_start3A_527 : memref<1x1x40x64xi32, #tpu.memory_space<hbm>> -> memref<40x64xi32, #tpu.memory_space<hbm>>
      %dma_start3A_529 = arith.constant 80 : i32
      %dma_start3A_530 = arith.constant 0 : i32
      %dma_start3A_531 = tpu.memref_slice %arg2[%run_scoped3A_282, %add3A, %dma_start3A_529, %dma_start3A_530] : memref<2x32x160x64xi32, #tpu.memory_space<hbm>> -> memref<1x1x40x64xi32, #tpu.memory_space<hbm>>
      %dma_start3A_532 = tpu.memref_squeeze %dma_start3A_531 : memref<1x1x40x64xi32, #tpu.memory_space<hbm>> -> memref<40x64xi32, #tpu.memory_space<hbm>>
      tpu.enqueue_dma source(%dma_start3A_532 : memref<40x64xi32, #tpu.memory_space<hbm>>) target(%arg6 : memref<40x64xi32, #tpu.memory_space<vmem>>) target_semaphore(%run_scoped3A_524 : memref<!tpu.dma_semaphore, #tpu.memory_space<semaphore_mem>>)
      %dma_wait3A_533 = arith.constant 80 : i32
      %dma_wait3A_534 = arith.constant 0 : i32
      %dma_wait3A_535 = tpu.memref_slice %arg2[%run_scoped3A_282, %add3A, %dma_wait3A_533, %dma_wait3A_534] : memref<2x32x160x64xi32, #tpu.memory_space<hbm>> -> memref<1x1x40x64xi32, #tpu.memory_space<hbm>>
      %dma_wait3A_536 = tpu.memref_squeeze %dma_wait3A_535 : memref<1x1x40x64xi32, #tpu.memory_space<hbm>> -> memref<40x64xi32, #tpu.memory_space<hbm>>
      %dma_wait3A_537 = arith.constant 80 : i32
      %dma_wait3A_538 = arith.constant 0 : i32
      %dma_wait3A_539 = tpu.memref_slice %arg2[%run_scoped3A_282, %add3A, %dma_wait3A_537, %dma_wait3A_538] : memref<2x32x160x64xi32, #tpu.memory_space<hbm>> -> memref<1x1x40x64xi32, #tpu.memory_space<hbm>>
      %dma_wait3A_540 = tpu.memref_squeeze %dma_wait3A_539 : memref<1x1x40x64xi32, #tpu.memory_space<hbm>> -> memref<40x64xi32, #tpu.memory_space<hbm>>
      tpu.wait_dma2 semaphore(%run_scoped3A_524 : memref<!tpu.dma_semaphore, #tpu.memory_space<semaphore_mem>>) src(%dma_wait3A_540 : memref<40x64xi32, #tpu.memory_space<hbm>>) dst(%arg6 : memref<40x64xi32, #tpu.memory_space<vmem>>)
      tpu.yield
    }) : () -> ()
    %dma_start3A_283 = arith.constant 0 : i32
    %dma_start3A_284 = arith.constant 0 : i32
    %dma_start3A_285 = tpu.memref_slice %arg5[%dma_start3A_283, %dma_start3A_284] : memref<40x64xi32, #tpu.memory_space<vmem>> -> memref<1x64xi32, #tpu.memory_space<vmem>>
    %dma_start3A_286 = tpu.memref_squeeze %dma_start3A_285 : memref<1x64xi32, #tpu.memory_space<vmem>> -> memref<64xi32, #tpu.memory_space<vmem>>
    %dma_start3A_287 = arith.constant 0 : i32
    %dma_start3A_288 = arith.constant 0 : i32
    %dma_start3A_289 = tpu.memref_slice %arg3[%dma_start3A_287, %dma_start3A_288] : memref<10240x128xf32, #tpu.memory_space<hbm>> -> memref<10240x128xf32, #tpu.memory_space<hbm>>
    tpu.enqueue_indirect_dma source(%dma_start3A_289 : memref<10240x128xf32, #tpu.memory_space<hbm>>) target(%arg7 : memref<64x128xf32, #tpu.memory_space<vmem>>) offsets(%dma_start3A_286 : memref<64xi32, #tpu.memory_space<vmem>>) semaphore(%arg12 : memref<!tpu.dma_semaphore, #tpu.memory_space<semaphore_mem>>)
    %dma_start3A_290 = arith.constant 1 : i32
    %dma_start3A_291 = arith.constant 0 : i32
    %dma_start3A_292 = tpu.memref_slice %arg5[%dma_start3A_290, %dma_start3A_291] : memref<40x64xi32, #tpu.memory_space<vmem>> -> memref<1x64xi32, #tpu.memory_space<vmem>>
    %dma_start3A_293 = tpu.memref_squeeze %dma_start3A_292 : memref<1x64xi32, #tpu.memory_space<vmem>> -> memref<64xi32, #tpu.memory_space<vmem>>
    %dma_start3A_294 = arith.constant 0 : i32
    %dma_start3A_295 = arith.constant 0 : i32
    %dma_start3A_296 = tpu.memref_slice %arg3[%dma_start3A_294, %dma_start3A_295] : memref<10240x128xf32, #tpu.memory_space<hbm>> -> memref<10240x128xf32, #tpu.memory_space<hbm>>
    tpu.enqueue_indirect_dma source(%dma_start3A_296 : memref<10240x128xf32, #tpu.memory_space<hbm>>) target(%arg8 : memref<64x128xf32, #tpu.memory_space<vmem>>) offsets(%dma_start3A_293 : memref<64xi32, #tpu.memory_space<vmem>>) semaphore(%arg13 : memref<!tpu.dma_semaphore, #tpu.memory_space<semaphore_mem>>)
    %dma_start3A_297 = arith.constant 2 : i32
    %dma_start3A_298 = arith.constant 0 : i32
    %dma_start3A_299 = tpu.memref_slice %arg5[%dma_start3A_297, %dma_start3A_298] : memref<40x64xi32, #tpu.memory_space<vmem>> -> memref<1x64xi32, #tpu.memory_space<vmem>>
    %dma_start3A_300 = tpu.memref_squeeze %dma_start3A_299 : memref<1x64xi32, #tpu.memory_space<vmem>> -> memref<64xi32, #tpu.memory_space<vmem>>
    %dma_start3A_301 = arith.constant 0 : i32
    %dma_start3A_302 = arith.constant 0 : i32
    %dma_start3A_303 = tpu.memref_slice %arg3[%dma_start3A_301, %dma_start3A_302] : memref<10240x128xf32, #tpu.memory_space<hbm>> -> memref<10240x128xf32, #tpu.memory_space<hbm>>
    tpu.enqueue_indirect_dma source(%dma_start3A_303 : memref<10240x128xf32, #tpu.memory_space<hbm>>) target(%arg9 : memref<64x128xf32, #tpu.memory_space<vmem>>) offsets(%dma_start3A_300 : memref<64xi32, #tpu.memory_space<vmem>>) semaphore(%arg14 : memref<!tpu.dma_semaphore, #tpu.memory_space<semaphore_mem>>)
    %dma_start3A_304 = arith.constant 3 : i32
    %dma_start3A_305 = arith.constant 0 : i32
    %dma_start3A_306 = tpu.memref_slice %arg5[%dma_start3A_304, %dma_start3A_305] : memref<40x64xi32, #tpu.memory_space<vmem>> -> memref<1x64xi32, #tpu.memory_space<vmem>>
    %dma_start3A_307 = tpu.memref_squeeze %dma_start3A_306 : memref<1x64xi32, #tpu.memory_space<vmem>> -> memref<64xi32, #tpu.memory_space<vmem>>
    %dma_start3A_308 = arith.constant 0 : i32
    %dma_start3A_309 = arith.constant 0 : i32
    %dma_start3A_310 = tpu.memref_slice %arg3[%dma_start3A_308, %dma_start3A_309] : memref<10240x128xf32, #tpu.memory_space<hbm>> -> memref<10240x128xf32, #tpu.memory_space<hbm>>
    tpu.enqueue_indirect_dma source(%dma_start3A_310 : memref<10240x128xf32, #tpu.memory_space<hbm>>) target(%arg10 : memref<64x128xf32, #tpu.memory_space<vmem>>) offsets(%dma_start3A_307 : memref<64xi32, #tpu.memory_space<vmem>>) semaphore(%arg15 : memref<!tpu.dma_semaphore, #tpu.memory_space<semaphore_mem>>)
    %scan3A_311 = arith.constant 0 : i32
    %scan3A_312 = arith.constant 9 : i32
    %scan3A_313 = arith.addi %scan3A_311, %scan3A_312 : i32
    %scan3A_314 = arith.constant 1 : i32
    scf.for %scan3A_524 = %scan3A_311 to %scan3A_313 step %scan3A_314  : i32 {
      %mul3A_525 = arith.constant 1 : i32
      %mul3A_526 = arith.muli %scan3A_524, %mul3A_525 : i32
      %add3A_527 = arith.constant 0 : i32
      %add3A_528 = arith.addi %add3A_527, %mul3A_526 : i32
      %mul3A_529 = arith.constant 4 : i32
      %mul3A_530 = arith.muli %add3A_528, %mul3A_529 : i32
      %add3A_531 = arith.constant 0 : i32
      %add3A_532 = arith.addi %mul3A_530, %add3A_531 : i32
      %dma_wait3A_533 = arith.constant 0 : i32
      %dma_wait3A_534 = tpu.memref_slice %arg5[%add3A_532, %dma_wait3A_533] : memref<40x64xi32, #tpu.memory_space<vmem>> -> memref<1x64xi32, #tpu.memory_space<vmem>>
      %dma_wait3A_535 = tpu.memref_squeeze %dma_wait3A_534 : memref<1x64xi32, #tpu.memory_space<vmem>> -> memref<64xi32, #tpu.memory_space<vmem>>
      %dma_wait3A_536 = arith.constant 0 : i32
      %dma_wait3A_537 = arith.constant 0 : i32
      %dma_wait3A_538 = tpu.memref_slice %arg3[%dma_wait3A_536, %dma_wait3A_537] : memref<10240x128xf32, #tpu.memory_space<hbm>> -> memref<10240x128xf32, #tpu.memory_space<hbm>>
      tpu.wait_indirect_dma semaphore(%arg12 : memref<!tpu.dma_semaphore, #tpu.memory_space<semaphore_mem>>) src(%dma_wait3A_538 : memref<10240x128xf32, #tpu.memory_space<hbm>>) dst(%arg7 : memref<64x128xf32, #tpu.memory_space<vmem>>)
      %add3A_539 = arith.constant 0 : i32
      %add3A_540 = arith.addi %mul3A_530, %add3A_539 : i32
      %dma_start3A_541 = arith.constant 0 : i32
      %dma_start3A_542 = tpu.memref_slice %arg6[%add3A_540, %dma_start3A_541] : memref<40x64xi32, #tpu.memory_space<vmem>> -> memref<1x64xi32, #tpu.memory_space<vmem>>
      %dma_start3A_543 = tpu.memref_squeeze %dma_start3A_542 : memref<1x64xi32, #tpu.memory_space<vmem>> -> memref<64xi32, #tpu.memory_space<vmem>>
      %dma_start3A_544 = arith.constant 0 : i32
      %dma_start3A_545 = arith.constant 0 : i32
      %dma_start3A_546 = tpu.memref_slice %arg11[%dma_start3A_544, %dma_start3A_545] : memref<10240x128xf32, #tpu.memory_space<vmem_shared>> -> memref<10240x128xf32, #tpu.memory_space<vmem_shared>>
      tpu.enqueue_indirect_dma source(%arg7 : memref<64x128xf32, #tpu.memory_space<vmem>>) target(%dma_start3A_546 : memref<10240x128xf32, #tpu.memory_space<vmem_shared>>) offsets(%dma_start3A_543 : memref<64xi32, #tpu.memory_space<vmem>>) semaphore(%arg16 : memref<!tpu.dma_semaphore, #tpu.memory_space<semaphore_mem>>) {add = true}
      %add3A_547 = arith.constant 1 : i32
      %add3A_548 = arith.addi %mul3A_530, %add3A_547 : i32
      %dma_wait3A_549 = arith.constant 0 : i32
      %dma_wait3A_550 = tpu.memref_slice %arg5[%add3A_548, %dma_wait3A_549] : memref<40x64xi32, #tpu.memory_space<vmem>> -> memref<1x64xi32, #tpu.memory_space<vmem>>
      %dma_wait3A_551 = tpu.memref_squeeze %dma_wait3A_550 : memref<1x64xi32, #tpu.memory_space<vmem>> -> memref<64xi32, #tpu.memory_space<vmem>>
      %dma_wait3A_552 = arith.constant 0 : i32
      %dma_wait3A_553 = arith.constant 0 : i32
      %dma_wait3A_554 = tpu.memref_slice %arg3[%dma_wait3A_552, %dma_wait3A_553] : memref<10240x128xf32, #tpu.memory_space<hbm>> -> memref<10240x128xf32, #tpu.memory_space<hbm>>
      tpu.wait_indirect_dma semaphore(%arg13 : memref<!tpu.dma_semaphore, #tpu.memory_space<semaphore_mem>>) src(%dma_wait3A_554 : memref<10240x128xf32, #tpu.memory_space<hbm>>) dst(%arg8 : memref<64x128xf32, #tpu.memory_space<vmem>>)
      %add3A_555 = arith.constant 1 : i32
      %add3A_556 = arith.addi %mul3A_530, %add3A_555 : i32
      %dma_start3A_557 = arith.constant 0 : i32
      %dma_start3A_558 = tpu.memref_slice %arg6[%add3A_556, %dma_start3A_557] : memref<40x64xi32, #tpu.memory_space<vmem>> -> memref<1x64xi32, #tpu.memory_space<vmem>>
      %dma_start3A_559 = tpu.memref_squeeze %dma_start3A_558 : memref<1x64xi32, #tpu.memory_space<vmem>> -> memref<64xi32, #tpu.memory_space<vmem>>
      %dma_start3A_560 = arith.constant 0 : i32
      %dma_start3A_561 = arith.constant 0 : i32
      %dma_start3A_562 = tpu.memref_slice %arg11[%dma_start3A_560, %dma_start3A_561] : memref<10240x128xf32, #tpu.memory_space<vmem_shared>> -> memref<10240x128xf32, #tpu.memory_space<vmem_shared>>
      tpu.enqueue_indirect_dma source(%arg8 : memref<64x128xf32, #tpu.memory_space<vmem>>) target(%dma_start3A_562 : memref<10240x128xf32, #tpu.memory_space<vmem_shared>>) offsets(%dma_start3A_559 : memref<64xi32, #tpu.memory_space<vmem>>) semaphore(%arg17 : memref<!tpu.dma_semaphore, #tpu.memory_space<semaphore_mem>>) {add = true}
      %add3A_563 = arith.constant 2 : i32
      %add3A_564 = arith.addi %mul3A_530, %add3A_563 : i32
      %dma_wait3A_565 = arith.constant 0 : i32
      %dma_wait3A_566 = tpu.memref_slice %arg5[%add3A_564, %dma_wait3A_565] : memref<40x64xi32, #tpu.memory_space<vmem>> -> memref<1x64xi32, #tpu.memory_space<vmem>>
      %dma_wait3A_567 = tpu.memref_squeeze %dma_wait3A_566 : memref<1x64xi32, #tpu.memory_space<vmem>> -> memref<64xi32, #tpu.memory_space<vmem>>
      %dma_wait3A_568 = arith.constant 0 : i32
      %dma_wait3A_569 = arith.constant 0 : i32
      %dma_wait3A_570 = tpu.memref_slice %arg3[%dma_wait3A_568, %dma_wait3A_569] : memref<10240x128xf32, #tpu.memory_space<hbm>> -> memref<10240x128xf32, #tpu.memory_space<hbm>>
      tpu.wait_indirect_dma semaphore(%arg14 : memref<!tpu.dma_semaphore, #tpu.memory_space<semaphore_mem>>) src(%dma_wait3A_570 : memref<10240x128xf32, #tpu.memory_space<hbm>>) dst(%arg9 : memref<64x128xf32, #tpu.memory_space<vmem>>)
      %add3A_571 = arith.constant 2 : i32
      %add3A_572 = arith.addi %mul3A_530, %add3A_571 : i32
      %dma_start3A_573 = arith.constant 0 : i32
      %dma_start3A_574 = tpu.memref_slice %arg6[%add3A_572, %dma_start3A_573] : memref<40x64xi32, #tpu.memory_space<vmem>> -> memref<1x64xi32, #tpu.memory_space<vmem>>
      %dma_start3A_575 = tpu.memref_squeeze %dma_start3A_574 : memref<1x64xi32, #tpu.memory_space<vmem>> -> memref<64xi32, #tpu.memory_space<vmem>>
      %dma_start3A_576 = arith.constant 0 : i32
      %dma_start3A_577 = arith.constant 0 : i32
      %dma_start3A_578 = tpu.memref_slice %arg11[%dma_start3A_576, %dma_start3A_577] : memref<10240x128xf32, #tpu.memory_space<vmem_shared>> -> memref<10240x128xf32, #tpu.memory_space<vmem_shared>>
      tpu.enqueue_indirect_dma source(%arg9 : memref<64x128xf32, #tpu.memory_space<vmem>>) target(%dma_start3A_578 : memref<10240x128xf32, #tpu.memory_space<vmem_shared>>) offsets(%dma_start3A_575 : memref<64xi32, #tpu.memory_space<vmem>>) semaphore(%arg18 : memref<!tpu.dma_semaphore, #tpu.memory_space<semaphore_mem>>) {add = true}
      %add3A_579 = arith.constant 3 : i32
      %add3A_580 = arith.addi %mul3A_530, %add3A_579 : i32
      %dma_wait3A_581 = arith.constant 0 : i32
      %dma_wait3A_582 = tpu.memref_slice %arg5[%add3A_580, %dma_wait3A_581] : memref<40x64xi32, #tpu.memory_space<vmem>> -> memref<1x64xi32, #tpu.memory_space<vmem>>
      %dma_wait3A_583 = tpu.memref_squeeze %dma_wait3A_582 : memref<1x64xi32, #tpu.memory_space<vmem>> -> memref<64xi32, #tpu.memory_space<vmem>>
      %dma_wait3A_584 = arith.constant 0 : i32
      %dma_wait3A_585 = arith.constant 0 : i32
      %dma_wait3A_586 = tpu.memref_slice %arg3[%dma_wait3A_584, %dma_wait3A_585] : memref<10240x128xf32, #tpu.memory_space<hbm>> -> memref<10240x128xf32, #tpu.memory_space<hbm>>
      tpu.wait_indirect_dma semaphore(%arg15 : memref<!tpu.dma_semaphore, #tpu.memory_space<semaphore_mem>>) src(%dma_wait3A_586 : memref<10240x128xf32, #tpu.memory_space<hbm>>) dst(%arg10 : memref<64x128xf32, #tpu.memory_space<vmem>>)
      %add3A_587 = arith.constant 3 : i32
      %add3A_588 = arith.addi %mul3A_530, %add3A_587 : i32
      %dma_start3A_589 = arith.constant 0 : i32
      %dma_start3A_590 = tpu.memref_slice %arg6[%add3A_588, %dma_start3A_589] : memref<40x64xi32, #tpu.memory_space<vmem>> -> memref<1x64xi32, #tpu.memory_space<vmem>>
      %dma_start3A_591 = tpu.memref_squeeze %dma_start3A_590 : memref<1x64xi32, #tpu.memory_space<vmem>> -> memref<64xi32, #tpu.memory_space<vmem>>
      %dma_start3A_592 = arith.constant 0 : i32
      %dma_start3A_593 = arith.constant 0 : i32
      %dma_start3A_594 = tpu.memref_slice %arg11[%dma_start3A_592, %dma_start3A_593] : memref<10240x128xf32, #tpu.memory_space<vmem_shared>> -> memref<10240x128xf32, #tpu.memory_space<vmem_shared>>
      tpu.enqueue_indirect_dma source(%arg10 : memref<64x128xf32, #tpu.memory_space<vmem>>) target(%dma_start3A_594 : memref<10240x128xf32, #tpu.memory_space<vmem_shared>>) offsets(%dma_start3A_591 : memref<64xi32, #tpu.memory_space<vmem>>) semaphore(%arg19 : memref<!tpu.dma_semaphore, #tpu.memory_space<semaphore_mem>>) {add = true}
      %dma_wait3A_595 = arith.constant 0 : i32
      %dma_wait3A_596 = tpu.memref_slice %arg6[%add3A_540, %dma_wait3A_595] : memref<40x64xi32, #tpu.memory_space<vmem>> -> memref<1x64xi32, #tpu.memory_space<vmem>>
      %dma_wait3A_597 = tpu.memref_squeeze %dma_wait3A_596 : memref<1x64xi32, #tpu.memory_space<vmem>> -> memref<64xi32, #tpu.memory_space<vmem>>
      %dma_wait3A_598 = arith.constant 0 : i32
      %dma_wait3A_599 = arith.constant 0 : i32
      %dma_wait3A_600 = tpu.memref_slice %arg11[%dma_wait3A_598, %dma_wait3A_599] : memref<10240x128xf32, #tpu.memory_space<vmem_shared>> -> memref<10240x128xf32, #tpu.memory_space<vmem_shared>>
      tpu.wait_indirect_dma semaphore(%arg16 : memref<!tpu.dma_semaphore, #tpu.memory_space<semaphore_mem>>) src(%arg7 : memref<64x128xf32, #tpu.memory_space<vmem>>) dst(%dma_wait3A_600 : memref<10240x128xf32, #tpu.memory_space<vmem_shared>>)
      %add3A_601 = arith.constant 4 : i32
      %add3A_602 = arith.addi %mul3A_530, %add3A_601 : i32
      %add3A_603 = arith.constant 0 : i32
      %add3A_604 = arith.addi %add3A_602, %add3A_603 : i32
      %dma_start3A_605 = arith.constant 0 : i32
      %dma_start3A_606 = tpu.memref_slice %arg5[%add3A_604, %dma_start3A_605] : memref<40x64xi32, #tpu.memory_space<vmem>> -> memref<1x64xi32, #tpu.memory_space<vmem>>
      %dma_start3A_607 = tpu.memref_squeeze %dma_start3A_606 : memref<1x64xi32, #tpu.memory_space<vmem>> -> memref<64xi32, #tpu.memory_space<vmem>>
      %dma_start3A_608 = arith.constant 0 : i32
      %dma_start3A_609 = arith.constant 0 : i32
      %dma_start3A_610 = tpu.memref_slice %arg3[%dma_start3A_608, %dma_start3A_609] : memref<10240x128xf32, #tpu.memory_space<hbm>> -> memref<10240x128xf32, #tpu.memory_space<hbm>>
      tpu.enqueue_indirect_dma source(%dma_start3A_610 : memref<10240x128xf32, #tpu.memory_space<hbm>>) target(%arg7 : memref<64x128xf32, #tpu.memory_space<vmem>>) offsets(%dma_start3A_607 : memref<64xi32, #tpu.memory_space<vmem>>) semaphore(%arg12 : memref<!tpu.dma_semaphore, #tpu.memory_space<semaphore_mem>>)
      %dma_wait3A_611 = arith.constant 0 : i32
      %dma_wait3A_612 = tpu.memref_slice %arg6[%add3A_556, %dma_wait3A_611] : memref<40x64xi32, #tpu.memory_space<vmem>> -> memref<1x64xi32, #tpu.memory_space<vmem>>
      %dma_wait3A_613 = tpu.memref_squeeze %dma_wait3A_612 : memref<1x64xi32, #tpu.memory_space<vmem>> -> memref<64xi32, #tpu.memory_space<vmem>>
      %dma_wait3A_614 = arith.constant 0 : i32
      %dma_wait3A_615 = arith.constant 0 : i32
      %dma_wait3A_616 = tpu.memref_slice %arg11[%dma_wait3A_614, %dma_wait3A_615] : memref<10240x128xf32, #tpu.memory_space<vmem_shared>> -> memref<10240x128xf32, #tpu.memory_space<vmem_shared>>
      tpu.wait_indirect_dma semaphore(%arg17 : memref<!tpu.dma_semaphore, #tpu.memory_space<semaphore_mem>>) src(%arg8 : memref<64x128xf32, #tpu.memory_space<vmem>>) dst(%dma_wait3A_616 : memref<10240x128xf32, #tpu.memory_space<vmem_shared>>)
      %add3A_617 = arith.constant 4 : i32
      %add3A_618 = arith.addi %mul3A_530, %add3A_617 : i32
      %add3A_619 = arith.constant 1 : i32
      %add3A_620 = arith.addi %add3A_618, %add3A_619 : i32
      %dma_start3A_621 = arith.constant 0 : i32
      %dma_start3A_622 = tpu.memref_slice %arg5[%add3A_620, %dma_start3A_621] : memref<40x64xi32, #tpu.memory_space<vmem>> -> memref<1x64xi32, #tpu.memory_space<vmem>>
      %dma_start3A_623 = tpu.memref_squeeze %dma_start3A_622 : memref<1x64xi32, #tpu.memory_space<vmem>> -> memref<64xi32, #tpu.memory_space<vmem>>
      %dma_start3A_624 = arith.constant 0 : i32
      %dma_start3A_625 = arith.constant 0 : i32
      %dma_start3A_626 = tpu.memref_slice %arg3[%dma_start3A_624, %dma_start3A_625] : memref<10240x128xf32, #tpu.memory_space<hbm>> -> memref<10240x128xf32, #tpu.memory_space<hbm>>
      tpu.enqueue_indirect_dma source(%dma_start3A_626 : memref<10240x128xf32, #tpu.memory_space<hbm>>) target(%arg8 : memref<64x128xf32, #tpu.memory_space<vmem>>) offsets(%dma_start3A_623 : memref<64xi32, #tpu.memory_space<vmem>>) semaphore(%arg13 : memref<!tpu.dma_semaphore, #tpu.memory_space<semaphore_mem>>)
      %dma_wait3A_627 = arith.constant 0 : i32
      %dma_wait3A_628 = tpu.memref_slice %arg6[%add3A_572, %dma_wait3A_627] : memref<40x64xi32, #tpu.memory_space<vmem>> -> memref<1x64xi32, #tpu.memory_space<vmem>>
      %dma_wait3A_629 = tpu.memref_squeeze %dma_wait3A_628 : memref<1x64xi32, #tpu.memory_space<vmem>> -> memref<64xi32, #tpu.memory_space<vmem>>
      %dma_wait3A_630 = arith.constant 0 : i32
      %dma_wait3A_631 = arith.constant 0 : i32
      %dma_wait3A_632 = tpu.memref_slice %arg11[%dma_wait3A_630, %dma_wait3A_631] : memref<10240x128xf32, #tpu.memory_space<vmem_shared>> -> memref<10240x128xf32, #tpu.memory_space<vmem_shared>>
      tpu.wait_indirect_dma semaphore(%arg18 : memref<!tpu.dma_semaphore, #tpu.memory_space<semaphore_mem>>) src(%arg9 : memref<64x128xf32, #tpu.memory_space<vmem>>) dst(%dma_wait3A_632 : memref<10240x128xf32, #tpu.memory_space<vmem_shared>>)
      %add3A_633 = arith.constant 4 : i32
      %add3A_634 = arith.addi %mul3A_530, %add3A_633 : i32
      %add3A_635 = arith.constant 2 : i32
      %add3A_636 = arith.addi %add3A_634, %add3A_635 : i32
      %dma_start3A_637 = arith.constant 0 : i32
      %dma_start3A_638 = tpu.memref_slice %arg5[%add3A_636, %dma_start3A_637] : memref<40x64xi32, #tpu.memory_space<vmem>> -> memref<1x64xi32, #tpu.memory_space<vmem>>
      %dma_start3A_639 = tpu.memref_squeeze %dma_start3A_638 : memref<1x64xi32, #tpu.memory_space<vmem>> -> memref<64xi32, #tpu.memory_space<vmem>>
      %dma_start3A_640 = arith.constant 0 : i32
      %dma_start3A_641 = arith.constant 0 : i32
      %dma_start3A_642 = tpu.memref_slice %arg3[%dma_start3A_640, %dma_start3A_641] : memref<10240x128xf32, #tpu.memory_space<hbm>> -> memref<10240x128xf32, #tpu.memory_space<hbm>>
      tpu.enqueue_indirect_dma source(%dma_start3A_642 : memref<10240x128xf32, #tpu.memory_space<hbm>>) target(%arg9 : memref<64x128xf32, #tpu.memory_space<vmem>>) offsets(%dma_start3A_639 : memref<64xi32, #tpu.memory_space<vmem>>) semaphore(%arg14 : memref<!tpu.dma_semaphore, #tpu.memory_space<semaphore_mem>>)
      %dma_wait3A_643 = arith.constant 0 : i32
      %dma_wait3A_644 = tpu.memref_slice %arg6[%add3A_588, %dma_wait3A_643] : memref<40x64xi32, #tpu.memory_space<vmem>> -> memref<1x64xi32, #tpu.memory_space<vmem>>
      %dma_wait3A_645 = tpu.memref_squeeze %dma_wait3A_644 : memref<1x64xi32, #tpu.memory_space<vmem>> -> memref<64xi32, #tpu.memory_space<vmem>>
      %dma_wait3A_646 = arith.constant 0 : i32
      %dma_wait3A_647 = arith.constant 0 : i32
      %dma_wait3A_648 = tpu.memref_slice %arg11[%dma_wait3A_646, %dma_wait3A_647] : memref<10240x128xf32, #tpu.memory_space<vmem_shared>> -> memref<10240x128xf32, #tpu.memory_space<vmem_shared>>
      tpu.wait_indirect_dma semaphore(%arg19 : memref<!tpu.dma_semaphore, #tpu.memory_space<semaphore_mem>>) src(%arg10 : memref<64x128xf32, #tpu.memory_space<vmem>>) dst(%dma_wait3A_648 : memref<10240x128xf32, #tpu.memory_space<vmem_shared>>)
      %add3A_649 = arith.constant 4 : i32
      %add3A_650 = arith.addi %mul3A_530, %add3A_649 : i32
      %add3A_651 = arith.constant 3 : i32
      %add3A_652 = arith.addi %add3A_650, %add3A_651 : i32
      %dma_start3A_653 = arith.constant 0 : i32
      %dma_start3A_654 = tpu.memref_slice %arg5[%add3A_652, %dma_start3A_653] : memref<40x64xi32, #tpu.memory_space<vmem>> -> memref<1x64xi32, #tpu.memory_space<vmem>>
      %dma_start3A_655 = tpu.memref_squeeze %dma_start3A_654 : memref<1x64xi32, #tpu.memory_space<vmem>> -> memref<64xi32, #tpu.memory_space<vmem>>
      %dma_start3A_656 = arith.constant 0 : i32
      %dma_start3A_657 = arith.constant 0 : i32
      %dma_start3A_658 = tpu.memref_slice %arg3[%dma_start3A_656, %dma_start3A_657] : memref<10240x128xf32, #tpu.memory_space<hbm>> -> memref<10240x128xf32, #tpu.memory_space<hbm>>
      tpu.enqueue_indirect_dma source(%dma_start3A_658 : memref<10240x128xf32, #tpu.memory_space<hbm>>) target(%arg10 : memref<64x128xf32, #tpu.memory_space<vmem>>) offsets(%dma_start3A_655 : memref<64xi32, #tpu.memory_space<vmem>>) semaphore(%arg15 : memref<!tpu.dma_semaphore, #tpu.memory_space<semaphore_mem>>)
    }
    %scan3A_315 = arith.constant 9 : i32
    %dma_wait3A_316 = arith.constant 36 : i32
    %dma_wait3A_317 = arith.constant 0 : i32
    %dma_wait3A_318 = tpu.memref_slice %arg5[%dma_wait3A_316, %dma_wait3A_317] : memref<40x64xi32, #tpu.memory_space<vmem>> -> memref<1x64xi32, #tpu.memory_space<vmem>>
    %dma_wait3A_319 = tpu.memref_squeeze %dma_wait3A_318 : memref<1x64xi32, #tpu.memory_space<vmem>> -> memref<64xi32, #tpu.memory_space<vmem>>
    %dma_wait3A_320 = arith.constant 0 : i32
    %dma_wait3A_321 = arith.constant 0 : i32
    %dma_wait3A_322 = tpu.memref_slice %arg3[%dma_wait3A_320, %dma_wait3A_321] : memref<10240x128xf32, #tpu.memory_space<hbm>> -> memref<10240x128xf32, #tpu.memory_space<hbm>>
    tpu.wait_indirect_dma semaphore(%arg12 : memref<!tpu.dma_semaphore, #tpu.memory_space<semaphore_mem>>) src(%dma_wait3A_322 : memref<10240x128xf32, #tpu.memory_space<hbm>>) dst(%arg7 : memref<64x128xf32, #tpu.memory_space<vmem>>)
    %dma_start3A_323 = arith.constant 36 : i32
    %dma_start3A_324 = arith.constant 0 : i32
    %dma_start3A_325 = tpu.memref_slice %arg6[%dma_start3A_323, %dma_start3A_324] : memref<40x64xi32, #tpu.memory_space<vmem>> -> memref<1x64xi32, #tpu.memory_space<vmem>>
    %dma_start3A_326 = tpu.memref_squeeze %dma_start3A_325 : memref<1x64xi32, #tpu.memory_space<vmem>> -> memref<64xi32, #tpu.memory_space<vmem>>
    %dma_start3A_327 = arith.constant 0 : i32
    %dma_start3A_328 = arith.constant 0 : i32
    %dma_start3A_329 = tpu.memref_slice %arg11[%dma_start3A_327, %dma_start3A_328] : memref<10240x128xf32, #tpu.memory_space<vmem_shared>> -> memref<10240x128xf32, #tpu.memory_space<vmem_shared>>
    tpu.enqueue_indirect_dma source(%arg7 : memref<64x128xf32, #tpu.memory_space<vmem>>) target(%dma_start3A_329 : memref<10240x128xf32, #tpu.memory_space<vmem_shared>>) offsets(%dma_start3A_326 : memref<64xi32, #tpu.memory_space<vmem>>) semaphore(%arg16 : memref<!tpu.dma_semaphore, #tpu.memory_space<semaphore_mem>>) {add = true}
    %dma_wait3A_330 = arith.constant 37 : i32
    %dma_wait3A_331 = arith.constant 0 : i32
    %dma_wait3A_332 = tpu.memref_slice %arg5[%dma_wait3A_330, %dma_wait3A_331] : memref<40x64xi32, #tpu.memory_space<vmem>> -> memref<1x64xi32, #tpu.memory_space<vmem>>
    %dma_wait3A_333 = tpu.memref_squeeze %dma_wait3A_332 : memref<1x64xi32, #tpu.memory_space<vmem>> -> memref<64xi32, #tpu.memory_space<vmem>>
    %dma_wait3A_334 = arith.constant 0 : i32
    %dma_wait3A_335 = arith.constant 0 : i32
    %dma_wait3A_336 = tpu.memref_slice %arg3[%dma_wait3A_334, %dma_wait3A_335] : memref<10240x128xf32, #tpu.memory_space<hbm>> -> memref<10240x128xf32, #tpu.memory_space<hbm>>
    tpu.wait_indirect_dma semaphore(%arg13 : memref<!tpu.dma_semaphore, #tpu.memory_space<semaphore_mem>>) src(%dma_wait3A_336 : memref<10240x128xf32, #tpu.memory_space<hbm>>) dst(%arg8 : memref<64x128xf32, #tpu.memory_space<vmem>>)
    %dma_start3A_337 = arith.constant 37 : i32
    %dma_start3A_338 = arith.constant 0 : i32
    %dma_start3A_339 = tpu.memref_slice %arg6[%dma_start3A_337, %dma_start3A_338] : memref<40x64xi32, #tpu.memory_space<vmem>> -> memref<1x64xi32, #tpu.memory_space<vmem>>
    %dma_start3A_340 = tpu.memref_squeeze %dma_start3A_339 : memref<1x64xi32, #tpu.memory_space<vmem>> -> memref<64xi32, #tpu.memory_space<vmem>>
    %dma_start3A_341 = arith.constant 0 : i32
    %dma_start3A_342 = arith.constant 0 : i32
    %dma_start3A_343 = tpu.memref_slice %arg11[%dma_start3A_341, %dma_start3A_342] : memref<10240x128xf32, #tpu.memory_space<vmem_shared>> -> memref<10240x128xf32, #tpu.memory_space<vmem_shared>>
    tpu.enqueue_indirect_dma source(%arg8 : memref<64x128xf32, #tpu.memory_space<vmem>>) target(%dma_start3A_343 : memref<10240x128xf32, #tpu.memory_space<vmem_shared>>) offsets(%dma_start3A_340 : memref<64xi32, #tpu.memory_space<vmem>>) semaphore(%arg17 : memref<!tpu.dma_semaphore, #tpu.memory_space<semaphore_mem>>) {add = true}
    %dma_wait3A_344 = arith.constant 38 : i32
    %dma_wait3A_345 = arith.constant 0 : i32
    %dma_wait3A_346 = tpu.memref_slice %arg5[%dma_wait3A_344, %dma_wait3A_345] : memref<40x64xi32, #tpu.memory_space<vmem>> -> memref<1x64xi32, #tpu.memory_space<vmem>>
    %dma_wait3A_347 = tpu.memref_squeeze %dma_wait3A_346 : memref<1x64xi32, #tpu.memory_space<vmem>> -> memref<64xi32, #tpu.memory_space<vmem>>
    %dma_wait3A_348 = arith.constant 0 : i32
    %dma_wait3A_349 = arith.constant 0 : i32
    %dma_wait3A_350 = tpu.memref_slice %arg3[%dma_wait3A_348, %dma_wait3A_349] : memref<10240x128xf32, #tpu.memory_space<hbm>> -> memref<10240x128xf32, #tpu.memory_space<hbm>>
    tpu.wait_indirect_dma semaphore(%arg14 : memref<!tpu.dma_semaphore, #tpu.memory_space<semaphore_mem>>) src(%dma_wait3A_350 : memref<10240x128xf32, #tpu.memory_space<hbm>>) dst(%arg9 : memref<64x128xf32, #tpu.memory_space<vmem>>)
    %dma_start3A_351 = arith.constant 38 : i32
    %dma_start3A_352 = arith.constant 0 : i32
    %dma_start3A_353 = tpu.memref_slice %arg6[%dma_start3A_351, %dma_start3A_352] : memref<40x64xi32, #tpu.memory_space<vmem>> -> memref<1x64xi32, #tpu.memory_space<vmem>>
    %dma_start3A_354 = tpu.memref_squeeze %dma_start3A_353 : memref<1x64xi32, #tpu.memory_space<vmem>> -> memref<64xi32, #tpu.memory_space<vmem>>
    %dma_start3A_355 = arith.constant 0 : i32
    %dma_start3A_356 = arith.constant 0 : i32
    %dma_start3A_357 = tpu.memref_slice %arg11[%dma_start3A_355, %dma_start3A_356] : memref<10240x128xf32, #tpu.memory_space<vmem_shared>> -> memref<10240x128xf32, #tpu.memory_space<vmem_shared>>
    tpu.enqueue_indirect_dma source(%arg9 : memref<64x128xf32, #tpu.memory_space<vmem>>) target(%dma_start3A_357 : memref<10240x128xf32, #tpu.memory_space<vmem_shared>>) offsets(%dma_start3A_354 : memref<64xi32, #tpu.memory_space<vmem>>) semaphore(%arg18 : memref<!tpu.dma_semaphore, #tpu.memory_space<semaphore_mem>>) {add = true}
    %dma_wait3A_358 = arith.constant 39 : i32
    %dma_wait3A_359 = arith.constant 0 : i32
    %dma_wait3A_360 = tpu.memref_slice %arg5[%dma_wait3A_358, %dma_wait3A_359] : memref<40x64xi32, #tpu.memory_space<vmem>> -> memref<1x64xi32, #tpu.memory_space<vmem>>
    %dma_wait3A_361 = tpu.memref_squeeze %dma_wait3A_360 : memref<1x64xi32, #tpu.memory_space<vmem>> -> memref<64xi32, #tpu.memory_space<vmem>>
    %dma_wait3A_362 = arith.constant 0 : i32
    %dma_wait3A_363 = arith.constant 0 : i32
    %dma_wait3A_364 = tpu.memref_slice %arg3[%dma_wait3A_362, %dma_wait3A_363] : memref<10240x128xf32, #tpu.memory_space<hbm>> -> memref<10240x128xf32, #tpu.memory_space<hbm>>
    tpu.wait_indirect_dma semaphore(%arg15 : memref<!tpu.dma_semaphore, #tpu.memory_space<semaphore_mem>>) src(%dma_wait3A_364 : memref<10240x128xf32, #tpu.memory_space<hbm>>) dst(%arg10 : memref<64x128xf32, #tpu.memory_space<vmem>>)
    %dma_start3A_365 = arith.constant 39 : i32
    %dma_start3A_366 = arith.constant 0 : i32
    %dma_start3A_367 = tpu.memref_slice %arg6[%dma_start3A_365, %dma_start3A_366] : memref<40x64xi32, #tpu.memory_space<vmem>> -> memref<1x64xi32, #tpu.memory_space<vmem>>
    %dma_start3A_368 = tpu.memref_squeeze %dma_start3A_367 : memref<1x64xi32, #tpu.memory_space<vmem>> -> memref<64xi32, #tpu.memory_space<vmem>>
    %dma_start3A_369 = arith.constant 0 : i32
    %dma_start3A_370 = arith.constant 0 : i32
    %dma_start3A_371 = tpu.memref_slice %arg11[%dma_start3A_369, %dma_start3A_370] : memref<10240x128xf32, #tpu.memory_space<vmem_shared>> -> memref<10240x128xf32, #tpu.memory_space<vmem_shared>>
    tpu.enqueue_indirect_dma source(%arg10 : memref<64x128xf32, #tpu.memory_space<vmem>>) target(%dma_start3A_371 : memref<10240x128xf32, #tpu.memory_space<vmem_shared>>) offsets(%dma_start3A_368 : memref<64xi32, #tpu.memory_space<vmem>>) semaphore(%arg19 : memref<!tpu.dma_semaphore, #tpu.memory_space<semaphore_mem>>) {add = true}
    %dma_wait3A_372 = arith.constant 36 : i32
    %dma_wait3A_373 = arith.constant 0 : i32
    %dma_wait3A_374 = tpu.memref_slice %arg6[%dma_wait3A_372, %dma_wait3A_373] : memref<40x64xi32, #tpu.memory_space<vmem>> -> memref<1x64xi32, #tpu.memory_space<vmem>>
    %dma_wait3A_375 = tpu.memref_squeeze %dma_wait3A_374 : memref<1x64xi32, #tpu.memory_space<vmem>> -> memref<64xi32, #tpu.memory_space<vmem>>
    %dma_wait3A_376 = arith.constant 0 : i32
    %dma_wait3A_377 = arith.constant 0 : i32
    %dma_wait3A_378 = tpu.memref_slice %arg11[%dma_wait3A_376, %dma_wait3A_377] : memref<10240x128xf32, #tpu.memory_space<vmem_shared>> -> memref<10240x128xf32, #tpu.memory_space<vmem_shared>>
    tpu.wait_indirect_dma semaphore(%arg16 : memref<!tpu.dma_semaphore, #tpu.memory_space<semaphore_mem>>) src(%arg7 : memref<64x128xf32, #tpu.memory_space<vmem>>) dst(%dma_wait3A_378 : memref<10240x128xf32, #tpu.memory_space<vmem_shared>>)
    %dma_wait3A_379 = arith.constant 37 : i32
    %dma_wait3A_380 = arith.constant 0 : i32
    %dma_wait3A_381 = tpu.memref_slice %arg6[%dma_wait3A_379, %dma_wait3A_380] : memref<40x64xi32, #tpu.memory_space<vmem>> -> memref<1x64xi32, #tpu.memory_space<vmem>>
    %dma_wait3A_382 = tpu.memref_squeeze %dma_wait3A_381 : memref<1x64xi32, #tpu.memory_space<vmem>> -> memref<64xi32, #tpu.memory_space<vmem>>
    %dma_wait3A_383 = arith.constant 0 : i32
    %dma_wait3A_384 = arith.constant 0 : i32
    %dma_wait3A_385 = tpu.memref_slice %arg11[%dma_wait3A_383, %dma_wait3A_384] : memref<10240x128xf32, #tpu.memory_space<vmem_shared>> -> memref<10240x128xf32, #tpu.memory_space<vmem_shared>>
    tpu.wait_indirect_dma semaphore(%arg17 : memref<!tpu.dma_semaphore, #tpu.memory_space<semaphore_mem>>) src(%arg8 : memref<64x128xf32, #tpu.memory_space<vmem>>) dst(%dma_wait3A_385 : memref<10240x128xf32, #tpu.memory_space<vmem_shared>>)
    %dma_wait3A_386 = arith.constant 38 : i32
    %dma_wait3A_387 = arith.constant 0 : i32
    %dma_wait3A_388 = tpu.memref_slice %arg6[%dma_wait3A_386, %dma_wait3A_387] : memref<40x64xi32, #tpu.memory_space<vmem>> -> memref<1x64xi32, #tpu.memory_space<vmem>>
    %dma_wait3A_389 = tpu.memref_squeeze %dma_wait3A_388 : memref<1x64xi32, #tpu.memory_space<vmem>> -> memref<64xi32, #tpu.memory_space<vmem>>
    %dma_wait3A_390 = arith.constant 0 : i32
    %dma_wait3A_391 = arith.constant 0 : i32
    %dma_wait3A_392 = tpu.memref_slice %arg11[%dma_wait3A_390, %dma_wait3A_391] : memref<10240x128xf32, #tpu.memory_space<vmem_shared>> -> memref<10240x128xf32, #tpu.memory_space<vmem_shared>>
    tpu.wait_indirect_dma semaphore(%arg18 : memref<!tpu.dma_semaphore, #tpu.memory_space<semaphore_mem>>) src(%arg9 : memref<64x128xf32, #tpu.memory_space<vmem>>) dst(%dma_wait3A_392 : memref<10240x128xf32, #tpu.memory_space<vmem_shared>>)
    %dma_wait3A_393 = arith.constant 39 : i32
    %dma_wait3A_394 = arith.constant 0 : i32
    %dma_wait3A_395 = tpu.memref_slice %arg6[%dma_wait3A_393, %dma_wait3A_394] : memref<40x64xi32, #tpu.memory_space<vmem>> -> memref<1x64xi32, #tpu.memory_space<vmem>>
    %dma_wait3A_396 = tpu.memref_squeeze %dma_wait3A_395 : memref<1x64xi32, #tpu.memory_space<vmem>> -> memref<64xi32, #tpu.memory_space<vmem>>
    %dma_wait3A_397 = arith.constant 0 : i32
    %dma_wait3A_398 = arith.constant 0 : i32
    %dma_wait3A_399 = tpu.memref_slice %arg11[%dma_wait3A_397, %dma_wait3A_398] : memref<10240x128xf32, #tpu.memory_space<vmem_shared>> -> memref<10240x128xf32, #tpu.memory_space<vmem_shared>>
    tpu.wait_indirect_dma semaphore(%arg19 : memref<!tpu.dma_semaphore, #tpu.memory_space<semaphore_mem>>) src(%arg10 : memref<64x128xf32, #tpu.memory_space<vmem>>) dst(%dma_wait3A_399 : memref<10240x128xf32, #tpu.memory_space<vmem_shared>>)
    %run_scoped3A_400 = arith.constant 0 : i32
    "tpu.region"() ({
      %run_scoped3A_524 = tpu.sem_alloc : memref<!tpu.dma_semaphore, #tpu.memory_space<semaphore_mem>>
      %dma_start3A_525 = arith.constant 120 : i32
      %dma_start3A_526 = arith.constant 0 : i32
      %dma_start3A_527 = tpu.memref_slice %arg2[%run_scoped3A_400, %add3A, %dma_start3A_525, %dma_start3A_526] : memref<2x32x160x64xi32, #tpu.memory_space<hbm>> -> memref<1x1x40x64xi32, #tpu.memory_space<hbm>>
      %dma_start3A_528 = tpu.memref_squeeze %dma_start3A_527 : memref<1x1x40x64xi32, #tpu.memory_space<hbm>> -> memref<40x64xi32, #tpu.memory_space<hbm>>
      %dma_start3A_529 = arith.constant 120 : i32
      %dma_start3A_530 = arith.constant 0 : i32
      %dma_start3A_531 = tpu.memref_slice %arg2[%run_scoped3A_400, %add3A, %dma_start3A_529, %dma_start3A_530] : memref<2x32x160x64xi32, #tpu.memory_space<hbm>> -> memref<1x1x40x64xi32, #tpu.memory_space<hbm>>
      %dma_start3A_532 = tpu.memref_squeeze %dma_start3A_531 : memref<1x1x40x64xi32, #tpu.memory_space<hbm>> -> memref<40x64xi32, #tpu.memory_space<hbm>>
      tpu.enqueue_dma source(%dma_start3A_532 : memref<40x64xi32, #tpu.memory_space<hbm>>) target(%arg5 : memref<40x64xi32, #tpu.memory_space<vmem>>) target_semaphore(%run_scoped3A_524 : memref<!tpu.dma_semaphore, #tpu.memory_space<semaphore_mem>>)
      %dma_wait3A_533 = arith.constant 120 : i32
      %dma_wait3A_534 = arith.constant 0 : i32
      %dma_wait3A_535 = tpu.memref_slice %arg2[%run_scoped3A_400, %add3A, %dma_wait3A_533, %dma_wait3A_534] : memref<2x32x160x64xi32, #tpu.memory_space<hbm>> -> memref<1x1x40x64xi32, #tpu.memory_space<hbm>>
      %dma_wait3A_536 = tpu.memref_squeeze %dma_wait3A_535 : memref<1x1x40x64xi32, #tpu.memory_space<hbm>> -> memref<40x64xi32, #tpu.memory_space<hbm>>
      %dma_wait3A_537 = arith.constant 120 : i32
      %dma_wait3A_538 = arith.constant 0 : i32
      %dma_wait3A_539 = tpu.memref_slice %arg2[%run_scoped3A_400, %add3A, %dma_wait3A_537, %dma_wait3A_538] : memref<2x32x160x64xi32, #tpu.memory_space<hbm>> -> memref<1x1x40x64xi32, #tpu.memory_space<hbm>>
      %dma_wait3A_540 = tpu.memref_squeeze %dma_wait3A_539 : memref<1x1x40x64xi32, #tpu.memory_space<hbm>> -> memref<40x64xi32, #tpu.memory_space<hbm>>
      tpu.wait_dma2 semaphore(%run_scoped3A_524 : memref<!tpu.dma_semaphore, #tpu.memory_space<semaphore_mem>>) src(%dma_wait3A_540 : memref<40x64xi32, #tpu.memory_space<hbm>>) dst(%arg5 : memref<40x64xi32, #tpu.memory_space<vmem>>)
      tpu.yield
    }) : () -> ()
    %run_scoped3A_401 = arith.constant 1 : i32
    "tpu.region"() ({
      %run_scoped3A_524 = tpu.sem_alloc : memref<!tpu.dma_semaphore, #tpu.memory_space<semaphore_mem>>
      %dma_start3A_525 = arith.constant 120 : i32
      %dma_start3A_526 = arith.constant 0 : i32
      %dma_start3A_527 = tpu.memref_slice %arg2[%run_scoped3A_401, %add3A, %dma_start3A_525, %dma_start3A_526] : memref<2x32x160x64xi32, #tpu.memory_space<hbm>> -> memref<1x1x40x64xi32, #tpu.memory_space<hbm>>
      %dma_start3A_528 = tpu.memref_squeeze %dma_start3A_527 : memref<1x1x40x64xi32, #tpu.memory_space<hbm>> -> memref<40x64xi32, #tpu.memory_space<hbm>>
      %dma_start3A_529 = arith.constant 120 : i32
      %dma_start3A_530 = arith.constant 0 : i32
      %dma_start3A_531 = tpu.memref_slice %arg2[%run_scoped3A_401, %add3A, %dma_start3A_529, %dma_start3A_530] : memref<2x32x160x64xi32, #tpu.memory_space<hbm>> -> memref<1x1x40x64xi32, #tpu.memory_space<hbm>>
      %dma_start3A_532 = tpu.memref_squeeze %dma_start3A_531 : memref<1x1x40x64xi32, #tpu.memory_space<hbm>> -> memref<40x64xi32, #tpu.memory_space<hbm>>
      tpu.enqueue_dma source(%dma_start3A_532 : memref<40x64xi32, #tpu.memory_space<hbm>>) target(%arg6 : memref<40x64xi32, #tpu.memory_space<vmem>>) target_semaphore(%run_scoped3A_524 : memref<!tpu.dma_semaphore, #tpu.memory_space<semaphore_mem>>)
      %dma_wait3A_533 = arith.constant 120 : i32
      %dma_wait3A_534 = arith.constant 0 : i32
      %dma_wait3A_535 = tpu.memref_slice %arg2[%run_scoped3A_401, %add3A, %dma_wait3A_533, %dma_wait3A_534] : memref<2x32x160x64xi32, #tpu.memory_space<hbm>> -> memref<1x1x40x64xi32, #tpu.memory_space<hbm>>
      %dma_wait3A_536 = tpu.memref_squeeze %dma_wait3A_535 : memref<1x1x40x64xi32, #tpu.memory_space<hbm>> -> memref<40x64xi32, #tpu.memory_space<hbm>>
      %dma_wait3A_537 = arith.constant 120 : i32
      %dma_wait3A_538 = arith.constant 0 : i32
      %dma_wait3A_539 = tpu.memref_slice %arg2[%run_scoped3A_401, %add3A, %dma_wait3A_537, %dma_wait3A_538] : memref<2x32x160x64xi32, #tpu.memory_space<hbm>> -> memref<1x1x40x64xi32, #tpu.memory_space<hbm>>
      %dma_wait3A_540 = tpu.memref_squeeze %dma_wait3A_539 : memref<1x1x40x64xi32, #tpu.memory_space<hbm>> -> memref<40x64xi32, #tpu.memory_space<hbm>>
      tpu.wait_dma2 semaphore(%run_scoped3A_524 : memref<!tpu.dma_semaphore, #tpu.memory_space<semaphore_mem>>) src(%dma_wait3A_540 : memref<40x64xi32, #tpu.memory_space<hbm>>) dst(%arg6 : memref<40x64xi32, #tpu.memory_space<vmem>>)
      tpu.yield
    }) : () -> ()
    %dma_start3A_402 = arith.constant 0 : i32
    %dma_start3A_403 = arith.constant 0 : i32
    %dma_start3A_404 = tpu.memref_slice %arg5[%dma_start3A_402, %dma_start3A_403] : memref<40x64xi32, #tpu.memory_space<vmem>> -> memref<1x64xi32, #tpu.memory_space<vmem>>
    %dma_start3A_405 = tpu.memref_squeeze %dma_start3A_404 : memref<1x64xi32, #tpu.memory_space<vmem>> -> memref<64xi32, #tpu.memory_space<vmem>>
    %dma_start3A_406 = arith.constant 0 : i32
    %dma_start3A_407 = arith.constant 0 : i32
    %dma_start3A_408 = tpu.memref_slice %arg3[%dma_start3A_406, %dma_start3A_407] : memref<10240x128xf32, #tpu.memory_space<hbm>> -> memref<10240x128xf32, #tpu.memory_space<hbm>>
    tpu.enqueue_indirect_dma source(%dma_start3A_408 : memref<10240x128xf32, #tpu.memory_space<hbm>>) target(%arg7 : memref<64x128xf32, #tpu.memory_space<vmem>>) offsets(%dma_start3A_405 : memref<64xi32, #tpu.memory_space<vmem>>) semaphore(%arg12 : memref<!tpu.dma_semaphore, #tpu.memory_space<semaphore_mem>>)
    %dma_start3A_409 = arith.constant 1 : i32
    %dma_start3A_410 = arith.constant 0 : i32
    %dma_start3A_411 = tpu.memref_slice %arg5[%dma_start3A_409, %dma_start3A_410] : memref<40x64xi32, #tpu.memory_space<vmem>> -> memref<1x64xi32, #tpu.memory_space<vmem>>
    %dma_start3A_412 = tpu.memref_squeeze %dma_start3A_411 : memref<1x64xi32, #tpu.memory_space<vmem>> -> memref<64xi32, #tpu.memory_space<vmem>>
    %dma_start3A_413 = arith.constant 0 : i32
    %dma_start3A_414 = arith.constant 0 : i32
    %dma_start3A_415 = tpu.memref_slice %arg3[%dma_start3A_413, %dma_start3A_414] : memref<10240x128xf32, #tpu.memory_space<hbm>> -> memref<10240x128xf32, #tpu.memory_space<hbm>>
    tpu.enqueue_indirect_dma source(%dma_start3A_415 : memref<10240x128xf32, #tpu.memory_space<hbm>>) target(%arg8 : memref<64x128xf32, #tpu.memory_space<vmem>>) offsets(%dma_start3A_412 : memref<64xi32, #tpu.memory_space<vmem>>) semaphore(%arg13 : memref<!tpu.dma_semaphore, #tpu.memory_space<semaphore_mem>>)
    %dma_start3A_416 = arith.constant 2 : i32
    %dma_start3A_417 = arith.constant 0 : i32
    %dma_start3A_418 = tpu.memref_slice %arg5[%dma_start3A_416, %dma_start3A_417] : memref<40x64xi32, #tpu.memory_space<vmem>> -> memref<1x64xi32, #tpu.memory_space<vmem>>
    %dma_start3A_419 = tpu.memref_squeeze %dma_start3A_418 : memref<1x64xi32, #tpu.memory_space<vmem>> -> memref<64xi32, #tpu.memory_space<vmem>>
    %dma_start3A_420 = arith.constant 0 : i32
    %dma_start3A_421 = arith.constant 0 : i32
    %dma_start3A_422 = tpu.memref_slice %arg3[%dma_start3A_420, %dma_start3A_421] : memref<10240x128xf32, #tpu.memory_space<hbm>> -> memref<10240x128xf32, #tpu.memory_space<hbm>>
    tpu.enqueue_indirect_dma source(%dma_start3A_422 : memref<10240x128xf32, #tpu.memory_space<hbm>>) target(%arg9 : memref<64x128xf32, #tpu.memory_space<vmem>>) offsets(%dma_start3A_419 : memref<64xi32, #tpu.memory_space<vmem>>) semaphore(%arg14 : memref<!tpu.dma_semaphore, #tpu.memory_space<semaphore_mem>>)
    %dma_start3A_423 = arith.constant 3 : i32
    %dma_start3A_424 = arith.constant 0 : i32
    %dma_start3A_425 = tpu.memref_slice %arg5[%dma_start3A_423, %dma_start3A_424] : memref<40x64xi32, #tpu.memory_space<vmem>> -> memref<1x64xi32, #tpu.memory_space<vmem>>
    %dma_start3A_426 = tpu.memref_squeeze %dma_start3A_425 : memref<1x64xi32, #tpu.memory_space<vmem>> -> memref<64xi32, #tpu.memory_space<vmem>>
    %dma_start3A_427 = arith.constant 0 : i32
    %dma_start3A_428 = arith.constant 0 : i32
    %dma_start3A_429 = tpu.memref_slice %arg3[%dma_start3A_427, %dma_start3A_428] : memref<10240x128xf32, #tpu.memory_space<hbm>> -> memref<10240x128xf32, #tpu.memory_space<hbm>>
    tpu.enqueue_indirect_dma source(%dma_start3A_429 : memref<10240x128xf32, #tpu.memory_space<hbm>>) target(%arg10 : memref<64x128xf32, #tpu.memory_space<vmem>>) offsets(%dma_start3A_426 : memref<64xi32, #tpu.memory_space<vmem>>) semaphore(%arg15 : memref<!tpu.dma_semaphore, #tpu.memory_space<semaphore_mem>>)
    %scan3A_430 = arith.constant 0 : i32
    %scan3A_431 = arith.constant 9 : i32
    %scan3A_432 = arith.addi %scan3A_430, %scan3A_431 : i32
    %scan3A_433 = arith.constant 1 : i32
    scf.for %scan3A_524 = %scan3A_430 to %scan3A_432 step %scan3A_433  : i32 {
      %mul3A_525 = arith.constant 1 : i32
      %mul3A_526 = arith.muli %scan3A_524, %mul3A_525 : i32
      %add3A_527 = arith.constant 0 : i32
      %add3A_528 = arith.addi %add3A_527, %mul3A_526 : i32
      %mul3A_529 = arith.constant 4 : i32
      %mul3A_530 = arith.muli %add3A_528, %mul3A_529 : i32
      %add3A_531 = arith.constant 0 : i32
      %add3A_532 = arith.addi %mul3A_530, %add3A_531 : i32
      %dma_wait3A_533 = arith.constant 0 : i32
      %dma_wait3A_534 = tpu.memref_slice %arg5[%add3A_532, %dma_wait3A_533] : memref<40x64xi32, #tpu.memory_space<vmem>> -> memref<1x64xi32, #tpu.memory_space<vmem>>
      %dma_wait3A_535 = tpu.memref_squeeze %dma_wait3A_534 : memref<1x64xi32, #tpu.memory_space<vmem>> -> memref<64xi32, #tpu.memory_space<vmem>>
      %dma_wait3A_536 = arith.constant 0 : i32
      %dma_wait3A_537 = arith.constant 0 : i32
      %dma_wait3A_538 = tpu.memref_slice %arg3[%dma_wait3A_536, %dma_wait3A_537] : memref<10240x128xf32, #tpu.memory_space<hbm>> -> memref<10240x128xf32, #tpu.memory_space<hbm>>
      tpu.wait_indirect_dma semaphore(%arg12 : memref<!tpu.dma_semaphore, #tpu.memory_space<semaphore_mem>>) src(%dma_wait3A_538 : memref<10240x128xf32, #tpu.memory_space<hbm>>) dst(%arg7 : memref<64x128xf32, #tpu.memory_space<vmem>>)
      %add3A_539 = arith.constant 0 : i32
      %add3A_540 = arith.addi %mul3A_530, %add3A_539 : i32
      %dma_start3A_541 = arith.constant 0 : i32
      %dma_start3A_542 = tpu.memref_slice %arg6[%add3A_540, %dma_start3A_541] : memref<40x64xi32, #tpu.memory_space<vmem>> -> memref<1x64xi32, #tpu.memory_space<vmem>>
      %dma_start3A_543 = tpu.memref_squeeze %dma_start3A_542 : memref<1x64xi32, #tpu.memory_space<vmem>> -> memref<64xi32, #tpu.memory_space<vmem>>
      %dma_start3A_544 = arith.constant 0 : i32
      %dma_start3A_545 = arith.constant 0 : i32
      %dma_start3A_546 = tpu.memref_slice %arg11[%dma_start3A_544, %dma_start3A_545] : memref<10240x128xf32, #tpu.memory_space<vmem_shared>> -> memref<10240x128xf32, #tpu.memory_space<vmem_shared>>
      tpu.enqueue_indirect_dma source(%arg7 : memref<64x128xf32, #tpu.memory_space<vmem>>) target(%dma_start3A_546 : memref<10240x128xf32, #tpu.memory_space<vmem_shared>>) offsets(%dma_start3A_543 : memref<64xi32, #tpu.memory_space<vmem>>) semaphore(%arg16 : memref<!tpu.dma_semaphore, #tpu.memory_space<semaphore_mem>>) {add = true}
      %add3A_547 = arith.constant 1 : i32
      %add3A_548 = arith.addi %mul3A_530, %add3A_547 : i32
      %dma_wait3A_549 = arith.constant 0 : i32
      %dma_wait3A_550 = tpu.memref_slice %arg5[%add3A_548, %dma_wait3A_549] : memref<40x64xi32, #tpu.memory_space<vmem>> -> memref<1x64xi32, #tpu.memory_space<vmem>>
      %dma_wait3A_551 = tpu.memref_squeeze %dma_wait3A_550 : memref<1x64xi32, #tpu.memory_space<vmem>> -> memref<64xi32, #tpu.memory_space<vmem>>
      %dma_wait3A_552 = arith.constant 0 : i32
      %dma_wait3A_553 = arith.constant 0 : i32
      %dma_wait3A_554 = tpu.memref_slice %arg3[%dma_wait3A_552, %dma_wait3A_553] : memref<10240x128xf32, #tpu.memory_space<hbm>> -> memref<10240x128xf32, #tpu.memory_space<hbm>>
      tpu.wait_indirect_dma semaphore(%arg13 : memref<!tpu.dma_semaphore, #tpu.memory_space<semaphore_mem>>) src(%dma_wait3A_554 : memref<10240x128xf32, #tpu.memory_space<hbm>>) dst(%arg8 : memref<64x128xf32, #tpu.memory_space<vmem>>)
      %add3A_555 = arith.constant 1 : i32
      %add3A_556 = arith.addi %mul3A_530, %add3A_555 : i32
      %dma_start3A_557 = arith.constant 0 : i32
      %dma_start3A_558 = tpu.memref_slice %arg6[%add3A_556, %dma_start3A_557] : memref<40x64xi32, #tpu.memory_space<vmem>> -> memref<1x64xi32, #tpu.memory_space<vmem>>
      %dma_start3A_559 = tpu.memref_squeeze %dma_start3A_558 : memref<1x64xi32, #tpu.memory_space<vmem>> -> memref<64xi32, #tpu.memory_space<vmem>>
      %dma_start3A_560 = arith.constant 0 : i32
      %dma_start3A_561 = arith.constant 0 : i32
      %dma_start3A_562 = tpu.memref_slice %arg11[%dma_start3A_560, %dma_start3A_561] : memref<10240x128xf32, #tpu.memory_space<vmem_shared>> -> memref<10240x128xf32, #tpu.memory_space<vmem_shared>>
      tpu.enqueue_indirect_dma source(%arg8 : memref<64x128xf32, #tpu.memory_space<vmem>>) target(%dma_start3A_562 : memref<10240x128xf32, #tpu.memory_space<vmem_shared>>) offsets(%dma_start3A_559 : memref<64xi32, #tpu.memory_space<vmem>>) semaphore(%arg17 : memref<!tpu.dma_semaphore, #tpu.memory_space<semaphore_mem>>) {add = true}
      %add3A_563 = arith.constant 2 : i32
      %add3A_564 = arith.addi %mul3A_530, %add3A_563 : i32
      %dma_wait3A_565 = arith.constant 0 : i32
      %dma_wait3A_566 = tpu.memref_slice %arg5[%add3A_564, %dma_wait3A_565] : memref<40x64xi32, #tpu.memory_space<vmem>> -> memref<1x64xi32, #tpu.memory_space<vmem>>
      %dma_wait3A_567 = tpu.memref_squeeze %dma_wait3A_566 : memref<1x64xi32, #tpu.memory_space<vmem>> -> memref<64xi32, #tpu.memory_space<vmem>>
      %dma_wait3A_568 = arith.constant 0 : i32
      %dma_wait3A_569 = arith.constant 0 : i32
      %dma_wait3A_570 = tpu.memref_slice %arg3[%dma_wait3A_568, %dma_wait3A_569] : memref<10240x128xf32, #tpu.memory_space<hbm>> -> memref<10240x128xf32, #tpu.memory_space<hbm>>
      tpu.wait_indirect_dma semaphore(%arg14 : memref<!tpu.dma_semaphore, #tpu.memory_space<semaphore_mem>>) src(%dma_wait3A_570 : memref<10240x128xf32, #tpu.memory_space<hbm>>) dst(%arg9 : memref<64x128xf32, #tpu.memory_space<vmem>>)
      %add3A_571 = arith.constant 2 : i32
      %add3A_572 = arith.addi %mul3A_530, %add3A_571 : i32
      %dma_start3A_573 = arith.constant 0 : i32
      %dma_start3A_574 = tpu.memref_slice %arg6[%add3A_572, %dma_start3A_573] : memref<40x64xi32, #tpu.memory_space<vmem>> -> memref<1x64xi32, #tpu.memory_space<vmem>>
      %dma_start3A_575 = tpu.memref_squeeze %dma_start3A_574 : memref<1x64xi32, #tpu.memory_space<vmem>> -> memref<64xi32, #tpu.memory_space<vmem>>
      %dma_start3A_576 = arith.constant 0 : i32
      %dma_start3A_577 = arith.constant 0 : i32
      %dma_start3A_578 = tpu.memref_slice %arg11[%dma_start3A_576, %dma_start3A_577] : memref<10240x128xf32, #tpu.memory_space<vmem_shared>> -> memref<10240x128xf32, #tpu.memory_space<vmem_shared>>
      tpu.enqueue_indirect_dma source(%arg9 : memref<64x128xf32, #tpu.memory_space<vmem>>) target(%dma_start3A_578 : memref<10240x128xf32, #tpu.memory_space<vmem_shared>>) offsets(%dma_start3A_575 : memref<64xi32, #tpu.memory_space<vmem>>) semaphore(%arg18 : memref<!tpu.dma_semaphore, #tpu.memory_space<semaphore_mem>>) {add = true}
      %add3A_579 = arith.constant 3 : i32
      %add3A_580 = arith.addi %mul3A_530, %add3A_579 : i32
      %dma_wait3A_581 = arith.constant 0 : i32
      %dma_wait3A_582 = tpu.memref_slice %arg5[%add3A_580, %dma_wait3A_581] : memref<40x64xi32, #tpu.memory_space<vmem>> -> memref<1x64xi32, #tpu.memory_space<vmem>>
      %dma_wait3A_583 = tpu.memref_squeeze %dma_wait3A_582 : memref<1x64xi32, #tpu.memory_space<vmem>> -> memref<64xi32, #tpu.memory_space<vmem>>
      %dma_wait3A_584 = arith.constant 0 : i32
      %dma_wait3A_585 = arith.constant 0 : i32
      %dma_wait3A_586 = tpu.memref_slice %arg3[%dma_wait3A_584, %dma_wait3A_585] : memref<10240x128xf32, #tpu.memory_space<hbm>> -> memref<10240x128xf32, #tpu.memory_space<hbm>>
      tpu.wait_indirect_dma semaphore(%arg15 : memref<!tpu.dma_semaphore, #tpu.memory_space<semaphore_mem>>) src(%dma_wait3A_586 : memref<10240x128xf32, #tpu.memory_space<hbm>>) dst(%arg10 : memref<64x128xf32, #tpu.memory_space<vmem>>)
      %add3A_587 = arith.constant 3 : i32
      %add3A_588 = arith.addi %mul3A_530, %add3A_587 : i32
      %dma_start3A_589 = arith.constant 0 : i32
      %dma_start3A_590 = tpu.memref_slice %arg6[%add3A_588, %dma_start3A_589] : memref<40x64xi32, #tpu.memory_space<vmem>> -> memref<1x64xi32, #tpu.memory_space<vmem>>
      %dma_start3A_591 = tpu.memref_squeeze %dma_start3A_590 : memref<1x64xi32, #tpu.memory_space<vmem>> -> memref<64xi32, #tpu.memory_space<vmem>>
      %dma_start3A_592 = arith.constant 0 : i32
      %dma_start3A_593 = arith.constant 0 : i32
      %dma_start3A_594 = tpu.memref_slice %arg11[%dma_start3A_592, %dma_start3A_593] : memref<10240x128xf32, #tpu.memory_space<vmem_shared>> -> memref<10240x128xf32, #tpu.memory_space<vmem_shared>>
      tpu.enqueue_indirect_dma source(%arg10 : memref<64x128xf32, #tpu.memory_space<vmem>>) target(%dma_start3A_594 : memref<10240x128xf32, #tpu.memory_space<vmem_shared>>) offsets(%dma_start3A_591 : memref<64xi32, #tpu.memory_space<vmem>>) semaphore(%arg19 : memref<!tpu.dma_semaphore, #tpu.memory_space<semaphore_mem>>) {add = true}
      %dma_wait3A_595 = arith.constant 0 : i32
      %dma_wait3A_596 = tpu.memref_slice %arg6[%add3A_540, %dma_wait3A_595] : memref<40x64xi32, #tpu.memory_space<vmem>> -> memref<1x64xi32, #tpu.memory_space<vmem>>
      %dma_wait3A_597 = tpu.memref_squeeze %dma_wait3A_596 : memref<1x64xi32, #tpu.memory_space<vmem>> -> memref<64xi32, #tpu.memory_space<vmem>>
      %dma_wait3A_598 = arith.constant 0 : i32
      %dma_wait3A_599 = arith.constant 0 : i32
      %dma_wait3A_600 = tpu.memref_slice %arg11[%dma_wait3A_598, %dma_wait3A_599] : memref<10240x128xf32, #tpu.memory_space<vmem_shared>> -> memref<10240x128xf32, #tpu.memory_space<vmem_shared>>
      tpu.wait_indirect_dma semaphore(%arg16 : memref<!tpu.dma_semaphore, #tpu.memory_space<semaphore_mem>>) src(%arg7 : memref<64x128xf32, #tpu.memory_space<vmem>>) dst(%dma_wait3A_600 : memref<10240x128xf32, #tpu.memory_space<vmem_shared>>)
      %add3A_601 = arith.constant 4 : i32
      %add3A_602 = arith.addi %mul3A_530, %add3A_601 : i32
      %add3A_603 = arith.constant 0 : i32
      %add3A_604 = arith.addi %add3A_602, %add3A_603 : i32
      %dma_start3A_605 = arith.constant 0 : i32
      %dma_start3A_606 = tpu.memref_slice %arg5[%add3A_604, %dma_start3A_605] : memref<40x64xi32, #tpu.memory_space<vmem>> -> memref<1x64xi32, #tpu.memory_space<vmem>>
      %dma_start3A_607 = tpu.memref_squeeze %dma_start3A_606 : memref<1x64xi32, #tpu.memory_space<vmem>> -> memref<64xi32, #tpu.memory_space<vmem>>
      %dma_start3A_608 = arith.constant 0 : i32
      %dma_start3A_609 = arith.constant 0 : i32
      %dma_start3A_610 = tpu.memref_slice %arg3[%dma_start3A_608, %dma_start3A_609] : memref<10240x128xf32, #tpu.memory_space<hbm>> -> memref<10240x128xf32, #tpu.memory_space<hbm>>
      tpu.enqueue_indirect_dma source(%dma_start3A_610 : memref<10240x128xf32, #tpu.memory_space<hbm>>) target(%arg7 : memref<64x128xf32, #tpu.memory_space<vmem>>) offsets(%dma_start3A_607 : memref<64xi32, #tpu.memory_space<vmem>>) semaphore(%arg12 : memref<!tpu.dma_semaphore, #tpu.memory_space<semaphore_mem>>)
      %dma_wait3A_611 = arith.constant 0 : i32
      %dma_wait3A_612 = tpu.memref_slice %arg6[%add3A_556, %dma_wait3A_611] : memref<40x64xi32, #tpu.memory_space<vmem>> -> memref<1x64xi32, #tpu.memory_space<vmem>>
      %dma_wait3A_613 = tpu.memref_squeeze %dma_wait3A_612 : memref<1x64xi32, #tpu.memory_space<vmem>> -> memref<64xi32, #tpu.memory_space<vmem>>
      %dma_wait3A_614 = arith.constant 0 : i32
      %dma_wait3A_615 = arith.constant 0 : i32
      %dma_wait3A_616 = tpu.memref_slice %arg11[%dma_wait3A_614, %dma_wait3A_615] : memref<10240x128xf32, #tpu.memory_space<vmem_shared>> -> memref<10240x128xf32, #tpu.memory_space<vmem_shared>>
      tpu.wait_indirect_dma semaphore(%arg17 : memref<!tpu.dma_semaphore, #tpu.memory_space<semaphore_mem>>) src(%arg8 : memref<64x128xf32, #tpu.memory_space<vmem>>) dst(%dma_wait3A_616 : memref<10240x128xf32, #tpu.memory_space<vmem_shared>>)
      %add3A_617 = arith.constant 4 : i32
      %add3A_618 = arith.addi %mul3A_530, %add3A_617 : i32
      %add3A_619 = arith.constant 1 : i32
      %add3A_620 = arith.addi %add3A_618, %add3A_619 : i32
      %dma_start3A_621 = arith.constant 0 : i32
      %dma_start3A_622 = tpu.memref_slice %arg5[%add3A_620, %dma_start3A_621] : memref<40x64xi32, #tpu.memory_space<vmem>> -> memref<1x64xi32, #tpu.memory_space<vmem>>
      %dma_start3A_623 = tpu.memref_squeeze %dma_start3A_622 : memref<1x64xi32, #tpu.memory_space<vmem>> -> memref<64xi32, #tpu.memory_space<vmem>>
      %dma_start3A_624 = arith.constant 0 : i32
      %dma_start3A_625 = arith.constant 0 : i32
      %dma_start3A_626 = tpu.memref_slice %arg3[%dma_start3A_624, %dma_start3A_625] : memref<10240x128xf32, #tpu.memory_space<hbm>> -> memref<10240x128xf32, #tpu.memory_space<hbm>>
      tpu.enqueue_indirect_dma source(%dma_start3A_626 : memref<10240x128xf32, #tpu.memory_space<hbm>>) target(%arg8 : memref<64x128xf32, #tpu.memory_space<vmem>>) offsets(%dma_start3A_623 : memref<64xi32, #tpu.memory_space<vmem>>) semaphore(%arg13 : memref<!tpu.dma_semaphore, #tpu.memory_space<semaphore_mem>>)
      %dma_wait3A_627 = arith.constant 0 : i32
      %dma_wait3A_628 = tpu.memref_slice %arg6[%add3A_572, %dma_wait3A_627] : memref<40x64xi32, #tpu.memory_space<vmem>> -> memref<1x64xi32, #tpu.memory_space<vmem>>
      %dma_wait3A_629 = tpu.memref_squeeze %dma_wait3A_628 : memref<1x64xi32, #tpu.memory_space<vmem>> -> memref<64xi32, #tpu.memory_space<vmem>>
      %dma_wait3A_630 = arith.constant 0 : i32
      %dma_wait3A_631 = arith.constant 0 : i32
      %dma_wait3A_632 = tpu.memref_slice %arg11[%dma_wait3A_630, %dma_wait3A_631] : memref<10240x128xf32, #tpu.memory_space<vmem_shared>> -> memref<10240x128xf32, #tpu.memory_space<vmem_shared>>
      tpu.wait_indirect_dma semaphore(%arg18 : memref<!tpu.dma_semaphore, #tpu.memory_space<semaphore_mem>>) src(%arg9 : memref<64x128xf32, #tpu.memory_space<vmem>>) dst(%dma_wait3A_632 : memref<10240x128xf32, #tpu.memory_space<vmem_shared>>)
      %add3A_633 = arith.constant 4 : i32
      %add3A_634 = arith.addi %mul3A_530, %add3A_633 : i32
      %add3A_635 = arith.constant 2 : i32
      %add3A_636 = arith.addi %add3A_634, %add3A_635 : i32
      %dma_start3A_637 = arith.constant 0 : i32
      %dma_start3A_638 = tpu.memref_slice %arg5[%add3A_636, %dma_start3A_637] : memref<40x64xi32, #tpu.memory_space<vmem>> -> memref<1x64xi32, #tpu.memory_space<vmem>>
      %dma_start3A_639 = tpu.memref_squeeze %dma_start3A_638 : memref<1x64xi32, #tpu.memory_space<vmem>> -> memref<64xi32, #tpu.memory_space<vmem>>
      %dma_start3A_640 = arith.constant 0 : i32
      %dma_start3A_641 = arith.constant 0 : i32
      %dma_start3A_642 = tpu.memref_slice %arg3[%dma_start3A_640, %dma_start3A_641] : memref<10240x128xf32, #tpu.memory_space<hbm>> -> memref<10240x128xf32, #tpu.memory_space<hbm>>
      tpu.enqueue_indirect_dma source(%dma_start3A_642 : memref<10240x128xf32, #tpu.memory_space<hbm>>) target(%arg9 : memref<64x128xf32, #tpu.memory_space<vmem>>) offsets(%dma_start3A_639 : memref<64xi32, #tpu.memory_space<vmem>>) semaphore(%arg14 : memref<!tpu.dma_semaphore, #tpu.memory_space<semaphore_mem>>)
      %dma_wait3A_643 = arith.constant 0 : i32
      %dma_wait3A_644 = tpu.memref_slice %arg6[%add3A_588, %dma_wait3A_643] : memref<40x64xi32, #tpu.memory_space<vmem>> -> memref<1x64xi32, #tpu.memory_space<vmem>>
      %dma_wait3A_645 = tpu.memref_squeeze %dma_wait3A_644 : memref<1x64xi32, #tpu.memory_space<vmem>> -> memref<64xi32, #tpu.memory_space<vmem>>
      %dma_wait3A_646 = arith.constant 0 : i32
      %dma_wait3A_647 = arith.constant 0 : i32
      %dma_wait3A_648 = tpu.memref_slice %arg11[%dma_wait3A_646, %dma_wait3A_647] : memref<10240x128xf32, #tpu.memory_space<vmem_shared>> -> memref<10240x128xf32, #tpu.memory_space<vmem_shared>>
      tpu.wait_indirect_dma semaphore(%arg19 : memref<!tpu.dma_semaphore, #tpu.memory_space<semaphore_mem>>) src(%arg10 : memref<64x128xf32, #tpu.memory_space<vmem>>) dst(%dma_wait3A_648 : memref<10240x128xf32, #tpu.memory_space<vmem_shared>>)
      %add3A_649 = arith.constant 4 : i32
      %add3A_650 = arith.addi %mul3A_530, %add3A_649 : i32
      %add3A_651 = arith.constant 3 : i32
      %add3A_652 = arith.addi %add3A_650, %add3A_651 : i32
      %dma_start3A_653 = arith.constant 0 : i32
      %dma_start3A_654 = tpu.memref_slice %arg5[%add3A_652, %dma_start3A_653] : memref<40x64xi32, #tpu.memory_space<vmem>> -> memref<1x64xi32, #tpu.memory_space<vmem>>
      %dma_start3A_655 = tpu.memref_squeeze %dma_start3A_654 : memref<1x64xi32, #tpu.memory_space<vmem>> -> memref<64xi32, #tpu.memory_space<vmem>>
      %dma_start3A_656 = arith.constant 0 : i32
      %dma_start3A_657 = arith.constant 0 : i32
      %dma_start3A_658 = tpu.memref_slice %arg3[%dma_start3A_656, %dma_start3A_657] : memref<10240x128xf32, #tpu.memory_space<hbm>> -> memref<10240x128xf32, #tpu.memory_space<hbm>>
      tpu.enqueue_indirect_dma source(%dma_start3A_658 : memref<10240x128xf32, #tpu.memory_space<hbm>>) target(%arg10 : memref<64x128xf32, #tpu.memory_space<vmem>>) offsets(%dma_start3A_655 : memref<64xi32, #tpu.memory_space<vmem>>) semaphore(%arg15 : memref<!tpu.dma_semaphore, #tpu.memory_space<semaphore_mem>>)
    }
    %scan3A_434 = arith.constant 9 : i32
    %dma_wait3A_435 = arith.constant 36 : i32
    %dma_wait3A_436 = arith.constant 0 : i32
    %dma_wait3A_437 = tpu.memref_slice %arg5[%dma_wait3A_435, %dma_wait3A_436] : memref<40x64xi32, #tpu.memory_space<vmem>> -> memref<1x64xi32, #tpu.memory_space<vmem>>
    %dma_wait3A_438 = tpu.memref_squeeze %dma_wait3A_437 : memref<1x64xi32, #tpu.memory_space<vmem>> -> memref<64xi32, #tpu.memory_space<vmem>>
    %dma_wait3A_439 = arith.constant 0 : i32
    %dma_wait3A_440 = arith.constant 0 : i32
    %dma_wait3A_441 = tpu.memref_slice %arg3[%dma_wait3A_439, %dma_wait3A_440] : memref<10240x128xf32, #tpu.memory_space<hbm>> -> memref<10240x128xf32, #tpu.memory_space<hbm>>
    tpu.wait_indirect_dma semaphore(%arg12 : memref<!tpu.dma_semaphore, #tpu.memory_space<semaphore_mem>>) src(%dma_wait3A_441 : memref<10240x128xf32, #tpu.memory_space<hbm>>) dst(%arg7 : memref<64x128xf32, #tpu.memory_space<vmem>>)
    %dma_start3A_442 = arith.constant 36 : i32
    %dma_start3A_443 = arith.constant 0 : i32
    %dma_start3A_444 = tpu.memref_slice %arg6[%dma_start3A_442, %dma_start3A_443] : memref<40x64xi32, #tpu.memory_space<vmem>> -> memref<1x64xi32, #tpu.memory_space<vmem>>
    %dma_start3A_445 = tpu.memref_squeeze %dma_start3A_444 : memref<1x64xi32, #tpu.memory_space<vmem>> -> memref<64xi32, #tpu.memory_space<vmem>>
    %dma_start3A_446 = arith.constant 0 : i32
    %dma_start3A_447 = arith.constant 0 : i32
    %dma_start3A_448 = tpu.memref_slice %arg11[%dma_start3A_446, %dma_start3A_447] : memref<10240x128xf32, #tpu.memory_space<vmem_shared>> -> memref<10240x128xf32, #tpu.memory_space<vmem_shared>>
    tpu.enqueue_indirect_dma source(%arg7 : memref<64x128xf32, #tpu.memory_space<vmem>>) target(%dma_start3A_448 : memref<10240x128xf32, #tpu.memory_space<vmem_shared>>) offsets(%dma_start3A_445 : memref<64xi32, #tpu.memory_space<vmem>>) semaphore(%arg16 : memref<!tpu.dma_semaphore, #tpu.memory_space<semaphore_mem>>) {add = true}
    %dma_wait3A_449 = arith.constant 37 : i32
    %dma_wait3A_450 = arith.constant 0 : i32
    %dma_wait3A_451 = tpu.memref_slice %arg5[%dma_wait3A_449, %dma_wait3A_450] : memref<40x64xi32, #tpu.memory_space<vmem>> -> memref<1x64xi32, #tpu.memory_space<vmem>>
    %dma_wait3A_452 = tpu.memref_squeeze %dma_wait3A_451 : memref<1x64xi32, #tpu.memory_space<vmem>> -> memref<64xi32, #tpu.memory_space<vmem>>
    %dma_wait3A_453 = arith.constant 0 : i32
    %dma_wait3A_454 = arith.constant 0 : i32
    %dma_wait3A_455 = tpu.memref_slice %arg3[%dma_wait3A_453, %dma_wait3A_454] : memref<10240x128xf32, #tpu.memory_space<hbm>> -> memref<10240x128xf32, #tpu.memory_space<hbm>>
    tpu.wait_indirect_dma semaphore(%arg13 : memref<!tpu.dma_semaphore, #tpu.memory_space<semaphore_mem>>) src(%dma_wait3A_455 : memref<10240x128xf32, #tpu.memory_space<hbm>>) dst(%arg8 : memref<64x128xf32, #tpu.memory_space<vmem>>)
    %dma_start3A_456 = arith.constant 37 : i32
    %dma_start3A_457 = arith.constant 0 : i32
    %dma_start3A_458 = tpu.memref_slice %arg6[%dma_start3A_456, %dma_start3A_457] : memref<40x64xi32, #tpu.memory_space<vmem>> -> memref<1x64xi32, #tpu.memory_space<vmem>>
    %dma_start3A_459 = tpu.memref_squeeze %dma_start3A_458 : memref<1x64xi32, #tpu.memory_space<vmem>> -> memref<64xi32, #tpu.memory_space<vmem>>
    %dma_start3A_460 = arith.constant 0 : i32
    %dma_start3A_461 = arith.constant 0 : i32
    %dma_start3A_462 = tpu.memref_slice %arg11[%dma_start3A_460, %dma_start3A_461] : memref<10240x128xf32, #tpu.memory_space<vmem_shared>> -> memref<10240x128xf32, #tpu.memory_space<vmem_shared>>
    tpu.enqueue_indirect_dma source(%arg8 : memref<64x128xf32, #tpu.memory_space<vmem>>) target(%dma_start3A_462 : memref<10240x128xf32, #tpu.memory_space<vmem_shared>>) offsets(%dma_start3A_459 : memref<64xi32, #tpu.memory_space<vmem>>) semaphore(%arg17 : memref<!tpu.dma_semaphore, #tpu.memory_space<semaphore_mem>>) {add = true}
    %dma_wait3A_463 = arith.constant 38 : i32
    %dma_wait3A_464 = arith.constant 0 : i32
    %dma_wait3A_465 = tpu.memref_slice %arg5[%dma_wait3A_463, %dma_wait3A_464] : memref<40x64xi32, #tpu.memory_space<vmem>> -> memref<1x64xi32, #tpu.memory_space<vmem>>
    %dma_wait3A_466 = tpu.memref_squeeze %dma_wait3A_465 : memref<1x64xi32, #tpu.memory_space<vmem>> -> memref<64xi32, #tpu.memory_space<vmem>>
    %dma_wait3A_467 = arith.constant 0 : i32
    %dma_wait3A_468 = arith.constant 0 : i32
    %dma_wait3A_469 = tpu.memref_slice %arg3[%dma_wait3A_467, %dma_wait3A_468] : memref<10240x128xf32, #tpu.memory_space<hbm>> -> memref<10240x128xf32, #tpu.memory_space<hbm>>
    tpu.wait_indirect_dma semaphore(%arg14 : memref<!tpu.dma_semaphore, #tpu.memory_space<semaphore_mem>>) src(%dma_wait3A_469 : memref<10240x128xf32, #tpu.memory_space<hbm>>) dst(%arg9 : memref<64x128xf32, #tpu.memory_space<vmem>>)
    %dma_start3A_470 = arith.constant 38 : i32
    %dma_start3A_471 = arith.constant 0 : i32
    %dma_start3A_472 = tpu.memref_slice %arg6[%dma_start3A_470, %dma_start3A_471] : memref<40x64xi32, #tpu.memory_space<vmem>> -> memref<1x64xi32, #tpu.memory_space<vmem>>
    %dma_start3A_473 = tpu.memref_squeeze %dma_start3A_472 : memref<1x64xi32, #tpu.memory_space<vmem>> -> memref<64xi32, #tpu.memory_space<vmem>>
    %dma_start3A_474 = arith.constant 0 : i32
    %dma_start3A_475 = arith.constant 0 : i32
    %dma_start3A_476 = tpu.memref_slice %arg11[%dma_start3A_474, %dma_start3A_475] : memref<10240x128xf32, #tpu.memory_space<vmem_shared>> -> memref<10240x128xf32, #tpu.memory_space<vmem_shared>>
    tpu.enqueue_indirect_dma source(%arg9 : memref<64x128xf32, #tpu.memory_space<vmem>>) target(%dma_start3A_476 : memref<10240x128xf32, #tpu.memory_space<vmem_shared>>) offsets(%dma_start3A_473 : memref<64xi32, #tpu.memory_space<vmem>>) semaphore(%arg18 : memref<!tpu.dma_semaphore, #tpu.memory_space<semaphore_mem>>) {add = true}
    %dma_wait3A_477 = arith.constant 39 : i32
    %dma_wait3A_478 = arith.constant 0 : i32
    %dma_wait3A_479 = tpu.memref_slice %arg5[%dma_wait3A_477, %dma_wait3A_478] : memref<40x64xi32, #tpu.memory_space<vmem>> -> memref<1x64xi32, #tpu.memory_space<vmem>>
    %dma_wait3A_480 = tpu.memref_squeeze %dma_wait3A_479 : memref<1x64xi32, #tpu.memory_space<vmem>> -> memref<64xi32, #tpu.memory_space<vmem>>
    %dma_wait3A_481 = arith.constant 0 : i32
    %dma_wait3A_482 = arith.constant 0 : i32
    %dma_wait3A_483 = tpu.memref_slice %arg3[%dma_wait3A_481, %dma_wait3A_482] : memref<10240x128xf32, #tpu.memory_space<hbm>> -> memref<10240x128xf32, #tpu.memory_space<hbm>>
    tpu.wait_indirect_dma semaphore(%arg15 : memref<!tpu.dma_semaphore, #tpu.memory_space<semaphore_mem>>) src(%dma_wait3A_483 : memref<10240x128xf32, #tpu.memory_space<hbm>>) dst(%arg10 : memref<64x128xf32, #tpu.memory_space<vmem>>)
    %dma_start3A_484 = arith.constant 39 : i32
    %dma_start3A_485 = arith.constant 0 : i32
    %dma_start3A_486 = tpu.memref_slice %arg6[%dma_start3A_484, %dma_start3A_485] : memref<40x64xi32, #tpu.memory_space<vmem>> -> memref<1x64xi32, #tpu.memory_space<vmem>>
    %dma_start3A_487 = tpu.memref_squeeze %dma_start3A_486 : memref<1x64xi32, #tpu.memory_space<vmem>> -> memref<64xi32, #tpu.memory_space<vmem>>
    %dma_start3A_488 = arith.constant 0 : i32
    %dma_start3A_489 = arith.constant 0 : i32
    %dma_start3A_490 = tpu.memref_slice %arg11[%dma_start3A_488, %dma_start3A_489] : memref<10240x128xf32, #tpu.memory_space<vmem_shared>> -> memref<10240x128xf32, #tpu.memory_space<vmem_shared>>
    tpu.enqueue_indirect_dma source(%arg10 : memref<64x128xf32, #tpu.memory_space<vmem>>) target(%dma_start3A_490 : memref<10240x128xf32, #tpu.memory_space<vmem_shared>>) offsets(%dma_start3A_487 : memref<64xi32, #tpu.memory_space<vmem>>) semaphore(%arg19 : memref<!tpu.dma_semaphore, #tpu.memory_space<semaphore_mem>>) {add = true}
    %dma_wait3A_491 = arith.constant 36 : i32
    %dma_wait3A_492 = arith.constant 0 : i32
    %dma_wait3A_493 = tpu.memref_slice %arg6[%dma_wait3A_491, %dma_wait3A_492] : memref<40x64xi32, #tpu.memory_space<vmem>> -> memref<1x64xi32, #tpu.memory_space<vmem>>
    %dma_wait3A_494 = tpu.memref_squeeze %dma_wait3A_493 : memref<1x64xi32, #tpu.memory_space<vmem>> -> memref<64xi32, #tpu.memory_space<vmem>>
    %dma_wait3A_495 = arith.constant 0 : i32
    %dma_wait3A_496 = arith.constant 0 : i32
    %dma_wait3A_497 = tpu.memref_slice %arg11[%dma_wait3A_495, %dma_wait3A_496] : memref<10240x128xf32, #tpu.memory_space<vmem_shared>> -> memref<10240x128xf32, #tpu.memory_space<vmem_shared>>
    tpu.wait_indirect_dma semaphore(%arg16 : memref<!tpu.dma_semaphore, #tpu.memory_space<semaphore_mem>>) src(%arg7 : memref<64x128xf32, #tpu.memory_space<vmem>>) dst(%dma_wait3A_497 : memref<10240x128xf32, #tpu.memory_space<vmem_shared>>)
    %dma_wait3A_498 = arith.constant 37 : i32
    %dma_wait3A_499 = arith.constant 0 : i32
    %dma_wait3A_500 = tpu.memref_slice %arg6[%dma_wait3A_498, %dma_wait3A_499] : memref<40x64xi32, #tpu.memory_space<vmem>> -> memref<1x64xi32, #tpu.memory_space<vmem>>
    %dma_wait3A_501 = tpu.memref_squeeze %dma_wait3A_500 : memref<1x64xi32, #tpu.memory_space<vmem>> -> memref<64xi32, #tpu.memory_space<vmem>>
    %dma_wait3A_502 = arith.constant 0 : i32
    %dma_wait3A_503 = arith.constant 0 : i32
    %dma_wait3A_504 = tpu.memref_slice %arg11[%dma_wait3A_502, %dma_wait3A_503] : memref<10240x128xf32, #tpu.memory_space<vmem_shared>> -> memref<10240x128xf32, #tpu.memory_space<vmem_shared>>
    tpu.wait_indirect_dma semaphore(%arg17 : memref<!tpu.dma_semaphore, #tpu.memory_space<semaphore_mem>>) src(%arg8 : memref<64x128xf32, #tpu.memory_space<vmem>>) dst(%dma_wait3A_504 : memref<10240x128xf32, #tpu.memory_space<vmem_shared>>)
    %dma_wait3A_505 = arith.constant 38 : i32
    %dma_wait3A_506 = arith.constant 0 : i32
    %dma_wait3A_507 = tpu.memref_slice %arg6[%dma_wait3A_505, %dma_wait3A_506] : memref<40x64xi32, #tpu.memory_space<vmem>> -> memref<1x64xi32, #tpu.memory_space<vmem>>
    %dma_wait3A_508 = tpu.memref_squeeze %dma_wait3A_507 : memref<1x64xi32, #tpu.memory_space<vmem>> -> memref<64xi32, #tpu.memory_space<vmem>>
    %dma_wait3A_509 = arith.constant 0 : i32
    %dma_wait3A_510 = arith.constant 0 : i32
    %dma_wait3A_511 = tpu.memref_slice %arg11[%dma_wait3A_509, %dma_wait3A_510] : memref<10240x128xf32, #tpu.memory_space<vmem_shared>> -> memref<10240x128xf32, #tpu.memory_space<vmem_shared>>
    tpu.wait_indirect_dma semaphore(%arg18 : memref<!tpu.dma_semaphore, #tpu.memory_space<semaphore_mem>>) src(%arg9 : memref<64x128xf32, #tpu.memory_space<vmem>>) dst(%dma_wait3A_511 : memref<10240x128xf32, #tpu.memory_space<vmem_shared>>)
    %dma_wait3A_512 = arith.constant 39 : i32
    %dma_wait3A_513 = arith.constant 0 : i32
    %dma_wait3A_514 = tpu.memref_slice %arg6[%dma_wait3A_512, %dma_wait3A_513] : memref<40x64xi32, #tpu.memory_space<vmem>> -> memref<1x64xi32, #tpu.memory_space<vmem>>
    %dma_wait3A_515 = tpu.memref_squeeze %dma_wait3A_514 : memref<1x64xi32, #tpu.memory_space<vmem>> -> memref<64xi32, #tpu.memory_space<vmem>>
    %dma_wait3A_516 = arith.constant 0 : i32
    %dma_wait3A_517 = arith.constant 0 : i32
    %dma_wait3A_518 = tpu.memref_slice %arg11[%dma_wait3A_516, %dma_wait3A_517] : memref<10240x128xf32, #tpu.memory_space<vmem_shared>> -> memref<10240x128xf32, #tpu.memory_space<vmem_shared>>
    tpu.wait_indirect_dma semaphore(%arg19 : memref<!tpu.dma_semaphore, #tpu.memory_space<semaphore_mem>>) src(%arg10 : memref<64x128xf32, #tpu.memory_space<vmem>>) dst(%dma_wait3A_518 : memref<10240x128xf32, #tpu.memory_space<vmem_shared>>)
    %barrier3A_519 = arith.constant 0 : index
    tpu.barrier barrier_id(%barrier3A_519)
    %mul3A_520 = arith.constant 640 : i32
    %mul3A_521 = arith.muli %arg1, %mul3A_520 : i32
    %mul3A_522 = arith.constant 640 : i32
    %mul3A_523 = arith.muli %arg1, %mul3A_522 : i32
    "tpu.region"() ({
      %run_scoped3A_524 = tpu.sem_alloc : memref<!tpu.dma_semaphore, #tpu.memory_space<semaphore_mem>>
      %dma_start3A_525 = arith.constant 0 : i32
      %dma_start3A_526 = tpu.memref_slice %arg4[%arg0, %mul3A_523, %dma_start3A_525] : memref<2x10240x128xf32, #tpu.memory_space<hbm>> -> memref<1x640x128xf32, #tpu.memory_space<hbm>>
      %dma_start3A_527 = tpu.memref_squeeze %dma_start3A_526 : memref<1x640x128xf32, #tpu.memory_space<hbm>> -> memref<640x128xf32, #tpu.memory_space<hbm>>
      %dma_start3A_528 = arith.constant 0 : i32
      %dma_start3A_529 = tpu.memref_slice %arg11[%mul3A_521, %dma_start3A_528] : memref<10240x128xf32, #tpu.memory_space<vmem_shared>> -> memref<640x128xf32, #tpu.memory_space<vmem_shared>>
      tpu.enqueue_dma source(%dma_start3A_529 : memref<640x128xf32, #tpu.memory_space<vmem_shared>>) target(%dma_start3A_527 : memref<640x128xf32, #tpu.memory_space<hbm>>) target_semaphore(%run_scoped3A_524 : memref<!tpu.dma_semaphore, #tpu.memory_space<semaphore_mem>>)
      %dma_wait3A_530 = arith.constant 0 : i32
      %dma_wait3A_531 = tpu.memref_slice %arg4[%arg0, %mul3A_523, %dma_wait3A_530] : memref<2x10240x128xf32, #tpu.memory_space<hbm>> -> memref<1x640x128xf32, #tpu.memory_space<hbm>>
      %dma_wait3A_532 = tpu.memref_squeeze %dma_wait3A_531 : memref<1x640x128xf32, #tpu.memory_space<hbm>> -> memref<640x128xf32, #tpu.memory_space<hbm>>
      %dma_wait3A_533 = arith.constant 0 : i32
      %dma_wait3A_534 = tpu.memref_slice %arg11[%mul3A_521, %dma_wait3A_533] : memref<10240x128xf32, #tpu.memory_space<vmem_shared>> -> memref<640x128xf32, #tpu.memory_space<vmem_shared>>
      tpu.wait_dma2 semaphore(%run_scoped3A_524 : memref<!tpu.dma_semaphore, #tpu.memory_space<semaphore_mem>>) src(%dma_wait3A_534 : memref<640x128xf32, #tpu.memory_space<vmem_shared>>) dst(%dma_wait3A_532 : memref<640x128xf32, #tpu.memory_space<hbm>>)
      tpu.yield
    }) : () -> ()
    return
  }
}

#map = affine_map<(d0, d1) -> (0, 0, 0, 0)>
#map1 = affine_map<(d0, d1) -> (0)>
#map2 = affine_map<(d0, d1) -> (0, 0)>
module attributes {stable_mosaic.version = 14 : i64} {
  func.func @_cvec_body(%arg0: i32, %arg1: i32, %arg2: memref<2x32x80x128xi32, #tpu.memory_space<hbm>>, %arg3: memref<10240xf32, #tpu.memory_space<hbm>>, %arg4: memref<2x10240xf32, #tpu.memory_space<hbm>>, %arg5: memref<80x128xi32, #tpu.memory_space<vmem>>, %arg6: memref<80x128xi32, #tpu.memory_space<vmem>>, %arg7: memref<10240xf32, #tpu.memory_space<vmem>>, %arg8: memref<10240xf32, #tpu.memory_space<vmem>>, %arg9: memref<640xf32, #tpu.memory_space<vmem>>, %arg10: memref<16x640xf32, #tpu.memory_space<vmem>>, %arg11: memref<16x10240xf32, #tpu.memory_space<vmem_shared>>) attributes {dimension_semantics = [#tpu.dimension_semantics<core_parallel>, #tpu.dimension_semantics<subcore_parallel>], iteration_bounds = array<i64: 2, 16>, scalar_prefetch = 0 : i64, scratch_operands = 7 : i64, tpu.core_type = #tpu.core_type<sc_vector_subcore>, window_params = [{transform_indices = #map}, {transform_indices = #map1}, {transform_indices = #map2}]} {
    %mul3A = arith.constant 16 : i32
    %mul3A_0 = arith.muli %arg0, %mul3A : i32
    %add3A = arith.addi %mul3A_0, %arg1 : i32
    %run_scoped3A = arith.constant 0 : i32
    "tpu.region"() ({
      %run_scoped3A_22 = tpu.sem_alloc : memref<!tpu.dma_semaphore, #tpu.memory_space<semaphore_mem>>
      %dma_start3A = arith.constant 0 : i32
      %dma_start3A_23 = arith.constant 0 : i32
      %dma_start3A_24 = tpu.memref_slice %arg2[%run_scoped3A, %add3A, %dma_start3A, %dma_start3A_23] : memref<2x32x80x128xi32, #tpu.memory_space<hbm>> -> memref<1x1x80x128xi32, #tpu.memory_space<hbm>>
      %dma_start3A_25 = tpu.memref_squeeze %dma_start3A_24 : memref<1x1x80x128xi32, #tpu.memory_space<hbm>> -> memref<80x128xi32, #tpu.memory_space<hbm>>
      %dma_start3A_26 = arith.constant 0 : i32
      %dma_start3A_27 = arith.constant 0 : i32
      %dma_start3A_28 = tpu.memref_slice %arg2[%run_scoped3A, %add3A, %dma_start3A_26, %dma_start3A_27] : memref<2x32x80x128xi32, #tpu.memory_space<hbm>> -> memref<1x1x80x128xi32, #tpu.memory_space<hbm>>
      %dma_start3A_29 = tpu.memref_squeeze %dma_start3A_28 : memref<1x1x80x128xi32, #tpu.memory_space<hbm>> -> memref<80x128xi32, #tpu.memory_space<hbm>>
      tpu.enqueue_dma source(%dma_start3A_29 : memref<80x128xi32, #tpu.memory_space<hbm>>) target(%arg5 : memref<80x128xi32, #tpu.memory_space<vmem>>) target_semaphore(%run_scoped3A_22 : memref<!tpu.dma_semaphore, #tpu.memory_space<semaphore_mem>>)
      %dma_wait3A = arith.constant 0 : i32
      %dma_wait3A_30 = arith.constant 0 : i32
      %dma_wait3A_31 = tpu.memref_slice %arg2[%run_scoped3A, %add3A, %dma_wait3A, %dma_wait3A_30] : memref<2x32x80x128xi32, #tpu.memory_space<hbm>> -> memref<1x1x80x128xi32, #tpu.memory_space<hbm>>
      %dma_wait3A_32 = tpu.memref_squeeze %dma_wait3A_31 : memref<1x1x80x128xi32, #tpu.memory_space<hbm>> -> memref<80x128xi32, #tpu.memory_space<hbm>>
      %dma_wait3A_33 = arith.constant 0 : i32
      %dma_wait3A_34 = arith.constant 0 : i32
      %dma_wait3A_35 = tpu.memref_slice %arg2[%run_scoped3A, %add3A, %dma_wait3A_33, %dma_wait3A_34] : memref<2x32x80x128xi32, #tpu.memory_space<hbm>> -> memref<1x1x80x128xi32, #tpu.memory_space<hbm>>
      %dma_wait3A_36 = tpu.memref_squeeze %dma_wait3A_35 : memref<1x1x80x128xi32, #tpu.memory_space<hbm>> -> memref<80x128xi32, #tpu.memory_space<hbm>>
      tpu.wait_dma2 semaphore(%run_scoped3A_22 : memref<!tpu.dma_semaphore, #tpu.memory_space<semaphore_mem>>) src(%dma_wait3A_36 : memref<80x128xi32, #tpu.memory_space<hbm>>) dst(%arg5 : memref<80x128xi32, #tpu.memory_space<vmem>>)
      tpu.yield
    }) : () -> ()
    %run_scoped3A_1 = arith.constant 1 : i32
    "tpu.region"() ({
      %run_scoped3A_22 = tpu.sem_alloc : memref<!tpu.dma_semaphore, #tpu.memory_space<semaphore_mem>>
      %dma_start3A = arith.constant 0 : i32
      %dma_start3A_23 = arith.constant 0 : i32
      %dma_start3A_24 = tpu.memref_slice %arg2[%run_scoped3A_1, %add3A, %dma_start3A, %dma_start3A_23] : memref<2x32x80x128xi32, #tpu.memory_space<hbm>> -> memref<1x1x80x128xi32, #tpu.memory_space<hbm>>
      %dma_start3A_25 = tpu.memref_squeeze %dma_start3A_24 : memref<1x1x80x128xi32, #tpu.memory_space<hbm>> -> memref<80x128xi32, #tpu.memory_space<hbm>>
      %dma_start3A_26 = arith.constant 0 : i32
      %dma_start3A_27 = arith.constant 0 : i32
      %dma_start3A_28 = tpu.memref_slice %arg2[%run_scoped3A_1, %add3A, %dma_start3A_26, %dma_start3A_27] : memref<2x32x80x128xi32, #tpu.memory_space<hbm>> -> memref<1x1x80x128xi32, #tpu.memory_space<hbm>>
      %dma_start3A_29 = tpu.memref_squeeze %dma_start3A_28 : memref<1x1x80x128xi32, #tpu.memory_space<hbm>> -> memref<80x128xi32, #tpu.memory_space<hbm>>
      tpu.enqueue_dma source(%dma_start3A_29 : memref<80x128xi32, #tpu.memory_space<hbm>>) target(%arg6 : memref<80x128xi32, #tpu.memory_space<vmem>>) target_semaphore(%run_scoped3A_22 : memref<!tpu.dma_semaphore, #tpu.memory_space<semaphore_mem>>)
      %dma_wait3A = arith.constant 0 : i32
      %dma_wait3A_30 = arith.constant 0 : i32
      %dma_wait3A_31 = tpu.memref_slice %arg2[%run_scoped3A_1, %add3A, %dma_wait3A, %dma_wait3A_30] : memref<2x32x80x128xi32, #tpu.memory_space<hbm>> -> memref<1x1x80x128xi32, #tpu.memory_space<hbm>>
      %dma_wait3A_32 = tpu.memref_squeeze %dma_wait3A_31 : memref<1x1x80x128xi32, #tpu.memory_space<hbm>> -> memref<80x128xi32, #tpu.memory_space<hbm>>
      %dma_wait3A_33 = arith.constant 0 : i32
      %dma_wait3A_34 = arith.constant 0 : i32
      %dma_wait3A_35 = tpu.memref_slice %arg2[%run_scoped3A_1, %add3A, %dma_wait3A_33, %dma_wait3A_34] : memref<2x32x80x128xi32, #tpu.memory_space<hbm>> -> memref<1x1x80x128xi32, #tpu.memory_space<hbm>>
      %dma_wait3A_36 = tpu.memref_squeeze %dma_wait3A_35 : memref<1x1x80x128xi32, #tpu.memory_space<hbm>> -> memref<80x128xi32, #tpu.memory_space<hbm>>
      tpu.wait_dma2 semaphore(%run_scoped3A_22 : memref<!tpu.dma_semaphore, #tpu.memory_space<semaphore_mem>>) src(%dma_wait3A_36 : memref<80x128xi32, #tpu.memory_space<hbm>>) dst(%arg6 : memref<80x128xi32, #tpu.memory_space<vmem>>)
      tpu.yield
    }) : () -> ()
    "tpu.region"() ({
      %run_scoped3A_22 = tpu.sem_alloc : memref<!tpu.dma_semaphore, #tpu.memory_space<semaphore_mem>>
      tpu.enqueue_dma source(%arg3 : memref<10240xf32, #tpu.memory_space<hbm>>) target(%arg7 : memref<10240xf32, #tpu.memory_space<vmem>>) target_semaphore(%run_scoped3A_22 : memref<!tpu.dma_semaphore, #tpu.memory_space<semaphore_mem>>)
      tpu.wait_dma2 semaphore(%run_scoped3A_22 : memref<!tpu.dma_semaphore, #tpu.memory_space<semaphore_mem>>) src(%arg3 : memref<10240xf32, #tpu.memory_space<hbm>>) dst(%arg7 : memref<10240xf32, #tpu.memory_space<vmem>>)
      tpu.yield
    }) : () -> ()
    %broadcast_in_dim3A = arith.constant 0.000000e+00 : f32
    %broadcast_in_dim3A_2 = vector.broadcast %broadcast_in_dim3A : f32 to vector<16xf32>
    %scan3A = arith.constant 0 : i32
    %scan3A_3 = arith.constant 640 : i32
    %scan3A_4 = arith.addi %scan3A, %scan3A_3 : i32
    %scan3A_5 = arith.constant 1 : i32
    scf.for %scan3A_22 = %scan3A to %scan3A_4 step %scan3A_5  : i32 {
      %mul3A_23 = arith.constant 1 : i32
      %mul3A_24 = arith.muli %scan3A_22, %mul3A_23 : i32
      %add3A_25 = arith.constant 0 : i32
      %add3A_26 = arith.addi %add3A_25, %mul3A_24 : i32
      %mul3A_27 = arith.constant 16 : i32
      %mul3A_28 = arith.muli %add3A_26, %mul3A_27 : i32
      %swap3A = arith.index_cast %mul3A_28 : i32 to index
      %swap3A_29 = tpu.vector_load %arg8[%swap3A] {strides = array<i32>} : memref<10240xf32, #tpu.memory_space<vmem>>, vector<16xf32>,
      tpu.vector_store %arg8[%swap3A], %broadcast_in_dim3A_2 {strides = array<i32>} : memref<10240xf32, #tpu.memory_space<vmem>>, vector<16xf32>,
    }
    %scan3A_6 = arith.constant 640 : i32
    %scan3A_7 = arith.constant 0 : i32
    %scan3A_8 = arith.constant 80 : i32
    %scan3A_9 = arith.addi %scan3A_7, %scan3A_8 : i32
    %scan3A_10 = arith.constant 1 : i32
    scf.for %scan3A_22 = %scan3A_7 to %scan3A_9 step %scan3A_10  : i32 {
      %mul3A_23 = arith.constant 1 : i32
      %mul3A_24 = arith.muli %scan3A_22, %mul3A_23 : i32
      %add3A_25 = arith.constant 0 : i32
      %add3A_26 = arith.addi %add3A_25, %mul3A_24 : i32
      %get3A = arith.index_cast %add3A_26 : i32 to index
      %get3A_27 = arith.constant 0 : index
      %get3A_28 = tpu.vector_load %arg5[%get3A, %get3A_27] {strides = array<i32>} : memref<80x128xi32, #tpu.memory_space<vmem>>, vector<16xi32>,
      %get3A_29 = arith.index_cast %add3A_26 : i32 to index
      %get3A_30 = arith.constant 0 : index
      %get3A_31 = tpu.vector_load %arg6[%get3A_29, %get3A_30] {strides = array<i32>} : memref<80x128xi32, #tpu.memory_space<vmem>>, vector<16xi32>,
      %gather3A = tpu.vector_load_idx %arg7[%get3A_31] : memref<10240xf32, #tpu.memory_space<vmem>>[vector<16xi32>], vector<16xf32>,
      tpu.vector_store_idx %arg8[%get3A_28], %gather3A {add = true} : memref<10240xf32, #tpu.memory_space<vmem>>[vector<16xi32>], vector<16xf32>,
      %get3A_32 = arith.index_cast %add3A_26 : i32 to index
      %get3A_33 = arith.constant 16 : index
      %get3A_34 = tpu.vector_load %arg5[%get3A_32, %get3A_33] {strides = array<i32>} : memref<80x128xi32, #tpu.memory_space<vmem>>, vector<16xi32>,
      %get3A_35 = arith.index_cast %add3A_26 : i32 to index
      %get3A_36 = arith.constant 16 : index
      %get3A_37 = tpu.vector_load %arg6[%get3A_35, %get3A_36] {strides = array<i32>} : memref<80x128xi32, #tpu.memory_space<vmem>>, vector<16xi32>,
      %gather3A_38 = tpu.vector_load_idx %arg7[%get3A_37] : memref<10240xf32, #tpu.memory_space<vmem>>[vector<16xi32>], vector<16xf32>,
      tpu.vector_store_idx %arg8[%get3A_34], %gather3A_38 {add = true} : memref<10240xf32, #tpu.memory_space<vmem>>[vector<16xi32>], vector<16xf32>,
      %get3A_39 = arith.index_cast %add3A_26 : i32 to index
      %get3A_40 = arith.constant 32 : index
      %get3A_41 = tpu.vector_load %arg5[%get3A_39, %get3A_40] {strides = array<i32>} : memref<80x128xi32, #tpu.memory_space<vmem>>, vector<16xi32>,
      %get3A_42 = arith.index_cast %add3A_26 : i32 to index
      %get3A_43 = arith.constant 32 : index
      %get3A_44 = tpu.vector_load %arg6[%get3A_42, %get3A_43] {strides = array<i32>} : memref<80x128xi32, #tpu.memory_space<vmem>>, vector<16xi32>,
      %gather3A_45 = tpu.vector_load_idx %arg7[%get3A_44] : memref<10240xf32, #tpu.memory_space<vmem>>[vector<16xi32>], vector<16xf32>,
      tpu.vector_store_idx %arg8[%get3A_41], %gather3A_45 {add = true} : memref<10240xf32, #tpu.memory_space<vmem>>[vector<16xi32>], vector<16xf32>,
      %get3A_46 = arith.index_cast %add3A_26 : i32 to index
      %get3A_47 = arith.constant 48 : index
      %get3A_48 = tpu.vector_load %arg5[%get3A_46, %get3A_47] {strides = array<i32>} : memref<80x128xi32, #tpu.memory_space<vmem>>, vector<16xi32>,
      %get3A_49 = arith.index_cast %add3A_26 : i32 to index
      %get3A_50 = arith.constant 48 : index
      %get3A_51 = tpu.vector_load %arg6[%get3A_49, %get3A_50] {strides = array<i32>} : memref<80x128xi32, #tpu.memory_space<vmem>>, vector<16xi32>,
      %gather3A_52 = tpu.vector_load_idx %arg7[%get3A_51] : memref<10240xf32, #tpu.memory_space<vmem>>[vector<16xi32>], vector<16xf32>,
      tpu.vector_store_idx %arg8[%get3A_48], %gather3A_52 {add = true} : memref<10240xf32, #tpu.memory_space<vmem>>[vector<16xi32>], vector<16xf32>,
      %get3A_53 = arith.index_cast %add3A_26 : i32 to index
      %get3A_54 = arith.constant 64 : index
      %get3A_55 = tpu.vector_load %arg5[%get3A_53, %get3A_54] {strides = array<i32>} : memref<80x128xi32, #tpu.memory_space<vmem>>, vector<16xi32>,
      %get3A_56 = arith.index_cast %add3A_26 : i32 to index
      %get3A_57 = arith.constant 64 : index
      %get3A_58 = tpu.vector_load %arg6[%get3A_56, %get3A_57] {strides = array<i32>} : memref<80x128xi32, #tpu.memory_space<vmem>>, vector<16xi32>,
      %gather3A_59 = tpu.vector_load_idx %arg7[%get3A_58] : memref<10240xf32, #tpu.memory_space<vmem>>[vector<16xi32>], vector<16xf32>,
      tpu.vector_store_idx %arg8[%get3A_55], %gather3A_59 {add = true} : memref<10240xf32, #tpu.memory_space<vmem>>[vector<16xi32>], vector<16xf32>,
      %get3A_60 = arith.index_cast %add3A_26 : i32 to index
      %get3A_61 = arith.constant 80 : index
      %get3A_62 = tpu.vector_load %arg5[%get3A_60, %get3A_61] {strides = array<i32>} : memref<80x128xi32, #tpu.memory_space<vmem>>, vector<16xi32>,
      %get3A_63 = arith.index_cast %add3A_26 : i32 to index
      %get3A_64 = arith.constant 80 : index
      %get3A_65 = tpu.vector_load %arg6[%get3A_63, %get3A_64] {strides = array<i32>} : memref<80x128xi32, #tpu.memory_space<vmem>>, vector<16xi32>,
      %gather3A_66 = tpu.vector_load_idx %arg7[%get3A_65] : memref<10240xf32, #tpu.memory_space<vmem>>[vector<16xi32>], vector<16xf32>,
      tpu.vector_store_idx %arg8[%get3A_62], %gather3A_66 {add = true} : memref<10240xf32, #tpu.memory_space<vmem>>[vector<16xi32>], vector<16xf32>,
      %get3A_67 = arith.index_cast %add3A_26 : i32 to index
      %get3A_68 = arith.constant 96 : index
      %get3A_69 = tpu.vector_load %arg5[%get3A_67, %get3A_68] {strides = array<i32>} : memref<80x128xi32, #tpu.memory_space<vmem>>, vector<16xi32>,
      %get3A_70 = arith.index_cast %add3A_26 : i32 to index
      %get3A_71 = arith.constant 96 : index
      %get3A_72 = tpu.vector_load %arg6[%get3A_70, %get3A_71] {strides = array<i32>} : memref<80x128xi32, #tpu.memory_space<vmem>>, vector<16xi32>,
      %gather3A_73 = tpu.vector_load_idx %arg7[%get3A_72] : memref<10240xf32, #tpu.memory_space<vmem>>[vector<16xi32>], vector<16xf32>,
      tpu.vector_store_idx %arg8[%get3A_69], %gather3A_73 {add = true} : memref<10240xf32, #tpu.memory_space<vmem>>[vector<16xi32>], vector<16xf32>,
      %get3A_74 = arith.index_cast %add3A_26 : i32 to index
      %get3A_75 = arith.constant 112 : index
      %get3A_76 = tpu.vector_load %arg5[%get3A_74, %get3A_75] {strides = array<i32>} : memref<80x128xi32, #tpu.memory_space<vmem>>, vector<16xi32>,
      %get3A_77 = arith.index_cast %add3A_26 : i32 to index
      %get3A_78 = arith.constant 112 : index
      %get3A_79 = tpu.vector_load %arg6[%get3A_77, %get3A_78] {strides = array<i32>} : memref<80x128xi32, #tpu.memory_space<vmem>>, vector<16xi32>,
      %gather3A_80 = tpu.vector_load_idx %arg7[%get3A_79] : memref<10240xf32, #tpu.memory_space<vmem>>[vector<16xi32>], vector<16xf32>,
      tpu.vector_store_idx %arg8[%get3A_76], %gather3A_80 {add = true} : memref<10240xf32, #tpu.memory_space<vmem>>[vector<16xi32>], vector<16xf32>,
    }
    %scan3A_11 = arith.constant 80 : i32
    %mul3A_12 = arith.constant 640 : i32
    %mul3A_13 = arith.muli %arg1, %mul3A_12 : i32
    "tpu.region"() ({
      %run_scoped3A_22 = tpu.sem_alloc : memref<!tpu.dma_semaphore, #tpu.memory_space<semaphore_mem>>
      %dma_start3A = arith.constant 0 : i32
      %dma_start3A_23 = tpu.memref_slice %arg11[%arg1, %dma_start3A] : memref<16x10240xf32, #tpu.memory_space<vmem_shared>> -> memref<1x10240xf32, #tpu.memory_space<vmem_shared>>
      %dma_start3A_24 = tpu.memref_squeeze %dma_start3A_23 : memref<1x10240xf32, #tpu.memory_space<vmem_shared>> -> memref<10240xf32, #tpu.memory_space<vmem_shared>>
      %dma_start3A_25 = arith.constant 0 : i32
      %dma_start3A_26 = tpu.memref_slice %arg11[%arg1, %dma_start3A_25] : memref<16x10240xf32, #tpu.memory_space<vmem_shared>> -> memref<1x10240xf32, #tpu.memory_space<vmem_shared>>
      %dma_start3A_27 = tpu.memref_squeeze %dma_start3A_26 : memref<1x10240xf32, #tpu.memory_space<vmem_shared>> -> memref<10240xf32, #tpu.memory_space<vmem_shared>>
      tpu.enqueue_dma source(%arg8 : memref<10240xf32, #tpu.memory_space<vmem>>) target(%dma_start3A_27 : memref<10240xf32, #tpu.memory_space<vmem_shared>>) target_semaphore(%run_scoped3A_22 : memref<!tpu.dma_semaphore, #tpu.memory_space<semaphore_mem>>)
      %dma_wait3A = arith.constant 0 : i32
      %dma_wait3A_28 = tpu.memref_slice %arg11[%arg1, %dma_wait3A] : memref<16x10240xf32, #tpu.memory_space<vmem_shared>> -> memref<1x10240xf32, #tpu.memory_space<vmem_shared>>
      %dma_wait3A_29 = tpu.memref_squeeze %dma_wait3A_28 : memref<1x10240xf32, #tpu.memory_space<vmem_shared>> -> memref<10240xf32, #tpu.memory_space<vmem_shared>>
      %dma_wait3A_30 = arith.constant 0 : i32
      %dma_wait3A_31 = tpu.memref_slice %arg11[%arg1, %dma_wait3A_30] : memref<16x10240xf32, #tpu.memory_space<vmem_shared>> -> memref<1x10240xf32, #tpu.memory_space<vmem_shared>>
      %dma_wait3A_32 = tpu.memref_squeeze %dma_wait3A_31 : memref<1x10240xf32, #tpu.memory_space<vmem_shared>> -> memref<10240xf32, #tpu.memory_space<vmem_shared>>
      tpu.wait_dma2 semaphore(%run_scoped3A_22 : memref<!tpu.dma_semaphore, #tpu.memory_space<semaphore_mem>>) src(%arg8 : memref<10240xf32, #tpu.memory_space<vmem>>) dst(%dma_wait3A_32 : memref<10240xf32, #tpu.memory_space<vmem_shared>>)
      tpu.yield
    }) : () -> ()
    %barrier3A = arith.constant 0 : index
    tpu.barrier barrier_id(%barrier3A)
    %mul3A_14 = arith.constant 640 : i32
    %mul3A_15 = arith.muli %arg1, %mul3A_14 : i32
    "tpu.region"() ({
      %run_scoped3A_22 = tpu.sem_alloc : memref<!tpu.dma_semaphore, #tpu.memory_space<semaphore_mem>>
      %dma_start3A = arith.constant 0 : i32
      %dma_start3A_23 = tpu.memref_slice %arg11[%dma_start3A, %mul3A_15] : memref<16x10240xf32, #tpu.memory_space<vmem_shared>> -> memref<16x640xf32, #tpu.memory_space<vmem_shared>>
      %dma_start3A_24 = arith.constant 0 : i32
      %dma_start3A_25 = tpu.memref_slice %arg11[%dma_start3A_24, %mul3A_15] : memref<16x10240xf32, #tpu.memory_space<vmem_shared>> -> memref<16x640xf32, #tpu.memory_space<vmem_shared>>
      tpu.enqueue_dma source(%dma_start3A_25 : memref<16x640xf32, #tpu.memory_space<vmem_shared>>) target(%arg10 : memref<16x640xf32, #tpu.memory_space<vmem>>) target_semaphore(%run_scoped3A_22 : memref<!tpu.dma_semaphore, #tpu.memory_space<semaphore_mem>>)
      %dma_wait3A = arith.constant 0 : i32
      %dma_wait3A_26 = tpu.memref_slice %arg11[%dma_wait3A, %mul3A_15] : memref<16x10240xf32, #tpu.memory_space<vmem_shared>> -> memref<16x640xf32, #tpu.memory_space<vmem_shared>>
      %dma_wait3A_27 = arith.constant 0 : i32
      %dma_wait3A_28 = tpu.memref_slice %arg11[%dma_wait3A_27, %mul3A_15] : memref<16x10240xf32, #tpu.memory_space<vmem_shared>> -> memref<16x640xf32, #tpu.memory_space<vmem_shared>>
      tpu.wait_dma2 semaphore(%run_scoped3A_22 : memref<!tpu.dma_semaphore, #tpu.memory_space<semaphore_mem>>) src(%dma_wait3A_28 : memref<16x640xf32, #tpu.memory_space<vmem_shared>>) dst(%arg10 : memref<16x640xf32, #tpu.memory_space<vmem>>)
      tpu.yield
    }) : () -> ()
    %scan3A_16 = arith.constant 0 : i32
    %scan3A_17 = arith.constant 40 : i32
    %scan3A_18 = arith.addi %scan3A_16, %scan3A_17 : i32
    %scan3A_19 = arith.constant 1 : i32
    scf.for %scan3A_22 = %scan3A_16 to %scan3A_18 step %scan3A_19  : i32 {
      %mul3A_23 = arith.constant 1 : i32
      %mul3A_24 = arith.muli %scan3A_22, %mul3A_23 : i32
      %add3A_25 = arith.constant 0 : i32
      %add3A_26 = arith.addi %add3A_25, %mul3A_24 : i32
      %mul3A_27 = arith.constant 16 : i32
      %mul3A_28 = arith.muli %add3A_26, %mul3A_27 : i32
      %get3A = arith.constant 0 : i32
      %get3A_29 = arith.index_cast %get3A : i32 to index
      %get3A_30 = arith.index_cast %mul3A_28 : i32 to index
      %get3A_31 = tpu.vector_load %arg10[%get3A_29, %get3A_30] {strides = array<i32>} : memref<16x640xf32, #tpu.memory_space<vmem>>, vector<16xf32>,
      %mul3A_32 = arith.constant 16 : i32
      %mul3A_33 = arith.muli %add3A_26, %mul3A_32 : i32
      %get3A_34 = arith.constant 1 : i32
      %get3A_35 = arith.index_cast %get3A_34 : i32 to index
      %get3A_36 = arith.index_cast %mul3A_33 : i32 to index
      %get3A_37 = tpu.vector_load %arg10[%get3A_35, %get3A_36] {strides = array<i32>} : memref<16x640xf32, #tpu.memory_space<vmem>>, vector<16xf32>,
      %add3A_38 = arith.addf %get3A_31, %get3A_37 : vector<16xf32>
      %mul3A_39 = arith.constant 16 : i32
      %mul3A_40 = arith.muli %add3A_26, %mul3A_39 : i32
      %get3A_41 = arith.constant 2 : i32
      %get3A_42 = arith.index_cast %get3A_41 : i32 to index
      %get3A_43 = arith.index_cast %mul3A_40 : i32 to index
      %get3A_44 = tpu.vector_load %arg10[%get3A_42, %get3A_43] {strides = array<i32>} : memref<16x640xf32, #tpu.memory_space<vmem>>, vector<16xf32>,
      %add3A_45 = arith.addf %add3A_38, %get3A_44 : vector<16xf32>
      %mul3A_46 = arith.constant 16 : i32
      %mul3A_47 = arith.muli %add3A_26, %mul3A_46 : i32
      %get3A_48 = arith.constant 3 : i32
      %get3A_49 = arith.index_cast %get3A_48 : i32 to index
      %get3A_50 = arith.index_cast %mul3A_47 : i32 to index
      %get3A_51 = tpu.vector_load %arg10[%get3A_49, %get3A_50] {strides = array<i32>} : memref<16x640xf32, #tpu.memory_space<vmem>>, vector<16xf32>,
      %add3A_52 = arith.addf %add3A_45, %get3A_51 : vector<16xf32>
      %mul3A_53 = arith.constant 16 : i32
      %mul3A_54 = arith.muli %add3A_26, %mul3A_53 : i32
      %get3A_55 = arith.constant 4 : i32
      %get3A_56 = arith.index_cast %get3A_55 : i32 to index
      %get3A_57 = arith.index_cast %mul3A_54 : i32 to index
      %get3A_58 = tpu.vector_load %arg10[%get3A_56, %get3A_57] {strides = array<i32>} : memref<16x640xf32, #tpu.memory_space<vmem>>, vector<16xf32>,
      %add3A_59 = arith.addf %add3A_52, %get3A_58 : vector<16xf32>
      %mul3A_60 = arith.constant 16 : i32
      %mul3A_61 = arith.muli %add3A_26, %mul3A_60 : i32
      %get3A_62 = arith.constant 5 : i32
      %get3A_63 = arith.index_cast %get3A_62 : i32 to index
      %get3A_64 = arith.index_cast %mul3A_61 : i32 to index
      %get3A_65 = tpu.vector_load %arg10[%get3A_63, %get3A_64] {strides = array<i32>} : memref<16x640xf32, #tpu.memory_space<vmem>>, vector<16xf32>,
      %add3A_66 = arith.addf %add3A_59, %get3A_65 : vector<16xf32>
      %mul3A_67 = arith.constant 16 : i32
      %mul3A_68 = arith.muli %add3A_26, %mul3A_67 : i32
      %get3A_69 = arith.constant 6 : i32
      %get3A_70 = arith.index_cast %get3A_69 : i32 to index
      %get3A_71 = arith.index_cast %mul3A_68 : i32 to index
      %get3A_72 = tpu.vector_load %arg10[%get3A_70, %get3A_71] {strides = array<i32>} : memref<16x640xf32, #tpu.memory_space<vmem>>, vector<16xf32>,
      %add3A_73 = arith.addf %add3A_66, %get3A_72 : vector<16xf32>
      %mul3A_74 = arith.constant 16 : i32
      %mul3A_75 = arith.muli %add3A_26, %mul3A_74 : i32
      %get3A_76 = arith.constant 7 : i32
      %get3A_77 = arith.index_cast %get3A_76 : i32 to index
      %get3A_78 = arith.index_cast %mul3A_75 : i32 to index
      %get3A_79 = tpu.vector_load %arg10[%get3A_77, %get3A_78] {strides = array<i32>} : memref<16x640xf32, #tpu.memory_space<vmem>>, vector<16xf32>,
      %add3A_80 = arith.addf %add3A_73, %get3A_79 : vector<16xf32>
      %mul3A_81 = arith.constant 16 : i32
      %mul3A_82 = arith.muli %add3A_26, %mul3A_81 : i32
      %get3A_83 = arith.constant 8 : i32
      %get3A_84 = arith.index_cast %get3A_83 : i32 to index
      %get3A_85 = arith.index_cast %mul3A_82 : i32 to index
      %get3A_86 = tpu.vector_load %arg10[%get3A_84, %get3A_85] {strides = array<i32>} : memref<16x640xf32, #tpu.memory_space<vmem>>, vector<16xf32>,
      %add3A_87 = arith.addf %add3A_80, %get3A_86 : vector<16xf32>
      %mul3A_88 = arith.constant 16 : i32
      %mul3A_89 = arith.muli %add3A_26, %mul3A_88 : i32
      %get3A_90 = arith.constant 9 : i32
      %get3A_91 = arith.index_cast %get3A_90 : i32 to index
      %get3A_92 = arith.index_cast %mul3A_89 : i32 to index
      %get3A_93 = tpu.vector_load %arg10[%get3A_91, %get3A_92] {strides = array<i32>} : memref<16x640xf32, #tpu.memory_space<vmem>>, vector<16xf32>,
      %add3A_94 = arith.addf %add3A_87, %get3A_93 : vector<16xf32>
      %mul3A_95 = arith.constant 16 : i32
      %mul3A_96 = arith.muli %add3A_26, %mul3A_95 : i32
      %get3A_97 = arith.constant 10 : i32
      %get3A_98 = arith.index_cast %get3A_97 : i32 to index
      %get3A_99 = arith.index_cast %mul3A_96 : i32 to index
      %get3A_100 = tpu.vector_load %arg10[%get3A_98, %get3A_99] {strides = array<i32>} : memref<16x640xf32, #tpu.memory_space<vmem>>, vector<16xf32>,
      %add3A_101 = arith.addf %add3A_94, %get3A_100 : vector<16xf32>
      %mul3A_102 = arith.constant 16 : i32
      %mul3A_103 = arith.muli %add3A_26, %mul3A_102 : i32
      %get3A_104 = arith.constant 11 : i32
      %get3A_105 = arith.index_cast %get3A_104 : i32 to index
      %get3A_106 = arith.index_cast %mul3A_103 : i32 to index
      %get3A_107 = tpu.vector_load %arg10[%get3A_105, %get3A_106] {strides = array<i32>} : memref<16x640xf32, #tpu.memory_space<vmem>>, vector<16xf32>,
      %add3A_108 = arith.addf %add3A_101, %get3A_107 : vector<16xf32>
      %mul3A_109 = arith.constant 16 : i32
      %mul3A_110 = arith.muli %add3A_26, %mul3A_109 : i32
      %get3A_111 = arith.constant 12 : i32
      %get3A_112 = arith.index_cast %get3A_111 : i32 to index
      %get3A_113 = arith.index_cast %mul3A_110 : i32 to index
      %get3A_114 = tpu.vector_load %arg10[%get3A_112, %get3A_113] {strides = array<i32>} : memref<16x640xf32, #tpu.memory_space<vmem>>, vector<16xf32>,
      %add3A_115 = arith.addf %add3A_108, %get3A_114 : vector<16xf32>
      %mul3A_116 = arith.constant 16 : i32
      %mul3A_117 = arith.muli %add3A_26, %mul3A_116 : i32
      %get3A_118 = arith.constant 13 : i32
      %get3A_119 = arith.index_cast %get3A_118 : i32 to index
      %get3A_120 = arith.index_cast %mul3A_117 : i32 to index
      %get3A_121 = tpu.vector_load %arg10[%get3A_119, %get3A_120] {strides = array<i32>} : memref<16x640xf32, #tpu.memory_space<vmem>>, vector<16xf32>,
      %add3A_122 = arith.addf %add3A_115, %get3A_121 : vector<16xf32>
      %mul3A_123 = arith.constant 16 : i32
      %mul3A_124 = arith.muli %add3A_26, %mul3A_123 : i32
      %get3A_125 = arith.constant 14 : i32
      %get3A_126 = arith.index_cast %get3A_125 : i32 to index
      %get3A_127 = arith.index_cast %mul3A_124 : i32 to index
      %get3A_128 = tpu.vector_load %arg10[%get3A_126, %get3A_127] {strides = array<i32>} : memref<16x640xf32, #tpu.memory_space<vmem>>, vector<16xf32>,
      %add3A_129 = arith.addf %add3A_122, %get3A_128 : vector<16xf32>
      %mul3A_130 = arith.constant 16 : i32
      %mul3A_131 = arith.muli %add3A_26, %mul3A_130 : i32
      %get3A_132 = arith.constant 15 : i32
      %get3A_133 = arith.index_cast %get3A_132 : i32 to index
      %get3A_134 = arith.index_cast %mul3A_131 : i32 to index
      %get3A_135 = tpu.vector_load %arg10[%get3A_133, %get3A_134] {strides = array<i32>} : memref<16x640xf32, #tpu.memory_space<vmem>>, vector<16xf32>,
      %add3A_136 = arith.addf %add3A_129, %get3A_135 : vector<16xf32>
      %mul3A_137 = arith.constant 16 : i32
      %mul3A_138 = arith.muli %add3A_26, %mul3A_137 : i32
      %swap3A = arith.index_cast %mul3A_138 : i32 to index
      %swap3A_139 = tpu.vector_load %arg9[%swap3A] {strides = array<i32>} : memref<640xf32, #tpu.memory_space<vmem>>, vector<16xf32>,
      tpu.vector_store %arg9[%swap3A], %add3A_136 {strides = array<i32>} : memref<640xf32, #tpu.memory_space<vmem>>, vector<16xf32>,
    }
    %scan3A_20 = arith.constant 40 : i32
    "tpu.region"() ({
      %run_scoped3A_22 = tpu.sem_alloc : memref<!tpu.dma_semaphore, #tpu.memory_space<semaphore_mem>>
      %dma_start3A = tpu.memref_slice %arg4[%arg0, %mul3A_13] : memref<2x10240xf32, #tpu.memory_space<hbm>> -> memref<1x640xf32, #tpu.memory_space<hbm>>
      %dma_start3A_23 = tpu.memref_squeeze %dma_start3A : memref<1x640xf32, #tpu.memory_space<hbm>> -> memref<640xf32, #tpu.memory_space<hbm>>
      %dma_start3A_24 = tpu.memref_slice %arg4[%arg0, %mul3A_13] : memref<2x10240xf32, #tpu.memory_space<hbm>> -> memref<1x640xf32, #tpu.memory_space<hbm>>
      %dma_start3A_25 = tpu.memref_squeeze %dma_start3A_24 : memref<1x640xf32, #tpu.memory_space<hbm>> -> memref<640xf32, #tpu.memory_space<hbm>>
      tpu.enqueue_dma source(%arg9 : memref<640xf32, #tpu.memory_space<vmem>>) target(%dma_start3A_25 : memref<640xf32, #tpu.memory_space<hbm>>) target_semaphore(%run_scoped3A_22 : memref<!tpu.dma_semaphore, #tpu.memory_space<semaphore_mem>>)
      %dma_wait3A = tpu.memref_slice %arg4[%arg0, %mul3A_13] : memref<2x10240xf32, #tpu.memory_space<hbm>> -> memref<1x640xf32, #tpu.memory_space<hbm>>
      %dma_wait3A_26 = tpu.memref_squeeze %dma_wait3A : memref<1x640xf32, #tpu.memory_space<hbm>> -> memref<640xf32, #tpu.memory_space<hbm>>
      %dma_wait3A_27 = tpu.memref_slice %arg4[%arg0, %mul3A_13] : memref<2x10240xf32, #tpu.memory_space<hbm>> -> memref<1x640xf32, #tpu.memory_space<hbm>>
      %dma_wait3A_28 = tpu.memref_squeeze %dma_wait3A_27 : memref<1x640xf32, #tpu.memory_space<hbm>> -> memref<640xf32, #tpu.memory_space<hbm>>
      tpu.wait_dma2 semaphore(%run_scoped3A_22 : memref<!tpu.dma_semaphore, #tpu.memory_space<semaphore_mem>>) src(%arg9 : memref<640xf32, #tpu.memory_space<vmem>>) dst(%dma_wait3A_28 : memref<640xf32, #tpu.memory_space<hbm>>)
      tpu.yield
    }) : () -> ()
    %barrier3A_21 = arith.constant 0 : index
    tpu.barrier barrier_id(%barrier3A_21)
    return
  }
}

module attributes {stable_mosaic.version = 14 : i64} {
  func.func @_prep_body(%arg0: memref<2x2x10240x1xi32, #tpu.memory_space<vmem>>, %arg1: memref<10000x128xf32, #tpu.memory_space<vmem>>, %arg2: memref<128x128xf32, #tpu.memory_space<vmem>>, %arg3: memref<10000x128xf32, #tpu.memory_space<vmem>>, %arg4: memref<10240x1xf32, #tpu.memory_space<vmem>>, %arg5: memref<10240x1xf32, #tpu.memory_space<vmem>>) attributes {dimension_semantics = [], scalar_prefetch = 0 : i64, scratch_operands = 0 : i64, tpu.core_type = #tpu.core_type<tc>} {
    %get3A = arith.constant 0 : index
    %get3A_0 = arith.constant 0 : index
    %get3A_1 = arith.constant 0 : index
    %get3A_2 = arith.constant 0 : index
    %get3A_3 = vector.load %arg0[%get3A, %get3A_0, %get3A_1, %get3A_2] : memref<2x2x10240x1xi32, #tpu.memory_space<vmem>>, vector<1x1x10240x1xi32>
    %get3A_4 = vector.shape_cast %get3A_3 : vector<1x1x10240x1xi32> to vector<10240x1xi32>
    %get3A_5 = arith.constant 0 : index
    %get3A_6 = arith.constant 1 : index
    %get3A_7 = arith.constant 0 : index
    %get3A_8 = arith.constant 0 : index
    %get3A_9 = vector.load %arg0[%get3A_5, %get3A_6, %get3A_7, %get3A_8] : memref<2x2x10240x1xi32, #tpu.memory_space<vmem>>, vector<1x1x10240x1xi32>
    %get3A_10 = vector.shape_cast %get3A_9 : vector<1x1x10240x1xi32> to vector<10240x1xi32>
    %add3A = arith.addi %get3A_4, %get3A_10 : vector<10240x1xi32>
    %convert_element_type3A = arith.sitofp %add3A : vector<10240x1xi32> to vector<10240x1xf32>
    %get3A_11 = arith.constant 1 : index
    %get3A_12 = arith.constant 0 : index
    %get3A_13 = arith.constant 0 : index
    %get3A_14 = arith.constant 0 : index
    %get3A_15 = vector.load %arg0[%get3A_11, %get3A_12, %get3A_13, %get3A_14] : memref<2x2x10240x1xi32, #tpu.memory_space<vmem>>, vector<1x1x10240x1xi32>
    %get3A_16 = vector.shape_cast %get3A_15 : vector<1x1x10240x1xi32> to vector<10240x1xi32>
    %get3A_17 = arith.constant 1 : index
    %get3A_18 = arith.constant 1 : index
    %get3A_19 = arith.constant 0 : index
    %get3A_20 = arith.constant 0 : index
    %get3A_21 = vector.load %arg0[%get3A_17, %get3A_18, %get3A_19, %get3A_20] : memref<2x2x10240x1xi32, #tpu.memory_space<vmem>>, vector<1x1x10240x1xi32>
    %get3A_22 = vector.shape_cast %get3A_21 : vector<1x1x10240x1xi32> to vector<10240x1xi32>
    %add3A_23 = arith.addi %get3A_16, %get3A_22 : vector<10240x1xi32>
    %convert_element_type3A_24 = arith.sitofp %add3A_23 : vector<10240x1xi32> to vector<10240x1xf32>
    %max3A = arith.constant 1.000000e+00 : f32
    %max3A_25 = vector.broadcast %max3A : f32 to vector<10240x1xf32>
    %max3A_26 = arith.maximumf %convert_element_type3A, %max3A_25 : vector<10240x1xf32>
    %sqrt3A = math.sqrt %max3A_26 : vector<10240x1xf32>
    %div3A = arith.constant 1.000000e+00 : f32
    %div3A_27 = vector.broadcast %div3A : f32 to vector<10240x1xf32>
    %div3A_28 = arith.divf %div3A_27, %sqrt3A : vector<10240x1xf32>
    %max3A_29 = arith.constant 1.000000e+00 : f32
    %max3A_30 = vector.broadcast %max3A_29 : f32 to vector<10240x1xf32>
    %max3A_31 = arith.maximumf %convert_element_type3A_24, %max3A_30 : vector<10240x1xf32>
    %sqrt3A_32 = math.sqrt %max3A_31 : vector<10240x1xf32>
    %div3A_33 = arith.constant 1.000000e+00 : f32
    %div3A_34 = vector.broadcast %div3A_33 : f32 to vector<10240x1xf32>
    %div3A_35 = arith.divf %div3A_34, %sqrt3A_32 : vector<10240x1xf32>
    %swap3A = arith.constant 0 : index
    %swap3A_36 = arith.constant 0 : index
    %swap3A_37 = vector.load %arg4[%swap3A, %swap3A_36] : memref<10240x1xf32, #tpu.memory_space<vmem>>, vector<10240x1xf32>
    tpu.vector_store %arg4[%swap3A, %swap3A_36], %div3A_28 {strides = array<i32>} : memref<10240x1xf32, #tpu.memory_space<vmem>>, vector<10240x1xf32>,
    %swap3A_38 = arith.constant 0 : index
    %swap3A_39 = arith.constant 0 : index
    %swap3A_40 = vector.load %arg5[%swap3A_38, %swap3A_39] : memref<10240x1xf32, #tpu.memory_space<vmem>>, vector<10240x1xf32>
    tpu.vector_store %arg5[%swap3A_38, %swap3A_39], %div3A_35 {strides = array<i32>} : memref<10240x1xf32, #tpu.memory_space<vmem>>, vector<10240x1xf32>,
    %get3A_41 = arith.constant 0 : index
    %get3A_42 = arith.constant 0 : index
    %get3A_43 = vector.load %arg1[%get3A_41, %get3A_42] : memref<10000x128xf32, #tpu.memory_space<vmem>>, vector<10000x128xf32>
    %get3A_44 = arith.constant 0 : index
    %get3A_45 = arith.constant 0 : index
    %get3A_46 = vector.load %arg2[%get3A_44, %get3A_45] : memref<128x128xf32, #tpu.memory_space<vmem>>, vector<128x128xf32>
    %dot_general3A = arith.constant dense<0.000000e+00> : vector<10000x128xf32>
    %dot_general3A_47 = tpu.matmul %get3A_43, %get3A_46, %dot_general3A {dimension_numbers = #tpu.dot_dimension_numbers<[1], [0], [0], [1], [0, 0, 1, 1], [], []>, transpose_lhs_hint = false} : vector<10000x128xf32>, vector<128x128xf32>, vector<10000x128xf32> -> vector<10000x128xf32>
    %slice3A = vector.extract_strided_slice %div3A_28 {offsets = [0, 0], sizes = [10000, 1], strides = [1, 1]} : vector<10240x1xf32> to vector<10000x1xf32>
    %mul3A = vector.broadcast %slice3A : vector<10000x1xf32> to vector<10000x128xf32>
    %mul3A_48 = arith.mulf %dot_general3A_47, %mul3A : vector<10000x128xf32>
    %swap3A_49 = arith.constant 0 : index
    %swap3A_50 = arith.constant 0 : index
    %swap3A_51 = vector.load %arg3[%swap3A_49, %swap3A_50] : memref<10000x128xf32, #tpu.memory_space<vmem>>, vector<10000x128xf32>
    tpu.vector_store %arg3[%swap3A_49, %swap3A_50], %mul3A_48 {strides = array<i32>} : memref<10000x128xf32, #tpu.memory_space<vmem>>, vector<10000x128xf32>,
    return
  }
}

module attributes {stable_mosaic.version = 14 : i64} {
  func.func @_fin_body(%arg0: memref<2x10240x128xf32, #tpu.memory_space<vmem>>, %arg1: memref<2x10240x1xf32, #tpu.memory_space<vmem>>, %arg2: memref<10240x1xf32, #tpu.memory_space<vmem>>, %arg3: memref<10240x1xf32, #tpu.memory_space<vmem>>, %arg4: memref<1x128xf32, #tpu.memory_space<vmem>>, %arg5: memref<1x128xf32, #tpu.memory_space<vmem>>, %arg6: memref<1x1xf32, #tpu.memory_space<vmem>>, %arg7: memref<1x1xf32, #tpu.memory_space<vmem>>) attributes {dimension_semantics = [], scalar_prefetch = 0 : i64, scratch_operands = 0 : i64, tpu.core_type = #tpu.core_type<tc>} {
    %get3A = arith.constant 0 : index
    %get3A_0 = arith.constant 0 : index
    %get3A_1 = arith.constant 0 : index
    %get3A_2 = vector.load %arg0[%get3A, %get3A_0, %get3A_1] : memref<2x10240x128xf32, #tpu.memory_space<vmem>>, vector<1x10240x128xf32>
    %get3A_3 = vector.shape_cast %get3A_2 : vector<1x10240x128xf32> to vector<10240x128xf32>
    %get3A_4 = arith.constant 1 : index
    %get3A_5 = arith.constant 0 : index
    %get3A_6 = arith.constant 0 : index
    %get3A_7 = vector.load %arg0[%get3A_4, %get3A_5, %get3A_6] : memref<2x10240x128xf32, #tpu.memory_space<vmem>>, vector<1x10240x128xf32>
    %get3A_8 = vector.shape_cast %get3A_7 : vector<1x10240x128xf32> to vector<10240x128xf32>
    %add3A = arith.addf %get3A_3, %get3A_8 : vector<10240x128xf32>
    %get3A_9 = arith.constant 0 : index
    %get3A_10 = arith.constant 0 : index
    %get3A_11 = arith.constant 0 : index
    %get3A_12 = vector.load %arg1[%get3A_9, %get3A_10, %get3A_11] : memref<2x10240x1xf32, #tpu.memory_space<vmem>>, vector<1x10240x1xf32>
    %get3A_13 = vector.shape_cast %get3A_12 : vector<1x10240x1xf32> to vector<10240x1xf32>
    %get3A_14 = arith.constant 1 : index
    %get3A_15 = arith.constant 0 : index
    %get3A_16 = arith.constant 0 : index
    %get3A_17 = vector.load %arg1[%get3A_14, %get3A_15, %get3A_16] : memref<2x10240x1xf32, #tpu.memory_space<vmem>>, vector<1x10240x1xf32>
    %get3A_18 = vector.shape_cast %get3A_17 : vector<1x10240x1xf32> to vector<10240x1xf32>
    %add3A_19 = arith.addf %get3A_13, %get3A_18 : vector<10240x1xf32>
    %get3A_20 = arith.constant 0 : index
    %get3A_21 = arith.constant 0 : index
    %get3A_22 = vector.load %arg3[%get3A_20, %get3A_21] : memref<10240x1xf32, #tpu.memory_space<vmem>>, vector<10240x1xf32>
    %mul3A = vector.broadcast %get3A_22 : vector<10240x1xf32> to vector<10240x128xf32>
    %mul3A_23 = arith.mulf %add3A, %mul3A : vector<10240x128xf32>
    %get3A_24 = arith.constant 0 : index
    %get3A_25 = arith.constant 0 : index
    %get3A_26 = vector.load %arg4[%get3A_24, %get3A_25] : memref<1x128xf32, #tpu.memory_space<vmem>>, vector<1x128xf32>
    %add3A_27 = vector.broadcast %get3A_26 : vector<1x128xf32> to vector<10240x128xf32>
    %add3A_28 = arith.addf %mul3A_23, %add3A_27 : vector<10240x128xf32>
    %max3A = arith.constant 0.000000e+00 : f32
    %max3A_29 = vector.broadcast %max3A : f32 to vector<10240x128xf32>
    %max3A_30 = arith.maximumf %add3A_28, %max3A_29 : vector<10240x128xf32>
    %iota3A = tpu.iota {dimensions = array<i32: 0>} : vector<10240x1xi32>
    %lt3A = arith.constant 10000 : i32
    %lt3A_31 = vector.broadcast %lt3A : i32 to vector<10240x1xi32>
    %lt3A_32 = arith.cmpi slt, %iota3A, %lt3A_31 : vector<10240x1xi32>
    %get3A_33 = arith.constant 0 : index
    %get3A_34 = arith.constant 0 : index
    %get3A_35 = vector.load %arg2[%get3A_33, %get3A_34] : memref<10240x1xf32, #tpu.memory_space<vmem>>, vector<10240x1xf32>
    %mul3A_36 = arith.mulf %get3A_35, %add3A_19 : vector<10240x1xf32>
    %jit3A = arith.constant 0.000000e+00 : f32
    %broadcast_in_dim3A = vector.broadcast %jit3A : f32 to vector<10240x1xf32>
    %select_n3A = arith.select %lt3A_32, %mul3A_36, %broadcast_in_dim3A : vector<10240x1xi1>, vector<10240x1xf32>
    %mul3A_37 = arith.constant 9.99999974E-5 : f32
    %mul3A_38 = vector.broadcast %mul3A_37 : f32 to vector<10240x1xf32>
    %mul3A_39 = arith.mulf %select_n3A, %mul3A_38 : vector<10240x1xf32>
    %mul3A_40 = vector.broadcast %mul3A_39 : vector<10240x1xf32> to vector<10240x128xf32>
    %mul3A_41 = arith.mulf %max3A_30, %mul3A_40 : vector<10240x128xf32>
    %reduce_sum3A = arith.constant dense<0.000000e+00> : vector<128xf32>
    %reduce_sum3A_42 = vector.multi_reduction <add>, %mul3A_41, %reduce_sum3A [0] : vector<10240x128xf32> to vector<128xf32>
    %broadcast_in_dim3A_43 = vector.shape_cast %reduce_sum3A_42 : vector<128xf32> to vector<1x128xf32>
    %get3A_44 = arith.constant 0 : index
    %get3A_45 = arith.constant 0 : index
    %get3A_46 = vector.load %arg5[%get3A_44, %get3A_45] : memref<1x128xf32, #tpu.memory_space<vmem>>, vector<1x128xf32>
    %mul3A_47 = arith.mulf %broadcast_in_dim3A_43, %get3A_46 : vector<1x128xf32>
    %reduce_sum3A_48 = arith.constant dense<0.000000e+00> : vector<1xf32>
    %reduce_sum3A_49 = vector.multi_reduction <add>, %mul3A_47, %reduce_sum3A_48 [1] : vector<1x128xf32> to vector<1xf32>
    %broadcast_in_dim3A_50 = vector.shape_cast %reduce_sum3A_49 : vector<1xf32> to vector<1x1xf32>
    %get3A_51 = arith.constant 0 : index
    %get3A_52 = arith.constant 0 : index
    %get3A_53 = vector.load %arg6[%get3A_51, %get3A_52] : memref<1x1xf32, #tpu.memory_space<vmem>>, vector<1x1xf32>
    %add3A_54 = arith.addf %broadcast_in_dim3A_50, %get3A_53 : vector<1x1xf32>
    %swap3A = arith.constant 0 : index
    %swap3A_55 = arith.constant 0 : index
    %swap3A_56 = vector.load %arg7[%swap3A, %swap3A_55] : memref<1x1xf32, #tpu.memory_space<vmem>>, vector<1x1xf32>
    tpu.vector_store %arg7[%swap3A, %swap3A_55], %add3A_54 {strides = array<i32>} : memref<1x1xf32, #tpu.memory_space<vmem>>, vector<1x1xf32>,
    return
  }
}

</mosaic_0001>

<sc_bundles>
// kernel: kernel.10.cloned.1.call-start
scs
__scs_entry_jumppad:
0x0: {  	(pc) =	sbr.rel $0x88, $3  }
0x1: {  	(tag) =	ssettag $0x0;
	lr =	simm.s32 $0x1  }
0x2: {  	[smem:$0x3F9B] =	sst lr;
	_ =	strace $0xD0000000  }
0x3: {  	_ = 	snop  }
0x4: {  	_ = 	snop  }
0x5: {  	_ = 	snop  }
0x6: {  	_ = 	snop  }
0x7: {  	_ = 	snop  }
__scs_overlays_trampoline_lowered:
0x8: {  	[smem:$0x3FAA] =	sst s0  }
0x9: {  	[smem:$0x3FAB] =	sst s1  }
0xa: {  	[smem:$0x3FAC] =	sst s2  }
0xb: {  	[smem:$0x3FAD] =	sst s3  }
0xc: {  	[smem:$0x3FAE] =	sst s4  }
0xd: {  	[smem:$0x3FAF] =	sst s5  }
0xe: {  	[smem:$0x3FB0] =	sst s6  }
0xf: {  	[smem:$0x3FB1] =	sst s7  }
0x10: {  	[smem:$0x3FB2] =	sst s8  }
0x11: {  	[smem:$0x3FB3] =	sst s9;
	s0 =	simm.s32 @!p0 $0x0  }
0x12: {  	s1 =	sld [smem:$0x3F99];
	s0 =	simm.s32 @p0 $0x1  }
0x13: {  	[smem:$0x3FB4] =	sst s0;
	s0 =	simm.s32 @!p1 $0x0  }
0x14: {  	s2 =	sld [smem:$0x3F98];
	s0 =	simm.s32 @p1 $0x1  }
0x15: {  	[smem:$0x3FB5] =	sst s0;
	s0 =	simm.s32 @!p2 $0x0  }
0x16: {  	s3 =	sld [smem:$0x3FDB];
	s0 =	simm.s32 @p2 $0x1  }
0x17: {  	s4 =	simm.s32 $0x1BF5;
	[smem:$0x3FB7] =	sst s0  }
0x18: {  	s0 =	sld [smem:$0x3F9A];
	_ =	swait.ge [sflag:s4], $0x0  }
0x19: {  	s7 =	sld [smem:$0x3F9B]  }
0x1a: {  	s8 =	sadd.s32 $0xFFFFE003, lr  }
0x1b: {  	s9 =	sadd.s32 $0xFFFFFEF7, lr;
	s5 =	simm.s32 $0xFFFFFFFF;
	p2 =	slt.u32 s8, $0xFFFFF086  }
0x1c: {  	p1 =	slt.u32 s9, $0xF7A;
	s5 =	simm.s32 @!p2 $0x0  }
0x1d: {  	s5 =	simm.s32 @p1 $0x1;
	p0 =	seq.s32 s7, s2  }
0x1e: {  	s7 =	smul.u32 @!p0 $0xF7A, s2;
	p2 =	seq.s32 @!p0 s5, $0x0  }
0x1f: {  	s9 =	smul.u32 $0xF7A, s1;
	s8 =	simm.s32 @!p0 $0x1BF5;
	p2 =	por !p2, p0  }
0x20: {  	[sflag:s8] =	ssyncset.s32 @!p0 $0xFFFFF086;
	s6 =	sadd.s32 @!p0 s3, s7;
	s7 =	simm.s32 @!p0 $0x108  }
0x21: {  	s3 =	sadd.s32 s3, s9;
	s6 =	sadd.s32 @!p0 $0x88, s6;
	s7 =	simm.s32 @p2 $0x1082  }
0x22: {  	[simem:s7], [sflag:s8] =	dma.local @!p0 [hbm:s6], $0xF7A  }
0x23: {  	s9 =	sor.u32 $0xD0000000, s2;
	s6 =	simm.s32 $0x108;
	_ =	swait.ge @!p0 [sflag:s8], $0x0  }
0x24: {  	s3 =	sadd.s32 $0x88, s3;
	s6 =	simm.s32 @!p1 $0x1082;
	[sflag:s4] =	ssyncset.s32 $0xFFFFF086  }
0x25: {  	[simem:s6], [sflag:s4] =	dma.local [hbm:s3], $0xF7A  }
0x26: {  	[smem:$0x3F9B] =	sst s1;
	(tag) =	ssettag s2;
	_ =	strace s9  }
0x27: {  	s1 =	sld [smem:$0x3FAB]  }
0x28: {  	s2 =	sld [smem:$0x3FAC]  }
0x29: {  	s4 =	sld [smem:$0x3FAE]  }
0x2a: {  	p0 =	seq.s32 s5, $0x0;
	s5 =	sld [smem:$0x3FAF]  }
0x2b: {  	s6 =	sld [smem:$0x3FB0]  }
0x2c: {  	s7 =	sld [smem:$0x3FB1]  }
0x2d: {  	s3 =	simm.s32 $0x108;
	s8 =	sld [smem:$0x3FB2]  }
0x2e: {  	s3 =	simm.s32 @!p0 $0x1082;
	s9 =	sld [smem:$0x3FB3]  }
0x2f: {  	lr =	sadd.s32 s0, s3;
	s0 =	sld [smem:$0x3FAA]  }
0x30: {  	s3 =	sld [smem:$0x3FAD]  }
0x31: {  	[smem:$0x3FB6] =	sst s10  }
0x32: {  	s10 =	sld [smem:$0x3FB4];
	_ =	sdelay $0x3  }
0x33: {  	p0 =	seq.s32 s10, $0x1;
	s10 =	sld [smem:$0x3FB6];
	_ =	sdelay $0x3  }
0x34: {  	[smem:$0x3FB6] =	sst s10  }
0x35: {  	s10 =	sld [smem:$0x3FB5];
	_ =	sdelay $0x3  }
0x36: {  	p1 =	seq.s32 s10, $0x1;
	s10 =	sld [smem:$0x3FB6];
	_ =	sdelay $0x3  }
0x37: {  	[smem:$0x3FB6] =	sst s10  }
0x38: {  	s10 =	sld [smem:$0x3FB7]  }
0x39: {  	_ = 	snop;
	(pc) =	sbr.ind lr, $3  }
0x3a: {  	_ = 	snop  }
0x3b: {  	_ = 	snop  }
0x3c: {  	p2 =	seq.s32 s10, $0x1;
	s10 =	sld [smem:$0x3FB6]  }
0x3d: {  	_ =	shalt  }
0x3e: {  	_ =	shalt  }
0x3f: {  	_ =	shalt  }
0x40: {  	_ =	shalt  }
0x41: {  	_ =	shalt  }
0x42: {  	_ =	shalt  }
0x43: {  	_ =	shalt  }
0x44: {  	_ =	shalt  }
0x45: {  	_ =	shalt  }
0x46: {  	_ =	shalt  }
0x47: {  	_ =	shalt  }
0x48: {  	_ =	shalt  }
0x49: {  	_ =	shalt  }
0x4a: {  	_ =	shalt  }
0x4b: {  	_ =	shalt  }
0x4c: {  	_ =	shalt  }
0x4d: {  	_ =	shalt  }
0x4e: {  	_ =	shalt  }
0x4f: {  	_ =	shalt  }
0x50: {  	_ =	shalt  }
0x51: {  	_ =	shalt  }
0x52: {  	_ =	shalt  }
0x53: {  	_ =	shalt  }
0x54: {  	_ =	shalt  }
0x55: {  	_ =	shalt  }
0x56: {  	_ =	shalt  }
0x57: {  	_ =	shalt  }
0x58: {  	_ =	shalt  }
0x59: {  	_ =	shalt  }
0x5a: {  	_ =	shalt  }
0x5b: {  	_ =	shalt  }
0x5c: {  	_ =	shalt  }
0x5d: {  	_ =	shalt  }
0x5e: {  	_ =	shalt  }
0x5f: {  	_ =	shalt  }
0x60: {  	_ =	shalt  }
0x61: {  	_ =	shalt  }
0x62: {  	_ =	shalt  }
0x63: {  	_ =	shalt  }
0x64: {  	_ =	shalt  }
0x65: {  	_ =	shalt  }
0x66: {  	_ =	shalt  }
0x67: {  	_ =	shalt  }
0x68: {  	_ =	shalt  }
0x69: {  	_ =	shalt  }
0x6a: {  	_ =	shalt  }
0x6b: {  	_ =	shalt  }
0x6c: {  	_ =	shalt  }
0x6d: {  	_ =	shalt  }
0x6e: {  	_ =	shalt  }
0x6f: {  	_ =	shalt  }
0x70: {  	_ =	shalt  }
0x71: {  	_ =	shalt  }
0x72: {  	_ =	shalt  }
0x73: {  	_ =	shalt  }
0x74: {  	_ =	shalt  }
0x75: {  	_ =	shalt  }
0x76: {  	_ =	shalt  }
0x77: {  	_ =	shalt  }
0x78: {  	_ =	shalt  }
0x79: {  	_ =	shalt  }
0x7a: {  	_ =	shalt  }
0x7b: {  	_ =	shalt  }
0x7c: {  	_ =	shalt  }
0x7d: {  	_ =	shalt  }
0x7e: {  	_ =	shalt  }
0x7f: {  	_ =	shalt  }
0x80: {  	_ =	shalt  }
0x81: {  	_ =	shalt  }
0x82: {  	_ =	shalt  }
0x83: {  	_ =	shalt  }
0x84: {  	_ =	shalt  }
0x85: {  	_ =	shalt  }
0x86: {  	_ =	shalt  }
0x87: {  	_ =	shalt  }
.Lfunc_end0:
.L_simem_size_0:
called_computation.1_lowered:
.L_overlay_start_0:
0x88: {  	s2 =	sld [smem:$0x3FD9]  }
0x89: {  	s3 =	sld [smem:$0x3FFE];
	_ =	sdelay $0x1  }
0x8a: {  	s1 =	srdreg.scid  }
0x8b: {  	s0 =	sand.u32 $0x1, s1  }
0x8c: {  	s17 =	sshll.u32 s0, $0xA;
	s2 =	sadd.s32 s3, s2  }
0x8d: {  	s2 =	sadd.s32 s2, s17  }
0x8e: {  	[smem:$0x3FC2] =	sst s2  }
0x8f: {  	_ = 	snop  }
0x90: {  	(tm) =	ssettm $0x1  }
0x91: {  	s18 =	sld [smem:$0x3FFB];
	_ =	sdelay $0x3  }
0x92: {  	_ =	strace s18  }
0x93: {  	s2 =	sld [smem:$0x3FFC];
	_ =	sdelay $0x3  }
0x94: {  	_ =	strace s2  }
0x95: {  	s2 =	sld [smem:$0x3FFD];
	_ =	sdelay $0x3  }
0x96: {  	_ =	strace s2  }
0x97: {  	_ =	strace $0x8FFFFFFF  }
0x98: {  	s19 =	sld [smem:$0x3FDB];
	_ =	sdelay $0x1  }
0x99: {  	s20 =	simm.s32 $_scs_section_size  }
0x9a: {  	s4 =	simm.s32 $_size__tile_overlayer_lowered;
	s5 =	simm.s32 $_tile_overlayer_lowered  }
0x9b: {  	s6 =	simm.s32 $0x1BFF;
	s21 =	sshll.u32 s5, $0x1;
	s3 =	sadd.s32 s20, s19  }
0x9c: {  	s22 =	simm.s32 $0x0;
	s4 =	sshll.u32 s4, $0x1;
	s5 =	sadd.s32 s21, s3  }
0x9d: {  	[timem:s22], [sflag:s6] =	dma.local [hbm:s5], s4  }
0x9e: {  	_ =	swait.ge [sflag:s6], s4  }
0x9f: {  	s4 =	ssub.s32 $0x0, s4;
	[sflag:s6] =	ssyncset.done $0x0  }
0xa0: {  	[sflag:s6] =	ssyncadd.s32 s4;
	_ =	sdelay $0x1  }
0xa1: {  	s23 =	simm.s32 $0x1B8B  }
0xa2: {  	_ =	swait.ge [sflag:s23], $0x1  }
0xa3: {  	[sflag:s23] =	ssyncset.done $0x0  }
0xa4: {  	[sflag:s23] =	ssyncadd.s32 $0xFFFFFFFF  }
0xa5: {  	s4 =	sld [smem:$0x0]  }
0xa6: {  	s5 =	sand.u32 $0xFFFFFFFE, s1  }
0xa7: {  	p0 =	sne.s32 s1, s5  }
0xa8: {  	s5 =	sshll.u32 @p0 s5, $0xE  }
0xa9: {  	s5 =	sadd.s32 @p0 $0x11B8D, s5;
	s6 =	sshll.u32 @p0 s4, $0x11  }
0xaa: {  	s5 =	sor.u32 @p0 s6, s5  }
0xab: {  	[sflag:s5] =	ssyncadd.remote.s32 @p0 $0x1;
	_ =	sdelay $0x1  }
0xac: {  	s5 =	simm.s32 @p0 $0x1B8D  }
0xad: {  	_ =	swait.eq @p0 [sflag:s5], $0x1  }
0xae: {  	[sflag:s5] =	ssyncadd.s32 @p0 $0xFFFFFFFF  }
0xaf: {  	s6 =	sshll.u32 @!p0 s1, $0xE  }
0xb0: {  	s6 =	sor.u32 @!p0 $0x4000, s6;
	s5 =	simm.s32 @!p0 $0x1B8D  }
0xb1: {  	s4 =	sshll.u32 @!p0 s4, $0x11;
	s6 =	sadd.s32 @!p0 $0x11B8D, s6;
	_ =	swait.eq @!p0 [sflag:s5], $0x1  }
0xb2: {  	s4 =	sor.u32 @!p0 s4, s6;
	[sflag:s5] =	ssyncadd.s32 @!p0 $0xFFFFFFFF  }
0xb3: {  	s25 =	simm.s32 $0x1B8E;
	s24 =	sld [smem:$0x3FFE];
	[sflag:s4] =	ssyncadd.remote.s32 @!p0 $0x1  }
0xb4: {  	s26 =	simm.s32 $execute0_lowered;
	[smem:$0x3FD2] =	sst s25  }
0xb5: {  	s5 =	sshll.u32 s26, $0x1;
	_ =	strace $0x8000004C;
	[dreg:$0x1] =	wrdreg $0xFFFFFFFF  }
0xb6: {  	s28 =	simm.s32 $_size_execute0_lowered;
	s3 =	sadd.s32 s3, s5;
	[dreg:$0x0] =	wrdreg $0x0  }
0xb7: {  	s5 =	sshll.u32 s28, $0x1;
	[dreg:$0x2] =	wrdreg s3  }
0xb8: {  	[dreg:$0x3] =	wrdreg s5  }
0xb9: {  	[dreg:$0x4] =	wrdreg $0xC0  }
0xba: {  	_ =	task [dreg:s22], $0x5FFFF  }
0xbb: {  	[dreg:$0x1] =	wrdreg $0xFFFFFFFF  }
0xbc: {  	[dreg:$0x0] =	wrdreg $0x60  }
0xbd: {  	[dreg:$0x2] =	wrdreg s24  }
0xbe: {  	[dreg:$0x3] =	wrdreg $0xA8000  }
0xbf: {  	[dreg:$0x4] =	wrdreg $0x9  }
0xc0: {  	_ =	task.clear_ibuf [dreg:s22], $0x5FFFF;
	_ =	strace $0x9000004C  }
0xc1: {  	s29 =	simm.s32 $0x9;
	_ =	strace $0x8000004E  }
0xc2: {  	_ =	swait.ge [sflag:s29], $0x1  }
0xc3: {  	[sflag:s29] =	ssyncadd.s32 $0xFFFFFFFF  }
0xc4: {  	_ =	strace $0x9000004E  }
0xc5: {  	_ =	sfence  }
0xc6: {  	s30 =	sld [smem:$0x0];
	_ =	sdelay $0x2  }
0xc7: {  	s31 =	sshll.u32 s1, $0xD;
	s1 =	sshrl.u32 s1, $0x2  }
0xc8: {  	s4 =	sand.u32 $0x4000, s31;
	s1 =	sadd.s32 s1, s30  }
0xc9: {  	s0 =	sor.u32 s4, s0;
	s1 =	sshll.u32 s1, $0x11  }
0xca: {  	s0 =	sor.u32 s1, s0  }
0xcb: {  	s0 =	sadd.s32 $0x8F2B, s0  }
0xcc: {  	[sflag:s0] =	ssyncadd.remote.s32 $0x1  }
0xcd: {  	_ =	sfence.sel $0xFFFF  }
0xce: {  	[dreg:$0x0] =	wrdreg $0xFFFFFFFF;
	(pc) =	sbr.abs _section_cstart, $3  }
0xcf: {  	[dreg:$0x1] =	wrdreg $0xFFFFFFFF  }
0xd0: {  	_ =	task.clear_ibuf [dreg:s22], $0x2FFFF;
	_ =	strace $0x9FFFFFFF  }
0xd1: {  	(tm) =	ssettm $0x7FFFFFFF  }
tec
execute0_lowered:
.L_overlay_start_1:
0x0: {  	(tag) =	ssettag $0x1  }
0x1: {  	s0 =	srdreg.scid;
	s4 =	stileid.u32  }
0x2: {  	s0 =	sand.u32 $0x1, s0;
	s7 =	smul.u32 $0x14000, s4  }
0x3: {  	s8 =	smul.u32 $0x50000, s4;
	s1 =	sshll.u32 s0, $0x4  }
0x4: {  	s5 =	rddreg [dreg:$0x0];
	s6 =	smul.u32 $0x140000, s0;
	s1 =	sor.u32 s4, s1  }
0x5: {  	s2 =	rddreg [dreg:$0x1];
	s1 =	smul.u32 $0x5000, s1  }
0x6: {  	s3 =	simm.s32 $0x0;
	s4 =	sadd.s32 $0x3EC00, s5;
	s6 =	sadd.s32 s7, s6  }
0x7: {  	s10 =	sshrl.u32 s8, $0x2;
	s6 =	sshrl.u32 s6, $0x3;
	s1 =	sshrl.u32 s1, $0x3  }
0x8: {  	s6 =	sadd.s32 s6, s5;
	s1 =	sadd.s32 s1, s5;
	s5 =	sadd.s32 s10, s2  }
0x9: {  	[smem:$0x7FF] =	sst s3;
	s7 =	sadd.s32 $0x2000, s5  }
0xa: {  	_ =	strace $0x8000004D;
	s12 =	sadd.s32 $0x4000, s5;
	[dreg:$0x3] =	wrdreg s7  }
0xb: {  	s13 =	sadd.s32 $0x6000, s5;
	[dreg:$0x4] =	wrdreg s12  }
0xc: {  	s14 =	sadd.s32 $0x8000, s5;
	[dreg:$0x5] =	wrdreg s13  }
0xd: {  	s15 =	sadd.s32 $0xA000, s5;
	[dreg:$0x6] =	wrdreg s14  }
0xe: {  	s16 =	sadd.s32 $0xC000, s5;
	[dreg:$0x7] =	wrdreg s15  }
0xf: {  	s17 =	sadd.s32 $0xE000, s5;
	[dreg:$0x8] =	wrdreg s16  }
0x10: {  	s28 =	simm.s32 $0x1400;
	s18 =	sadd.s32 $0x10000, s5;
	[dreg:$0x9] =	wrdreg s17  }
0x11: {  	s29 =	simm.s32 $0x40;
	s19 =	sadd.s32 $0x12000, s5;
	[dreg:$0xa] =	wrdreg s18  }
0x12: {  	s30 =	simm.s32 $0x80;
	s20 =	sadd.s32 $0x16C00, s1;
	[dreg:$0xb] =	wrdreg s19  }
0x13: {  	s31 =	simm.s32 $0x4800;
	s21 =	sadd.s32 $0x2AC00, s1;
	[dreg:$0xc] =	wrdreg s20  }
0x14: {  	s9 =	simm.s32 $0x2;
	s22 =	sadd.s32 $0x16E80, s1;
	[dreg:$0xd] =	wrdreg s21  }
0x15: {  	s0 =	ssub.s32 $0x2, s0;
	s23 =	sadd.s32 $0x2AE80, s1;
	[dreg:$0xe] =	wrdreg s22  }
0x16: {  	s11 =	sshrl.u32 s0, $0x1;
	s24 =	sadd.s32 $0x17100, s1;
	[dreg:$0xf] =	wrdreg s23  }
0x17: {  	s8 =	simm.s32 $0x1;
	s25 =	sadd.s32 $0x2B100, s1;
	[dreg:$0x10] =	wrdreg s24  }
0x18: {  	s0 =	ssub.s32 s0, s11;
	s26 =	sadd.s32 $0x17380, s1;
	[dreg:$0x11] =	wrdreg s25  }
0x19: {  	s11 =	simm.s32 $0x4;
	s1 =	sadd.s32 $0x2B380, s1;
	[dreg:$0x12] =	wrdreg s26  }
0x1a: {  	s10 =	simm.s32 $0x3;
	[dreg:$0x13] =	wrdreg s1;
	s23 =	sadd.s32 $0x66C00, s6  }
0x1b: {  	s24 =	smax.u32 s0, $0x1;
	s25 =	simm.s32 $0x2800;
	s26 =	simm.s32 $0x9  }
0x1c: {  	s1 =	simm.s32 $0x100;
	s0 =	simm.s32 $0x6800;
	s6 =	simm.s32 $0x180  }
0x1d: {  	s7 =	simm.s32 $0x8800;
	s12 =	simm.s32 $0x5;
	s13 =	simm.s32 $0x6  }
0x1e: {  	s14 =	simm.s32 $0x7;
	s15 =	simm.s32 $0x8;
	s16 =	simm.s32 $0x2600  }
0x1f: {  	v0 =	vimm.f32 $0.0e+00;
	s17 =	simm.s32 $0x2680;
	s18 =	simm.s32 $0x2700;
	s19 =	simm.s32 $0x2780  }
.LBB2_1:
0x20: {  	s20 =	simm.s32 $0x0;
	s21 =	simm.s32 $0x200  }
.LBB2_2:
0x21: {  	p0 =	sne.s32 s21, $0x7E00;
	[tilespmem:s20+$0x2870] =	vst v0  }
0x22: {  	[tilespmem:s20+$0x2800] =	vst v0  }
0x23: {  	[tilespmem:s20+$0x2810] =	vst v0  }
.Ltmp0:
0x24: {  	[tilespmem:s20+$0x2820] =	vst v0;
	(pc) =	sbr.rel @p0 .LBB2_2-.Ltmp0, $4  }
0x25: {  	[tilespmem:s20+$0x2830] =	vst v0  }
0x26: {  	[tilespmem:s20+$0x2840] =	vst v0  }
0x27: {  	[tilespmem:s20+$0x2850] =	vst v0  }
0x28: {  	[tilespmem:s20+$0x2860] =	vst v0;
	s20 =	sshra.s32 s21, $0x2;
	s21 =	sadd.s32 $0x200, s21  }
0x29: {  	[tilespmem:s20+$0x2870] =	vst v0  }
0x2a: {  	[tilespmem:s20+$0x2800] =	vst v0  }
0x2b: {  	[tilespmem:s20+$0x2810] =	vst v0  }
0x2c: {  	[tilespmem:s20+$0x2820] =	vst v0  }
0x2d: {  	[tilespmem:s20+$0x2830] =	vst v0  }
0x2e: {  	[tilespmem:s20+$0x2840] =	vst v0  }
0x2f: {  	[tilespmem:s20+$0x2850] =	vst v0  }
0x30: {  	[tilespmem:s20+$0x2860] =	vst v0  }
0x31: {  	[spmem:s5] =	stream.linear.scatter [tilespmem:s25], [sflag:$0x9], $0x2000, $0x38;
	[tilespmem:$0x1E800] =	vst v63  }
0x32: {  	_ =	swait.ge [sflag:s26], $0x2000  }
0x33: {  	[sflag:s26] =	ssyncset.done $0x0  }
0x34: {  	s21 =	rddreg [dreg:$0x3];
	[sflag:s26] =	ssyncadd.s32 $0xFFFFE000  }
0x35: {  	[spmem:s21] =	stream.linear.scatter [tilespmem:s25], [sflag:$0x9], $0x2000, $0x38;
	[tilespmem:$0x1E800] =	vst v63  }
0x36: {  	_ =	swait.ge [sflag:s26], $0x2000  }
0x37: {  	[sflag:s26] =	ssyncset.done $0x0  }
0x38: {  	s22 =	rddreg [dreg:$0x4];
	[sflag:s26] =	ssyncadd.s32 $0xFFFFE000  }
0x39: {  	[spmem:s22] =	stream.linear.scatter [tilespmem:s25], [sflag:$0x9], $0x2000, $0x38;
	[tilespmem:$0x1E800] =	vst v63  }
0x3a: {  	_ =	swait.ge [sflag:s26], $0x2000  }
0x3b: {  	[sflag:s26] =	ssyncset.done $0x0  }
0x3c: {  	s21 =	rddreg [dreg:$0x5];
	[sflag:s26] =	ssyncadd.s32 $0xFFFFE000  }
0x3d: {  	[spmem:s21] =	stream.linear.scatter [tilespmem:s25], [sflag:$0x9], $0x2000, $0x38;
	[tilespmem:$0x1E800] =	vst v63  }
0x3e: {  	_ =	swait.ge [sflag:s26], $0x2000  }
0x3f: {  	[sflag:s26] =	ssyncset.done $0x0  }
0x40: {  	s22 =	rddreg [dreg:$0x6];
	[sflag:s26] =	ssyncadd.s32 $0xFFFFE000  }
0x41: {  	[spmem:s22] =	stream.linear.scatter [tilespmem:s25], [sflag:$0x9], $0x2000, $0x38;
	[tilespmem:$0x1E800] =	vst v63  }
0x42: {  	_ =	swait.ge [sflag:s26], $0x2000  }
0x43: {  	[sflag:s26] =	ssyncset.done $0x0  }
0x44: {  	s21 =	rddreg [dreg:$0x7];
	[sflag:s26] =	ssyncadd.s32 $0xFFFFE000  }
0x45: {  	[spmem:s21] =	stream.linear.scatter [tilespmem:s25], [sflag:$0x9], $0x2000, $0x38;
	[tilespmem:$0x1E800] =	vst v63  }
0x46: {  	_ =	swait.ge [sflag:s26], $0x2000  }
0x47: {  	[sflag:s26] =	ssyncset.done $0x0  }
0x48: {  	s22 =	rddreg [dreg:$0x8];
	[sflag:s26] =	ssyncadd.s32 $0xFFFFE000  }
0x49: {  	[spmem:s22] =	stream.linear.scatter [tilespmem:s25], [sflag:$0x9], $0x2000, $0x38;
	[tilespmem:$0x1E800] =	vst v63  }
0x4a: {  	_ =	swait.ge [sflag:s26], $0x2000  }
0x4b: {  	[sflag:s26] =	ssyncset.done $0x0  }
0x4c: {  	s21 =	rddreg [dreg:$0x9];
	[sflag:s26] =	ssyncadd.s32 $0xFFFFE000  }
0x4d: {  	[spmem:s21] =	stream.linear.scatter [tilespmem:s25], [sflag:$0x9], $0x2000, $0x38;
	[tilespmem:$0x1E800] =	vst v63  }
0x4e: {  	_ =	swait.ge [sflag:s26], $0x2000  }
0x4f: {  	[sflag:s26] =	ssyncset.done $0x0  }
0x50: {  	s22 =	rddreg [dreg:$0xa];
	[sflag:s26] =	ssyncadd.s32 $0xFFFFE000  }
0x51: {  	[spmem:s22] =	stream.linear.scatter [tilespmem:s25], [sflag:$0x9], $0x2000, $0x38;
	[tilespmem:$0x1E800] =	vst v63  }
0x52: {  	_ =	swait.ge [sflag:s26], $0x2000  }
0x53: {  	[sflag:s26] =	ssyncset.done $0x0  }
0x54: {  	s21 =	rddreg [dreg:$0xb];
	[sflag:s26] =	ssyncadd.s32 $0xFFFFE000  }
0x55: {  	[spmem:s21] =	stream.linear.scatter [tilespmem:s25], [sflag:$0x9], $0x2000, $0x38;
	[tilespmem:$0x1E800] =	vst v63  }
0x56: {  	_ =	swait.ge [sflag:s26], $0x2000  }
0x57: {  	[sflag:s26] =	ssyncset.done $0x0  }
0x58: {  	[sflag:s26] =	ssyncadd.s32 $0xFFFFE000  }
0x59: {  	[bflag:$0x0] =	sbarrier.arrive $0xFFFF  }
0x5a: {  	s20 =	simm.s32 $0x0;
	s21 =	rddreg [dreg:$0xc]  }
0x5b: {  	[tilespmem:s20], [sflag:$0x9] =	stream.linear.gather [hbm4b:s21+s20], $0x1400, $0x38;
	[tilespmem:$0x1E800] =	vst v63  }
0x5c: {  	_ =	swait.ge [sflag:s26], $0x1400  }
0x5d: {  	[sflag:s26] =	ssyncset.done $0x0  }
0x5e: {  	s22 =	rddreg [dreg:$0xd];
	[sflag:s26] =	ssyncadd.s32 $0xFFFFEC00  }
0x5f: {  	[tilespmem:s28], [sflag:$0x9] =	stream.linear.gather [hbm4b:s22+s20], $0x1400, $0x38;
	[tilespmem:$0x1E800] =	vst v63  }
0x60: {  	_ =	swait.ge [sflag:s26], $0x1400  }
0x61: {  	[sflag:s26] =	ssyncset.done $0x0  }
0x62: {  	[sflag:s26] =	ssyncadd.s32 $0xFFFFEC00  }
0x63: {  	[tilespmem:s25], [sflag:$0x1] =	stream.indirect.gather [hbm4b:s4+s29], $0x80, s20, s29, $0xb8;
	[tilespmem:$0x1E800] =	vst v63  }
0x64: {  	_ = 	snop  }
0x65: {  	[tilespmem:s31], [sflag:$0x2] =	stream.indirect.gather [hbm4b:s4+s29], $0x80, s30, s29, $0xb8;
	[tilespmem:$0x1E800] =	vst v63  }
0x66: {  	_ = 	snop  }
0x67: {  	[tilespmem:s0], [sflag:$0x3] =	stream.indirect.gather [hbm4b:s4+s29], $0x80, s1, s29, $0xb8;
	[tilespmem:$0x1E800] =	vst v63  }
0x68: {  	_ = 	snop  }
0x69: {  	[tilespmem:s7], [sflag:$0x4] =	stream.indirect.gather [hbm4b:s4+s29], $0x80, s6, s29, $0xb8;
	[tilespmem:$0x1E800] =	vst v63  }
0x6a: {  	_ =	swait.ge [sflag:s8], $0x2000  }
0x6b: {  	[sflag:s8] =	ssyncset.done $0x0  }
0x6c: {  	s22 =	simm.s32 $0x1400;
	[sflag:s8] =	ssyncadd.s32 $0xFFFFE000  }
0x6d: {  	[spmem:s2] =	stream.indirect.scatter.add.f32 [tilespmem:s25], [sflag:$0x5], $0x80, s22, s29, $0xb8;
	[tilespmem:$0x1E800] =	vst v63  }
0x6e: {  	_ =	swait.ge [sflag:s9], $0x2000  }
0x6f: {  	[sflag:s9] =	ssyncset.done $0x0  }
0x70: {  	s21 =	simm.s32 $0x1480;
	[sflag:s9] =	ssyncadd.s32 $0xFFFFE000  }
0x71: {  	[spmem:s2] =	stream.indirect.scatter.add.f32 [tilespmem:s31], [sflag:$0x6], $0x80, s21, s29, $0xb8;
	[tilespmem:$0x1E800] =	vst v63  }
0x72: {  	_ =	swait.ge [sflag:s10], $0x2000  }
0x73: {  	[sflag:s10] =	ssyncset.done $0x0  }
0x74: {  	s22 =	simm.s32 $0x1500;
	[sflag:s10] =	ssyncadd.s32 $0xFFFFE000  }
0x75: {  	[spmem:s2] =	stream.indirect.scatter.add.f32 [tilespmem:s0], [sflag:$0x7], $0x80, s22, s29, $0xb8;
	[tilespmem:$0x1E800] =	vst v63  }
0x76: {  	_ =	swait.ge [sflag:s11], $0x2000  }
0x77: {  	[sflag:s11] =	ssyncset.done $0x0  }
0x78: {  	s21 =	simm.s32 $0x1580;
	[sflag:s11] =	ssyncadd.s32 $0xFFFFE000  }
0x79: {  	[spmem:s2] =	stream.indirect.scatter.add.f32 [tilespmem:s7], [sflag:$0x8], $0x80, s21, s29, $0xb8;
	[tilespmem:$0x1E800] =	vst v63  }
0x7a: {  	_ =	swait.ge [sflag:s12], $0x2000  }
0x7b: {  	[sflag:s12] =	ssyncset.done $0x0  }
0x7c: {  	s22 =	simm.s32 $0x200;
	[sflag:s12] =	ssyncadd.s32 $0xFFFFE000  }
0x7d: {  	[tilespmem:s25], [sflag:$0x1] =	stream.indirect.gather [hbm4b:s4+s29], $0x80, s22, s29, $0xb8;
	[tilespmem:$0x1E800] =	vst v63  }
0x7e: {  	_ =	swait.ge [sflag:s13], $0x2000  }
0x7f: {  	[sflag:s13] =	ssyncset.done $0x0  }
0x80: {  	s21 =	simm.s32 $0x280;
	[sflag:s13] =	ssyncadd.s32 $0xFFFFE000  }
0x81: {  	[tilespmem:s31], [sflag:$0x2] =	stream.indirect.gather [hbm4b:s4+s29], $0x80, s21, s29, $0xb8;
	[tilespmem:$0x1E800] =	vst v63  }
0x82: {  	_ =	swait.ge [sflag:s14], $0x2000  }
0x83: {  	[sflag:s14] =	ssyncset.done $0x0  }
0x84: {  	s22 =	simm.s32 $0x300;
	[sflag:s14] =	ssyncadd.s32 $0xFFFFE000  }
0x85: {  	[tilespmem:s0], [sflag:$0x3] =	stream.indirect.gather [hbm4b:s4+s29], $0x80, s22, s29, $0xb8;
	[tilespmem:$0x1E800] =	vst v63  }
0x86: {  	_ =	swait.ge [sflag:s15], $0x2000  }
0x87: {  	[sflag:s15] =	ssyncset.done $0x0  }
0x88: {  	s20 =	simm.s32 $0x800;
	s21 =	simm.s32 $0x380;
	[sflag:s15] =	ssyncadd.s32 $0xFFFFE000  }
.LBB2_4:
0x89: {  	[tilespmem:s7], [sflag:$0x4] =	stream.indirect.gather [hbm4b:s4+s29], $0x80, s21, s29, $0xb8;
	[tilespmem:$0x1E800] =	vst v63  }
0x8a: {  	s21 =	smov.u32 s20  }
0x8b: {  	p0 =	sne.s32 s20, $0x4000;
	s20 =	sadd.s32 $0x800, s20;
	_ =	swait.ge [sflag:s8], $0x2000  }
0x8c: {  	s21 =	sshra.s32 s21, $0x2;
	[sflag:s8] =	ssyncset.done $0x0  }
0x8d: {  	s22 =	sadd.s32 $0x1400, s21;
	[sflag:s8] =	ssyncadd.s32 $0xFFFFE000  }
0x8e: {  	[spmem:s2] =	stream.indirect.scatter.add.f32 [tilespmem:s25], [sflag:$0x5], $0x80, s22, s29, $0xb8;
	[tilespmem:$0x1E800] =	vst v63  }
0x8f: {  	_ =	swait.ge [sflag:s9], $0x2000  }
0x90: {  	[sflag:s9] =	ssyncset.done $0x0  }
0x91: {  	s22 =	sadd.s32 $0x1480, s21;
	[sflag:s9] =	ssyncadd.s32 $0xFFFFE000  }
0x92: {  	[spmem:s2] =	stream.indirect.scatter.add.f32 [tilespmem:s31], [sflag:$0x6], $0x80, s22, s29, $0xb8;
	[tilespmem:$0x1E800] =	vst v63  }
0x93: {  	_ =	swait.ge [sflag:s10], $0x2000  }
0x94: {  	[sflag:s10] =	ssyncset.done $0x0  }
0x95: {  	s22 =	sadd.s32 $0x1500, s21;
	[sflag:s10] =	ssyncadd.s32 $0xFFFFE000  }
0x96: {  	[spmem:s2] =	stream.indirect.scatter.add.f32 [tilespmem:s0], [sflag:$0x7], $0x80, s22, s29, $0xb8;
	[tilespmem:$0x1E800] =	vst v63  }
0x97: {  	_ =	swait.ge [sflag:s11], $0x2000  }
0x98: {  	[sflag:s11] =	ssyncset.done $0x0  }
0x99: {  	s22 =	sadd.s32 $0x1580, s21;
	[sflag:s11] =	ssyncadd.s32 $0xFFFFE000  }
0x9a: {  	[spmem:s2] =	stream.indirect.scatter.add.f32 [tilespmem:s7], [sflag:$0x8], $0x80, s22, s29, $0xb8;
	[tilespmem:$0x1E800] =	vst v63  }
0x9b: {  	_ =	swait.ge [sflag:s12], $0x2000  }
0x9c: {  	[sflag:s12] =	ssyncset.done $0x0  }
0x9d: {  	s22 =	sadd.s32 $0x200, s21;
	[sflag:s12] =	ssyncadd.s32 $0xFFFFE000  }
0x9e: {  	[tilespmem:s25], [sflag:$0x1] =	stream.indirect.gather [hbm4b:s4+s29], $0x80, s22, s29, $0xb8;
	[tilespmem:$0x1E800] =	vst v63  }
0x9f: {  	_ =	swait.ge [sflag:s13], $0x2000  }
0xa0: {  	[sflag:s13] =	ssyncset.done $0x0  }
0xa1: {  	s22 =	sadd.s32 $0x280, s21;
	[sflag:s13] =	ssyncadd.s32 $0xFFFFE000  }
0xa2: {  	[tilespmem:s31], [sflag:$0x2] =	stream.indirect.gather [hbm4b:s4+s29], $0x80, s22, s29, $0xb8;
	[tilespmem:$0x1E800] =	vst v63  }
0xa3: {  	_ =	swait.ge [sflag:s14], $0x2000  }
0xa4: {  	[sflag:s14] =	ssyncset.done $0x0  }
.Ltmp1:
0xa5: {  	s22 =	sadd.s32 $0x300, s21;
	[sflag:s14] =	ssyncadd.s32 $0xFFFFE000;
	(pc) =	sbr.rel @p0 .LBB2_4-.Ltmp1, $4  }
0xa6: {  	[tilespmem:s0], [sflag:$0x3] =	stream.indirect.gather [hbm4b:s4+s29], $0x80, s22, s29, $0xb8;
	[tilespmem:$0x1E800] =	vst v63  }
0xa7: {  	_ =	swait.ge [sflag:s15], $0x2000  }
0xa8: {  	[sflag:s15] =	ssyncset.done $0x0  }
0xa9: {  	s21 =	sadd.s32 $0x380, s21;
	[sflag:s15] =	ssyncadd.s32 $0xFFFFE000  }
0xaa: {  	[tilespmem:s7], [sflag:$0x4] =	stream.indirect.gather [hbm4b:s4+s29], $0x80, s21, s29, $0xb8;
	[tilespmem:$0x1E800] =	vst v63  }
0xab: {  	_ =	swait.ge [sflag:s8], $0x2000  }
0xac: {  	[sflag:s8] =	ssyncset.done $0x0  }
0xad: {  	[sflag:s8] =	ssyncadd.s32 $0xFFFFE000  }
0xae: {  	[spmem:s2] =	stream.indirect.scatter.add.f32 [tilespmem:s25], [sflag:$0x5], $0x80, s16, s29, $0xb8;
	[tilespmem:$0x1E800] =	vst v63  }
0xaf: {  	_ =	swait.ge [sflag:s9], $0x2000  }
0xb0: {  	[sflag:s9] =	ssyncset.done $0x0  }
0xb1: {  	[sflag:s9] =	ssyncadd.s32 $0xFFFFE000  }
0xb2: {  	[spmem:s2] =	stream.indirect.scatter.add.f32 [tilespmem:s31], [sflag:$0x6], $0x80, s17, s29, $0xb8;
	[tilespmem:$0x1E800] =	vst v63  }
0xb3: {  	_ =	swait.ge [sflag:s10], $0x2000  }
0xb4: {  	[sflag:s10] =	ssyncset.done $0x0  }
0xb5: {  	[sflag:s10] =	ssyncadd.s32 $0xFFFFE000  }
0xb6: {  	[spmem:s2] =	stream.indirect.scatter.add.f32 [tilespmem:s0], [sflag:$0x7], $0x80, s18, s29, $0xb8;
	[tilespmem:$0x1E800] =	vst v63  }
0xb7: {  	_ =	swait.ge [sflag:s11], $0x2000  }
0xb8: {  	[sflag:s11] =	ssyncset.done $0x0  }
0xb9: {  	[sflag:s11] =	ssyncadd.s32 $0xFFFFE000  }
0xba: {  	[spmem:s2] =	stream.indirect.scatter.add.f32 [tilespmem:s7], [sflag:$0x8], $0x80, s19, s29, $0xb8;
	[tilespmem:$0x1E800] =	vst v63  }
0xbb: {  	_ =	swait.ge [sflag:s12], $0x2000  }
0xbc: {  	[sflag:s12] =	ssyncset.done $0x0  }
0xbd: {  	[sflag:s12] =	ssyncadd.s32 $0xFFFFE000  }
0xbe: {  	_ =	swait.ge [sflag:s13], $0x2000  }
0xbf: {  	[sflag:s13] =	ssyncset.done $0x0  }
0xc0: {  	[sflag:s13] =	ssyncadd.s32 $0xFFFFE000  }
0xc1: {  	_ =	swait.ge [sflag:s14], $0x2000  }
0xc2: {  	[sflag:s14] =	ssyncset.done $0x0  }
0xc3: {  	[sflag:s14] =	ssyncadd.s32 $0xFFFFE000  }
0xc4: {  	_ =	swait.ge [sflag:s15], $0x2000  }
0xc5: {  	[sflag:s15] =	ssyncset.done $0x0  }
0xc6: {  	s20 =	simm.s32 $0x0;
	s22 =	rddreg [dreg:$0xe];
	[sflag:s15] =	ssyncadd.s32 $0xFFFFE000  }
0xc7: {  	[tilespmem:s20], [sflag:$0x9] =	stream.linear.gather [hbm4b:s22+s20], $0x1400, $0x38;
	[tilespmem:$0x1E800] =	vst v63  }
0xc8: {  	_ =	swait.ge [sflag:s26], $0x1400  }
0xc9: {  	[sflag:s26] =	ssyncset.done $0x0  }
0xca: {  	s22 =	rddreg [dreg:$0xf];
	[sflag:s26] =	ssyncadd.s32 $0xFFFFEC00  }
0xcb: {  	[tilespmem:s28], [sflag:$0x9] =	stream.linear.gather [hbm4b:s22+s20], $0x1400, $0x38;
	[tilespmem:$0x1E800] =	vst v63  }
0xcc: {  	_ =	swait.ge [sflag:s26], $0x1400  }
0xcd: {  	[sflag:s26] =	ssyncset.done $0x0  }
0xce: {  	[sflag:s26] =	ssyncadd.s32 $0xFFFFEC00  }
0xcf: {  	[tilespmem:s25], [sflag:$0x1] =	stream.indirect.gather [hbm4b:s4+s29], $0x80, s20, s29, $0xb8;
	[tilespmem:$0x1E800] =	vst v63  }
0xd0: {  	_ = 	snop  }
0xd1: {  	[tilespmem:s31], [sflag:$0x2] =	stream.indirect.gather [hbm4b:s4+s29], $0x80, s30, s29, $0xb8;
	[tilespmem:$0x1E800] =	vst v63  }
0xd2: {  	_ = 	snop  }
0xd3: {  	[tilespmem:s0], [sflag:$0x3] =	stream.indirect.gather [hbm4b:s4+s29], $0x80, s1, s29, $0xb8;
	[tilespmem:$0x1E800] =	vst v63  }
0xd4: {  	_ = 	snop  }
0xd5: {  	[tilespmem:s7], [sflag:$0x4] =	stream.indirect.gather [hbm4b:s4+s29], $0x80, s6, s29, $0xb8;
	[tilespmem:$0x1E800] =	vst v63  }
0xd6: {  	_ =	swait.ge [sflag:s8], $0x2000  }
0xd7: {  	[sflag:s8] =	ssyncset.done $0x0  }
0xd8: {  	s22 =	simm.s32 $0x1400;
	[sflag:s8] =	ssyncadd.s32 $0xFFFFE000  }
0xd9: {  	[spmem:s2] =	stream.indirect.scatter.add.f32 [tilespmem:s25], [sflag:$0x5], $0x80, s22, s29, $0xb8;
	[tilespmem:$0x1E800] =	vst v63  }
0xda: {  	_ =	swait.ge [sflag:s9], $0x2000  }
0xdb: {  	[sflag:s9] =	ssyncset.done $0x0  }
0xdc: {  	s21 =	simm.s32 $0x1480;
	[sflag:s9] =	ssyncadd.s32 $0xFFFFE000  }
0xdd: {  	[spmem:s2] =	stream.indirect.scatter.add.f32 [tilespmem:s31], [sflag:$0x6], $0x80, s21, s29, $0xb8;
	[tilespmem:$0x1E800] =	vst v63  }
0xde: {  	_ =	swait.ge [sflag:s10], $0x2000  }
0xdf: {  	[sflag:s10] =	ssyncset.done $0x0  }
0xe0: {  	s22 =	simm.s32 $0x1500;
	[sflag:s10] =	ssyncadd.s32 $0xFFFFE000  }
0xe1: {  	[spmem:s2] =	stream.indirect.scatter.add.f32 [tilespmem:s0], [sflag:$0x7], $0x80, s22, s29, $0xb8;
	[tilespmem:$0x1E800] =	vst v63  }
0xe2: {  	_ =	swait.ge [sflag:s11], $0x2000  }
0xe3: {  	[sflag:s11] =	ssyncset.done $0x0  }
0xe4: {  	s21 =	simm.s32 $0x1580;
	[sflag:s11] =	ssyncadd.s32 $0xFFFFE000  }
0xe5: {  	[spmem:s2] =	stream.indirect.scatter.add.f32 [tilespmem:s7], [sflag:$0x8], $0x80, s21, s29, $0xb8;
	[tilespmem:$0x1E800] =	vst v63  }
0xe6: {  	_ =	swait.ge [sflag:s12], $0x2000  }
0xe7: {  	[sflag:s12] =	ssyncset.done $0x0  }
0xe8: {  	s22 =	simm.s32 $0x200;
	[sflag:s12] =	ssyncadd.s32 $0xFFFFE000  }
0xe9: {  	[tilespmem:s25], [sflag:$0x1] =	stream.indirect.gather [hbm4b:s4+s29], $0x80, s22, s29, $0xb8;
	[tilespmem:$0x1E800] =	vst v63  }
0xea: {  	_ =	swait.ge [sflag:s13], $0x2000  }
0xeb: {  	[sflag:s13] =	ssyncset.done $0x0  }
0xec: {  	s21 =	simm.s32 $0x280;
	[sflag:s13] =	ssyncadd.s32 $0xFFFFE000  }
0xed: {  	[tilespmem:s31], [sflag:$0x2] =	stream.indirect.gather [hbm4b:s4+s29], $0x80, s21, s29, $0xb8;
	[tilespmem:$0x1E800] =	vst v63  }
0xee: {  	_ =	swait.ge [sflag:s14], $0x2000  }
0xef: {  	[sflag:s14] =	ssyncset.done $0x0  }
0xf0: {  	s22 =	simm.s32 $0x300;
	[sflag:s14] =	ssyncadd.s32 $0xFFFFE000  }
0xf1: {  	[tilespmem:s0], [sflag:$0x3] =	stream.indirect.gather [hbm4b:s4+s29], $0x80, s22, s29, $0xb8;
	[tilespmem:$0x1E800] =	vst v63  }
0xf2: {  	_ =	swait.ge [sflag:s15], $0x2000  }
0xf3: {  	[sflag:s15] =	ssyncset.done $0x0  }
0xf4: {  	s20 =	simm.s32 $0x800;
	s21 =	simm.s32 $0x380;
	[sflag:s15] =	ssyncadd.s32 $0xFFFFE000  }
.LBB2_6:
0xf5: {  	[tilespmem:s7], [sflag:$0x4] =	stream.indirect.gather [hbm4b:s4+s29], $0x80, s21, s29, $0xb8;
	[tilespmem:$0x1E800] =	vst v63  }
0xf6: {  	s21 =	smov.u32 s20  }
0xf7: {  	p0 =	sne.s32 s20, $0x4000;
	s20 =	sadd.s32 $0x800, s20;
	_ =	swait.ge [sflag:s8], $0x2000  }
0xf8: {  	s21 =	sshra.s32 s21, $0x2;
	[sflag:s8] =	ssyncset.done $0x0  }
0xf9: {  	s22 =	sadd.s32 $0x1400, s21;
	[sflag:s8] =	ssyncadd.s32 $0xFFFFE000  }
0xfa: {  	[spmem:s2] =	stream.indirect.scatter.add.f32 [tilespmem:s25], [sflag:$0x5], $0x80, s22, s29, $0xb8;
	[tilespmem:$0x1E800] =	vst v63  }
0xfb: {  	_ =	swait.ge [sflag:s9], $0x2000  }
0xfc: {  	[sflag:s9] =	ssyncset.done $0x0  }
0xfd: {  	s22 =	sadd.s32 $0x1480, s21;
	[sflag:s9] =	ssyncadd.s32 $0xFFFFE000  }
0xfe: {  	[spmem:s2] =	stream.indirect.scatter.add.f32 [tilespmem:s31], [sflag:$0x6], $0x80, s22, s29, $0xb8;
	[tilespmem:$0x1E800] =	vst v63  }
0xff: {  	_ =	swait.ge [sflag:s10], $0x2000  }
0x100: {  	[sflag:s10] =	ssyncset.done $0x0  }
0x101: {  	s22 =	sadd.s32 $0x1500, s21;
	[sflag:s10] =	ssyncadd.s32 $0xFFFFE000  }
0x102: {  	[spmem:s2] =	stream.indirect.scatter.add.f32 [tilespmem:s0], [sflag:$0x7], $0x80, s22, s29, $0xb8;
	[tilespmem:$0x1E800] =	vst v63  }
0x103: {  	_ =	swait.ge [sflag:s11], $0x2000  }
0x104: {  	[sflag:s11] =	ssyncset.done $0x0  }
0x105: {  	s22 =	sadd.s32 $0x1580, s21;
	[sflag:s11] =	ssyncadd.s32 $0xFFFFE000  }
0x106: {  	[spmem:s2] =	stream.indirect.scatter.add.f32 [tilespmem:s7], [sflag:$0x8], $0x80, s22, s29, $0xb8;
	[tilespmem:$0x1E800] =	vst v63  }
0x107: {  	_ =	swait.ge [sflag:s12], $0x2000  }
0x108: {  	[sflag:s12] =	ssyncset.done $0x0  }
0x109: {  	s22 =	sadd.s32 $0x200, s21;
	[sflag:s12] =	ssyncadd.s32 $0xFFFFE000  }
0x10a: {  	[tilespmem:s25], [sflag:$0x1] =	stream.indirect.gather [hbm4b:s4+s29], $0x80, s22, s29, $0xb8;
	[tilespmem:$0x1E800] =	vst v63  }
0x10b: {  	_ =	swait.ge [sflag:s13], $0x2000  }
0x10c: {  	[sflag:s13] =	ssyncset.done $0x0  }
0x10d: {  	s22 =	sadd.s32 $0x280, s21;
	[sflag:s13] =	ssyncadd.s32 $0xFFFFE000  }
0x10e: {  	[tilespmem:s31], [sflag:$0x2] =	stream.indirect.gather [hbm4b:s4+s29], $0x80, s22, s29, $0xb8;
	[tilespmem:$0x1E800] =	vst v63  }
0x10f: {  	_ =	swait.ge [sflag:s14], $0x2000  }
0x110: {  	[sflag:s14] =	ssyncset.done $0x0  }
.Ltmp2:
0x111: {  	s22 =	sadd.s32 $0x300, s21;
	[sflag:s14] =	ssyncadd.s32 $0xFFFFE000;
	(pc) =	sbr.rel @p0 .LBB2_6-.Ltmp2, $4  }
0x112: {  	[tilespmem:s0], [sflag:$0x3] =	stream.indirect.gather [hbm4b:s4+s29], $0x80, s22, s29, $0xb8;
	[tilespmem:$0x1E800] =	vst v63  }
0x113: {  	_ =	swait.ge [sflag:s15], $0x2000  }
0x114: {  	[sflag:s15] =	ssyncset.done $0x0  }
0x115: {  	s21 =	sadd.s32 $0x380, s21;
	[sflag:s15] =	ssyncadd.s32 $0xFFFFE000  }
0x116: {  	[tilespmem:s7], [sflag:$0x4] =	stream.indirect.gather [hbm4b:s4+s29], $0x80, s21, s29, $0xb8;
	[tilespmem:$0x1E800] =	vst v63  }
0x117: {  	_ =	swait.ge [sflag:s8], $0x2000  }
0x118: {  	[sflag:s8] =	ssyncset.done $0x0  }
0x119: {  	[sflag:s8] =	ssyncadd.s32 $0xFFFFE000  }
0x11a: {  	[spmem:s2] =	stream.indirect.scatter.add.f32 [tilespmem:s25], [sflag:$0x5], $0x80, s16, s29, $0xb8;
	[tilespmem:$0x1E800] =	vst v63  }
0x11b: {  	_ =	swait.ge [sflag:s9], $0x2000  }
0x11c: {  	[sflag:s9] =	ssyncset.done $0x0  }
0x11d: {  	[sflag:s9] =	ssyncadd.s32 $0xFFFFE000  }
0x11e: {  	[spmem:s2] =	stream.indirect.scatter.add.f32 [tilespmem:s31], [sflag:$0x6], $0x80, s17, s29, $0xb8;
	[tilespmem:$0x1E800] =	vst v63  }
0x11f: {  	_ =	swait.ge [sflag:s10], $0x2000  }
0x120: {  	[sflag:s10] =	ssyncset.done $0x0  }
0x121: {  	[sflag:s10] =	ssyncadd.s32 $0xFFFFE000  }
0x122: {  	[spmem:s2] =	stream.indirect.scatter.add.f32 [tilespmem:s0], [sflag:$0x7], $0x80, s18, s29, $0xb8;
	[tilespmem:$0x1E800] =	vst v63  }
0x123: {  	_ =	swait.ge [sflag:s11], $0x2000  }
0x124: {  	[sflag:s11] =	ssyncset.done $0x0  }
0x125: {  	[sflag:s11] =	ssyncadd.s32 $0xFFFFE000  }
0x126: {  	[spmem:s2] =	stream.indirect.scatter.add.f32 [tilespmem:s7], [sflag:$0x8], $0x80, s19, s29, $0xb8;
	[tilespmem:$0x1E800] =	vst v63  }
0x127: {  	_ =	swait.ge [sflag:s12], $0x2000  }
0x128: {  	[sflag:s12] =	ssyncset.done $0x0  }
0x129: {  	[sflag:s12] =	ssyncadd.s32 $0xFFFFE000  }
0x12a: {  	_ =	swait.ge [sflag:s13], $0x2000  }
0x12b: {  	[sflag:s13] =	ssyncset.done $0x0  }
0x12c: {  	[sflag:s13] =	ssyncadd.s32 $0xFFFFE000  }
0x12d: {  	_ =	swait.ge [sflag:s14], $0x2000  }
0x12e: {  	[sflag:s14] =	ssyncset.done $0x0  }
0x12f: {  	[sflag:s14] =	ssyncadd.s32 $0xFFFFE000  }
0x130: {  	_ =	swait.ge [sflag:s15], $0x2000  }
0x131: {  	[sflag:s15] =	ssyncset.done $0x0  }
0x132: {  	s20 =	simm.s32 $0x0;
	s22 =	rddreg [dreg:$0x10];
	[sflag:s15] =	ssyncadd.s32 $0xFFFFE000  }
0x133: {  	[tilespmem:s20], [sflag:$0x9] =	stream.linear.gather [hbm4b:s22+s20], $0x1400, $0x38;
	[tilespmem:$0x1E800] =	vst v63  }
0x134: {  	_ =	swait.ge [sflag:s26], $0x1400  }
0x135: {  	[sflag:s26] =	ssyncset.done $0x0  }
0x136: {  	s22 =	rddreg [dreg:$0x11];
	[sflag:s26] =	ssyncadd.s32 $0xFFFFEC00  }
0x137: {  	[tilespmem:s28], [sflag:$0x9] =	stream.linear.gather [hbm4b:s22+s20], $0x1400, $0x38;
	[tilespmem:$0x1E800] =	vst v63  }
0x138: {  	_ =	swait.ge [sflag:s26], $0x1400  }
0x139: {  	[sflag:s26] =	ssyncset.done $0x0  }
0x13a: {  	[sflag:s26] =	ssyncadd.s32 $0xFFFFEC00  }
0x13b: {  	[tilespmem:s25], [sflag:$0x1] =	stream.indirect.gather [hbm4b:s4+s29], $0x80, s20, s29, $0xb8;
	[tilespmem:$0x1E800] =	vst v63  }
0x13c: {  	_ = 	snop  }
0x13d: {  	[tilespmem:s31], [sflag:$0x2] =	stream.indirect.gather [hbm4b:s4+s29], $0x80, s30, s29, $0xb8;
	[tilespmem:$0x1E800] =	vst v63  }
0x13e: {  	_ = 	snop  }
0x13f: {  	[tilespmem:s0], [sflag:$0x3] =	stream.indirect.gather [hbm4b:s4+s29], $0x80, s1, s29, $0xb8;
	[tilespmem:$0x1E800] =	vst v63  }
0x140: {  	_ = 	snop  }
0x141: {  	[tilespmem:s7], [sflag:$0x4] =	stream.indirect.gather [hbm4b:s4+s29], $0x80, s6, s29, $0xb8;
	[tilespmem:$0x1E800] =	vst v63  }
0x142: {  	_ =	swait.ge [sflag:s8], $0x2000  }
0x143: {  	[sflag:s8] =	ssyncset.done $0x0  }
0x144: {  	s22 =	simm.s32 $0x1400;
	[sflag:s8] =	ssyncadd.s32 $0xFFFFE000  }
0x145: {  	[spmem:s2] =	stream.indirect.scatter.add.f32 [tilespmem:s25], [sflag:$0x5], $0x80, s22, s29, $0xb8;
	[tilespmem:$0x1E800] =	vst v63  }
0x146: {  	_ =	swait.ge [sflag:s9], $0x2000  }
0x147: {  	[sflag:s9] =	ssyncset.done $0x0  }
0x148: {  	s21 =	simm.s32 $0x1480;
	[sflag:s9] =	ssyncadd.s32 $0xFFFFE000  }
0x149: {  	[spmem:s2] =	stream.indirect.scatter.add.f32 [tilespmem:s31], [sflag:$0x6], $0x80, s21, s29, $0xb8;
	[tilespmem:$0x1E800] =	vst v63  }
0x14a: {  	_ =	swait.ge [sflag:s10], $0x2000  }
0x14b: {  	[sflag:s10] =	ssyncset.done $0x0  }
0x14c: {  	s22 =	simm.s32 $0x1500;
	[sflag:s10] =	ssyncadd.s32 $0xFFFFE000  }
0x14d: {  	[spmem:s2] =	stream.indirect.scatter.add.f32 [tilespmem:s0], [sflag:$0x7], $0x80, s22, s29, $0xb8;
	[tilespmem:$0x1E800] =	vst v63  }
0x14e: {  	_ =	swait.ge [sflag:s11], $0x2000  }
0x14f: {  	[sflag:s11] =	ssyncset.done $0x0  }
0x150: {  	s21 =	simm.s32 $0x1580;
	[sflag:s11] =	ssyncadd.s32 $0xFFFFE000  }
0x151: {  	[spmem:s2] =	stream.indirect.scatter.add.f32 [tilespmem:s7], [sflag:$0x8], $0x80, s21, s29, $0xb8;
	[tilespmem:$0x1E800] =	vst v63  }
0x152: {  	_ =	swait.ge [sflag:s12], $0x2000  }
0x153: {  	[sflag:s12] =	ssyncset.done $0x0  }
0x154: {  	s22 =	simm.s32 $0x200;
	[sflag:s12] =	ssyncadd.s32 $0xFFFFE000  }
0x155: {  	[tilespmem:s25], [sflag:$0x1] =	stream.indirect.gather [hbm4b:s4+s29], $0x80, s22, s29, $0xb8;
	[tilespmem:$0x1E800] =	vst v63  }
0x156: {  	_ =	swait.ge [sflag:s13], $0x2000  }
0x157: {  	[sflag:s13] =	ssyncset.done $0x0  }
0x158: {  	s21 =	simm.s32 $0x280;
	[sflag:s13] =	ssyncadd.s32 $0xFFFFE000  }
0x159: {  	[tilespmem:s31], [sflag:$0x2] =	stream.indirect.gather [hbm4b:s4+s29], $0x80, s21, s29, $0xb8;
	[tilespmem:$0x1E800] =	vst v63  }
0x15a: {  	_ =	swait.ge [sflag:s14], $0x2000  }
0x15b: {  	[sflag:s14] =	ssyncset.done $0x0  }
0x15c: {  	s22 =	simm.s32 $0x300;
	[sflag:s14] =	ssyncadd.s32 $0xFFFFE000  }
0x15d: {  	[tilespmem:s0], [sflag:$0x3] =	stream.indirect.gather [hbm4b:s4+s29], $0x80, s22, s29, $0xb8;
	[tilespmem:$0x1E800] =	vst v63  }
0x15e: {  	_ =	swait.ge [sflag:s15], $0x2000  }
0x15f: {  	[sflag:s15] =	ssyncset.done $0x0  }
0x160: {  	s20 =	simm.s32 $0x800;
	s21 =	simm.s32 $0x380;
	[sflag:s15] =	ssyncadd.s32 $0xFFFFE000  }
.LBB2_8:
0x161: {  	[tilespmem:s7], [sflag:$0x4] =	stream.indirect.gather [hbm4b:s4+s29], $0x80, s21, s29, $0xb8;
	[tilespmem:$0x1E800] =	vst v63  }
0x162: {  	s21 =	smov.u32 s20  }
0x163: {  	p0 =	sne.s32 s20, $0x4000;
	s20 =	sadd.s32 $0x800, s20;
	_ =	swait.ge [sflag:s8], $0x2000  }
0x164: {  	s21 =	sshra.s32 s21, $0x2;
	[sflag:s8] =	ssyncset.done $0x0  }
0x165: {  	s22 =	sadd.s32 $0x1400, s21;
	[sflag:s8] =	ssyncadd.s32 $0xFFFFE000  }
0x166: {  	[spmem:s2] =	stream.indirect.scatter.add.f32 [tilespmem:s25], [sflag:$0x5], $0x80, s22, s29, $0xb8;
	[tilespmem:$0x1E800] =	vst v63  }
0x167: {  	_ =	swait.ge [sflag:s9], $0x2000  }
0x168: {  	[sflag:s9] =	ssyncset.done $0x0  }
0x169: {  	s22 =	sadd.s32 $0x1480, s21;
	[sflag:s9] =	ssyncadd.s32 $0xFFFFE000  }
0x16a: {  	[spmem:s2] =	stream.indirect.scatter.add.f32 [tilespmem:s31], [sflag:$0x6], $0x80, s22, s29, $0xb8;
	[tilespmem:$0x1E800] =	vst v63  }
0x16b: {  	_ =	swait.ge [sflag:s10], $0x2000  }
0x16c: {  	[sflag:s10] =	ssyncset.done $0x0  }
0x16d: {  	s22 =	sadd.s32 $0x1500, s21;
	[sflag:s10] =	ssyncadd.s32 $0xFFFFE000  }
0x16e: {  	[spmem:s2] =	stream.indirect.scatter.add.f32 [tilespmem:s0], [sflag:$0x7], $0x80, s22, s29, $0xb8;
	[tilespmem:$0x1E800] =	vst v63  }
0x16f: {  	_ =	swait.ge [sflag:s11], $0x2000  }
0x170: {  	[sflag:s11] =	ssyncset.done $0x0  }
0x171: {  	s22 =	sadd.s32 $0x1580, s21;
	[sflag:s11] =	ssyncadd.s32 $0xFFFFE000  }
0x172: {  	[spmem:s2] =	stream.indirect.scatter.add.f32 [tilespmem:s7], [sflag:$0x8], $0x80, s22, s29, $0xb8;
	[tilespmem:$0x1E800] =	vst v63  }
0x173: {  	_ =	swait.ge [sflag:s12], $0x2000  }
0x174: {  	[sflag:s12] =	ssyncset.done $0x0  }
0x175: {  	s22 =	sadd.s32 $0x200, s21;
	[sflag:s12] =	ssyncadd.s32 $0xFFFFE000  }
0x176: {  	[tilespmem:s25], [sflag:$0x1] =	stream.indirect.gather [hbm4b:s4+s29], $0x80, s22, s29, $0xb8;
	[tilespmem:$0x1E800] =	vst v63  }
0x177: {  	_ =	swait.ge [sflag:s13], $0x2000  }
0x178: {  	[sflag:s13] =	ssyncset.done $0x0  }
0x179: {  	s22 =	sadd.s32 $0x280, s21;
	[sflag:s13] =	ssyncadd.s32 $0xFFFFE000  }
0x17a: {  	[tilespmem:s31], [sflag:$0x2] =	stream.indirect.gather [hbm4b:s4+s29], $0x80, s22, s29, $0xb8;
	[tilespmem:$0x1E800] =	vst v63  }
0x17b: {  	_ =	swait.ge [sflag:s14], $0x2000  }
0x17c: {  	[sflag:s14] =	ssyncset.done $0x0  }
.Ltmp3:
0x17d: {  	s22 =	sadd.s32 $0x300, s21;
	[sflag:s14] =	ssyncadd.s32 $0xFFFFE000;
	(pc) =	sbr.rel @p0 .LBB2_8-.Ltmp3, $4  }
0x17e: {  	[tilespmem:s0], [sflag:$0x3] =	stream.indirect.gather [hbm4b:s4+s29], $0x80, s22, s29, $0xb8;
	[tilespmem:$0x1E800] =	vst v63  }
0x17f: {  	_ =	swait.ge [sflag:s15], $0x2000  }
0x180: {  	[sflag:s15] =	ssyncset.done $0x0  }
0x181: {  	s21 =	sadd.s32 $0x380, s21;
	[sflag:s15] =	ssyncadd.s32 $0xFFFFE000  }
0x182: {  	[tilespmem:s7], [sflag:$0x4] =	stream.indirect.gather [hbm4b:s4+s29], $0x80, s21, s29, $0xb8;
	[tilespmem:$0x1E800] =	vst v63  }
0x183: {  	_ =	swait.ge [sflag:s8], $0x2000  }
0x184: {  	[sflag:s8] =	ssyncset.done $0x0  }
0x185: {  	[sflag:s8] =	ssyncadd.s32 $0xFFFFE000  }
0x186: {  	[spmem:s2] =	stream.indirect.scatter.add.f32 [tilespmem:s25], [sflag:$0x5], $0x80, s16, s29, $0xb8;
	[tilespmem:$0x1E800] =	vst v63  }
0x187: {  	_ =	swait.ge [sflag:s9], $0x2000  }
0x188: {  	[sflag:s9] =	ssyncset.done $0x0  }
0x189: {  	[sflag:s9] =	ssyncadd.s32 $0xFFFFE000  }
0x18a: {  	[spmem:s2] =	stream.indirect.scatter.add.f32 [tilespmem:s31], [sflag:$0x6], $0x80, s17, s29, $0xb8;
	[tilespmem:$0x1E800] =	vst v63  }
0x18b: {  	_ =	swait.ge [sflag:s10], $0x2000  }
0x18c: {  	[sflag:s10] =	ssyncset.done $0x0  }
0x18d: {  	[sflag:s10] =	ssyncadd.s32 $0xFFFFE000  }
0x18e: {  	[spmem:s2] =	stream.indirect.scatter.add.f32 [tilespmem:s0], [sflag:$0x7], $0x80, s18, s29, $0xb8;
	[tilespmem:$0x1E800] =	vst v63  }
0x18f: {  	_ =	swait.ge [sflag:s11], $0x2000  }
0x190: {  	[sflag:s11] =	ssyncset.done $0x0  }
0x191: {  	[sflag:s11] =	ssyncadd.s32 $0xFFFFE000  }
0x192: {  	[spmem:s2] =	stream.indirect.scatter.add.f32 [tilespmem:s7], [sflag:$0x8], $0x80, s19, s29, $0xb8;
	[tilespmem:$0x1E800] =	vst v63  }
0x193: {  	_ =	swait.ge [sflag:s12], $0x2000  }
0x194: {  	[sflag:s12] =	ssyncset.done $0x0  }
0x195: {  	[sflag:s12] =	ssyncadd.s32 $0xFFFFE000  }
0x196: {  	_ =	swait.ge [sflag:s13], $0x2000  }
0x197: {  	[sflag:s13] =	ssyncset.done $0x0  }
0x198: {  	[sflag:s13] =	ssyncadd.s32 $0xFFFFE000  }
0x199: {  	_ =	swait.ge [sflag:s14], $0x2000  }
0x19a: {  	[sflag:s14] =	ssyncset.done $0x0  }
0x19b: {  	[sflag:s14] =	ssyncadd.s32 $0xFFFFE000  }
0x19c: {  	_ =	swait.ge [sflag:s15], $0x2000  }
0x19d: {  	[sflag:s15] =	ssyncset.done $0x0  }
0x19e: {  	s20 =	simm.s32 $0x0;
	s22 =	rddreg [dreg:$0x12];
	[sflag:s15] =	ssyncadd.s32 $0xFFFFE000  }
0x19f: {  	[tilespmem:s20], [sflag:$0x9] =	stream.linear.gather [hbm4b:s22+s20], $0x1400, $0x38;
	[tilespmem:$0x1E800] =	vst v63  }
0x1a0: {  	_ =	swait.ge [sflag:s26], $0x1400  }
0x1a1: {  	[sflag:s26] =	ssyncset.done $0x0  }
0x1a2: {  	s22 =	rddreg [dreg:$0x13];
	[sflag:s26] =	ssyncadd.s32 $0xFFFFEC00  }
0x1a3: {  	[tilespmem:s28], [sflag:$0x9] =	stream.linear.gather [hbm4b:s22+s20], $0x1400, $0x38;
	[tilespmem:$0x1E800] =	vst v63  }
0x1a4: {  	_ =	swait.ge [sflag:s26], $0x1400  }
0x1a5: {  	[sflag:s26] =	ssyncset.done $0x0  }
0x1a6: {  	[sflag:s26] =	ssyncadd.s32 $0xFFFFEC00  }
0x1a7: {  	[tilespmem:s25], [sflag:$0x1] =	stream.indirect.gather [hbm4b:s4+s29], $0x80, s20, s29, $0xb8;
	[tilespmem:$0x1E800] =	vst v63  }
0x1a8: {  	_ = 	snop  }
0x1a9: {  	[tilespmem:s31], [sflag:$0x2] =	stream.indirect.gather [hbm4b:s4+s29], $0x80, s30, s29, $0xb8;
	[tilespmem:$0x1E800] =	vst v63  }
0x1aa: {  	_ = 	snop  }
0x1ab: {  	[tilespmem:s0], [sflag:$0x3] =	stream.indirect.gather [hbm4b:s4+s29], $0x80, s1, s29, $0xb8;
	[tilespmem:$0x1E800] =	vst v63  }
0x1ac: {  	_ = 	snop  }
0x1ad: {  	[tilespmem:s7], [sflag:$0x4] =	stream.indirect.gather [hbm4b:s4+s29], $0x80, s6, s29, $0xb8;
	[tilespmem:$0x1E800] =	vst v63  }
0x1ae: {  	_ =	swait.ge [sflag:s8], $0x2000  }
0x1af: {  	[sflag:s8] =	ssyncset.done $0x0  }
0x1b0: {  	s22 =	simm.s32 $0x1400;
	[sflag:s8] =	ssyncadd.s32 $0xFFFFE000  }
0x1b1: {  	[spmem:s2] =	stream.indirect.scatter.add.f32 [tilespmem:s25], [sflag:$0x5], $0x80, s22, s29, $0xb8;
	[tilespmem:$0x1E800] =	vst v63  }
0x1b2: {  	_ =	swait.ge [sflag:s9], $0x2000  }
0x1b3: {  	[sflag:s9] =	ssyncset.done $0x0  }
0x1b4: {  	s21 =	simm.s32 $0x1480;
	[sflag:s9] =	ssyncadd.s32 $0xFFFFE000  }
0x1b5: {  	[spmem:s2] =	stream.indirect.scatter.add.f32 [tilespmem:s31], [sflag:$0x6], $0x80, s21, s29, $0xb8;
	[tilespmem:$0x1E800] =	vst v63  }
0x1b6: {  	_ =	swait.ge [sflag:s10], $0x2000  }
0x1b7: {  	[sflag:s10] =	ssyncset.done $0x0  }
0x1b8: {  	s22 =	simm.s32 $0x1500;
	[sflag:s10] =	ssyncadd.s32 $0xFFFFE000  }
0x1b9: {  	[spmem:s2] =	stream.indirect.scatter.add.f32 [tilespmem:s0], [sflag:$0x7], $0x80, s22, s29, $0xb8;
	[tilespmem:$0x1E800] =	vst v63  }
0x1ba: {  	_ =	swait.ge [sflag:s11], $0x2000  }
0x1bb: {  	[sflag:s11] =	ssyncset.done $0x0  }
0x1bc: {  	s21 =	simm.s32 $0x1580;
	[sflag:s11] =	ssyncadd.s32 $0xFFFFE000  }
0x1bd: {  	[spmem:s2] =	stream.indirect.scatter.add.f32 [tilespmem:s7], [sflag:$0x8], $0x80, s21, s29, $0xb8;
	[tilespmem:$0x1E800] =	vst v63  }
0x1be: {  	_ =	swait.ge [sflag:s12], $0x2000  }
0x1bf: {  	[sflag:s12] =	ssyncset.done $0x0  }
0x1c0: {  	s22 =	simm.s32 $0x200;
	[sflag:s12] =	ssyncadd.s32 $0xFFFFE000  }
0x1c1: {  	[tilespmem:s25], [sflag:$0x1] =	stream.indirect.gather [hbm4b:s4+s29], $0x80, s22, s29, $0xb8;
	[tilespmem:$0x1E800] =	vst v63  }
0x1c2: {  	_ =	swait.ge [sflag:s13], $0x2000  }
0x1c3: {  	[sflag:s13] =	ssyncset.done $0x0  }
0x1c4: {  	s21 =	simm.s32 $0x280;
	[sflag:s13] =	ssyncadd.s32 $0xFFFFE000  }
0x1c5: {  	[tilespmem:s31], [sflag:$0x2] =	stream.indirect.gather [hbm4b:s4+s29], $0x80, s21, s29, $0xb8;
	[tilespmem:$0x1E800] =	vst v63  }
0x1c6: {  	_ =	swait.ge [sflag:s14], $0x2000  }
0x1c7: {  	[sflag:s14] =	ssyncset.done $0x0  }
0x1c8: {  	s22 =	simm.s32 $0x300;
	[sflag:s14] =	ssyncadd.s32 $0xFFFFE000  }
0x1c9: {  	[tilespmem:s0], [sflag:$0x3] =	stream.indirect.gather [hbm4b:s4+s29], $0x80, s22, s29, $0xb8;
	[tilespmem:$0x1E800] =	vst v63  }
0x1ca: {  	_ =	swait.ge [sflag:s15], $0x2000  }
0x1cb: {  	[sflag:s15] =	ssyncset.done $0x0  }
0x1cc: {  	s20 =	simm.s32 $0x800;
	s21 =	simm.s32 $0x380;
	[sflag:s15] =	ssyncadd.s32 $0xFFFFE000  }
.LBB2_10:
0x1cd: {  	[tilespmem:s7], [sflag:$0x4] =	stream.indirect.gather [hbm4b:s4+s29], $0x80, s21, s29, $0xb8;
	[tilespmem:$0x1E800] =	vst v63  }
0x1ce: {  	s21 =	smov.u32 s20  }
0x1cf: {  	p0 =	sne.s32 s20, $0x4000;
	s20 =	sadd.s32 $0x800, s20;
	_ =	swait.ge [sflag:s8], $0x2000  }
0x1d0: {  	s21 =	sshra.s32 s21, $0x2;
	[sflag:s8] =	ssyncset.done $0x0  }
0x1d1: {  	s22 =	sadd.s32 $0x1400, s21;
	[sflag:s8] =	ssyncadd.s32 $0xFFFFE000  }
0x1d2: {  	[spmem:s2] =	stream.indirect.scatter.add.f32 [tilespmem:s25], [sflag:$0x5], $0x80, s22, s29, $0xb8;
	[tilespmem:$0x1E800] =	vst v63  }
0x1d3: {  	_ =	swait.ge [sflag:s9], $0x2000  }
0x1d4: {  	[sflag:s9] =	ssyncset.done $0x0  }
0x1d5: {  	s22 =	sadd.s32 $0x1480, s21;
	[sflag:s9] =	ssyncadd.s32 $0xFFFFE000  }
0x1d6: {  	[spmem:s2] =	stream.indirect.scatter.add.f32 [tilespmem:s31], [sflag:$0x6], $0x80, s22, s29, $0xb8;
	[tilespmem:$0x1E800] =	vst v63  }
0x1d7: {  	_ =	swait.ge [sflag:s10], $0x2000  }
0x1d8: {  	[sflag:s10] =	ssyncset.done $0x0  }
0x1d9: {  	s22 =	sadd.s32 $0x1500, s21;
	[sflag:s10] =	ssyncadd.s32 $0xFFFFE000  }
0x1da: {  	[spmem:s2] =	stream.indirect.scatter.add.f32 [tilespmem:s0], [sflag:$0x7], $0x80, s22, s29, $0xb8;
	[tilespmem:$0x1E800] =	vst v63  }
0x1db: {  	_ =	swait.ge [sflag:s11], $0x2000  }
0x1dc: {  	[sflag:s11] =	ssyncset.done $0x0  }
0x1dd: {  	s22 =	sadd.s32 $0x1580, s21;
	[sflag:s11] =	ssyncadd.s32 $0xFFFFE000  }
0x1de: {  	[spmem:s2] =	stream.indirect.scatter.add.f32 [tilespmem:s7], [sflag:$0x8], $0x80, s22, s29, $0xb8;
	[tilespmem:$0x1E800] =	vst v63  }
0x1df: {  	_ =	swait.ge [sflag:s12], $0x2000  }
0x1e0: {  	[sflag:s12] =	ssyncset.done $0x0  }
0x1e1: {  	s22 =	sadd.s32 $0x200, s21;
	[sflag:s12] =	ssyncadd.s32 $0xFFFFE000  }
0x1e2: {  	[tilespmem:s25], [sflag:$0x1] =	stream.indirect.gather [hbm4b:s4+s29], $0x80, s22, s29, $0xb8;
	[tilespmem:$0x1E800] =	vst v63  }
0x1e3: {  	_ =	swait.ge [sflag:s13], $0x2000  }
0x1e4: {  	[sflag:s13] =	ssyncset.done $0x0  }
0x1e5: {  	s22 =	sadd.s32 $0x280, s21;
	[sflag:s13] =	ssyncadd.s32 $0xFFFFE000  }
0x1e6: {  	[tilespmem:s31], [sflag:$0x2] =	stream.indirect.gather [hbm4b:s4+s29], $0x80, s22, s29, $0xb8;
	[tilespmem:$0x1E800] =	vst v63  }
0x1e7: {  	_ =	swait.ge [sflag:s14], $0x2000  }
0x1e8: {  	[sflag:s14] =	ssyncset.done $0x0  }
.Ltmp4:
0x1e9: {  	s22 =	sadd.s32 $0x300, s21;
	[sflag:s14] =	ssyncadd.s32 $0xFFFFE000;
	(pc) =	sbr.rel @p0 .LBB2_10-.Ltmp4, $4  }
0x1ea: {  	[tilespmem:s0], [sflag:$0x3] =	stream.indirect.gather [hbm4b:s4+s29], $0x80, s22, s29, $0xb8;
	[tilespmem:$0x1E800] =	vst v63  }
0x1eb: {  	_ =	swait.ge [sflag:s15], $0x2000  }
0x1ec: {  	[sflag:s15] =	ssyncset.done $0x0  }
0x1ed: {  	s21 =	sadd.s32 $0x380, s21;
	[sflag:s15] =	ssyncadd.s32 $0xFFFFE000  }
0x1ee: {  	[tilespmem:s7], [sflag:$0x4] =	stream.indirect.gather [hbm4b:s4+s29], $0x80, s21, s29, $0xb8;
	[tilespmem:$0x1E800] =	vst v63  }
0x1ef: {  	_ =	swait.ge [sflag:s8], $0x2000  }
0x1f0: {  	[sflag:s8] =	ssyncset.done $0x0  }
0x1f1: {  	[sflag:s8] =	ssyncadd.s32 $0xFFFFE000  }
0x1f2: {  	[spmem:s2] =	stream.indirect.scatter.add.f32 [tilespmem:s25], [sflag:$0x5], $0x80, s16, s29, $0xb8;
	[tilespmem:$0x1E800] =	vst v63  }
0x1f3: {  	_ =	swait.ge [sflag:s9], $0x2000  }
0x1f4: {  	[sflag:s9] =	ssyncset.done $0x0  }
0x1f5: {  	[sflag:s9] =	ssyncadd.s32 $0xFFFFE000  }
0x1f6: {  	[spmem:s2] =	stream.indirect.scatter.add.f32 [tilespmem:s31], [sflag:$0x6], $0x80, s17, s29, $0xb8;
	[tilespmem:$0x1E800] =	vst v63  }
0x1f7: {  	_ =	swait.ge [sflag:s10], $0x2000  }
0x1f8: {  	[sflag:s10] =	ssyncset.done $0x0  }
0x1f9: {  	[sflag:s10] =	ssyncadd.s32 $0xFFFFE000  }
0x1fa: {  	[spmem:s2] =	stream.indirect.scatter.add.f32 [tilespmem:s0], [sflag:$0x7], $0x80, s18, s29, $0xb8;
	[tilespmem:$0x1E800] =	vst v63  }
0x1fb: {  	_ =	swait.ge [sflag:s11], $0x2000  }
0x1fc: {  	[sflag:s11] =	ssyncset.done $0x0  }
0x1fd: {  	[sflag:s11] =	ssyncadd.s32 $0xFFFFE000  }
0x1fe: {  	[spmem:s2] =	stream.indirect.scatter.add.f32 [tilespmem:s7], [sflag:$0x8], $0x80, s19, s29, $0xb8;
	[tilespmem:$0x1E800] =	vst v63  }
0x1ff: {  	_ =	swait.ge [sflag:s12], $0x2000  }
0x200: {  	[sflag:s12] =	ssyncset.done $0x0  }
0x201: {  	[sflag:s12] =	ssyncadd.s32 $0xFFFFE000  }
0x202: {  	_ =	swait.ge [sflag:s13], $0x2000  }
0x203: {  	[sflag:s13] =	ssyncset.done $0x0  }
0x204: {  	[sflag:s13] =	ssyncadd.s32 $0xFFFFE000  }
0x205: {  	_ =	swait.ge [sflag:s14], $0x2000  }
0x206: {  	[sflag:s14] =	ssyncset.done $0x0  }
0x207: {  	[sflag:s14] =	ssyncadd.s32 $0xFFFFE000  }
0x208: {  	s20 =	stileid.u32;
	_ =	swait.ge [sflag:s15], $0x2000  }
0x209: {  	s22 =	sshrl.u32 s5, $0x3;
	s3 =	sadd.s32 $0x1, s3;
	[sflag:s15] =	ssyncset.done $0x0  }
0x20a: {  	s20 =	sshll.u32 s20, $0x6;
	p0 =	sne.s32 s3, s24;
	[sflag:s15] =	ssyncadd.s32 $0xFFFFE000  }
.Ltmp5:
0x20b: {  	s20 =	sor.u32 $0x1C09, s20;
	[bflag:$0x0] =	sbarrier.arrive $0xFFFF;
	(pc) =	sbr.rel @p0 .LBB2_1-.Ltmp5, $4  }
0x20c: {  	[hbm:s23], [sflag:s20] =	dma.local [spmem:s22], $0x2800  }
0x20d: {  	_ =	swait.ge [sflag:s26], $0x2800  }
0x20e: {  	[sflag:s26] =	ssyncset.done $0x0  }
0x20f: {  	[sflag:s26] =	ssyncadd.s32 $0xFFFFD800  }
0x210: {  	_ =	sfence.sel $0x180000  }
0x211: {  	[bflag:$0x0] =	sbarrier.arrive $0xFFFF  }
0x212: {  	_ =	strace $0x9000004D  }
0x213: {  	s0 =	stileid.u32;
	[bflag:$0x2] =	sbarrier.arrive $0xFFFF  }
0x214: {  	p0 =	sne.s32 s0, $0x0;
	s0 =	rddreg [dreg:$0x2]  }
0x215: {  	s0 =	sadd.s32 @!p0 $0x100000, s0  }
0x216: {  	[sflag:s0] =	ssyncadd.tile.s32 @!p0 $0x1;
	_ =	shalt  }
.Lfunc_end2:
_tile_overlayer_lowered:
.L_overlay_start_2:
0x217: {  	(tag) =	ssettag $0x2  }
0x218: {  	s0 =	rddreg [dreg:$0x0];
	s2 =	stileid.u32  }
0x219: {  	s1 =	rddreg [dreg:$0x1];
	p0 =	sne.s32 s2, $0x0  }
0x21a: {  	s3 =	rddreg [dreg:$0x2];
	[bflag:$0x3] =	sbarrier.arrive $0xFFFF;
	s2 =	simm.s32 @!p0 $0x1C09  }
0x21b: {  	[timem:s3], [sflag:s2] =	dma.local @!p0 [hbm:s0], s1  }
0x21c: {  	s0 =	simm.s32 @!p0 $0x9  }
0x21d: {  	_ =	swait.ge @!p0 [sflag:s0], s1  }
0x21e: {  	s1 =	ssub.s32 @!p0 $0x0, s1;
	[sflag:s0] =	ssyncset.done @!p0 $0x0  }
0x21f: {  	[sflag:s0] =	ssyncadd.s32 @!p0 s1  }
0x220: {  	[bflag:$0x3] =	sbarrier.arrive $0xFFFF  }
0x221: {  	_ =	shalt  }

// kernel: kernel.13.cloned.1.call-start
scs
__scs_entry_jumppad:
0x0: {  	(pc) =	sbr.rel $0x88, $3  }
0x1: {  	(tag) =	ssettag $0x0;
	lr =	simm.s32 $0x1  }
0x2: {  	[smem:$0x3F9B] =	sst lr;
	_ =	strace $0xD0000000  }
0x3: {  	_ = 	snop  }
0x4: {  	_ = 	snop  }
0x5: {  	_ = 	snop  }
0x6: {  	_ = 	snop  }
0x7: {  	_ = 	snop  }
__scs_overlays_trampoline_lowered:
0x8: {  	[smem:$0x3FAA] =	sst s0  }
0x9: {  	[smem:$0x3FAB] =	sst s1  }
0xa: {  	[smem:$0x3FAC] =	sst s2  }
0xb: {  	[smem:$0x3FAD] =	sst s3  }
0xc: {  	[smem:$0x3FAE] =	sst s4  }
0xd: {  	[smem:$0x3FAF] =	sst s5  }
0xe: {  	[smem:$0x3FB0] =	sst s6  }
0xf: {  	[smem:$0x3FB1] =	sst s7  }
0x10: {  	[smem:$0x3FB2] =	sst s8  }
0x11: {  	[smem:$0x3FB3] =	sst s9;
	s0 =	simm.s32 @!p0 $0x0  }
0x12: {  	s1 =	sld [smem:$0x3F99];
	s0 =	simm.s32 @p0 $0x1  }
0x13: {  	[smem:$0x3FB4] =	sst s0;
	s0 =	simm.s32 @!p1 $0x0  }
0x14: {  	s2 =	sld [smem:$0x3F98];
	s0 =	simm.s32 @p1 $0x1  }
0x15: {  	[smem:$0x3FB5] =	sst s0;
	s0 =	simm.s32 @!p2 $0x0  }
0x16: {  	s3 =	sld [smem:$0x3FDB];
	s0 =	simm.s32 @p2 $0x1  }
0x17: {  	s4 =	simm.s32 $0x1BF5;
	[smem:$0x3FB7] =	sst s0  }
0x18: {  	s0 =	sld [smem:$0x3F9A];
	_ =	swait.ge [sflag:s4], $0x0  }
0x19: {  	s7 =	sld [smem:$0x3F9B]  }
0x1a: {  	s8 =	sadd.s32 $0xFFFFE003, lr  }
0x1b: {  	s9 =	sadd.s32 $0xFFFFFEF7, lr;
	s5 =	simm.s32 $0xFFFFFFFF;
	p2 =	slt.u32 s8, $0xFFFFF086  }
0x1c: {  	p1 =	slt.u32 s9, $0xF7A;
	s5 =	simm.s32 @!p2 $0x0  }
0x1d: {  	s5 =	simm.s32 @p1 $0x1;
	p0 =	seq.s32 s7, s2  }
0x1e: {  	s7 =	smul.u32 @!p0 $0xF7A, s2;
	p2 =	seq.s32 @!p0 s5, $0x0  }
0x1f: {  	s9 =	smul.u32 $0xF7A, s1;
	s8 =	simm.s32 @!p0 $0x1BF5;
	p2 =	por !p2, p0  }
0x20: {  	[sflag:s8] =	ssyncset.s32 @!p0 $0xFFFFF086;
	s6 =	sadd.s32 @!p0 s3, s7;
	s7 =	simm.s32 @!p0 $0x108  }
0x21: {  	s3 =	sadd.s32 s3, s9;
	s6 =	sadd.s32 @!p0 $0x88, s6;
	s7 =	simm.s32 @p2 $0x1082  }
0x22: {  	[simem:s7], [sflag:s8] =	dma.local @!p0 [hbm:s6], $0xF7A  }
0x23: {  	s9 =	sor.u32 $0xD0000000, s2;
	s6 =	simm.s32 $0x108;
	_ =	swait.ge @!p0 [sflag:s8], $0x0  }
0x24: {  	s3 =	sadd.s32 $0x88, s3;
	s6 =	simm.s32 @!p1 $0x1082;
	[sflag:s4] =	ssyncset.s32 $0xFFFFF086  }
0x25: {  	[simem:s6], [sflag:s4] =	dma.local [hbm:s3], $0xF7A  }
0x26: {  	[smem:$0x3F9B] =	sst s1;
	(tag) =	ssettag s2;
	_ =	strace s9  }
0x27: {  	s1 =	sld [smem:$0x3FAB]  }
0x28: {  	s2 =	sld [smem:$0x3FAC]  }
0x29: {  	s4 =	sld [smem:$0x3FAE]  }
0x2a: {  	p0 =	seq.s32 s5, $0x0;
	s5 =	sld [smem:$0x3FAF]  }
0x2b: {  	s6 =	sld [smem:$0x3FB0]  }
0x2c: {  	s7 =	sld [smem:$0x3FB1]  }
0x2d: {  	s3 =	simm.s32 $0x108;
	s8 =	sld [smem:$0x3FB2]  }
0x2e: {  	s3 =	simm.s32 @!p0 $0x1082;
	s9 =	sld [smem:$0x3FB3]  }
0x2f: {  	lr =	sadd.s32 s0, s3;
	s0 =	sld [smem:$0x3FAA]  }
0x30: {  	s3 =	sld [smem:$0x3FAD]  }
0x31: {  	[smem:$0x3FB6] =	sst s10  }
0x32: {  	s10 =	sld [smem:$0x3FB4];
	_ =	sdelay $0x3  }
0x33: {  	p0 =	seq.s32 s10, $0x1;
	s10 =	sld [smem:$0x3FB6];
	_ =	sdelay $0x3  }
0x34: {  	[smem:$0x3FB6] =	sst s10  }
0x35: {  	s10 =	sld [smem:$0x3FB5];
	_ =	sdelay $0x3  }
0x36: {  	p1 =	seq.s32 s10, $0x1;
	s10 =	sld [smem:$0x3FB6];
	_ =	sdelay $0x3  }
0x37: {  	[smem:$0x3FB6] =	sst s10  }
0x38: {  	s10 =	sld [smem:$0x3FB7]  }
0x39: {  	_ = 	snop;
	(pc) =	sbr.ind lr, $3  }
0x3a: {  	_ = 	snop  }
0x3b: {  	_ = 	snop  }
0x3c: {  	p2 =	seq.s32 s10, $0x1;
	s10 =	sld [smem:$0x3FB6]  }
0x3d: {  	_ =	shalt  }
0x3e: {  	_ =	shalt  }
0x3f: {  	_ =	shalt  }
0x40: {  	_ =	shalt  }
0x41: {  	_ =	shalt  }
0x42: {  	_ =	shalt  }
0x43: {  	_ =	shalt  }
0x44: {  	_ =	shalt  }
0x45: {  	_ =	shalt  }
0x46: {  	_ =	shalt  }
0x47: {  	_ =	shalt  }
0x48: {  	_ =	shalt  }
0x49: {  	_ =	shalt  }
0x4a: {  	_ =	shalt  }
0x4b: {  	_ =	shalt  }
0x4c: {  	_ =	shalt  }
0x4d: {  	_ =	shalt  }
0x4e: {  	_ =	shalt  }
0x4f: {  	_ =	shalt  }
0x50: {  	_ =	shalt  }
0x51: {  	_ =	shalt  }
0x52: {  	_ =	shalt  }
0x53: {  	_ =	shalt  }
0x54: {  	_ =	shalt  }
0x55: {  	_ =	shalt  }
0x56: {  	_ =	shalt  }
0x57: {  	_ =	shalt  }
0x58: {  	_ =	shalt  }
0x59: {  	_ =	shalt  }
0x5a: {  	_ =	shalt  }
0x5b: {  	_ =	shalt  }
0x5c: {  	_ =	shalt  }
0x5d: {  	_ =	shalt  }
0x5e: {  	_ =	shalt  }
0x5f: {  	_ =	shalt  }
0x60: {  	_ =	shalt  }
0x61: {  	_ =	shalt  }
0x62: {  	_ =	shalt  }
0x63: {  	_ =	shalt  }
0x64: {  	_ =	shalt  }
0x65: {  	_ =	shalt  }
0x66: {  	_ =	shalt  }
0x67: {  	_ =	shalt  }
0x68: {  	_ =	shalt  }
0x69: {  	_ =	shalt  }
0x6a: {  	_ =	shalt  }
0x6b: {  	_ =	shalt  }
0x6c: {  	_ =	shalt  }
0x6d: {  	_ =	shalt  }
0x6e: {  	_ =	shalt  }
0x6f: {  	_ =	shalt  }
0x70: {  	_ =	shalt  }
0x71: {  	_ =	shalt  }
0x72: {  	_ =	shalt  }
0x73: {  	_ =	shalt  }
0x74: {  	_ =	shalt  }
0x75: {  	_ =	shalt  }
0x76: {  	_ =	shalt  }
0x77: {  	_ =	shalt  }
0x78: {  	_ =	shalt  }
0x79: {  	_ =	shalt  }
0x7a: {  	_ =	shalt  }
0x7b: {  	_ =	shalt  }
0x7c: {  	_ =	shalt  }
0x7d: {  	_ =	shalt  }
0x7e: {  	_ =	shalt  }
0x7f: {  	_ =	shalt  }
0x80: {  	_ =	shalt  }
0x81: {  	_ =	shalt  }
0x82: {  	_ =	shalt  }
0x83: {  	_ =	shalt  }
0x84: {  	_ =	shalt  }
0x85: {  	_ =	shalt  }
0x86: {  	_ =	shalt  }
0x87: {  	_ =	shalt  }
.Lfunc_end0:
.L_simem_size_0:
called_computation.2_lowered:
.L_overlay_start_0:
0x88: {  	s2 =	sld [smem:$0x3FD9]  }
0x89: {  	s3 =	sld [smem:$0x3FFE];
	_ =	sdelay $0x1  }
0x8a: {  	s1 =	srdreg.scid  }
0x8b: {  	s0 =	sand.u32 $0x1, s1  }
0x8c: {  	s16 =	sshll.u32 s0, $0xA;
	s2 =	sadd.s32 s3, s2  }
0x8d: {  	s2 =	sadd.s32 s2, s16  }
0x8e: {  	[smem:$0x3FC2] =	sst s2  }
0x8f: {  	_ = 	snop  }
0x90: {  	(tm) =	ssettm $0x1  }
0x91: {  	s17 =	sld [smem:$0x3FFB];
	_ =	sdelay $0x3  }
0x92: {  	_ =	strace s17  }
0x93: {  	s2 =	sld [smem:$0x3FFC];
	_ =	sdelay $0x3  }
0x94: {  	_ =	strace s2  }
0x95: {  	s2 =	sld [smem:$0x3FFD];
	_ =	sdelay $0x3  }
0x96: {  	_ =	strace s2  }
0x97: {  	_ =	strace $0x8FFFFFFF  }
0x98: {  	s18 =	sld [smem:$0x3FDB];
	_ =	sdelay $0x1  }
0x99: {  	s19 =	simm.s32 $_scs_section_size  }
0x9a: {  	s4 =	simm.s32 $_size__tile_overlayer_lowered;
	s5 =	simm.s32 $_tile_overlayer_lowered  }
0x9b: {  	s22 =	simm.s32 $0x1BFF;
	s21 =	sshll.u32 s5, $0x1;
	s2 =	sadd.s32 s19, s18  }
0x9c: {  	s6 =	simm.s32 $0x0;
	s20 =	sshll.u32 s4, $0x1;
	s4 =	sadd.s32 s21, s2  }
0x9d: {  	[timem:s6], [sflag:s22] =	dma.local [hbm:s4], s20  }
0x9e: {  	_ =	swait.ge [sflag:s22], s20  }
0x9f: {  	s3 =	ssub.s32 $0x0, s20;
	[sflag:s22] =	ssyncset.done $0x0  }
0xa0: {  	[sflag:s22] =	ssyncadd.s32 s3;
	_ =	sdelay $0x1  }
0xa1: {  	s23 =	simm.s32 $0x1B8B  }
0xa2: {  	_ =	swait.ge [sflag:s23], $0x1  }
0xa3: {  	[sflag:s23] =	ssyncset.done $0x0  }
0xa4: {  	s25 =	simm.s32 $0x1B8E;
	s24 =	sld [smem:$0x3FFE];
	[sflag:s23] =	ssyncadd.s32 $0xFFFFFFFF  }
0xa5: {  	s26 =	simm.s32 $execute0_lowered;
	[smem:$0x3FD2] =	sst s25  }
0xa6: {  	s4 =	sshll.u32 s26, $0x1;
	_ =	strace $0x80000049;
	[dreg:$0x1] =	wrdreg $0xFFFFFFFF  }
0xa7: {  	s28 =	simm.s32 $_size_execute0_lowered;
	s2 =	sadd.s32 s2, s4;
	[dreg:$0x0] =	wrdreg $0x0  }
0xa8: {  	s4 =	sshll.u32 s28, $0x1;
	[dreg:$0x2] =	wrdreg s2  }
0xa9: {  	[dreg:$0x3] =	wrdreg s4  }
0xaa: {  	[dreg:$0x4] =	wrdreg $0xC0  }
0xab: {  	_ =	task [dreg:s6], $0x5FFFF  }
0xac: {  	[dreg:$0x1] =	wrdreg $0xFFFFFFFF  }
0xad: {  	[dreg:$0x0] =	wrdreg $0x60  }
0xae: {  	[dreg:$0x2] =	wrdreg s24  }
0xaf: {  	[dreg:$0x3] =	wrdreg $0xCA800  }
0xb0: {  	[dreg:$0x4] =	wrdreg $0xA  }
0xb1: {  	_ =	task.clear_ibuf [dreg:s6], $0x5FFFF;
	_ =	strace $0x90000049  }
0xb2: {  	s29 =	simm.s32 $0xA;
	_ =	strace $0x8000004B  }
0xb3: {  	_ =	swait.ge [sflag:s29], $0x1  }
0xb4: {  	[sflag:s29] =	ssyncadd.s32 $0xFFFFFFFF  }
0xb5: {  	_ =	strace $0x9000004B  }
0xb6: {  	_ =	sfence  }
0xb7: {  	s30 =	sld [smem:$0x0];
	_ =	sdelay $0x2  }
0xb8: {  	s31 =	sshll.u32 s1, $0xD;
	s1 =	sshrl.u32 s1, $0x2  }
0xb9: {  	s3 =	sand.u32 $0x4000, s31;
	s1 =	sadd.s32 s1, s30  }
0xba: {  	s0 =	sor.u32 s3, s0;
	s1 =	sshll.u32 s1, $0x11  }
0xbb: {  	s0 =	sor.u32 s1, s0  }
0xbc: {  	s0 =	sadd.s32 $0x8F2B, s0  }
0xbd: {  	[sflag:s0] =	ssyncadd.remote.s32 $0x1  }
0xbe: {  	_ =	sfence.sel $0xFFFF  }
0xbf: {  	[dreg:$0x0] =	wrdreg $0xFFFFFFFF;
	(pc) =	sbr.abs _section_cstart, $3  }
0xc0: {  	[dreg:$0x1] =	wrdreg $0xFFFFFFFF  }
0xc1: {  	_ =	task.clear_ibuf [dreg:s6], $0x2FFFF;
	_ =	strace $0x9FFFFFFF  }
0xc2: {  	(tm) =	ssettm $0x7FFFFFFF  }
0xc3: {  	_ =	shalt  }
tec
execute0_lowered:
.L_overlay_start_1:
0x0: {  	(tag) =	ssettag $0x1  }
0x1: {  	s4 =	rddreg [dreg:$0x0]  }
0x2: {  	s0 =	srdreg.scid;
	s7 =	rddreg [dreg:$0x1];
	s2 =	simm.s32 $0x0  }
0x3: {  	s12 =	simm.s32 $0x5000;
	s13 =	simm.s32 $0x7800;
	s14 =	simm.s32 $0x80  }
0x4: {  	s15 =	simm.s32 $0x400;
	s16 =	simm.s32 $0x1400;
	s17 =	simm.s32 $0x14000  }
0x5: {  	s18 =	simm.s32 $0xA280;
	s19 =	simm.s32 $0x100;
	s20 =	simm.s32 $0xA000  }
0x6: {  	s21 =	simm.s32 $0x0;
	s3 =	sand.u32 $0x1, s0;
	s0 =	stileid.u32  }
0x7: {  	[smem:$0x7FF] =	sst s2;
	s1 =	sshll.u32 s3, $0x4;
	s6 =	smul.u32 $0x500, s0  }
0x8: {  	s8 =	sshll.u32 s3, $0x7;
	s25 =	ssub.s32 $0x2, s3;
	s26 =	sshrl.u32 s0, $0x3  }
0x9: {  	s3 =	sadd.s32 $0x15C00, s4;
	s28 =	sshll.u32 s0, $0x7;
	s30 =	smul.u32 $0x5000, s0  }
0xa: {  	s1 =	sor.u32 s0, s1;
	s9 =	sshrl.u32 s25, $0x1;
	s10 =	smul.u32 $0x50000, s26  }
0xb: {  	s5 =	smul.u32 $0x2800, s1;
	s1 =	rddreg [dreg:$0x2];
	_ =	strace $0x8000004A  }
0xc: {  	s6 =	sor.u32 s8, s6;
	s9 =	ssub.s32 s25, s9;
	s31 =	sshrl.u32 s30, $0x2  }
0xd: {  	s6 =	sshrl.u32 s6, $0x3;
	s29 =	sshrl.u32 s10, $0x2;
	s9 =	smax.u32 s9, $0x1  }
0xe: {  	s10 =	simm.s32 $0x1;
	s5 =	sshrl.u32 s5, $0x3;
	s11 =	sadd.s32 s6, s4  }
0xf: {  	s6 =	sand.u32 $0x380, s28;
	s8 =	sadd.s32 s29, s7;
	s7 =	sadd.s32 s31, s7  }
0x10: {  	s5 =	sadd.s32 s5, s4;
	s6 =	sadd.s32 s6, s8;
	s8 =	sadd.s32 $0x16200, s11  }
0x11: {  	v0 =	vimm.f32 $0.0e+00;
	s11 =	simm.s32 $0x2800;
	s4 =	sadd.s32 $0x1C00, s5;
	s5 =	sadd.s32 $0xBC00, s5  }
.LBB2_1:
0x12: {  	[tilespmem:s2], [sflag:$0x1] =	stream.linear.gather [hbm4b:s4+s2], $0x2800, $0x38;
	[tilespmem:$0xF280] =	vst v63  }
0x13: {  	_ =	swait.ge [sflag:s10], $0x2800  }
0x14: {  	[sflag:s10] =	ssyncset.done $0x0  }
0x15: {  	[sflag:s10] =	ssyncadd.s32 $0xFFFFD800  }
0x16: {  	[tilespmem:s11], [sflag:$0x1] =	stream.linear.gather [hbm4b:s5+s2], $0x2800, $0x38;
	[tilespmem:$0xF280] =	vst v63  }
0x17: {  	_ =	swait.ge [sflag:s10], $0x2800  }
0x18: {  	[sflag:s10] =	ssyncset.done $0x0  }
0x19: {  	[sflag:s10] =	ssyncadd.s32 $0xFFFFD800  }
0x1a: {  	[tilespmem:s12], [sflag:$0x1] =	stream.linear.gather [hbm4b:s3+s2], $0x2800, $0x38;
	[tilespmem:$0xF280] =	vst v63  }
0x1b: {  	_ =	swait.ge [sflag:s10], $0x2800  }
0x1c: {  	[sflag:s10] =	ssyncset.done $0x0  }
0x1d: {  	s22 =	simm.s32 $0x0;
	[sflag:s10] =	ssyncadd.s32 $0xFFFFD800  }
.LBB2_2:
0x1e: {  	p0 =	sne.s32 s22, $0x9FC0  }
.Ltmp0:
0x1f: {  	_ = 	snop;
	(pc) =	sbr.rel @p0 .LBB2_2-.Ltmp0, $3  }
0x20: {  	_ =	sdelay $0x1  }
0x21: {  	s23 =	sshra.s32 s22, $0x2  }
0x22: {  	s22 =	sadd.s32 $0x40, s22;
	[tilespmem:s23+$0x7800] =	vst v0  }
0x23: {  	s22 =	simm.s32 $0x0  }
.LBB2_4:
0x24: {  	s23 =	sshra.s32 s22, $0x2  }
0x25: {  	v1 =	vld [tilespmem:s23+$0x2800];
	_ =	sdelay $0x4  }
0x26: {  	v2 =	vld [tilespmem:s23+$0x0];
	_ =	sdelay $0x2  }
0x27: {  	v1 =	vld.idx.msk [tilespmem:v1+s12+$0x0], $0xffff;
	_ =	sdelay $0x4  }
0x28: {  	[tilespmem:v2+s13+$0x0] =	vst.idx.add.f32.msk $0xffff, v1  }
0x29: {  	v1 =	vld [tilespmem:s23+$0x2810];
	_ =	sdelay $0x4  }
0x2a: {  	v2 =	vld [tilespmem:s23+$0x10];
	_ =	sdelay $0x2  }
0x2b: {  	v1 =	vld.idx.msk [tilespmem:v1+s12+$0x0], $0xffff;
	_ =	sdelay $0x4  }
0x2c: {  	[tilespmem:v2+s13+$0x0] =	vst.idx.add.f32.msk $0xffff, v1  }
0x2d: {  	v1 =	vld [tilespmem:s23+$0x2820];
	_ =	sdelay $0x4  }
0x2e: {  	v2 =	vld [tilespmem:s23+$0x20];
	_ =	sdelay $0x2  }
0x2f: {  	v1 =	vld.idx.msk [tilespmem:v1+s12+$0x0], $0xffff;
	_ =	sdelay $0x4  }
0x30: {  	[tilespmem:v2+s13+$0x0] =	vst.idx.add.f32.msk $0xffff, v1  }
0x31: {  	v1 =	vld [tilespmem:s23+$0x2830];
	_ =	sdelay $0x4  }
0x32: {  	v2 =	vld [tilespmem:s23+$0x30];
	_ =	sdelay $0x2  }
0x33: {  	v1 =	vld.idx.msk [tilespmem:v1+s12+$0x0], $0xffff;
	_ =	sdelay $0x4  }
0x34: {  	[tilespmem:v2+s13+$0x0] =	vst.idx.add.f32.msk $0xffff, v1  }
0x35: {  	v1 =	vld [tilespmem:s23+$0x2840];
	_ =	sdelay $0x4  }
0x36: {  	v2 =	vld [tilespmem:s23+$0x40];
	_ =	sdelay $0x2  }
0x37: {  	v1 =	vld.idx.msk [tilespmem:v1+s12+$0x0], $0xffff;
	_ =	sdelay $0x4  }
0x38: {  	[tilespmem:v2+s13+$0x0] =	vst.idx.add.f32.msk $0xffff, v1  }
0x39: {  	v1 =	vld [tilespmem:s23+$0x2850];
	_ =	sdelay $0x4  }
0x3a: {  	v2 =	vld [tilespmem:s23+$0x50];
	_ =	sdelay $0x2  }
0x3b: {  	v1 =	vld.idx.msk [tilespmem:v1+s12+$0x0], $0xffff;
	_ =	sdelay $0x4  }
0x3c: {  	[tilespmem:v2+s13+$0x0] =	vst.idx.add.f32.msk $0xffff, v1  }
0x3d: {  	v1 =	vld [tilespmem:s23+$0x2860];
	_ =	sdelay $0x4  }
0x3e: {  	v2 =	vld [tilespmem:s23+$0x60];
	_ =	sdelay $0x2  }
0x3f: {  	v1 =	vld.idx.msk [tilespmem:v1+s12+$0x0], $0xffff;
	_ =	sdelay $0x4  }
0x40: {  	[tilespmem:v2+s13+$0x0] =	vst.idx.add.f32.msk $0xffff, v1  }
0x41: {  	v1 =	vld [tilespmem:s23+$0x2870];
	_ =	sdelay $0x4  }
0x42: {  	v2 =	vld [tilespmem:s23+$0x70];
	_ =	sdelay $0x2  }
0x43: {  	p0 =	sne.s32 s22, $0x9E00;
	v1 =	vld.idx.msk [tilespmem:v1+s12+$0x0], $0xffff  }
.Ltmp1:
0x44: {  	_ = 	snop;
	(pc) =	sbr.rel @p0 .LBB2_4-.Ltmp1, $2  }
0x45: {  	_ =	sdelay $0x2  }
0x46: {  	s22 =	sadd.s32 $0x200, s22;
	[tilespmem:v2+s13+$0x0] =	vst.idx.add.f32.msk $0xffff, v1  }
0x47: {  	[spmem:s6] =	stream.strided.scatter [tilespmem:s13], [sflag:$0x1], $0x2800, s15, s14, $0x38;
	[tilespmem:$0xF280] =	vst v63  }
0x48: {  	_ =	swait.ge [sflag:s10], $0x2800  }
0x49: {  	[sflag:s10] =	ssyncset.done $0x0  }
0x4a: {  	[sflag:s10] =	ssyncadd.s32 $0xFFFFD800  }
0x4b: {  	[bflag:$0x0] =	sbarrier.arrive $0xFFFF  }
0x4c: {  	[tilespmem:s18], [sflag:$0x1] =	stream.strided.gather [spmem:s7], $0x2800, s17, s16, $0x38;
	[tilespmem:$0xF280] =	vst v63  }
0x4d: {  	s22 =	simm.s32 $0x0;
	_ =	swait.ge [sflag:s10], $0x2800  }
0x4e: {  	s23 =	sand.u32 $0x70, s22;
	s22 =	sand.u32 $0x1C00, s22;
	[sflag:s10] =	ssyncset.done $0x0  }
0x4f: {  	s22 =	sor.u32 s23, s22;
	[sflag:s10] =	ssyncadd.s32 $0xFFFFD800  }
0x50: {  	v1 =	vld [tilespmem:s22+$0xA300]  }
0x51: {  	v2 =	vld [tilespmem:s22+$0xA280];
	_ =	sdelay $0x1  }
0x52: {  	v3 =	vld [tilespmem:s22+$0xA380];
	_ =	sdelay $0x1  }
0x53: {  	v4 =	vld [tilespmem:s22+$0xA400]  }
0x54: {  	v1 =	vadd.f32 v1, v2  }
0x55: {  	v2 =	vld [tilespmem:s22+$0xA480]  }
0x56: {  	v1 =	vadd.f32 v3, v1  }
0x57: {  	v3 =	vld [tilespmem:s22+$0xA500]  }
0x58: {  	v1 =	vadd.f32 v4, v1  }
0x59: {  	v60 =	vld [tilespmem:s22+$0xA580]  }
0x5a: {  	v1 =	vadd.f32 v2, v1  }
0x5b: {  	v2 =	vld [tilespmem:s22+$0xA600]  }
0x5c: {  	v1 =	vadd.f32 v3, v1  }
0x5d: {  	v3 =	vld [tilespmem:s22+$0xB680]  }
0x5e: {  	v1 =	vadd.f32 v60, v1  }
0x5f: {  	v61 =	vld [tilespmem:s22+$0xB700]  }
0x60: {  	v1 =	vadd.f32 v2, v1  }
0x61: {  	v2 =	vld [tilespmem:s22+$0xB780]  }
0x62: {  	v1 =	vadd.f32 v3, v1  }
0x63: {  	v3 =	vld [tilespmem:s22+$0xB800]  }
0x64: {  	v1 =	vadd.f32 v61, v1  }
0x65: {  	v62 =	vld [tilespmem:s22+$0xB880]  }
0x66: {  	v1 =	vadd.f32 v2, v1  }
0x67: {  	v2 =	vld [tilespmem:s22+$0xB900]  }
0x68: {  	v1 =	vadd.f32 v3, v1  }
0x69: {  	v3 =	vld [tilespmem:s22+$0xB980]  }
0x6a: {  	v1 =	vadd.f32 v62, v1  }
0x6b: {  	v63 =	vld [tilespmem:s22+$0xBA00]  }
0x6c: {  	v1 =	vadd.f32 v2, v1;
	_ =	sdelay $0x1  }
0x6d: {  	v1 =	vadd.f32 v3, v1;
	_ =	sdelay $0x1  }
0x6e: {  	s31 =	simm.s32 $0x10;
	s24 =	simm.s32 $0x80;
	v1 =	vadd.f32 v63, v1  }
0x6f: {  	s25 =	sand.u32 $0x1C00, s24;
	s23 =	sand.u32 $0x70, s31;
	s22 =	simm.s32 $0xA000  }
0x70: {  	s23 =	sor.u32 s23, s25;
	s25 =	simm.s32 $0x20;
	[tilespmem:s22+$0x0] =	vst v1  }
.LBB2_6:
0x71: {  	p0 =	sne.s32 s25, $0x270;
	v1 =	vld [tilespmem:s23+$0xA300]  }
0x72: {  	v2 =	vld [tilespmem:s23+$0xA280];
	_ =	sdelay $0x1  }
0x73: {  	v3 =	vld [tilespmem:s23+$0xA380];
	_ =	sdelay $0x1  }
0x74: {  	v4 =	vld [tilespmem:s23+$0xA400]  }
0x75: {  	v1 =	vadd.f32 v1, v2  }
0x76: {  	v2 =	vld [tilespmem:s23+$0xA480]  }
0x77: {  	v1 =	vadd.f32 v3, v1  }
0x78: {  	v3 =	vld [tilespmem:s23+$0xA500]  }
0x79: {  	v1 =	vadd.f32 v4, v1  }
0x7a: {  	v4 =	vld [tilespmem:s23+$0xA580]  }
0x7b: {  	v1 =	vadd.f32 v2, v1  }
0x7c: {  	v2 =	vld [tilespmem:s23+$0xA600]  }
0x7d: {  	v1 =	vadd.f32 v3, v1  }
0x7e: {  	v3 =	vld [tilespmem:s23+$0xB680]  }
0x7f: {  	v1 =	vadd.f32 v4, v1  }
0x80: {  	v4 =	vld [tilespmem:s23+$0xB700]  }
0x81: {  	v1 =	vadd.f32 v2, v1  }
0x82: {  	v2 =	vld [tilespmem:s23+$0xB780]  }
0x83: {  	v1 =	vadd.f32 v3, v1  }
0x84: {  	v3 =	vld [tilespmem:s23+$0xB800]  }
0x85: {  	v1 =	vadd.f32 v4, v1  }
0x86: {  	v4 =	vld [tilespmem:s23+$0xB880]  }
0x87: {  	v1 =	vadd.f32 v2, v1  }
0x88: {  	v2 =	vld [tilespmem:s23+$0xB900]  }
0x89: {  	v1 =	vadd.f32 v3, v1  }
0x8a: {  	v3 =	vld [tilespmem:s23+$0xB980]  }
0x8b: {  	v1 =	vadd.f32 v4, v1  }
0x8c: {  	v4 =	vld [tilespmem:s23+$0xBA00]  }
0x8d: {  	v1 =	vadd.f32 v2, v1;
	_ =	sdelay $0x1  }
.Ltmp2:
0x8e: {  	v1 =	vadd.f32 v3, v1;
	(pc) =	sbr.rel @p0 .LBB2_6-.Ltmp2, $4  }
0x8f: {  	_ = 	snop  }
0x90: {  	s24 =	sadd.s32 $0x80, s24;
	v1 =	vadd.f32 v4, v1  }
0x91: {  	s22 =	sadd.s32 $0x10, s22;
	s26 =	sand.u32 $0x1C00, s24;
	s23 =	sand.u32 $0x70, s25  }
0x92: {  	s25 =	sadd.s32 $0x10, s25;
	s23 =	sor.u32 s23, s26;
	[tilespmem:s22+$0x0] =	vst v1  }
0x93: {  	v1 =	vld [tilespmem:s23+$0xA300]  }
0x94: {  	v2 =	vld [tilespmem:s23+$0xA280];
	_ =	sdelay $0x1  }
0x95: {  	v3 =	vld [tilespmem:s23+$0xA380];
	_ =	sdelay $0x1  }
0x96: {  	v4 =	vld [tilespmem:s23+$0xA400]  }
0x97: {  	v1 =	vadd.f32 v1, v2  }
0x98: {  	v2 =	vld [tilespmem:s23+$0xA480]  }
0x99: {  	v1 =	vadd.f32 v3, v1  }
0x9a: {  	v3 =	vld [tilespmem:s23+$0xA500]  }
0x9b: {  	v1 =	vadd.f32 v4, v1  }
0x9c: {  	v60 =	vld [tilespmem:s23+$0xA580]  }
0x9d: {  	v1 =	vadd.f32 v2, v1  }
0x9e: {  	v2 =	vld [tilespmem:s23+$0xA600]  }
0x9f: {  	v1 =	vadd.f32 v3, v1  }
0xa0: {  	v3 =	vld [tilespmem:s23+$0xB680]  }
0xa1: {  	v1 =	vadd.f32 v60, v1  }
0xa2: {  	v61 =	vld [tilespmem:s23+$0xB700]  }
0xa3: {  	v1 =	vadd.f32 v2, v1  }
0xa4: {  	v2 =	vld [tilespmem:s23+$0xB780]  }
0xa5: {  	v1 =	vadd.f32 v3, v1  }
0xa6: {  	v3 =	vld [tilespmem:s23+$0xB800]  }
0xa7: {  	v1 =	vadd.f32 v61, v1  }
0xa8: {  	v62 =	vld [tilespmem:s23+$0xB880]  }
0xa9: {  	v1 =	vadd.f32 v2, v1  }
0xaa: {  	v2 =	vld [tilespmem:s23+$0xB900]  }
0xab: {  	v1 =	vadd.f32 v3, v1  }
0xac: {  	v3 =	vld [tilespmem:s23+$0xB980]  }
0xad: {  	v1 =	vadd.f32 v62, v1  }
0xae: {  	v63 =	vld [tilespmem:s23+$0xBA00]  }
0xaf: {  	v1 =	vadd.f32 v2, v1;
	_ =	sdelay $0x1  }
0xb0: {  	v1 =	vadd.f32 v3, v1;
	_ =	sdelay $0x1  }
0xb1: {  	v1 =	vadd.f32 v63, v1  }
0xb2: {  	s22 =	sadd.s32 $0x10, s22;
	s21 =	sadd.s32 $0x1, s21  }
0xb3: {  	p0 =	sne.s32 s21, s9;
	[tilespmem:s22+$0x0] =	vst v1  }
0xb4: {  	[hbm4b:s8+s14] =	stream.strided.scatter [tilespmem:s20], [sflag:$0x1], $0x280, s19, s14, $0x38;
	[tilespmem:$0xF280] =	vst v63  }
.Ltmp3:
0xb5: {  	_ =	swait.ge [sflag:s10], $0x280;
	(pc) =	sbr.rel @p0 .LBB2_1-.Ltmp3, $3  }
0xb6: {  	[sflag:s10] =	ssyncset.done $0x0  }
0xb7: {  	[sflag:s10] =	ssyncadd.s32 $0xFFFFFD80  }
0xb8: {  	[bflag:$0x0] =	sbarrier.arrive $0xFFFF;
	_ =	sdelay $0x1  }
0xb9: {  	_ =	sfence.sel $0x180000  }
0xba: {  	[bflag:$0x0] =	sbarrier.arrive $0xFFFF  }
0xbb: {  	p0 =	sne.s32 s0, $0x0;
	_ =	strace $0x9000004A  }
0xbc: {  	s0 =	sadd.s32 @!p0 $0x100000, s1;
	[bflag:$0x2] =	sbarrier.arrive $0xFFFF  }
0xbd: {  	[sflag:s0] =	ssyncadd.tile.s32 @!p0 $0x1;
	_ =	shalt  }
.Lfunc_end2:
_tile_overlayer_lowered:
.L_overlay_start_2:
0xbe: {  	(tag) =	ssettag $0x2  }
0xbf: {  	s0 =	rddreg [dreg:$0x0];
	s2 =	stileid.u32  }
0xc0: {  	s1 =	rddreg [dreg:$0x1];
	p0 =	sne.s32 s2, $0x0  }
0xc1: {  	s3 =	rddreg [dreg:$0x2];
	[bflag:$0x3] =	sbarrier.arrive $0xFFFF;
	s2 =	simm.s32 @!p0 $0x1C01  }
0xc2: {  	[timem:s3], [sflag:s2] =	dma.local @!p0 [hbm:s0], s1  }
0xc3: {  	s0 =	simm.s32 @!p0 $0x1  }
0xc4: {  	_ =	swait.ge @!p0 [sflag:s0], s1  }
0xc5: {  	s1 =	ssub.s32 @!p0 $0x0, s1;
	[sflag:s0] =	ssyncset.done @!p0 $0x0  }
0xc6: {  	[sflag:s0] =	ssyncadd.s32 @!p0 s1  }
0xc7: {  	[bflag:$0x3] =	sbarrier.arrive $0xFFFF  }
0xc8: {  	_ =	shalt  }

// kernel: kernel.7.cloned.1.call-start
scs
__scs_entry_jumppad:
0x0: {  	(pc) =	sbr.rel $0x88, $3  }
0x1: {  	(tag) =	ssettag $0x0;
	lr =	simm.s32 $0x1  }
0x2: {  	[smem:$0x3F9B] =	sst lr;
	_ =	strace $0xD0000000  }
0x3: {  	_ = 	snop  }
0x4: {  	_ = 	snop  }
0x5: {  	_ = 	snop  }
0x6: {  	_ = 	snop  }
0x7: {  	_ = 	snop  }
__scs_overlays_trampoline_lowered:
0x8: {  	[smem:$0x3FAA] =	sst s0  }
0x9: {  	[smem:$0x3FAB] =	sst s1  }
0xa: {  	[smem:$0x3FAC] =	sst s2  }
0xb: {  	[smem:$0x3FAD] =	sst s3  }
0xc: {  	[smem:$0x3FAE] =	sst s4  }
0xd: {  	[smem:$0x3FAF] =	sst s5  }
0xe: {  	[smem:$0x3FB0] =	sst s6  }
0xf: {  	[smem:$0x3FB1] =	sst s7  }
0x10: {  	[smem:$0x3FB2] =	sst s8  }
0x11: {  	[smem:$0x3FB3] =	sst s9;
	s0 =	simm.s32 @!p0 $0x0  }
0x12: {  	s1 =	sld [smem:$0x3F99];
	s0 =	simm.s32 @p0 $0x1  }
0x13: {  	[smem:$0x3FB4] =	sst s0;
	s0 =	simm.s32 @!p1 $0x0  }
0x14: {  	s2 =	sld [smem:$0x3F98];
	s0 =	simm.s32 @p1 $0x1  }
0x15: {  	[smem:$0x3FB5] =	sst s0;
	s0 =	simm.s32 @!p2 $0x0  }
0x16: {  	s3 =	sld [smem:$0x3FDB];
	s0 =	simm.s32 @p2 $0x1  }
0x17: {  	s4 =	simm.s32 $0x1BF5;
	[smem:$0x3FB7] =	sst s0  }
0x18: {  	s0 =	sld [smem:$0x3F9A];
	_ =	swait.ge [sflag:s4], $0x0  }
0x19: {  	s7 =	sld [smem:$0x3F9B]  }
0x1a: {  	s8 =	sadd.s32 $0xFFFFE003, lr  }
0x1b: {  	s9 =	sadd.s32 $0xFFFFFEF7, lr;
	s5 =	simm.s32 $0xFFFFFFFF;
	p2 =	slt.u32 s8, $0xFFFFF086  }
0x1c: {  	p1 =	slt.u32 s9, $0xF7A;
	s5 =	simm.s32 @!p2 $0x0  }
0x1d: {  	s5 =	simm.s32 @p1 $0x1;
	p0 =	seq.s32 s7, s2  }
0x1e: {  	s7 =	smul.u32 @!p0 $0xF7A, s2;
	p2 =	seq.s32 @!p0 s5, $0x0  }
0x1f: {  	s9 =	smul.u32 $0xF7A, s1;
	s8 =	simm.s32 @!p0 $0x1BF5;
	p2 =	por !p2, p0  }
0x20: {  	[sflag:s8] =	ssyncset.s32 @!p0 $0xFFFFF086;
	s6 =	sadd.s32 @!p0 s3, s7;
	s7 =	simm.s32 @!p0 $0x108  }
0x21: {  	s3 =	sadd.s32 s3, s9;
	s6 =	sadd.s32 @!p0 $0x88, s6;
	s7 =	simm.s32 @p2 $0x1082  }
0x22: {  	[simem:s7], [sflag:s8] =	dma.local @!p0 [hbm:s6], $0xF7A  }
0x23: {  	s9 =	sor.u32 $0xD0000000, s2;
	s6 =	simm.s32 $0x108;
	_ =	swait.ge @!p0 [sflag:s8], $0x0  }
0x24: {  	s3 =	sadd.s32 $0x88, s3;
	s6 =	simm.s32 @!p1 $0x1082;
	[sflag:s4] =	ssyncset.s32 $0xFFFFF086  }
0x25: {  	[simem:s6], [sflag:s4] =	dma.local [hbm:s3], $0xF7A  }
0x26: {  	[smem:$0x3F9B] =	sst s1;
	(tag) =	ssettag s2;
	_ =	strace s9  }
0x27: {  	s1 =	sld [smem:$0x3FAB]  }
0x28: {  	s2 =	sld [smem:$0x3FAC]  }
0x29: {  	s4 =	sld [smem:$0x3FAE]  }
0x2a: {  	p0 =	seq.s32 s5, $0x0;
	s5 =	sld [smem:$0x3FAF]  }
0x2b: {  	s6 =	sld [smem:$0x3FB0]  }
0x2c: {  	s7 =	sld [smem:$0x3FB1]  }
0x2d: {  	s3 =	simm.s32 $0x108;
	s8 =	sld [smem:$0x3FB2]  }
0x2e: {  	s3 =	simm.s32 @!p0 $0x1082;
	s9 =	sld [smem:$0x3FB3]  }
0x2f: {  	lr =	sadd.s32 s0, s3;
	s0 =	sld [smem:$0x3FAA]  }
0x30: {  	s3 =	sld [smem:$0x3FAD]  }
0x31: {  	[smem:$0x3FB6] =	sst s10  }
0x32: {  	s10 =	sld [smem:$0x3FB4];
	_ =	sdelay $0x3  }
0x33: {  	p0 =	seq.s32 s10, $0x1;
	s10 =	sld [smem:$0x3FB6];
	_ =	sdelay $0x3  }
0x34: {  	[smem:$0x3FB6] =	sst s10  }
0x35: {  	s10 =	sld [smem:$0x3FB5];
	_ =	sdelay $0x3  }
0x36: {  	p1 =	seq.s32 s10, $0x1;
	s10 =	sld [smem:$0x3FB6];
	_ =	sdelay $0x3  }
0x37: {  	[smem:$0x3FB6] =	sst s10  }
0x38: {  	s10 =	sld [smem:$0x3FB7]  }
0x39: {  	_ = 	snop;
	(pc) =	sbr.ind lr, $3  }
0x3a: {  	_ = 	snop  }
0x3b: {  	_ = 	snop  }
0x3c: {  	p2 =	seq.s32 s10, $0x1;
	s10 =	sld [smem:$0x3FB6]  }
0x3d: {  	_ =	shalt  }
0x3e: {  	_ =	shalt  }
0x3f: {  	_ =	shalt  }
0x40: {  	_ =	shalt  }
0x41: {  	_ =	shalt  }
0x42: {  	_ =	shalt  }
0x43: {  	_ =	shalt  }
0x44: {  	_ =	shalt  }
0x45: {  	_ =	shalt  }
0x46: {  	_ =	shalt  }
0x47: {  	_ =	shalt  }
0x48: {  	_ =	shalt  }
0x49: {  	_ =	shalt  }
0x4a: {  	_ =	shalt  }
0x4b: {  	_ =	shalt  }
0x4c: {  	_ =	shalt  }
0x4d: {  	_ =	shalt  }
0x4e: {  	_ =	shalt  }
0x4f: {  	_ =	shalt  }
0x50: {  	_ =	shalt  }
0x51: {  	_ =	shalt  }
0x52: {  	_ =	shalt  }
0x53: {  	_ =	shalt  }
0x54: {  	_ =	shalt  }
0x55: {  	_ =	shalt  }
0x56: {  	_ =	shalt  }
0x57: {  	_ =	shalt  }
0x58: {  	_ =	shalt  }
0x59: {  	_ =	shalt  }
0x5a: {  	_ =	shalt  }
0x5b: {  	_ =	shalt  }
0x5c: {  	_ =	shalt  }
0x5d: {  	_ =	shalt  }
0x5e: {  	_ =	shalt  }
0x5f: {  	_ =	shalt  }
0x60: {  	_ =	shalt  }
0x61: {  	_ =	shalt  }
0x62: {  	_ =	shalt  }
0x63: {  	_ =	shalt  }
0x64: {  	_ =	shalt  }
0x65: {  	_ =	shalt  }
0x66: {  	_ =	shalt  }
0x67: {  	_ =	shalt  }
0x68: {  	_ =	shalt  }
0x69: {  	_ =	shalt  }
0x6a: {  	_ =	shalt  }
0x6b: {  	_ =	shalt  }
0x6c: {  	_ =	shalt  }
0x6d: {  	_ =	shalt  }
0x6e: {  	_ =	shalt  }
0x6f: {  	_ =	shalt  }
0x70: {  	_ =	shalt  }
0x71: {  	_ =	shalt  }
0x72: {  	_ =	shalt  }
0x73: {  	_ =	shalt  }
0x74: {  	_ =	shalt  }
0x75: {  	_ =	shalt  }
0x76: {  	_ =	shalt  }
0x77: {  	_ =	shalt  }
0x78: {  	_ =	shalt  }
0x79: {  	_ =	shalt  }
0x7a: {  	_ =	shalt  }
0x7b: {  	_ =	shalt  }
0x7c: {  	_ =	shalt  }
0x7d: {  	_ =	shalt  }
0x7e: {  	_ =	shalt  }
0x7f: {  	_ =	shalt  }
0x80: {  	_ =	shalt  }
0x81: {  	_ =	shalt  }
0x82: {  	_ =	shalt  }
0x83: {  	_ =	shalt  }
0x84: {  	_ =	shalt  }
0x85: {  	_ =	shalt  }
0x86: {  	_ =	shalt  }
0x87: {  	_ =	shalt  }
.Lfunc_end0:
.L_simem_size_0:
called_computation_lowered:
.L_overlay_start_0:
0x88: {  	s2 =	sld [smem:$0x3FD9]  }
0x89: {  	s3 =	sld [smem:$0x3FFE];
	_ =	sdelay $0x1  }
0x8a: {  	s1 =	srdreg.scid  }
0x8b: {  	s0 =	sand.u32 $0x1, s1  }
0x8c: {  	s16 =	sshll.u32 s0, $0xA;
	s2 =	sadd.s32 s3, s2  }
0x8d: {  	s2 =	sadd.s32 s2, s16  }
0x8e: {  	[smem:$0x3FC2] =	sst s2  }
0x8f: {  	_ = 	snop  }
0x90: {  	(tm) =	ssettm $0x1  }
0x91: {  	s17 =	sld [smem:$0x3FFB];
	_ =	sdelay $0x3  }
0x92: {  	_ =	strace s17  }
0x93: {  	s2 =	sld [smem:$0x3FFC];
	_ =	sdelay $0x3  }
0x94: {  	_ =	strace s2  }
0x95: {  	s2 =	sld [smem:$0x3FFD];
	_ =	sdelay $0x3  }
0x96: {  	_ =	strace s2  }
0x97: {  	_ =	strace $0x8FFFFFFF  }
0x98: {  	s18 =	sld [smem:$0x3FDB];
	_ =	sdelay $0x1  }
0x99: {  	s19 =	simm.s32 $_scs_section_size  }
0x9a: {  	s4 =	simm.s32 $_size__tile_overlayer_lowered;
	s5 =	simm.s32 $_tile_overlayer_lowered  }
0x9b: {  	s22 =	simm.s32 $0x1BFF;
	s21 =	sshll.u32 s5, $0x1;
	s2 =	sadd.s32 s19, s18  }
0x9c: {  	s6 =	simm.s32 $0x0;
	s20 =	sshll.u32 s4, $0x1;
	s4 =	sadd.s32 s21, s2  }
0x9d: {  	[timem:s6], [sflag:s22] =	dma.local [hbm:s4], s20  }
0x9e: {  	_ =	swait.ge [sflag:s22], s20  }
0x9f: {  	s3 =	ssub.s32 $0x0, s20;
	[sflag:s22] =	ssyncset.done $0x0  }
0xa0: {  	[sflag:s22] =	ssyncadd.s32 s3;
	_ =	sdelay $0x1  }
0xa1: {  	s23 =	simm.s32 $0x1B8B  }
0xa2: {  	_ =	swait.ge [sflag:s23], $0x1  }
0xa3: {  	[sflag:s23] =	ssyncset.done $0x0  }
0xa4: {  	s25 =	simm.s32 $0x1B8E;
	s24 =	sld [smem:$0x3FFE];
	[sflag:s23] =	ssyncadd.s32 $0xFFFFFFFF  }
0xa5: {  	s26 =	simm.s32 $execute0_lowered;
	[smem:$0x3FD2] =	sst s25  }
0xa6: {  	s4 =	sshll.u32 s26, $0x1;
	_ =	strace $0x80000046;
	[dreg:$0x1] =	wrdreg $0xFFFFFFFF  }
0xa7: {  	s28 =	simm.s32 $_size_execute0_lowered;
	s2 =	sadd.s32 s2, s4;
	[dreg:$0x0] =	wrdreg $0x0  }
0xa8: {  	s4 =	sshll.u32 s28, $0x1;
	[dreg:$0x2] =	wrdreg s2  }
0xa9: {  	[dreg:$0x3] =	wrdreg s4  }
0xaa: {  	[dreg:$0x4] =	wrdreg $0xC0  }
0xab: {  	_ =	task [dreg:s6], $0x5FFFF  }
0xac: {  	[dreg:$0x1] =	wrdreg $0xFFFFFFFF  }
0xad: {  	[dreg:$0x0] =	wrdreg $0x60  }
0xae: {  	[dreg:$0x2] =	wrdreg s24  }
0xaf: {  	[dreg:$0x3] =	wrdreg $0xCA800  }
0xb0: {  	[dreg:$0x4] =	wrdreg $0x9  }
0xb1: {  	_ =	task.clear_ibuf [dreg:s6], $0x5FFFF;
	_ =	strace $0x90000046  }
0xb2: {  	s29 =	simm.s32 $0x9;
	_ =	strace $0x80000048  }
0xb3: {  	_ =	swait.ge [sflag:s29], $0x1  }
0xb4: {  	[sflag:s29] =	ssyncadd.s32 $0xFFFFFFFF  }
0xb5: {  	_ =	strace $0x90000048  }
0xb6: {  	_ =	sfence  }
0xb7: {  	s30 =	sld [smem:$0x0];
	_ =	sdelay $0x2  }
0xb8: {  	s31 =	sshll.u32 s1, $0xD;
	s1 =	sshrl.u32 s1, $0x2  }
0xb9: {  	s3 =	sand.u32 $0x4000, s31;
	s1 =	sadd.s32 s1, s30  }
0xba: {  	s0 =	sor.u32 s3, s0;
	s1 =	sshll.u32 s1, $0x11  }
0xbb: {  	s0 =	sor.u32 s1, s0  }
0xbc: {  	s0 =	sadd.s32 $0x8F2B, s0  }
0xbd: {  	[sflag:s0] =	ssyncadd.remote.s32 $0x1  }
0xbe: {  	_ =	sfence.sel $0xFFFF  }
0xbf: {  	[dreg:$0x0] =	wrdreg $0xFFFFFFFF;
	(pc) =	sbr.abs _section_cstart, $3  }
0xc0: {  	[dreg:$0x1] =	wrdreg $0xFFFFFFFF  }
0xc1: {  	_ =	task.clear_ibuf [dreg:s6], $0x2FFFF;
	_ =	strace $0x9FFFFFFF  }
0xc2: {  	(tm) =	ssettm $0x7FFFFFFF  }
0xc3: {  	_ =	shalt  }
tec
execute0_lowered:
.L_overlay_start_1:
0x0: {  	(tag) =	ssettag $0x1  }
0x1: {  	s3 =	rddreg [dreg:$0x0]  }
0x2: {  	s0 =	srdreg.scid;
	s6 =	rddreg [dreg:$0x1]  }
0x3: {  	s2 =	simm.s32 $0x0;
	s13 =	simm.s32 $0x7800;
	s14 =	simm.s32 $0x80  }
0x4: {  	s15 =	simm.s32 $0x400;
	s16 =	simm.s32 $0x1400;
	s17 =	simm.s32 $0x14000  }
0x5: {  	s18 =	simm.s32 $0xA280;
	s19 =	simm.s32 $0x100;
	s20 =	simm.s32 $0xA000  }
0x6: {  	s21 =	simm.s32 $0x0;
	s5 =	sand.u32 $0x1, s0;
	s0 =	stileid.u32  }
0x7: {  	[smem:$0x7FF] =	sst s2;
	s8 =	sadd.s32 $0x15C00, s3;
	s1 =	sshll.u32 s5, $0x4  }
0x8: {  	s7 =	ssub.s32 $0x2, s5;
	s9 =	sshrl.u32 s0, $0x3;
	s11 =	smul.u32 $0x500, s0  }
0x9: {  	s28 =	sshll.u32 s0, $0x7;
	s12 =	smul.u32 $0x5000, s0;
	s5 =	sshll.u32 s5, $0x7  }
0xa: {  	s1 =	sor.u32 s0, s1;
	s25 =	sshrl.u32 s7, $0x1;
	s26 =	smul.u32 $0x50000, s9  }
0xb: {  	s9 =	sand.u32 $0x380, s28;
	s4 =	smul.u32 $0x2800, s1;
	s1 =	rddreg [dreg:$0x2]  }
0xc: {  	_ =	strace $0x80000047;
	s10 =	ssub.s32 s7, s25;
	s11 =	sor.u32 s5, s11  }
0xd: {  	s29 =	sshrl.u32 s12, $0x2;
	s12 =	simm.s32 $0x5000;
	s7 =	sshrl.u32 s26, $0x2  }
0xe: {  	s30 =	sadd.s32 $0x5000, s11;
	s31 =	sshrl.u32 s11, $0x3;
	s11 =	simm.s32 $0x2800  }
0xf: {  	s4 =	sshrl.u32 s4, $0x3;
	s7 =	sadd.s32 s7, s6;
	s6 =	sadd.s32 s29, s6  }
0x10: {  	s4 =	sadd.s32 s4, s3;
	s5 =	sadd.s32 s9, s7;
	s9 =	sshrl.u32 s30, $0x3  }
0x11: {  	s7 =	sadd.s32 s8, s31;
	s3 =	sadd.s32 $0x1C00, s4;
	s4 =	sadd.s32 $0xBC00, s4  }
0x12: {  	v0 =	vimm.s32 $0x0;
	v1 =	vimm.s32 $0x1;
	s8 =	sadd.s32 s8, s9;
	s9 =	smax.u32 s10, $0x1;
	s10 =	simm.s32 $0x1  }
.LBB2_1:
0x13: {  	[tilespmem:s2], [sflag:$0x1] =	stream.linear.gather [hbm4b:s3+s2], $0x2800, $0x38;
	[tilespmem:$0xF280] =	vst v63  }
0x14: {  	_ =	swait.ge [sflag:s10], $0x2800  }
0x15: {  	[sflag:s10] =	ssyncset.done $0x0  }
0x16: {  	[sflag:s10] =	ssyncadd.s32 $0xFFFFD800  }
0x17: {  	[tilespmem:s11], [sflag:$0x1] =	stream.linear.gather [hbm4b:s4+s2], $0x2800, $0x38;
	[tilespmem:$0xF280] =	vst v63  }
0x18: {  	_ =	swait.ge [sflag:s10], $0x2800  }
0x19: {  	[sflag:s10] =	ssyncset.done $0x0  }
0x1a: {  	s22 =	simm.s32 $0x0;
	[sflag:s10] =	ssyncadd.s32 $0xFFFFD800  }
.LBB2_2:
0x1b: {  	p0 =	sne.s32 s22, $0x9FC0  }
.Ltmp0:
0x1c: {  	_ = 	snop;
	(pc) =	sbr.rel @p0 .LBB2_2-.Ltmp0, $4  }
0x1d: {  	_ = 	snop  }
0x1e: {  	s23 =	sshra.s32 s22, $0x2  }
0x1f: {  	[tilespmem:s23+$0x5000] =	vst v0  }
0x20: {  	s22 =	sadd.s32 $0x40, s22;
	[tilespmem:s23+$0x7800] =	vst v0  }
0x21: {  	s22 =	simm.s32 $0x0  }
.LBB2_4:
0x22: {  	s23 =	sshra.s32 s22, $0x2  }
0x23: {  	v2 =	vld [tilespmem:s23+$0x0]  }
0x24: {  	v3 =	vld [tilespmem:s23+$0x2800];
	_ =	sdelay $0x6  }
0x25: {  	[tilespmem:v2+s12+$0x0] =	vst.idx.add.s32.msk $0xffff, v1  }
0x26: {  	[tilespmem:v3+s13+$0x0] =	vst.idx.add.s32.msk $0xffff, v1  }
0x27: {  	v2 =	vld [tilespmem:s23+$0x10]  }
0x28: {  	v3 =	vld [tilespmem:s23+$0x2810];
	_ =	sdelay $0x6  }
0x29: {  	[tilespmem:v2+s12+$0x0] =	vst.idx.add.s32.msk $0xffff, v1  }
0x2a: {  	[tilespmem:v3+s13+$0x0] =	vst.idx.add.s32.msk $0xffff, v1  }
0x2b: {  	v2 =	vld [tilespmem:s23+$0x20]  }
0x2c: {  	v3 =	vld [tilespmem:s23+$0x2820];
	_ =	sdelay $0x6  }
0x2d: {  	[tilespmem:v2+s12+$0x0] =	vst.idx.add.s32.msk $0xffff, v1  }
0x2e: {  	[tilespmem:v3+s13+$0x0] =	vst.idx.add.s32.msk $0xffff, v1  }
0x2f: {  	v2 =	vld [tilespmem:s23+$0x30]  }
0x30: {  	v3 =	vld [tilespmem:s23+$0x2830];
	_ =	sdelay $0x6  }
0x31: {  	[tilespmem:v2+s12+$0x0] =	vst.idx.add.s32.msk $0xffff, v1  }
0x32: {  	[tilespmem:v3+s13+$0x0] =	vst.idx.add.s32.msk $0xffff, v1  }
0x33: {  	v2 =	vld [tilespmem:s23+$0x40]  }
0x34: {  	v3 =	vld [tilespmem:s23+$0x2840];
	_ =	sdelay $0x6  }
0x35: {  	[tilespmem:v2+s12+$0x0] =	vst.idx.add.s32.msk $0xffff, v1  }
0x36: {  	[tilespmem:v3+s13+$0x0] =	vst.idx.add.s32.msk $0xffff, v1  }
0x37: {  	v2 =	vld [tilespmem:s23+$0x50]  }
0x38: {  	v3 =	vld [tilespmem:s23+$0x2850];
	_ =	sdelay $0x6  }
0x39: {  	[tilespmem:v2+s12+$0x0] =	vst.idx.add.s32.msk $0xffff, v1  }
0x3a: {  	[tilespmem:v3+s13+$0x0] =	vst.idx.add.s32.msk $0xffff, v1  }
0x3b: {  	v2 =	vld [tilespmem:s23+$0x60]  }
0x3c: {  	v3 =	vld [tilespmem:s23+$0x2860];
	_ =	sdelay $0x6  }
0x3d: {  	[tilespmem:v2+s12+$0x0] =	vst.idx.add.s32.msk $0xffff, v1  }
0x3e: {  	[tilespmem:v3+s13+$0x0] =	vst.idx.add.s32.msk $0xffff, v1  }
0x3f: {  	v2 =	vld [tilespmem:s23+$0x70]  }
0x40: {  	v3 =	vld [tilespmem:s23+$0x2870];
	_ =	sdelay $0x2  }
0x41: {  	p0 =	sne.s32 s22, $0x9E00  }
.Ltmp1:
0x42: {  	_ = 	snop;
	(pc) =	sbr.rel @p0 .LBB2_4-.Ltmp1, $3  }
0x43: {  	_ =	sdelay $0x1  }
0x44: {  	[tilespmem:v2+s12+$0x0] =	vst.idx.add.s32.msk $0xffff, v1  }
0x45: {  	s22 =	sadd.s32 $0x200, s22;
	[tilespmem:v3+s13+$0x0] =	vst.idx.add.s32.msk $0xffff, v1  }
0x46: {  	[spmem:s5] =	stream.strided.scatter [tilespmem:s12], [sflag:$0x1], $0x2800, s15, s14, $0x38;
	[tilespmem:$0xF280] =	vst v63  }
0x47: {  	_ =	swait.ge [sflag:s10], $0x2800  }
0x48: {  	[sflag:s10] =	ssyncset.done $0x0  }
0x49: {  	[sflag:s10] =	ssyncadd.s32 $0xFFFFD800  }
0x4a: {  	[bflag:$0x0] =	sbarrier.arrive $0xFFFF  }
0x4b: {  	[tilespmem:s18], [sflag:$0x1] =	stream.strided.gather [spmem:s6], $0x2800, s17, s16, $0x38;
	[tilespmem:$0xF280] =	vst v63  }
0x4c: {  	s22 =	simm.s32 $0x0;
	_ =	swait.ge [sflag:s10], $0x2800  }
0x4d: {  	s23 =	sand.u32 $0x70, s22;
	s22 =	sand.u32 $0x1C00, s22;
	[sflag:s10] =	ssyncset.done $0x0  }
0x4e: {  	s22 =	sor.u32 s23, s22;
	[sflag:s10] =	ssyncadd.s32 $0xFFFFD800  }
0x4f: {  	v2 =	vld [tilespmem:s22+$0xA300]  }
0x50: {  	v3 =	vld [tilespmem:s22+$0xA280]  }
0x51: {  	v4 =	vld [tilespmem:s22+$0xA380]  }
0x52: {  	v5 =	vld [tilespmem:s22+$0xA400]  }
0x53: {  	v6 =	vld [tilespmem:s22+$0xA480]  }
0x54: {  	v7 =	vld [tilespmem:s22+$0xA500]  }
0x55: {  	v2 =	vadd.s32 v3, v2;
	v3 =	vld [tilespmem:s22+$0xA580]  }
0x56: {  	v56 =	vld [tilespmem:s22+$0xA600];
	v2 =	vadd.s32 v4, v2  }
0x57: {  	v57 =	vld [tilespmem:s22+$0xB680];
	v2 =	vadd.s32 v5, v2  }
0x58: {  	v58 =	vld [tilespmem:s22+$0xB700];
	v2 =	vadd.s32 v6, v2  }
0x59: {  	v59 =	vld [tilespmem:s22+$0xB780];
	v2 =	vadd.s32 v7, v2  }
0x5a: {  	v2 =	vadd.s32 v3, v2;
	v3 =	vld [tilespmem:s22+$0xB800]  }
0x5b: {  	v60 =	vld [tilespmem:s22+$0xB880];
	v2 =	vadd.s32 v56, v2  }
0x5c: {  	v61 =	vld [tilespmem:s22+$0xB900];
	v2 =	vadd.s32 v57, v2  }
0x5d: {  	v62 =	vld [tilespmem:s22+$0xB980];
	v2 =	vadd.s32 v58, v2  }
0x5e: {  	v63 =	vld [tilespmem:s22+$0xBA00];
	v2 =	vadd.s32 v59, v2  }
0x5f: {  	v2 =	vadd.s32 v3, v2  }
0x60: {  	v2 =	vadd.s32 v60, v2  }
0x61: {  	v2 =	vadd.s32 v61, v2  }
0x62: {  	s31 =	simm.s32 $0x10;
	s24 =	simm.s32 $0x80;
	v2 =	vadd.s32 v62, v2  }
0x63: {  	s25 =	sand.u32 $0x1C00, s24;
	s23 =	sand.u32 $0x70, s31;
	s22 =	simm.s32 $0xA000;
	v2 =	vadd.s32 v63, v2  }
0x64: {  	s23 =	sor.u32 s23, s25;
	s25 =	simm.s32 $0x20;
	[tilespmem:s22+$0x0] =	vst v2  }
.LBB2_6:
0x65: {  	p0 =	sne.s32 s25, $0x270;
	v2 =	vld [tilespmem:s23+$0xA300]  }
0x66: {  	v3 =	vld [tilespmem:s23+$0xA280]  }
0x67: {  	v4 =	vld [tilespmem:s23+$0xA380]  }
0x68: {  	v5 =	vld [tilespmem:s23+$0xA400]  }
0x69: {  	v6 =	vld [tilespmem:s23+$0xA480]  }
0x6a: {  	v7 =	vld [tilespmem:s23+$0xA500]  }
0x6b: {  	v2 =	vadd.s32 v3, v2;
	v3 =	vld [tilespmem:s23+$0xA580]  }
0x6c: {  	v2 =	vadd.s32 v4, v2;
	v4 =	vld [tilespmem:s23+$0xA600]  }
0x6d: {  	v2 =	vadd.s32 v5, v2;
	v5 =	vld [tilespmem:s23+$0xB680]  }
0x6e: {  	v2 =	vadd.s32 v6, v2;
	v6 =	vld [tilespmem:s23+$0xB700]  }
0x6f: {  	v2 =	vadd.s32 v7, v2;
	v7 =	vld [tilespmem:s23+$0xB780]  }
0x70: {  	v2 =	vadd.s32 v3, v2;
	v3 =	vld [tilespmem:s23+$0xB800]  }
0x71: {  	v2 =	vadd.s32 v4, v2;
	v4 =	vld [tilespmem:s23+$0xB880]  }
0x72: {  	v2 =	vadd.s32 v5, v2;
	v5 =	vld [tilespmem:s23+$0xB900]  }
0x73: {  	v2 =	vadd.s32 v6, v2;
	v6 =	vld [tilespmem:s23+$0xB980]  }
0x74: {  	v2 =	vadd.s32 v7, v2;
	v7 =	vld [tilespmem:s23+$0xBA00]  }
0x75: {  	v2 =	vadd.s32 v3, v2  }
.Ltmp2:
0x76: {  	v2 =	vadd.s32 v4, v2;
	(pc) =	sbr.rel @p0 .LBB2_6-.Ltmp2, $4  }
0x77: {  	v2 =	vadd.s32 v5, v2  }
0x78: {  	s24 =	sadd.s32 $0x80, s24;
	v2 =	vadd.s32 v6, v2  }
0x79: {  	s22 =	sadd.s32 $0x10, s22;
	s26 =	sand.u32 $0x1C00, s24;
	s23 =	sand.u32 $0x70, s25;
	v2 =	vadd.s32 v7, v2  }
0x7a: {  	s25 =	sadd.s32 $0x10, s25;
	s23 =	sor.u32 s23, s26;
	[tilespmem:s22+$0x0] =	vst v2  }
0x7b: {  	v2 =	vld [tilespmem:s23+$0xA300]  }
0x7c: {  	v3 =	vld [tilespmem:s23+$0xA280]  }
0x7d: {  	v4 =	vld [tilespmem:s23+$0xA380]  }
0x7e: {  	v5 =	vld [tilespmem:s23+$0xA400]  }
0x7f: {  	v6 =	vld [tilespmem:s23+$0xA480]  }
0x80: {  	v7 =	vld [tilespmem:s23+$0xA500]  }
0x81: {  	v2 =	vadd.s32 v3, v2;
	v3 =	vld [tilespmem:s23+$0xA580]  }
0x82: {  	v44 =	vld [tilespmem:s23+$0xA600];
	v2 =	vadd.s32 v4, v2  }
0x83: {  	v45 =	vld [tilespmem:s23+$0xB680];
	v2 =	vadd.s32 v5, v2  }
0x84: {  	v46 =	vld [tilespmem:s23+$0xB700];
	v2 =	vadd.s32 v6, v2  }
0x85: {  	v47 =	vld [tilespmem:s23+$0xB780];
	v2 =	vadd.s32 v7, v2  }
0x86: {  	v2 =	vadd.s32 v3, v2;
	v3 =	vld [tilespmem:s23+$0xB800]  }
0x87: {  	v48 =	vld [tilespmem:s23+$0xB880];
	v2 =	vadd.s32 v44, v2  }
0x88: {  	v49 =	vld [tilespmem:s23+$0xB900];
	v2 =	vadd.s32 v45, v2  }
0x89: {  	v50 =	vld [tilespmem:s23+$0xB980];
	v2 =	vadd.s32 v46, v2  }
0x8a: {  	v51 =	vld [tilespmem:s23+$0xBA00];
	v2 =	vadd.s32 v47, v2  }
0x8b: {  	v2 =	vadd.s32 v3, v2  }
0x8c: {  	v2 =	vadd.s32 v48, v2  }
0x8d: {  	v2 =	vadd.s32 v49, v2  }
0x8e: {  	v2 =	vadd.s32 v50, v2  }
0x8f: {  	s22 =	sadd.s32 $0x10, s22;
	v2 =	vadd.s32 v51, v2  }
0x90: {  	[tilespmem:s22+$0x0] =	vst v2;
	s22 =	simm.s32 $0xA000  }
0x91: {  	[hbm4b:s7+s14] =	stream.strided.scatter [tilespmem:s22], [sflag:$0x1], $0x280, s19, s14, $0x38;
	[tilespmem:$0xF280] =	vst v63  }
0x92: {  	_ =	swait.ge [sflag:s10], $0x280  }
0x93: {  	[sflag:s10] =	ssyncset.done $0x0  }
0x94: {  	[sflag:s10] =	ssyncadd.s32 $0xFFFFFD80  }
0x95: {  	[bflag:$0x0] =	sbarrier.arrive $0xFFFF  }
0x96: {  	[spmem:s5] =	stream.strided.scatter [tilespmem:s13], [sflag:$0x1], $0x2800, s15, s14, $0x38;
	[tilespmem:$0xF280] =	vst v63  }
0x97: {  	_ =	swait.ge [sflag:s10], $0x2800  }
0x98: {  	[sflag:s10] =	ssyncset.done $0x0  }
0x99: {  	[sflag:s10] =	ssyncadd.s32 $0xFFFFD800  }
0x9a: {  	[bflag:$0x0] =	sbarrier.arrive $0xFFFF  }
0x9b: {  	[tilespmem:s18], [sflag:$0x1] =	stream.strided.gather [spmem:s6], $0x2800, s17, s16, $0x38;
	[tilespmem:$0xF280] =	vst v63  }
0x9c: {  	s30 =	simm.s32 $0x0;
	_ =	swait.ge [sflag:s10], $0x2800  }
0x9d: {  	s24 =	sand.u32 $0x70, s30;
	s23 =	sand.u32 $0x1C00, s30;
	[sflag:s10] =	ssyncset.done $0x0  }
0x9e: {  	s23 =	sor.u32 s24, s23;
	[sflag:s10] =	ssyncadd.s32 $0xFFFFD800  }
0x9f: {  	v2 =	vld [tilespmem:s23+$0xA300]  }
0xa0: {  	v3 =	vld [tilespmem:s23+$0xA280]  }
0xa1: {  	v52 =	vld [tilespmem:s23+$0xA380]  }
0xa2: {  	v53 =	vld [tilespmem:s23+$0xA400]  }
0xa3: {  	v54 =	vld [tilespmem:s23+$0xA480]  }
0xa4: {  	v55 =	vld [tilespmem:s23+$0xA500]  }
0xa5: {  	v2 =	vadd.s32 v3, v2;
	v3 =	vld [tilespmem:s23+$0xA580]  }
0xa6: {  	v56 =	vld [tilespmem:s23+$0xA600];
	v2 =	vadd.s32 v52, v2  }
0xa7: {  	v57 =	vld [tilespmem:s23+$0xB680];
	v2 =	vadd.s32 v53, v2  }
0xa8: {  	v58 =	vld [tilespmem:s23+$0xB700];
	v2 =	vadd.s32 v54, v2  }
0xa9: {  	v59 =	vld [tilespmem:s23+$0xB780];
	v2 =	vadd.s32 v55, v2  }
0xaa: {  	v2 =	vadd.s32 v3, v2;
	v3 =	vld [tilespmem:s23+$0xB800]  }
0xab: {  	v60 =	vld [tilespmem:s23+$0xB880];
	v2 =	vadd.s32 v56, v2  }
0xac: {  	v61 =	vld [tilespmem:s23+$0xB900];
	v2 =	vadd.s32 v57, v2  }
0xad: {  	v62 =	vld [tilespmem:s23+$0xB980];
	v2 =	vadd.s32 v58, v2  }
0xae: {  	v63 =	vld [tilespmem:s23+$0xBA00];
	v2 =	vadd.s32 v59, v2  }
0xaf: {  	v2 =	vadd.s32 v3, v2  }
0xb0: {  	v2 =	vadd.s32 v60, v2  }
0xb1: {  	v2 =	vadd.s32 v61, v2  }
0xb2: {  	s31 =	simm.s32 $0x10;
	s24 =	simm.s32 $0x80;
	v2 =	vadd.s32 v62, v2  }
0xb3: {  	s25 =	sand.u32 $0x1C00, s24;
	s23 =	sand.u32 $0x70, s31;
	v2 =	vadd.s32 v63, v2  }
0xb4: {  	s23 =	sor.u32 s23, s25;
	s25 =	simm.s32 $0x20;
	[tilespmem:s22+$0x0] =	vst v2  }
.LBB2_8:
0xb5: {  	p0 =	sne.s32 s25, $0x270;
	v2 =	vld [tilespmem:s23+$0xA300]  }
0xb6: {  	v3 =	vld [tilespmem:s23+$0xA280]  }
0xb7: {  	v4 =	vld [tilespmem:s23+$0xA380]  }
0xb8: {  	v5 =	vld [tilespmem:s23+$0xA400]  }
0xb9: {  	v6 =	vld [tilespmem:s23+$0xA480]  }
0xba: {  	v7 =	vld [tilespmem:s23+$0xA500]  }
0xbb: {  	v2 =	vadd.s32 v3, v2;
	v3 =	vld [tilespmem:s23+$0xA580]  }
0xbc: {  	v2 =	vadd.s32 v4, v2;
	v4 =	vld [tilespmem:s23+$0xA600]  }
0xbd: {  	v2 =	vadd.s32 v5, v2;
	v5 =	vld [tilespmem:s23+$0xB680]  }
0xbe: {  	v2 =	vadd.s32 v6, v2;
	v6 =	vld [tilespmem:s23+$0xB700]  }
0xbf: {  	v2 =	vadd.s32 v7, v2;
	v7 =	vld [tilespmem:s23+$0xB780]  }
0xc0: {  	v2 =	vadd.s32 v3, v2;
	v3 =	vld [tilespmem:s23+$0xB800]  }
0xc1: {  	v2 =	vadd.s32 v4, v2;
	v4 =	vld [tilespmem:s23+$0xB880]  }
0xc2: {  	v2 =	vadd.s32 v5, v2;
	v5 =	vld [tilespmem:s23+$0xB900]  }
0xc3: {  	v2 =	vadd.s32 v6, v2;
	v6 =	vld [tilespmem:s23+$0xB980]  }
0xc4: {  	v2 =	vadd.s32 v7, v2;
	v7 =	vld [tilespmem:s23+$0xBA00]  }
0xc5: {  	v2 =	vadd.s32 v3, v2  }
.Ltmp3:
0xc6: {  	v2 =	vadd.s32 v4, v2;
	(pc) =	sbr.rel @p0 .LBB2_8-.Ltmp3, $4  }
0xc7: {  	v2 =	vadd.s32 v5, v2  }
0xc8: {  	s24 =	sadd.s32 $0x80, s24;
	v2 =	vadd.s32 v6, v2  }
0xc9: {  	s22 =	sadd.s32 $0x10, s22;
	s26 =	sand.u32 $0x1C00, s24;
	s23 =	sand.u32 $0x70, s25;
	v2 =	vadd.s32 v7, v2  }
0xca: {  	s25 =	sadd.s32 $0x10, s25;
	s23 =	sor.u32 s23, s26;
	[tilespmem:s22+$0x0] =	vst v2  }
0xcb: {  	v2 =	vld [tilespmem:s23+$0xA300]  }
0xcc: {  	v3 =	vld [tilespmem:s23+$0xA280]  }
0xcd: {  	v4 =	vld [tilespmem:s23+$0xA380]  }
0xce: {  	v5 =	vld [tilespmem:s23+$0xA400]  }
0xcf: {  	v6 =	vld [tilespmem:s23+$0xA480]  }
0xd0: {  	v7 =	vld [tilespmem:s23+$0xA500]  }
0xd1: {  	v2 =	vadd.s32 v3, v2;
	v3 =	vld [tilespmem:s23+$0xA580]  }
0xd2: {  	v56 =	vld [tilespmem:s23+$0xA600];
	v2 =	vadd.s32 v4, v2  }
0xd3: {  	v57 =	vld [tilespmem:s23+$0xB680];
	v2 =	vadd.s32 v5, v2  }
0xd4: {  	v58 =	vld [tilespmem:s23+$0xB700];
	v2 =	vadd.s32 v6, v2  }
0xd5: {  	v59 =	vld [tilespmem:s23+$0xB780];
	v2 =	vadd.s32 v7, v2  }
0xd6: {  	v2 =	vadd.s32 v3, v2;
	v3 =	vld [tilespmem:s23+$0xB800]  }
0xd7: {  	v60 =	vld [tilespmem:s23+$0xB880];
	v2 =	vadd.s32 v56, v2  }
0xd8: {  	v61 =	vld [tilespmem:s23+$0xB900];
	v2 =	vadd.s32 v57, v2  }
0xd9: {  	v62 =	vld [tilespmem:s23+$0xB980];
	v2 =	vadd.s32 v58, v2  }
0xda: {  	v63 =	vld [tilespmem:s23+$0xBA00];
	v2 =	vadd.s32 v59, v2  }
0xdb: {  	v2 =	vadd.s32 v3, v2  }
0xdc: {  	v2 =	vadd.s32 v60, v2  }
0xdd: {  	v2 =	vadd.s32 v61, v2  }
0xde: {  	v2 =	vadd.s32 v62, v2  }
0xdf: {  	s22 =	sadd.s32 $0x10, s22;
	s21 =	sadd.s32 $0x1, s21;
	v2 =	vadd.s32 v63, v2  }
0xe0: {  	p0 =	sne.s32 s21, s9;
	[tilespmem:s22+$0x0] =	vst v2  }
0xe1: {  	[hbm4b:s8+s14] =	stream.strided.scatter [tilespmem:s20], [sflag:$0x1], $0x280, s19, s14, $0x38;
	[tilespmem:$0xF280] =	vst v63  }
.Ltmp4:
0xe2: {  	_ =	swait.ge [sflag:s10], $0x280;
	(pc) =	sbr.rel @p0 .LBB2_1-.Ltmp4, $3  }
0xe3: {  	[sflag:s10] =	ssyncset.done $0x0  }
0xe4: {  	[sflag:s10] =	ssyncadd.s32 $0xFFFFFD80  }
0xe5: {  	[bflag:$0x0] =	sbarrier.arrive $0xFFFF;
	_ =	sdelay $0x1  }
0xe6: {  	_ =	sfence.sel $0x180000  }
0xe7: {  	[bflag:$0x0] =	sbarrier.arrive $0xFFFF  }
0xe8: {  	p0 =	sne.s32 s0, $0x0;
	_ =	strace $0x90000047  }
0xe9: {  	s0 =	sadd.s32 @!p0 $0x100000, s1;
	[bflag:$0x2] =	sbarrier.arrive $0xFFFF  }
0xea: {  	[sflag:s0] =	ssyncadd.tile.s32 @!p0 $0x1;
	_ =	shalt  }
.Lfunc_end2:
_tile_overlayer_lowered:
.L_overlay_start_2:
0xeb: {  	(tag) =	ssettag $0x2  }
0xec: {  	s0 =	rddreg [dreg:$0x0];
	s2 =	stileid.u32  }
0xed: {  	s1 =	rddreg [dreg:$0x1];
	p0 =	sne.s32 s2, $0x0  }
0xee: {  	s3 =	rddreg [dreg:$0x2];
	[bflag:$0x3] =	sbarrier.arrive $0xFFFF;
	s2 =	simm.s32 @!p0 $0x1C01  }
0xef: {  	[timem:s3], [sflag:s2] =	dma.local @!p0 [hbm:s0], s1  }
0xf0: {  	s0 =	simm.s32 @!p0 $0x1  }
0xf1: {  	_ =	swait.ge @!p0 [sflag:s0], s1  }
0xf2: {  	s1 =	ssub.s32 @!p0 $0x0, s1;
	[sflag:s0] =	ssyncset.done @!p0 $0x0  }
0xf3: {  	[sflag:s0] =	ssyncadd.s32 @!p0 s1  }
0xf4: {  	[bflag:$0x3] =	sbarrier.arrive $0xFFFF  }
0xf5: {  	_ =	shalt  }

</sc_bundles>
